<compile_context>
chip_gen: v7x
topology: tpu7x:2x2x1
jax: 0.10.2.dev20260603
libtpu: 0.0.44.dev20260713+nightly
codegen_flags: <defaults>
</compile_context>

<pallas_src>
import functools

import jax
import jax.numpy as jnp
import numpy as np
from jax import lax
from jax.experimental import pallas as pl
from jax.experimental.pallas import tpu as pltpu
from jax.experimental.pallas import tpu_sc as plsc

N_WIDTH = 32
N_ORDER = 5
N_ELEMENTS = 10
N_NODES = N_ELEMENTS * N_ORDER + 1
NDIM = 4
P = N_ORDER + 1
ROW = N_NODES * NDIM
KN = N_WIDTH * N_NODES
DELTA_X = 0.5 * N_ORDER * 1.0 / (N_NODES - 1)


def _poly_coeffs():
    nodes = np.linspace(-1.0, 1.0, P)
    Ls, dLs, ddLs = [], [], []
    for c in range(P):
        p = np.poly1d([1.0])
        for m in range(P):
            if m != c:
                p = p * np.poly1d([1.0, -nodes[m]]) / (nodes[c] - nodes[m])
        Ls.append(p.coeffs)
        dLs.append(p.deriv(1).coeffs / DELTA_X)
        ddLs.append(p.deriv(2).coeffs / (DELTA_X ** 2))
    return (np.array(Ls, np.float32), np.array(dLs, np.float32),
            np.array(ddLs, np.float32))


_CL, _CD, _CDD = _poly_coeffs()


def _horner(coeffs_row, x):
    acc = jnp.full_like(x, coeffs_row[0])
    for c in coeffs_row[1:]:
        acc = acc * x + c
    return acc


_SC_LANES = 16


def _sc_body(x_hbm, w_hbm, t_hbm, dt_hbm, ddt_hbm, w_v, x_v, o_t, o_dt, o_ddt,
             tT, dtT, ddtT):
    ns = (x_v.shape[0] - _SC_LANES) // NDIM
    wid = lax.axis_index("s") + 0 * lax.axis_index("c")
    s0 = wid * ns
    pltpu.sync_copy(w_hbm, w_v)
    pltpu.sync_copy(x_hbm.at[pl.ds(s0 * NDIM, ns * NDIM)],
                    x_v.at[pl.ds(0, ns * NDIM)])

    @plsc.parallel_loop(0, ns, unroll=2)
    def sbody(s):
        acc = None
        xs_vec = x_v[pl.ds(s * NDIM, _SC_LANES)]
        x_shift_v = (N_NODES - 1.0) * xs_vec
        ei_v = (x_shift_v / N_ORDER).astype(jnp.int32)
        ei_v = jnp.minimum(jnp.maximum(ei_v, 0), N_ELEMENTS - 1)
        n0_v = ei_v * N_ORDER
        x_t_v = 2.0 * (x_shift_v - n0_v.astype(jnp.float32)) / N_ORDER - 1.0
        for j in range(NDIM):
            x_t = x_t_v[j]
            row0 = (n0_v[j] * NDIM + j) * N_WIDTH
            for c in range(P):
                bl = _horner(_CL[c], x_t)
                bd = _horner(_CD[c], x_t)
                bdd = _horner(_CDD[c], x_t)
                off = row0 + c * (NDIM * N_WIDTH)
                for kg in range(N_WIDTH // _SC_LANES):
                    wv = w_v[pl.ds(off + kg * _SC_LANES, _SC_LANES)]
                    if acc is None and kg == 0:
                        acc = [[wv * bl, wv * bd, wv * bdd]]
                    elif kg >= len(acc):
                        acc.append([wv * bl, wv * bd, wv * bdd])
                    else:
                        a = acc[kg]
                        a[0] = a[0] + wv * bl
                        a[1] = a[1] + wv * bd
                        a[2] = a[2] + wv * bdd
        for kg in range(N_WIDTH // _SC_LANES):
            sl = pl.ds(kg * _SC_LANES, _SC_LANES)
            o_t[s, sl] = acc[kg][0]
            o_dt[s, sl] = acc[kg][1]
            o_ddt[s, sl] = acc[kg][2]

    @plsc.parallel_loop(0, N_WIDTH, unroll=2)
    def tbody(k):
        kv = jnp.full((_SC_LANES,), 0, jnp.int32) + k
        for sg in range(ns // _SC_LANES):
            rows_v = lax.iota(jnp.int32, _SC_LANES) + sg * _SC_LANES
            sl = pl.ds(sg * _SC_LANES, _SC_LANES)
            tT[k, sl] = plsc.load_gather(o_t, [rows_v, kv])
            dtT[k, sl] = plsc.load_gather(o_dt, [rows_v, kv])
            ddtT[k, sl] = plsc.load_gather(o_ddt, [rows_v, kv])

    cols = pl.ds(s0, ns)
    pltpu.sync_copy(tT, t_hbm.at[:, cols])
    pltpu.sync_copy(dtT, dt_hbm.at[:, cols])
    pltpu.sync_copy(ddtT, ddt_hbm.at[:, cols])


def _sc_contract(x, w3flat):
    S = x.shape[0]
    ns = S // 16
    mesh = plsc.VectorSubcoreMesh(core_axis_name="c", subcore_axis_name="s", num_cores=1)
    o = jax.ShapeDtypeStruct((N_WIDTH, S), jnp.float32)
    return pl.kernel(
        _sc_body,
        mesh=mesh,
        compiler_params=pltpu.CompilerParams(needs_layout_passes=False),
        out_type=(o, o, o),
        scratch_types=[
            pltpu.VMEM((N_NODES * NDIM * N_WIDTH,), jnp.float32),
            pltpu.VMEM((ns * NDIM + _SC_LANES,), jnp.float32),
            pltpu.VMEM((ns, N_WIDTH), jnp.float32),
            pltpu.VMEM((ns, N_WIDTH), jnp.float32),
            pltpu.VMEM((ns, N_WIDTH), jnp.float32),
            pltpu.VMEM((N_WIDTH, ns), jnp.float32),
            pltpu.VMEM((N_WIDTH, ns), jnp.float32),
            pltpu.VMEM((N_WIDTH, ns), jnp.float32),
        ],
    )(x.reshape(-1), w3flat)


def _body(bs, x_ref, phi_ref, dphi_ref, ddphi_ref):
    x = x_ref[...]
    x_shift = (N_NODES - 1) * x
    id_elem = jnp.clip(jnp.floor(x_shift / N_ORDER), 0, N_ELEMENTS - 1)
    n0f = id_elem * N_ORDER
    x_t4 = 2.0 * (x_shift - n0f) / N_ORDER - 1.0

    r = lax.broadcasted_iota(jnp.int32, (ROW, bs), 0)
    n_e = r // NDIM
    j_e = r - n_e * NDIM

    def expand(a):
        return jnp.where(j_e == 0, a[0:1, :],
               jnp.where(j_e == 1, a[1:2, :],
               jnp.where(j_e == 2, a[2:3, :], a[3:4, :])))

    x_t = expand(x_t4)
    q = n_e - expand(n0f).astype(jnp.int32)

    phi = jnp.zeros((ROW, bs), jnp.float32)
    dphi = jnp.zeros((ROW, bs), jnp.float32)
    ddphi = jnp.zeros((ROW, bs), jnp.float32)
    for c in range(P):
        m = q == c
        phi = jnp.where(m, _horner(_CL[c], x_t), phi)
        dphi = jnp.where(m, _horner(_CD[c], x_t), dphi)
        ddphi = jnp.where(m, _horner(_CDD[c], x_t), ddphi)

    phi3 = phi.reshape(N_NODES, NDIM, bs)
    dphi3 = dphi.reshape(N_NODES, NDIM, bs)
    ddphi3 = ddphi.reshape(N_NODES, NDIM, bs)
    for k in range(N_WIDTH):
        sl = pl.ds(k * N_NODES, N_NODES)
        phi_ref[sl] = phi3
        dphi_ref[sl] = dphi3
        ddphi_ref[sl] = ddphi3


@jax.jit
def kernel(x, weight):
    S = x.shape[0]
    bs = 128
    grid = (S // bs,)
    xT = x.T
    w3flat = weight.transpose(1, 2, 0).reshape(-1)

    t_t, dt_t, ddt_t = _sc_contract(x, w3flat)
    t_o, dt_o, ddt_o = t_t.T, dt_t.T, ddt_t.T

    out_shapes = (
        jax.ShapeDtypeStruct((KN, NDIM, S), jnp.float32),
        jax.ShapeDtypeStruct((KN, NDIM, S), jnp.float32),
        jax.ShapeDtypeStruct((KN, NDIM, S), jnp.float32),
    )
    big = pl.BlockSpec((KN, NDIM, bs), lambda i: (0, 0, i))
    phi_t, dphi_t, ddphi_t = pl.pallas_call(
        functools.partial(_body, bs),
        grid=grid,
        in_specs=[
            pl.BlockSpec((NDIM, bs), lambda i: (0, i)),
        ],
        out_specs=(big, big, big),
        out_shape=out_shapes,
    )(xT)

    def untr(a):
        return a.reshape(N_WIDTH, N_NODES, NDIM, S).transpose(3, 0, 1, 2)

    return (t_o, dt_o, ddt_o, untr(phi_t), untr(dphi_t), untr(ddphi_t))

# --- scband reference (transcript-rebuilt; emitter-appended) ---
"""Pipeline reference for scband-kann-11055245820078 (READ-ONLY COPY).

The authoritative reference and input builder live on the scoring server;
editing this copy changes nothing except your own understanding.
"""

import jax, jax.numpy as jnp
import numpy as np

N_WIDTH = 32
N_ORDER = 5
N_ELEMENTS = 10
N_NODES = N_ELEMENTS * N_ORDER + 1
N_SAMPLES = 2048
X_MIN = 0.0
X_MAX = 1.0
NDIM_IN = 4


def _lagrange(xt, n_order):
    nodes = np.linspace(-1.0, 1.0, n_order + 1)
    cols = []
    for j in range(n_order + 1):
        p = jnp.ones_like(xt)
        for m in range(n_order + 1):
            if j != m:
                p = p * (xt - nodes[m]) / (nodes[j] - nodes[m])
        cols.append(p)
    return jnp.stack(cols, axis=2)


def _dlagrange(xt, n_order):
    nodes = np.linspace(-1.0, 1.0, n_order + 1)
    cols = []
    for j in range(n_order + 1):
        y = jnp.zeros_like(xt)
        for i in range(n_order + 1):
            if i != j:
                k = jnp.ones_like(xt) / (nodes[j] - nodes[i])
                for m in range(n_order + 1):
                    if m != i and m != j:
                        k = k * (xt - nodes[m]) / (nodes[j] - nodes[m])
                y = y + k
        cols.append(y)
    return jnp.stack(cols, axis=2)


def _ddlagrange(xt, n_order):
    nodes = np.linspace(-1.0, 1.0, n_order + 1)
    cols = []
    for j in range(n_order + 1):
        y = jnp.zeros_like(xt)
        for i in range(n_order + 1):
            if i != j:
                k_sum = jnp.zeros_like(xt)
                for m in range(n_order + 1):
                    if m != i and m != j:
                        k_prod = jnp.ones_like(xt) / (nodes[j] - nodes[m])
                        for n in range(n_order + 1):
                            if n != i and n != j and n != m:
                                k_prod = k_prod * (xt - nodes[n]) / (nodes[j] - nodes[n])
                        k_sum = k_sum + k_prod
                y = y + (1.0 / (nodes[j] - nodes[i])) * k_sum
        cols.append(y)
    return jnp.stack(cols, axis=2)


def setup_inputs(seed: int = 0):
    key = jax.random.key(seed)
    k1, k2 = jax.random.split(key)
    x = jax.random.uniform(k1, (N_SAMPLES, NDIM_IN), dtype=jnp.float32)
    weight = jax.random.normal(k2, (N_WIDTH, N_NODES, NDIM_IN), dtype=jnp.float32) * 0.1
    return {"x": x, "weight": weight}


def _forward(x, weight):
    S = x.shape[0]
    x3 = jnp.broadcast_to(x[:, None, :], (S, N_WIDTH, NDIM_IN))
    x_shift = (N_NODES - 1) * (x3 - X_MIN) / (X_MAX - X_MIN)
    id_elem = jnp.floor(x_shift / N_ORDER)
    id_elem = jnp.clip(id_elem, 0, N_ELEMENTS - 1)
    nodes_l = (id_elem * N_ORDER).astype(jnp.int32)
    x_t = 2.0 * (x_shift - nodes_l) / N_ORDER - 1.0
    delta_x = 0.5 * N_ORDER * (X_MAX - X_MIN) / (N_NODES - 1)
    phi_l = _lagrange(x_t, N_ORDER)
    dphi_l = _dlagrange(x_t, N_ORDER) / delta_x
    ddphi_l = _ddlagrange(x_t, N_ORDER) / (delta_x ** 2)
    P = N_ORDER + 1
    idx = nodes_l[:, :, None, :] + jnp.arange(P)[None, None, :, None]
    s_idx = jnp.arange(S)[:, None, None, None]
    k_idx = jnp.arange(N_WIDTH)[None, :, None, None]
    d_idx = jnp.arange(NDIM_IN)[None, None, None, :]
    base = jnp.zeros((S, N_WIDTH, N_NODES, NDIM_IN), dtype=x.dtype)
    phi = base.at[s_idx, k_idx, idx, d_idx].set(phi_l)
    dphi = base.at[s_idx, k_idx, idx, d_idx].set(dphi_l)
    ddphi = base.at[s_idx, k_idx, idx, d_idx].set(ddphi_l)
    t = jnp.einsum('kpj,ikpj->ik', weight, phi)
    dt = jnp.einsum('kpj,ikpj->ik', weight, dphi)
    ddt = jnp.einsum('kpj,ikpj->ik', weight, ddphi)
    return t, dt, ddt, phi, dphi, ddphi


def reference(x, weight):
    t, dt, ddt, phi, dphi, ddphi = _forward(x, weight)
    return (t, dt, ddt, phi, dphi, ddphi)

if __name__ == "__main__":
    import jax
    _d = setup_inputs()
    print(jax.jit(kernel)(*tuple(_d.values())))

</pallas_src>

<mosaic_0001>
#map = affine_map<(d0, d1) -> (0)>
#map1 = affine_map<(d0, d1) -> (0, 0)>
module attributes {stable_mosaic.version = 14 : i64} {
  func.func @_sc_body(%arg0: i32, %arg1: i32, %arg2: memref<8192xf32, #tpu.memory_space<hbm>>, %arg3: memref<6528xf32, #tpu.memory_space<hbm>>, %arg4: memref<32x2048xf32, #tpu.memory_space<hbm>>, %arg5: memref<32x2048xf32, #tpu.memory_space<hbm>>, %arg6: memref<32x2048xf32, #tpu.memory_space<hbm>>, %arg7: memref<6528xf32, #tpu.memory_space<vmem>>, %arg8: memref<528xf32, #tpu.memory_space<vmem>>, %arg9: memref<128x32xf32, #tpu.memory_space<vmem>>, %arg10: memref<128x32xf32, #tpu.memory_space<vmem>>, %arg11: memref<128x32xf32, #tpu.memory_space<vmem>>, %arg12: memref<32x128xf32, #tpu.memory_space<vmem>>, %arg13: memref<32x128xf32, #tpu.memory_space<vmem>>, %arg14: memref<32x128xf32, #tpu.memory_space<vmem>>) attributes {dimension_semantics = [#tpu.dimension_semantics<core_parallel>, #tpu.dimension_semantics<subcore_parallel>], iteration_bounds = array<i64: 1, 16>, scalar_prefetch = 0 : i64, scratch_operands = 8 : i64, tpu.core_type = #tpu.core_type<sc_vector_subcore>, window_params = [{transform_indices = #map}, {transform_indices = #map}, {transform_indices = #map1}, {transform_indices = #map1}, {transform_indices = #map1}]} {
    %mul3A = arith.constant 0 : i32
    %mul3A_0 = arith.muli %mul3A, %arg0 : i32
    %add3A = arith.addi %arg1, %mul3A_0 : i32
    %mul3A_1 = arith.constant 128 : i32
    %mul3A_2 = arith.muli %add3A, %mul3A_1 : i32
    "tpu.region"() ({
      %run_scoped3A = tpu.sem_alloc : memref<!tpu.dma_semaphore, #tpu.memory_space<semaphore_mem>>
      tpu.enqueue_dma source(%arg3 : memref<6528xf32, #tpu.memory_space<hbm>>) target(%arg7 : memref<6528xf32, #tpu.memory_space<vmem>>) target_semaphore(%run_scoped3A : memref<!tpu.dma_semaphore, #tpu.memory_space<semaphore_mem>>)
      tpu.wait_dma2 semaphore(%run_scoped3A : memref<!tpu.dma_semaphore, #tpu.memory_space<semaphore_mem>>) src(%arg3 : memref<6528xf32, #tpu.memory_space<hbm>>) dst(%arg7 : memref<6528xf32, #tpu.memory_space<vmem>>)
      tpu.yield
    }) : () -> ()
    %mul3A_3 = arith.constant 4 : i32
    %mul3A_4 = arith.muli %mul3A_2, %mul3A_3 : i32
    "tpu.region"() ({
      %run_scoped3A = tpu.sem_alloc : memref<!tpu.dma_semaphore, #tpu.memory_space<semaphore_mem>>
      %dma_start3A = arith.constant 0 : i32
      %dma_start3A_10 = tpu.memref_slice %arg8[%dma_start3A] : memref<528xf32, #tpu.memory_space<vmem>> -> memref<512xf32, #tpu.memory_space<vmem>>
      %dma_start3A_11 = tpu.memref_slice %arg2[%mul3A_4] : memref<8192xf32, #tpu.memory_space<hbm>> -> memref<512xf32, #tpu.memory_space<hbm>>
      %dma_start3A_12 = arith.constant 0 : i32
      %dma_start3A_13 = tpu.memref_slice %arg8[%dma_start3A_12] : memref<528xf32, #tpu.memory_space<vmem>> -> memref<512xf32, #tpu.memory_space<vmem>>
      %dma_start3A_14 = tpu.memref_slice %arg2[%mul3A_4] : memref<8192xf32, #tpu.memory_space<hbm>> -> memref<512xf32, #tpu.memory_space<hbm>>
      tpu.enqueue_dma source(%dma_start3A_14 : memref<512xf32, #tpu.memory_space<hbm>>) target(%dma_start3A_13 : memref<512xf32, #tpu.memory_space<vmem>>) target_semaphore(%run_scoped3A : memref<!tpu.dma_semaphore, #tpu.memory_space<semaphore_mem>>)
      %dma_wait3A = arith.constant 0 : i32
      %dma_wait3A_15 = tpu.memref_slice %arg8[%dma_wait3A] : memref<528xf32, #tpu.memory_space<vmem>> -> memref<512xf32, #tpu.memory_space<vmem>>
      %dma_wait3A_16 = tpu.memref_slice %arg2[%mul3A_4] : memref<8192xf32, #tpu.memory_space<hbm>> -> memref<512xf32, #tpu.memory_space<hbm>>
      %dma_wait3A_17 = arith.constant 0 : i32
      %dma_wait3A_18 = tpu.memref_slice %arg8[%dma_wait3A_17] : memref<528xf32, #tpu.memory_space<vmem>> -> memref<512xf32, #tpu.memory_space<vmem>>
      %dma_wait3A_19 = tpu.memref_slice %arg2[%mul3A_4] : memref<8192xf32, #tpu.memory_space<hbm>> -> memref<512xf32, #tpu.memory_space<hbm>>
      tpu.wait_dma2 semaphore(%run_scoped3A : memref<!tpu.dma_semaphore, #tpu.memory_space<semaphore_mem>>) src(%dma_wait3A_19 : memref<512xf32, #tpu.memory_space<hbm>>) dst(%dma_wait3A_18 : memref<512xf32, #tpu.memory_space<vmem>>)
      tpu.yield
    }) : () -> ()
    %parallel_loop3A = arith.constant 0 : i32
    %parallel_loop3A_5 = arith.constant 128 : i32
    %parallel_loop3A_6 = arith.constant 1 : i32
    scf.for %parallel_loop3A_10 = %parallel_loop3A to %parallel_loop3A_5 step %parallel_loop3A_6  : i32 {
      %parallel_loop3A_11 = arith.constant 4 : i32
      %parallel_loop3A_12 = arith.muli %parallel_loop3A_10, %parallel_loop3A_11 : i32
      %parallel_loop3A_13 = arith.index_cast %parallel_loop3A_12 : i32 to index
      %parallel_loop3A_14 = tpu.vector_load %arg8[%parallel_loop3A_13] {strides = array<i32>} : memref<528xf32, #tpu.memory_space<vmem>>, vector<16xf32>,
      %parallel_loop3A_15 = arith.constant 5.000000e+01 : f32
      %parallel_loop3A_16 = vector.broadcast %parallel_loop3A_15 : f32 to vector<16xf32>
      %parallel_loop3A_17 = arith.mulf %parallel_loop3A_16, %parallel_loop3A_14 : vector<16xf32>
      %parallel_loop3A_18 = arith.constant 5.000000e+00 : f32
      %parallel_loop3A_19 = vector.broadcast %parallel_loop3A_18 : f32 to vector<16xf32>
      %parallel_loop3A_20 = arith.divf %parallel_loop3A_17, %parallel_loop3A_19 : vector<16xf32>
      %parallel_loop3A_21 = arith.fptosi %parallel_loop3A_20 : vector<16xf32> to vector<16xi32>
      %parallel_loop3A_22 = arith.constant 0 : i32
      %parallel_loop3A_23 = vector.broadcast %parallel_loop3A_22 : i32 to vector<16xi32>
      %parallel_loop3A_24 = arith.maxsi %parallel_loop3A_21, %parallel_loop3A_23 : vector<16xi32>
      %parallel_loop3A_25 = arith.constant 9 : i32
      %parallel_loop3A_26 = vector.broadcast %parallel_loop3A_25 : i32 to vector<16xi32>
      %parallel_loop3A_27 = arith.minsi %parallel_loop3A_24, %parallel_loop3A_26 : vector<16xi32>
      %parallel_loop3A_28 = arith.constant 5 : i32
      %parallel_loop3A_29 = vector.broadcast %parallel_loop3A_28 : i32 to vector<16xi32>
      %parallel_loop3A_30 = arith.muli %parallel_loop3A_27, %parallel_loop3A_29 : vector<16xi32>
      %parallel_loop3A_31 = arith.sitofp %parallel_loop3A_30 : vector<16xi32> to vector<16xf32>
      %parallel_loop3A_32 = arith.subf %parallel_loop3A_17, %parallel_loop3A_31 : vector<16xf32>
      %parallel_loop3A_33 = arith.constant 2.000000e+00 : f32
      %parallel_loop3A_34 = vector.broadcast %parallel_loop3A_33 : f32 to vector<16xf32>
      %parallel_loop3A_35 = arith.mulf %parallel_loop3A_34, %parallel_loop3A_32 : vector<16xf32>
      %parallel_loop3A_36 = arith.constant 5.000000e+00 : f32
      %parallel_loop3A_37 = vector.broadcast %parallel_loop3A_36 : f32 to vector<16xf32>
      %parallel_loop3A_38 = arith.divf %parallel_loop3A_35, %parallel_loop3A_37 : vector<16xf32>
      %parallel_loop3A_39 = arith.constant 1.000000e+00 : f32
      %parallel_loop3A_40 = vector.broadcast %parallel_loop3A_39 : f32 to vector<16xf32>
      %parallel_loop3A_41 = arith.subf %parallel_loop3A_38, %parallel_loop3A_40 : vector<16xf32>
      %parallel_loop3A_42 = vector.extract_strided_slice %parallel_loop3A_41 {offsets = [0], sizes = [1], strides = [1]} : vector<16xf32> to vector<1xf32>
      %parallel_loop3A_43 = vector.extract %parallel_loop3A_42[0] : f32 from vector<1xf32>
      %parallel_loop3A_44 = vector.extract_strided_slice %parallel_loop3A_30 {offsets = [0], sizes = [1], strides = [1]} : vector<16xi32> to vector<1xi32>
      %parallel_loop3A_45 = vector.extract %parallel_loop3A_44[0] : i32 from vector<1xi32>
      %parallel_loop3A_46 = arith.constant 4 : i32
      %parallel_loop3A_47 = arith.muli %parallel_loop3A_45, %parallel_loop3A_46 : i32
      %parallel_loop3A_48 = arith.constant 0 : i32
      %parallel_loop3A_49 = arith.addi %parallel_loop3A_47, %parallel_loop3A_48 : i32
      %parallel_loop3A_50 = arith.constant 32 : i32
      %parallel_loop3A_51 = arith.muli %parallel_loop3A_49, %parallel_loop3A_50 : i32
      %parallel_loop3A_52 = arith.constant -0.813802063 : f32
      %parallel_loop3A_53 = arith.mulf %parallel_loop3A_52, %parallel_loop3A_43 : f32
      %parallel_loop3A_54 = arith.constant 0.813802063 : f32
      %parallel_loop3A_55 = arith.addf %parallel_loop3A_53, %parallel_loop3A_54 : f32
      %parallel_loop3A_56 = arith.mulf %parallel_loop3A_55, %parallel_loop3A_43 : f32
      %parallel_loop3A_57 = arith.constant 0.325520843 : f32
      %parallel_loop3A_58 = arith.addf %parallel_loop3A_56, %parallel_loop3A_57 : f32
      %parallel_loop3A_59 = arith.mulf %parallel_loop3A_58, %parallel_loop3A_43 : f32
      %parallel_loop3A_60 = arith.constant -0.325520843 : f32
      %parallel_loop3A_61 = arith.addf %parallel_loop3A_59, %parallel_loop3A_60 : f32
      %parallel_loop3A_62 = arith.mulf %parallel_loop3A_61, %parallel_loop3A_43 : f32
      %parallel_loop3A_63 = arith.constant -0.01171875 : f32
      %parallel_loop3A_64 = arith.addf %parallel_loop3A_62, %parallel_loop3A_63 : f32
      %parallel_loop3A_65 = arith.mulf %parallel_loop3A_64, %parallel_loop3A_43 : f32
      %parallel_loop3A_66 = arith.constant 0.01171875 : f32
      %parallel_loop3A_67 = arith.addf %parallel_loop3A_65, %parallel_loop3A_66 : f32
      %parallel_loop3A_68 = arith.constant -81.3802109 : f32
      %parallel_loop3A_69 = arith.mulf %parallel_loop3A_68, %parallel_loop3A_43 : f32
      %parallel_loop3A_70 = arith.constant 65.1041641 : f32
      %parallel_loop3A_71 = arith.addf %parallel_loop3A_69, %parallel_loop3A_70 : f32
      %parallel_loop3A_72 = arith.mulf %parallel_loop3A_71, %parallel_loop3A_43 : f32
      %parallel_loop3A_73 = arith.constant 19.53125 : f32
      %parallel_loop3A_74 = arith.addf %parallel_loop3A_72, %parallel_loop3A_73 : f32
      %parallel_loop3A_75 = arith.mulf %parallel_loop3A_74, %parallel_loop3A_43 : f32
      %parallel_loop3A_76 = arith.constant -13.020833 : f32
      %parallel_loop3A_77 = arith.addf %parallel_loop3A_75, %parallel_loop3A_76 : f32
      %parallel_loop3A_78 = arith.mulf %parallel_loop3A_77, %parallel_loop3A_43 : f32
      %parallel_loop3A_79 = arith.constant -2.343750e-01 : f32
      %parallel_loop3A_80 = arith.addf %parallel_loop3A_78, %parallel_loop3A_79 : f32
      %parallel_loop3A_81 = arith.constant -6510.4165 : f32
      %parallel_loop3A_82 = arith.mulf %parallel_loop3A_81, %parallel_loop3A_43 : f32
      %parallel_loop3A_83 = arith.constant 3.906250e+03 : f32
      %parallel_loop3A_84 = arith.addf %parallel_loop3A_82, %parallel_loop3A_83 : f32
      %parallel_loop3A_85 = arith.mulf %parallel_loop3A_84, %parallel_loop3A_43 : f32
      %parallel_loop3A_86 = arith.constant 7.812500e+02 : f32
      %parallel_loop3A_87 = arith.addf %parallel_loop3A_85, %parallel_loop3A_86 : f32
      %parallel_loop3A_88 = arith.mulf %parallel_loop3A_87, %parallel_loop3A_43 : f32
      %parallel_loop3A_89 = arith.constant -260.416656 : f32
      %parallel_loop3A_90 = arith.addf %parallel_loop3A_88, %parallel_loop3A_89 : f32
      %parallel_loop3A_91 = arith.constant 0 : i32
      %parallel_loop3A_92 = arith.addi %parallel_loop3A_51, %parallel_loop3A_91 : i32
      %parallel_loop3A_93 = arith.constant 0 : i32
      %parallel_loop3A_94 = arith.addi %parallel_loop3A_92, %parallel_loop3A_93 : i32
      %parallel_loop3A_95 = arith.index_cast %parallel_loop3A_94 : i32 to index
      %parallel_loop3A_96 = tpu.vector_load %arg7[%parallel_loop3A_95] {strides = array<i32>} : memref<6528xf32, #tpu.memory_space<vmem>>, vector<16xf32>,
      %parallel_loop3A_97 = vector.broadcast %parallel_loop3A_67 : f32 to vector<16xf32>
      %parallel_loop3A_98 = arith.mulf %parallel_loop3A_96, %parallel_loop3A_97 : vector<16xf32>
      %parallel_loop3A_99 = vector.broadcast %parallel_loop3A_80 : f32 to vector<16xf32>
      %parallel_loop3A_100 = arith.mulf %parallel_loop3A_96, %parallel_loop3A_99 : vector<16xf32>
      %parallel_loop3A_101 = vector.broadcast %parallel_loop3A_90 : f32 to vector<16xf32>
      %parallel_loop3A_102 = arith.mulf %parallel_loop3A_96, %parallel_loop3A_101 : vector<16xf32>
      %parallel_loop3A_103 = arith.constant 16 : i32
      %parallel_loop3A_104 = arith.addi %parallel_loop3A_92, %parallel_loop3A_103 : i32
      %parallel_loop3A_105 = arith.index_cast %parallel_loop3A_104 : i32 to index
      %parallel_loop3A_106 = tpu.vector_load %arg7[%parallel_loop3A_105] {strides = array<i32>} : memref<6528xf32, #tpu.memory_space<vmem>>, vector<16xf32>,
      %parallel_loop3A_107 = vector.broadcast %parallel_loop3A_67 : f32 to vector<16xf32>
      %parallel_loop3A_108 = arith.mulf %parallel_loop3A_106, %parallel_loop3A_107 : vector<16xf32>
      %parallel_loop3A_109 = vector.broadcast %parallel_loop3A_80 : f32 to vector<16xf32>
      %parallel_loop3A_110 = arith.mulf %parallel_loop3A_106, %parallel_loop3A_109 : vector<16xf32>
      %parallel_loop3A_111 = vector.broadcast %parallel_loop3A_90 : f32 to vector<16xf32>
      %parallel_loop3A_112 = arith.mulf %parallel_loop3A_106, %parallel_loop3A_111 : vector<16xf32>
      %parallel_loop3A_113 = arith.constant 4.06901026 : f32
      %parallel_loop3A_114 = arith.mulf %parallel_loop3A_113, %parallel_loop3A_43 : f32
      %parallel_loop3A_115 = arith.constant -2.44140625 : f32
      %parallel_loop3A_116 = arith.addf %parallel_loop3A_114, %parallel_loop3A_115 : f32
      %parallel_loop3A_117 = arith.mulf %parallel_loop3A_116, %parallel_loop3A_43 : f32
      %parallel_loop3A_118 = arith.constant -4.23177099 : f32
      %parallel_loop3A_119 = arith.addf %parallel_loop3A_117, %parallel_loop3A_118 : f32
      %parallel_loop3A_120 = arith.mulf %parallel_loop3A_119, %parallel_loop3A_43 : f32
      %parallel_loop3A_121 = arith.constant 2.5390625 : f32
      %parallel_loop3A_122 = arith.addf %parallel_loop3A_120, %parallel_loop3A_121 : f32
      %parallel_loop3A_123 = arith.mulf %parallel_loop3A_122, %parallel_loop3A_43 : f32
      %parallel_loop3A_124 = arith.constant 0.162760422 : f32
      %parallel_loop3A_125 = arith.addf %parallel_loop3A_123, %parallel_loop3A_124 : f32
      %parallel_loop3A_126 = arith.mulf %parallel_loop3A_125, %parallel_loop3A_43 : f32
      %parallel_loop3A_127 = arith.constant -0.09765625 : f32
      %parallel_loop3A_128 = arith.addf %parallel_loop3A_126, %parallel_loop3A_127 : f32
      %parallel_loop3A_129 = arith.constant 406.901031 : f32
      %parallel_loop3A_130 = arith.mulf %parallel_loop3A_129, %parallel_loop3A_43 : f32
      %parallel_loop3A_131 = arith.constant -195.3125 : f32
      %parallel_loop3A_132 = arith.addf %parallel_loop3A_130, %parallel_loop3A_131 : f32
      %parallel_loop3A_133 = arith.mulf %parallel_loop3A_132, %parallel_loop3A_43 : f32
      %parallel_loop3A_134 = arith.constant -253.90625 : f32
      %parallel_loop3A_135 = arith.addf %parallel_loop3A_133, %parallel_loop3A_134 : f32
      %parallel_loop3A_136 = arith.mulf %parallel_loop3A_135, %parallel_loop3A_43 : f32
      %parallel_loop3A_137 = arith.constant 101.5625 : f32
      %parallel_loop3A_138 = arith.addf %parallel_loop3A_136, %parallel_loop3A_137 : f32
      %parallel_loop3A_139 = arith.mulf %parallel_loop3A_138, %parallel_loop3A_43 : f32
      %parallel_loop3A_140 = arith.constant 3.25520825 : f32
      %parallel_loop3A_141 = arith.addf %parallel_loop3A_139, %parallel_loop3A_140 : f32
      %parallel_loop3A_142 = arith.constant 32552.084 : f32
      %parallel_loop3A_143 = arith.mulf %parallel_loop3A_142, %parallel_loop3A_43 : f32
      %parallel_loop3A_144 = arith.constant -11718.75 : f32
      %parallel_loop3A_145 = arith.addf %parallel_loop3A_143, %parallel_loop3A_144 : f32
      %parallel_loop3A_146 = arith.mulf %parallel_loop3A_145, %parallel_loop3A_43 : f32
      %parallel_loop3A_147 = arith.constant -10156.25 : f32
      %parallel_loop3A_148 = arith.addf %parallel_loop3A_146, %parallel_loop3A_147 : f32
      %parallel_loop3A_149 = arith.mulf %parallel_loop3A_148, %parallel_loop3A_43 : f32
      %parallel_loop3A_150 = arith.constant 2.031250e+03 : f32
      %parallel_loop3A_151 = arith.addf %parallel_loop3A_149, %parallel_loop3A_150 : f32
      %parallel_loop3A_152 = arith.constant 128 : i32
      %parallel_loop3A_153 = arith.addi %parallel_loop3A_51, %parallel_loop3A_152 : i32
      %parallel_loop3A_154 = arith.constant 0 : i32
      %parallel_loop3A_155 = arith.addi %parallel_loop3A_153, %parallel_loop3A_154 : i32
      %parallel_loop3A_156 = arith.index_cast %parallel_loop3A_155 : i32 to index
      %parallel_loop3A_157 = tpu.vector_load %arg7[%parallel_loop3A_156] {strides = array<i32>} : memref<6528xf32, #tpu.memory_space<vmem>>, vector<16xf32>,
      %parallel_loop3A_158 = vector.broadcast %parallel_loop3A_128 : f32 to vector<16xf32>
      %parallel_loop3A_159 = arith.mulf %parallel_loop3A_157, %parallel_loop3A_158 : vector<16xf32>
      %parallel_loop3A_160 = arith.addf %parallel_loop3A_98, %parallel_loop3A_159 : vector<16xf32>
      %parallel_loop3A_161 = vector.broadcast %parallel_loop3A_141 : f32 to vector<16xf32>
      %parallel_loop3A_162 = arith.mulf %parallel_loop3A_157, %parallel_loop3A_161 : vector<16xf32>
      %parallel_loop3A_163 = arith.addf %parallel_loop3A_100, %parallel_loop3A_162 : vector<16xf32>
      %parallel_loop3A_164 = vector.broadcast %parallel_loop3A_151 : f32 to vector<16xf32>
      %parallel_loop3A_165 = arith.mulf %parallel_loop3A_157, %parallel_loop3A_164 : vector<16xf32>
      %parallel_loop3A_166 = arith.addf %parallel_loop3A_102, %parallel_loop3A_165 : vector<16xf32>
      %parallel_loop3A_167 = arith.constant 16 : i32
      %parallel_loop3A_168 = arith.addi %parallel_loop3A_153, %parallel_loop3A_167 : i32
      %parallel_loop3A_169 = arith.index_cast %parallel_loop3A_168 : i32 to index
      %parallel_loop3A_170 = tpu.vector_load %arg7[%parallel_loop3A_169] {strides = array<i32>} : memref<6528xf32, #tpu.memory_space<vmem>>, vector<16xf32>,
      %parallel_loop3A_171 = vector.broadcast %parallel_loop3A_128 : f32 to vector<16xf32>
      %parallel_loop3A_172 = arith.mulf %parallel_loop3A_170, %parallel_loop3A_171 : vector<16xf32>
      %parallel_loop3A_173 = arith.addf %parallel_loop3A_108, %parallel_loop3A_172 : vector<16xf32>
      %parallel_loop3A_174 = vector.broadcast %parallel_loop3A_141 : f32 to vector<16xf32>
      %parallel_loop3A_175 = arith.mulf %parallel_loop3A_170, %parallel_loop3A_174 : vector<16xf32>
      %parallel_loop3A_176 = arith.addf %parallel_loop3A_110, %parallel_loop3A_175 : vector<16xf32>
      %parallel_loop3A_177 = vector.broadcast %parallel_loop3A_151 : f32 to vector<16xf32>
      %parallel_loop3A_178 = arith.mulf %parallel_loop3A_170, %parallel_loop3A_177 : vector<16xf32>
      %parallel_loop3A_179 = arith.addf %parallel_loop3A_112, %parallel_loop3A_178 : vector<16xf32>
      %parallel_loop3A_180 = arith.constant -8.13802051 : f32
      %parallel_loop3A_181 = arith.mulf %parallel_loop3A_180, %parallel_loop3A_43 : f32
      %parallel_loop3A_182 = arith.constant 1.62760413 : f32
      %parallel_loop3A_183 = arith.addf %parallel_loop3A_181, %parallel_loop3A_182 : f32
      %parallel_loop3A_184 = arith.mulf %parallel_loop3A_183, %parallel_loop3A_43 : f32
      %parallel_loop3A_185 = arith.constant 11.067708 : f32
      %parallel_loop3A_186 = arith.addf %parallel_loop3A_184, %parallel_loop3A_185 : f32
      %parallel_loop3A_187 = arith.mulf %parallel_loop3A_186, %parallel_loop3A_43 : f32
      %parallel_loop3A_188 = arith.constant -2.21354175 : f32
      %parallel_loop3A_189 = arith.addf %parallel_loop3A_187, %parallel_loop3A_188 : f32
      %parallel_loop3A_190 = arith.mulf %parallel_loop3A_189, %parallel_loop3A_43 : f32
      %parallel_loop3A_191 = arith.constant -2.9296875 : f32
      %parallel_loop3A_192 = arith.addf %parallel_loop3A_190, %parallel_loop3A_191 : f32
      %parallel_loop3A_193 = arith.mulf %parallel_loop3A_192, %parallel_loop3A_43 : f32
      %parallel_loop3A_194 = arith.constant 0.5859375 : f32
      %parallel_loop3A_195 = arith.addf %parallel_loop3A_193, %parallel_loop3A_194 : f32
      %parallel_loop3A_196 = arith.constant -813.802062 : f32
      %parallel_loop3A_197 = arith.mulf %parallel_loop3A_196, %parallel_loop3A_43 : f32
      %parallel_loop3A_198 = arith.constant 130.208328 : f32
      %parallel_loop3A_199 = arith.addf %parallel_loop3A_197, %parallel_loop3A_198 : f32
      %parallel_loop3A_200 = arith.mulf %parallel_loop3A_199, %parallel_loop3A_43 : f32
      %parallel_loop3A_201 = arith.constant 664.0625 : f32
      %parallel_loop3A_202 = arith.addf %parallel_loop3A_200, %parallel_loop3A_201 : f32
      %parallel_loop3A_203 = arith.mulf %parallel_loop3A_202, %parallel_loop3A_43 : f32
      %parallel_loop3A_204 = arith.constant -88.5416641 : f32
      %parallel_loop3A_205 = arith.addf %parallel_loop3A_203, %parallel_loop3A_204 : f32
      %parallel_loop3A_206 = arith.mulf %parallel_loop3A_205, %parallel_loop3A_43 : f32
      %parallel_loop3A_207 = arith.constant -58.59375 : f32
      %parallel_loop3A_208 = arith.addf %parallel_loop3A_206, %parallel_loop3A_207 : f32
      %parallel_loop3A_209 = arith.constant -65104.168 : f32
      %parallel_loop3A_210 = arith.mulf %parallel_loop3A_209, %parallel_loop3A_43 : f32
      %parallel_loop3A_211 = arith.constant 7.812500e+03 : f32
      %parallel_loop3A_212 = arith.addf %parallel_loop3A_210, %parallel_loop3A_211 : f32
      %parallel_loop3A_213 = arith.mulf %parallel_loop3A_212, %parallel_loop3A_43 : f32
      %parallel_loop3A_214 = arith.constant 2.656250e+04 : f32
      %parallel_loop3A_215 = arith.addf %parallel_loop3A_213, %parallel_loop3A_214 : f32
      %parallel_loop3A_216 = arith.mulf %parallel_loop3A_215, %parallel_loop3A_43 : f32
      %parallel_loop3A_217 = arith.constant -1770.83337 : f32
      %parallel_loop3A_218 = arith.addf %parallel_loop3A_216, %parallel_loop3A_217 : f32
      %parallel_loop3A_219 = arith.constant 256 : i32
      %parallel_loop3A_220 = arith.addi %parallel_loop3A_51, %parallel_loop3A_219 : i32
      %parallel_loop3A_221 = arith.constant 0 : i32
      %parallel_loop3A_222 = arith.addi %parallel_loop3A_220, %parallel_loop3A_221 : i32
      %parallel_loop3A_223 = arith.index_cast %parallel_loop3A_222 : i32 to index
      %parallel_loop3A_224 = tpu.vector_load %arg7[%parallel_loop3A_223] {strides = array<i32>} : memref<6528xf32, #tpu.memory_space<vmem>>, vector<16xf32>,
      %parallel_loop3A_225 = vector.broadcast %parallel_loop3A_195 : f32 to vector<16xf32>
      %parallel_loop3A_226 = arith.mulf %parallel_loop3A_224, %parallel_loop3A_225 : vector<16xf32>
      %parallel_loop3A_227 = arith.addf %parallel_loop3A_160, %parallel_loop3A_226 : vector<16xf32>
      %parallel_loop3A_228 = vector.broadcast %parallel_loop3A_208 : f32 to vector<16xf32>
      %parallel_loop3A_229 = arith.mulf %parallel_loop3A_224, %parallel_loop3A_228 : vector<16xf32>
      %parallel_loop3A_230 = arith.addf %parallel_loop3A_163, %parallel_loop3A_229 : vector<16xf32>
      %parallel_loop3A_231 = vector.broadcast %parallel_loop3A_218 : f32 to vector<16xf32>
      %parallel_loop3A_232 = arith.mulf %parallel_loop3A_224, %parallel_loop3A_231 : vector<16xf32>
      %parallel_loop3A_233 = arith.addf %parallel_loop3A_166, %parallel_loop3A_232 : vector<16xf32>
      %parallel_loop3A_234 = arith.constant 16 : i32
      %parallel_loop3A_235 = arith.addi %parallel_loop3A_220, %parallel_loop3A_234 : i32
      %parallel_loop3A_236 = arith.index_cast %parallel_loop3A_235 : i32 to index
      %parallel_loop3A_237 = tpu.vector_load %arg7[%parallel_loop3A_236] {strides = array<i32>} : memref<6528xf32, #tpu.memory_space<vmem>>, vector<16xf32>,
      %parallel_loop3A_238 = vector.broadcast %parallel_loop3A_195 : f32 to vector<16xf32>
      %parallel_loop3A_239 = arith.mulf %parallel_loop3A_237, %parallel_loop3A_238 : vector<16xf32>
      %parallel_loop3A_240 = arith.addf %parallel_loop3A_173, %parallel_loop3A_239 : vector<16xf32>
      %parallel_loop3A_241 = vector.broadcast %parallel_loop3A_208 : f32 to vector<16xf32>
      %parallel_loop3A_242 = arith.mulf %parallel_loop3A_237, %parallel_loop3A_241 : vector<16xf32>
      %parallel_loop3A_243 = arith.addf %parallel_loop3A_176, %parallel_loop3A_242 : vector<16xf32>
      %parallel_loop3A_244 = vector.broadcast %parallel_loop3A_218 : f32 to vector<16xf32>
      %parallel_loop3A_245 = arith.mulf %parallel_loop3A_237, %parallel_loop3A_244 : vector<16xf32>
      %parallel_loop3A_246 = arith.addf %parallel_loop3A_179, %parallel_loop3A_245 : vector<16xf32>
      %parallel_loop3A_247 = arith.constant 8.13802051 : f32
      %parallel_loop3A_248 = arith.mulf %parallel_loop3A_247, %parallel_loop3A_43 : f32
      %parallel_loop3A_249 = arith.constant 1.62760413 : f32
      %parallel_loop3A_250 = arith.addf %parallel_loop3A_248, %parallel_loop3A_249 : f32
      %parallel_loop3A_251 = arith.mulf %parallel_loop3A_250, %parallel_loop3A_43 : f32
      %parallel_loop3A_252 = arith.constant -11.067708 : f32
      %parallel_loop3A_253 = arith.addf %parallel_loop3A_251, %parallel_loop3A_252 : f32
      %parallel_loop3A_254 = arith.mulf %parallel_loop3A_253, %parallel_loop3A_43 : f32
      %parallel_loop3A_255 = arith.constant -2.21354175 : f32
      %parallel_loop3A_256 = arith.addf %parallel_loop3A_254, %parallel_loop3A_255 : f32
      %parallel_loop3A_257 = arith.mulf %parallel_loop3A_256, %parallel_loop3A_43 : f32
      %parallel_loop3A_258 = arith.constant 2.9296875 : f32
      %parallel_loop3A_259 = arith.addf %parallel_loop3A_257, %parallel_loop3A_258 : f32
      %parallel_loop3A_260 = arith.mulf %parallel_loop3A_259, %parallel_loop3A_43 : f32
      %parallel_loop3A_261 = arith.constant 0.5859375 : f32
      %parallel_loop3A_262 = arith.addf %parallel_loop3A_260, %parallel_loop3A_261 : f32
      %parallel_loop3A_263 = arith.constant 813.802062 : f32
      %parallel_loop3A_264 = arith.mulf %parallel_loop3A_263, %parallel_loop3A_43 : f32
      %parallel_loop3A_265 = arith.constant 130.208328 : f32
      %parallel_loop3A_266 = arith.addf %parallel_loop3A_264, %parallel_loop3A_265 : f32
      %parallel_loop3A_267 = arith.mulf %parallel_loop3A_266, %parallel_loop3A_43 : f32
      %parallel_loop3A_268 = arith.constant -664.0625 : f32
      %parallel_loop3A_269 = arith.addf %parallel_loop3A_267, %parallel_loop3A_268 : f32
      %parallel_loop3A_270 = arith.mulf %parallel_loop3A_269, %parallel_loop3A_43 : f32
      %parallel_loop3A_271 = arith.constant -88.5416641 : f32
      %parallel_loop3A_272 = arith.addf %parallel_loop3A_270, %parallel_loop3A_271 : f32
      %parallel_loop3A_273 = arith.mulf %parallel_loop3A_272, %parallel_loop3A_43 : f32
      %parallel_loop3A_274 = arith.constant 58.59375 : f32
      %parallel_loop3A_275 = arith.addf %parallel_loop3A_273, %parallel_loop3A_274 : f32
      %parallel_loop3A_276 = arith.constant 65104.168 : f32
      %parallel_loop3A_277 = arith.mulf %parallel_loop3A_276, %parallel_loop3A_43 : f32
      %parallel_loop3A_278 = arith.constant 7.812500e+03 : f32
      %parallel_loop3A_279 = arith.addf %parallel_loop3A_277, %parallel_loop3A_278 : f32
      %parallel_loop3A_280 = arith.mulf %parallel_loop3A_279, %parallel_loop3A_43 : f32
      %parallel_loop3A_281 = arith.constant -2.656250e+04 : f32
      %parallel_loop3A_282 = arith.addf %parallel_loop3A_280, %parallel_loop3A_281 : f32
      %parallel_loop3A_283 = arith.mulf %parallel_loop3A_282, %parallel_loop3A_43 : f32
      %parallel_loop3A_284 = arith.constant -1770.83337 : f32
      %parallel_loop3A_285 = arith.addf %parallel_loop3A_283, %parallel_loop3A_284 : f32
      %parallel_loop3A_286 = arith.constant 384 : i32
      %parallel_loop3A_287 = arith.addi %parallel_loop3A_51, %parallel_loop3A_286 : i32
      %parallel_loop3A_288 = arith.constant 0 : i32
      %parallel_loop3A_289 = arith.addi %parallel_loop3A_287, %parallel_loop3A_288 : i32
      %parallel_loop3A_290 = arith.index_cast %parallel_loop3A_289 : i32 to index
      %parallel_loop3A_291 = tpu.vector_load %arg7[%parallel_loop3A_290] {strides = array<i32>} : memref<6528xf32, #tpu.memory_space<vmem>>, vector<16xf32>,
      %parallel_loop3A_292 = vector.broadcast %parallel_loop3A_262 : f32 to vector<16xf32>
      %parallel_loop3A_293 = arith.mulf %parallel_loop3A_291, %parallel_loop3A_292 : vector<16xf32>
      %parallel_loop3A_294 = arith.addf %parallel_loop3A_227, %parallel_loop3A_293 : vector<16xf32>
      %parallel_loop3A_295 = vector.broadcast %parallel_loop3A_275 : f32 to vector<16xf32>
      %parallel_loop3A_296 = arith.mulf %parallel_loop3A_291, %parallel_loop3A_295 : vector<16xf32>
      %parallel_loop3A_297 = arith.addf %parallel_loop3A_230, %parallel_loop3A_296 : vector<16xf32>
      %parallel_loop3A_298 = vector.broadcast %parallel_loop3A_285 : f32 to vector<16xf32>
      %parallel_loop3A_299 = arith.mulf %parallel_loop3A_291, %parallel_loop3A_298 : vector<16xf32>
      %parallel_loop3A_300 = arith.addf %parallel_loop3A_233, %parallel_loop3A_299 : vector<16xf32>
      %parallel_loop3A_301 = arith.constant 16 : i32
      %parallel_loop3A_302 = arith.addi %parallel_loop3A_287, %parallel_loop3A_301 : i32
      %parallel_loop3A_303 = arith.index_cast %parallel_loop3A_302 : i32 to index
      %parallel_loop3A_304 = tpu.vector_load %arg7[%parallel_loop3A_303] {strides = array<i32>} : memref<6528xf32, #tpu.memory_space<vmem>>, vector<16xf32>,
      %parallel_loop3A_305 = vector.broadcast %parallel_loop3A_262 : f32 to vector<16xf32>
      %parallel_loop3A_306 = arith.mulf %parallel_loop3A_304, %parallel_loop3A_305 : vector<16xf32>
      %parallel_loop3A_307 = arith.addf %parallel_loop3A_240, %parallel_loop3A_306 : vector<16xf32>
      %parallel_loop3A_308 = vector.broadcast %parallel_loop3A_275 : f32 to vector<16xf32>
      %parallel_loop3A_309 = arith.mulf %parallel_loop3A_304, %parallel_loop3A_308 : vector<16xf32>
      %parallel_loop3A_310 = arith.addf %parallel_loop3A_243, %parallel_loop3A_309 : vector<16xf32>
      %parallel_loop3A_311 = vector.broadcast %parallel_loop3A_285 : f32 to vector<16xf32>
      %parallel_loop3A_312 = arith.mulf %parallel_loop3A_304, %parallel_loop3A_311 : vector<16xf32>
      %parallel_loop3A_313 = arith.addf %parallel_loop3A_246, %parallel_loop3A_312 : vector<16xf32>
      %parallel_loop3A_314 = arith.constant -4.06901026 : f32
      %parallel_loop3A_315 = arith.mulf %parallel_loop3A_314, %parallel_loop3A_43 : f32
      %parallel_loop3A_316 = arith.constant -2.44140625 : f32
      %parallel_loop3A_317 = arith.addf %parallel_loop3A_315, %parallel_loop3A_316 : f32
      %parallel_loop3A_318 = arith.mulf %parallel_loop3A_317, %parallel_loop3A_43 : f32
      %parallel_loop3A_319 = arith.constant 4.23177099 : f32
      %parallel_loop3A_320 = arith.addf %parallel_loop3A_318, %parallel_loop3A_319 : f32
      %parallel_loop3A_321 = arith.mulf %parallel_loop3A_320, %parallel_loop3A_43 : f32
      %parallel_loop3A_322 = arith.constant 2.5390625 : f32
      %parallel_loop3A_323 = arith.addf %parallel_loop3A_321, %parallel_loop3A_322 : f32
      %parallel_loop3A_324 = arith.mulf %parallel_loop3A_323, %parallel_loop3A_43 : f32
      %parallel_loop3A_325 = arith.constant -0.162760422 : f32
      %parallel_loop3A_326 = arith.addf %parallel_loop3A_324, %parallel_loop3A_325 : f32
      %parallel_loop3A_327 = arith.mulf %parallel_loop3A_326, %parallel_loop3A_43 : f32
      %parallel_loop3A_328 = arith.constant -0.09765625 : f32
      %parallel_loop3A_329 = arith.addf %parallel_loop3A_327, %parallel_loop3A_328 : f32
      %parallel_loop3A_330 = arith.constant -406.901031 : f32
      %parallel_loop3A_331 = arith.mulf %parallel_loop3A_330, %parallel_loop3A_43 : f32
      %parallel_loop3A_332 = arith.constant -195.3125 : f32
      %parallel_loop3A_333 = arith.addf %parallel_loop3A_331, %parallel_loop3A_332 : f32
      %parallel_loop3A_334 = arith.mulf %parallel_loop3A_333, %parallel_loop3A_43 : f32
      %parallel_loop3A_335 = arith.constant 253.90625 : f32
      %parallel_loop3A_336 = arith.addf %parallel_loop3A_334, %parallel_loop3A_335 : f32
      %parallel_loop3A_337 = arith.mulf %parallel_loop3A_336, %parallel_loop3A_43 : f32
      %parallel_loop3A_338 = arith.constant 101.5625 : f32
      %parallel_loop3A_339 = arith.addf %parallel_loop3A_337, %parallel_loop3A_338 : f32
      %parallel_loop3A_340 = arith.mulf %parallel_loop3A_339, %parallel_loop3A_43 : f32
      %parallel_loop3A_341 = arith.constant -3.25520825 : f32
      %parallel_loop3A_342 = arith.addf %parallel_loop3A_340, %parallel_loop3A_341 : f32
      %parallel_loop3A_343 = arith.constant -32552.084 : f32
      %parallel_loop3A_344 = arith.mulf %parallel_loop3A_343, %parallel_loop3A_43 : f32
      %parallel_loop3A_345 = arith.constant -11718.75 : f32
      %parallel_loop3A_346 = arith.addf %parallel_loop3A_344, %parallel_loop3A_345 : f32
      %parallel_loop3A_347 = arith.mulf %parallel_loop3A_346, %parallel_loop3A_43 : f32
      %parallel_loop3A_348 = arith.constant 10156.25 : f32
      %parallel_loop3A_349 = arith.addf %parallel_loop3A_347, %parallel_loop3A_348 : f32
      %parallel_loop3A_350 = arith.mulf %parallel_loop3A_349, %parallel_loop3A_43 : f32
      %parallel_loop3A_351 = arith.constant 2.031250e+03 : f32
      %parallel_loop3A_352 = arith.addf %parallel_loop3A_350, %parallel_loop3A_351 : f32
      %parallel_loop3A_353 = arith.constant 512 : i32
      %parallel_loop3A_354 = arith.addi %parallel_loop3A_51, %parallel_loop3A_353 : i32
      %parallel_loop3A_355 = arith.constant 0 : i32
      %parallel_loop3A_356 = arith.addi %parallel_loop3A_354, %parallel_loop3A_355 : i32
      %parallel_loop3A_357 = arith.index_cast %parallel_loop3A_356 : i32 to index
      %parallel_loop3A_358 = tpu.vector_load %arg7[%parallel_loop3A_357] {strides = array<i32>} : memref<6528xf32, #tpu.memory_space<vmem>>, vector<16xf32>,
      %parallel_loop3A_359 = vector.broadcast %parallel_loop3A_329 : f32 to vector<16xf32>
      %parallel_loop3A_360 = arith.mulf %parallel_loop3A_358, %parallel_loop3A_359 : vector<16xf32>
      %parallel_loop3A_361 = arith.addf %parallel_loop3A_294, %parallel_loop3A_360 : vector<16xf32>
      %parallel_loop3A_362 = vector.broadcast %parallel_loop3A_342 : f32 to vector<16xf32>
      %parallel_loop3A_363 = arith.mulf %parallel_loop3A_358, %parallel_loop3A_362 : vector<16xf32>
      %parallel_loop3A_364 = arith.addf %parallel_loop3A_297, %parallel_loop3A_363 : vector<16xf32>
      %parallel_loop3A_365 = vector.broadcast %parallel_loop3A_352 : f32 to vector<16xf32>
      %parallel_loop3A_366 = arith.mulf %parallel_loop3A_358, %parallel_loop3A_365 : vector<16xf32>
      %parallel_loop3A_367 = arith.addf %parallel_loop3A_300, %parallel_loop3A_366 : vector<16xf32>
      %parallel_loop3A_368 = arith.constant 16 : i32
      %parallel_loop3A_369 = arith.addi %parallel_loop3A_354, %parallel_loop3A_368 : i32
      %parallel_loop3A_370 = arith.index_cast %parallel_loop3A_369 : i32 to index
      %parallel_loop3A_371 = tpu.vector_load %arg7[%parallel_loop3A_370] {strides = array<i32>} : memref<6528xf32, #tpu.memory_space<vmem>>, vector<16xf32>,
      %parallel_loop3A_372 = vector.broadcast %parallel_loop3A_329 : f32 to vector<16xf32>
      %parallel_loop3A_373 = arith.mulf %parallel_loop3A_371, %parallel_loop3A_372 : vector<16xf32>
      %parallel_loop3A_374 = arith.addf %parallel_loop3A_307, %parallel_loop3A_373 : vector<16xf32>
      %parallel_loop3A_375 = vector.broadcast %parallel_loop3A_342 : f32 to vector<16xf32>
      %parallel_loop3A_376 = arith.mulf %parallel_loop3A_371, %parallel_loop3A_375 : vector<16xf32>
      %parallel_loop3A_377 = arith.addf %parallel_loop3A_310, %parallel_loop3A_376 : vector<16xf32>
      %parallel_loop3A_378 = vector.broadcast %parallel_loop3A_352 : f32 to vector<16xf32>
      %parallel_loop3A_379 = arith.mulf %parallel_loop3A_371, %parallel_loop3A_378 : vector<16xf32>
      %parallel_loop3A_380 = arith.addf %parallel_loop3A_313, %parallel_loop3A_379 : vector<16xf32>
      %parallel_loop3A_381 = arith.constant 0.813802063 : f32
      %parallel_loop3A_382 = arith.mulf %parallel_loop3A_381, %parallel_loop3A_43 : f32
      %parallel_loop3A_383 = arith.constant 0.813802063 : f32
      %parallel_loop3A_384 = arith.addf %parallel_loop3A_382, %parallel_loop3A_383 : f32
      %parallel_loop3A_385 = arith.mulf %parallel_loop3A_384, %parallel_loop3A_43 : f32
      %parallel_loop3A_386 = arith.constant -0.325520843 : f32
      %parallel_loop3A_387 = arith.addf %parallel_loop3A_385, %parallel_loop3A_386 : f32
      %parallel_loop3A_388 = arith.mulf %parallel_loop3A_387, %parallel_loop3A_43 : f32
      %parallel_loop3A_389 = arith.constant -0.325520843 : f32
      %parallel_loop3A_390 = arith.addf %parallel_loop3A_388, %parallel_loop3A_389 : f32
      %parallel_loop3A_391 = arith.mulf %parallel_loop3A_390, %parallel_loop3A_43 : f32
      %parallel_loop3A_392 = arith.constant 0.01171875 : f32
      %parallel_loop3A_393 = arith.addf %parallel_loop3A_391, %parallel_loop3A_392 : f32
      %parallel_loop3A_394 = arith.mulf %parallel_loop3A_393, %parallel_loop3A_43 : f32
      %parallel_loop3A_395 = arith.constant 0.01171875 : f32
      %parallel_loop3A_396 = arith.addf %parallel_loop3A_394, %parallel_loop3A_395 : f32
      %parallel_loop3A_397 = arith.constant 81.3802109 : f32
      %parallel_loop3A_398 = arith.mulf %parallel_loop3A_397, %parallel_loop3A_43 : f32
      %parallel_loop3A_399 = arith.constant 65.1041641 : f32
      %parallel_loop3A_400 = arith.addf %parallel_loop3A_398, %parallel_loop3A_399 : f32
      %parallel_loop3A_401 = arith.mulf %parallel_loop3A_400, %parallel_loop3A_43 : f32
      %parallel_loop3A_402 = arith.constant -19.53125 : f32
      %parallel_loop3A_403 = arith.addf %parallel_loop3A_401, %parallel_loop3A_402 : f32
      %parallel_loop3A_404 = arith.mulf %parallel_loop3A_403, %parallel_loop3A_43 : f32
      %parallel_loop3A_405 = arith.constant -13.020833 : f32
      %parallel_loop3A_406 = arith.addf %parallel_loop3A_404, %parallel_loop3A_405 : f32
      %parallel_loop3A_407 = arith.mulf %parallel_loop3A_406, %parallel_loop3A_43 : f32
      %parallel_loop3A_408 = arith.constant 2.343750e-01 : f32
      %parallel_loop3A_409 = arith.addf %parallel_loop3A_407, %parallel_loop3A_408 : f32
      %parallel_loop3A_410 = arith.constant 6510.4165 : f32
      %parallel_loop3A_411 = arith.mulf %parallel_loop3A_410, %parallel_loop3A_43 : f32
      %parallel_loop3A_412 = arith.constant 3.906250e+03 : f32
      %parallel_loop3A_413 = arith.addf %parallel_loop3A_411, %parallel_loop3A_412 : f32
      %parallel_loop3A_414 = arith.mulf %parallel_loop3A_413, %parallel_loop3A_43 : f32
      %parallel_loop3A_415 = arith.constant -7.812500e+02 : f32
      %parallel_loop3A_416 = arith.addf %parallel_loop3A_414, %parallel_loop3A_415 : f32
      %parallel_loop3A_417 = arith.mulf %parallel_loop3A_416, %parallel_loop3A_43 : f32
      %parallel_loop3A_418 = arith.constant -260.416656 : f32
      %parallel_loop3A_419 = arith.addf %parallel_loop3A_417, %parallel_loop3A_418 : f32
      %parallel_loop3A_420 = arith.constant 640 : i32
      %parallel_loop3A_421 = arith.addi %parallel_loop3A_51, %parallel_loop3A_420 : i32
      %parallel_loop3A_422 = arith.constant 0 : i32
      %parallel_loop3A_423 = arith.addi %parallel_loop3A_421, %parallel_loop3A_422 : i32
      %parallel_loop3A_424 = arith.index_cast %parallel_loop3A_423 : i32 to index
      %parallel_loop3A_425 = tpu.vector_load %arg7[%parallel_loop3A_424] {strides = array<i32>} : memref<6528xf32, #tpu.memory_space<vmem>>, vector<16xf32>,
      %parallel_loop3A_426 = vector.broadcast %parallel_loop3A_396 : f32 to vector<16xf32>
      %parallel_loop3A_427 = arith.mulf %parallel_loop3A_425, %parallel_loop3A_426 : vector<16xf32>
      %parallel_loop3A_428 = arith.addf %parallel_loop3A_361, %parallel_loop3A_427 : vector<16xf32>
      %parallel_loop3A_429 = vector.broadcast %parallel_loop3A_409 : f32 to vector<16xf32>
      %parallel_loop3A_430 = arith.mulf %parallel_loop3A_425, %parallel_loop3A_429 : vector<16xf32>
      %parallel_loop3A_431 = arith.addf %parallel_loop3A_364, %parallel_loop3A_430 : vector<16xf32>
      %parallel_loop3A_432 = vector.broadcast %parallel_loop3A_419 : f32 to vector<16xf32>
      %parallel_loop3A_433 = arith.mulf %parallel_loop3A_425, %parallel_loop3A_432 : vector<16xf32>
      %parallel_loop3A_434 = arith.addf %parallel_loop3A_367, %parallel_loop3A_433 : vector<16xf32>
      %parallel_loop3A_435 = arith.constant 16 : i32
      %parallel_loop3A_436 = arith.addi %parallel_loop3A_421, %parallel_loop3A_435 : i32
      %parallel_loop3A_437 = arith.index_cast %parallel_loop3A_436 : i32 to index
      %parallel_loop3A_438 = tpu.vector_load %arg7[%parallel_loop3A_437] {strides = array<i32>} : memref<6528xf32, #tpu.memory_space<vmem>>, vector<16xf32>,
      %parallel_loop3A_439 = vector.broadcast %parallel_loop3A_396 : f32 to vector<16xf32>
      %parallel_loop3A_440 = arith.mulf %parallel_loop3A_438, %parallel_loop3A_439 : vector<16xf32>
      %parallel_loop3A_441 = arith.addf %parallel_loop3A_374, %parallel_loop3A_440 : vector<16xf32>
      %parallel_loop3A_442 = vector.broadcast %parallel_loop3A_409 : f32 to vector<16xf32>
      %parallel_loop3A_443 = arith.mulf %parallel_loop3A_438, %parallel_loop3A_442 : vector<16xf32>
      %parallel_loop3A_444 = arith.addf %parallel_loop3A_377, %parallel_loop3A_443 : vector<16xf32>
      %parallel_loop3A_445 = vector.broadcast %parallel_loop3A_419 : f32 to vector<16xf32>
      %parallel_loop3A_446 = arith.mulf %parallel_loop3A_438, %parallel_loop3A_445 : vector<16xf32>
      %parallel_loop3A_447 = arith.addf %parallel_loop3A_380, %parallel_loop3A_446 : vector<16xf32>
      %parallel_loop3A_448 = vector.extract_strided_slice %parallel_loop3A_41 {offsets = [1], sizes = [1], strides = [1]} : vector<16xf32> to vector<1xf32>
      %parallel_loop3A_449 = vector.extract %parallel_loop3A_448[0] : f32 from vector<1xf32>
      %parallel_loop3A_450 = vector.extract_strided_slice %parallel_loop3A_30 {offsets = [1], sizes = [1], strides = [1]} : vector<16xi32> to vector<1xi32>
      %parallel_loop3A_451 = vector.extract %parallel_loop3A_450[0] : i32 from vector<1xi32>
      %parallel_loop3A_452 = arith.constant 4 : i32
      %parallel_loop3A_453 = arith.muli %parallel_loop3A_451, %parallel_loop3A_452 : i32
      %parallel_loop3A_454 = arith.constant 1 : i32
      %parallel_loop3A_455 = arith.addi %parallel_loop3A_453, %parallel_loop3A_454 : i32
      %parallel_loop3A_456 = arith.constant 32 : i32
      %parallel_loop3A_457 = arith.muli %parallel_loop3A_455, %parallel_loop3A_456 : i32
      %parallel_loop3A_458 = arith.constant -0.813802063 : f32
      %parallel_loop3A_459 = arith.mulf %parallel_loop3A_458, %parallel_loop3A_449 : f32
      %parallel_loop3A_460 = arith.constant 0.813802063 : f32
      %parallel_loop3A_461 = arith.addf %parallel_loop3A_459, %parallel_loop3A_460 : f32
      %parallel_loop3A_462 = arith.mulf %parallel_loop3A_461, %parallel_loop3A_449 : f32
      %parallel_loop3A_463 = arith.constant 0.325520843 : f32
      %parallel_loop3A_464 = arith.addf %parallel_loop3A_462, %parallel_loop3A_463 : f32
      %parallel_loop3A_465 = arith.mulf %parallel_loop3A_464, %parallel_loop3A_449 : f32
      %parallel_loop3A_466 = arith.constant -0.325520843 : f32
      %parallel_loop3A_467 = arith.addf %parallel_loop3A_465, %parallel_loop3A_466 : f32
      %parallel_loop3A_468 = arith.mulf %parallel_loop3A_467, %parallel_loop3A_449 : f32
      %parallel_loop3A_469 = arith.constant -0.01171875 : f32
      %parallel_loop3A_470 = arith.addf %parallel_loop3A_468, %parallel_loop3A_469 : f32
      %parallel_loop3A_471 = arith.mulf %parallel_loop3A_470, %parallel_loop3A_449 : f32
      %parallel_loop3A_472 = arith.constant 0.01171875 : f32
      %parallel_loop3A_473 = arith.addf %parallel_loop3A_471, %parallel_loop3A_472 : f32
      %parallel_loop3A_474 = arith.constant -81.3802109 : f32
      %parallel_loop3A_475 = arith.mulf %parallel_loop3A_474, %parallel_loop3A_449 : f32
      %parallel_loop3A_476 = arith.constant 65.1041641 : f32
      %parallel_loop3A_477 = arith.addf %parallel_loop3A_475, %parallel_loop3A_476 : f32
      %parallel_loop3A_478 = arith.mulf %parallel_loop3A_477, %parallel_loop3A_449 : f32
      %parallel_loop3A_479 = arith.constant 19.53125 : f32
      %parallel_loop3A_480 = arith.addf %parallel_loop3A_478, %parallel_loop3A_479 : f32
      %parallel_loop3A_481 = arith.mulf %parallel_loop3A_480, %parallel_loop3A_449 : f32
      %parallel_loop3A_482 = arith.constant -13.020833 : f32
      %parallel_loop3A_483 = arith.addf %parallel_loop3A_481, %parallel_loop3A_482 : f32
      %parallel_loop3A_484 = arith.mulf %parallel_loop3A_483, %parallel_loop3A_449 : f32
      %parallel_loop3A_485 = arith.constant -2.343750e-01 : f32
      %parallel_loop3A_486 = arith.addf %parallel_loop3A_484, %parallel_loop3A_485 : f32
      %parallel_loop3A_487 = arith.constant -6510.4165 : f32
      %parallel_loop3A_488 = arith.mulf %parallel_loop3A_487, %parallel_loop3A_449 : f32
      %parallel_loop3A_489 = arith.constant 3.906250e+03 : f32
      %parallel_loop3A_490 = arith.addf %parallel_loop3A_488, %parallel_loop3A_489 : f32
      %parallel_loop3A_491 = arith.mulf %parallel_loop3A_490, %parallel_loop3A_449 : f32
      %parallel_loop3A_492 = arith.constant 7.812500e+02 : f32
      %parallel_loop3A_493 = arith.addf %parallel_loop3A_491, %parallel_loop3A_492 : f32
      %parallel_loop3A_494 = arith.mulf %parallel_loop3A_493, %parallel_loop3A_449 : f32
      %parallel_loop3A_495 = arith.constant -260.416656 : f32
      %parallel_loop3A_496 = arith.addf %parallel_loop3A_494, %parallel_loop3A_495 : f32
      %parallel_loop3A_497 = arith.constant 0 : i32
      %parallel_loop3A_498 = arith.addi %parallel_loop3A_457, %parallel_loop3A_497 : i32
      %parallel_loop3A_499 = arith.constant 0 : i32
      %parallel_loop3A_500 = arith.addi %parallel_loop3A_498, %parallel_loop3A_499 : i32
      %parallel_loop3A_501 = arith.index_cast %parallel_loop3A_500 : i32 to index
      %parallel_loop3A_502 = tpu.vector_load %arg7[%parallel_loop3A_501] {strides = array<i32>} : memref<6528xf32, #tpu.memory_space<vmem>>, vector<16xf32>,
      %parallel_loop3A_503 = vector.broadcast %parallel_loop3A_473 : f32 to vector<16xf32>
      %parallel_loop3A_504 = arith.mulf %parallel_loop3A_502, %parallel_loop3A_503 : vector<16xf32>
      %parallel_loop3A_505 = arith.addf %parallel_loop3A_428, %parallel_loop3A_504 : vector<16xf32>
      %parallel_loop3A_506 = vector.broadcast %parallel_loop3A_486 : f32 to vector<16xf32>
      %parallel_loop3A_507 = arith.mulf %parallel_loop3A_502, %parallel_loop3A_506 : vector<16xf32>
      %parallel_loop3A_508 = arith.addf %parallel_loop3A_431, %parallel_loop3A_507 : vector<16xf32>
      %parallel_loop3A_509 = vector.broadcast %parallel_loop3A_496 : f32 to vector<16xf32>
      %parallel_loop3A_510 = arith.mulf %parallel_loop3A_502, %parallel_loop3A_509 : vector<16xf32>
      %parallel_loop3A_511 = arith.addf %parallel_loop3A_434, %parallel_loop3A_510 : vector<16xf32>
      %parallel_loop3A_512 = arith.constant 16 : i32
      %parallel_loop3A_513 = arith.addi %parallel_loop3A_498, %parallel_loop3A_512 : i32
      %parallel_loop3A_514 = arith.index_cast %parallel_loop3A_513 : i32 to index
      %parallel_loop3A_515 = tpu.vector_load %arg7[%parallel_loop3A_514] {strides = array<i32>} : memref<6528xf32, #tpu.memory_space<vmem>>, vector<16xf32>,
      %parallel_loop3A_516 = vector.broadcast %parallel_loop3A_473 : f32 to vector<16xf32>
      %parallel_loop3A_517 = arith.mulf %parallel_loop3A_515, %parallel_loop3A_516 : vector<16xf32>
      %parallel_loop3A_518 = arith.addf %parallel_loop3A_441, %parallel_loop3A_517 : vector<16xf32>
      %parallel_loop3A_519 = vector.broadcast %parallel_loop3A_486 : f32 to vector<16xf32>
      %parallel_loop3A_520 = arith.mulf %parallel_loop3A_515, %parallel_loop3A_519 : vector<16xf32>
      %parallel_loop3A_521 = arith.addf %parallel_loop3A_444, %parallel_loop3A_520 : vector<16xf32>
      %parallel_loop3A_522 = vector.broadcast %parallel_loop3A_496 : f32 to vector<16xf32>
      %parallel_loop3A_523 = arith.mulf %parallel_loop3A_515, %parallel_loop3A_522 : vector<16xf32>
      %parallel_loop3A_524 = arith.addf %parallel_loop3A_447, %parallel_loop3A_523 : vector<16xf32>
      %parallel_loop3A_525 = arith.constant 4.06901026 : f32
      %parallel_loop3A_526 = arith.mulf %parallel_loop3A_525, %parallel_loop3A_449 : f32
      %parallel_loop3A_527 = arith.constant -2.44140625 : f32
      %parallel_loop3A_528 = arith.addf %parallel_loop3A_526, %parallel_loop3A_527 : f32
      %parallel_loop3A_529 = arith.mulf %parallel_loop3A_528, %parallel_loop3A_449 : f32
      %parallel_loop3A_530 = arith.constant -4.23177099 : f32
      %parallel_loop3A_531 = arith.addf %parallel_loop3A_529, %parallel_loop3A_530 : f32
      %parallel_loop3A_532 = arith.mulf %parallel_loop3A_531, %parallel_loop3A_449 : f32
      %parallel_loop3A_533 = arith.constant 2.5390625 : f32
      %parallel_loop3A_534 = arith.addf %parallel_loop3A_532, %parallel_loop3A_533 : f32
      %parallel_loop3A_535 = arith.mulf %parallel_loop3A_534, %parallel_loop3A_449 : f32
      %parallel_loop3A_536 = arith.constant 0.162760422 : f32
      %parallel_loop3A_537 = arith.addf %parallel_loop3A_535, %parallel_loop3A_536 : f32
      %parallel_loop3A_538 = arith.mulf %parallel_loop3A_537, %parallel_loop3A_449 : f32
      %parallel_loop3A_539 = arith.constant -0.09765625 : f32
      %parallel_loop3A_540 = arith.addf %parallel_loop3A_538, %parallel_loop3A_539 : f32
      %parallel_loop3A_541 = arith.constant 406.901031 : f32
      %parallel_loop3A_542 = arith.mulf %parallel_loop3A_541, %parallel_loop3A_449 : f32
      %parallel_loop3A_543 = arith.constant -195.3125 : f32
      %parallel_loop3A_544 = arith.addf %parallel_loop3A_542, %parallel_loop3A_543 : f32
      %parallel_loop3A_545 = arith.mulf %parallel_loop3A_544, %parallel_loop3A_449 : f32
      %parallel_loop3A_546 = arith.constant -253.90625 : f32
      %parallel_loop3A_547 = arith.addf %parallel_loop3A_545, %parallel_loop3A_546 : f32
      %parallel_loop3A_548 = arith.mulf %parallel_loop3A_547, %parallel_loop3A_449 : f32
      %parallel_loop3A_549 = arith.constant 101.5625 : f32
      %parallel_loop3A_550 = arith.addf %parallel_loop3A_548, %parallel_loop3A_549 : f32
      %parallel_loop3A_551 = arith.mulf %parallel_loop3A_550, %parallel_loop3A_449 : f32
      %parallel_loop3A_552 = arith.constant 3.25520825 : f32
      %parallel_loop3A_553 = arith.addf %parallel_loop3A_551, %parallel_loop3A_552 : f32
      %parallel_loop3A_554 = arith.constant 32552.084 : f32
      %parallel_loop3A_555 = arith.mulf %parallel_loop3A_554, %parallel_loop3A_449 : f32
      %parallel_loop3A_556 = arith.constant -11718.75 : f32
      %parallel_loop3A_557 = arith.addf %parallel_loop3A_555, %parallel_loop3A_556 : f32
      %parallel_loop3A_558 = arith.mulf %parallel_loop3A_557, %parallel_loop3A_449 : f32
      %parallel_loop3A_559 = arith.constant -10156.25 : f32
      %parallel_loop3A_560 = arith.addf %parallel_loop3A_558, %parallel_loop3A_559 : f32
      %parallel_loop3A_561 = arith.mulf %parallel_loop3A_560, %parallel_loop3A_449 : f32
      %parallel_loop3A_562 = arith.constant 2.031250e+03 : f32
      %parallel_loop3A_563 = arith.addf %parallel_loop3A_561, %parallel_loop3A_562 : f32
      %parallel_loop3A_564 = arith.constant 128 : i32
      %parallel_loop3A_565 = arith.addi %parallel_loop3A_457, %parallel_loop3A_564 : i32
      %parallel_loop3A_566 = arith.constant 0 : i32
      %parallel_loop3A_567 = arith.addi %parallel_loop3A_565, %parallel_loop3A_566 : i32
      %parallel_loop3A_568 = arith.index_cast %parallel_loop3A_567 : i32 to index
      %parallel_loop3A_569 = tpu.vector_load %arg7[%parallel_loop3A_568] {strides = array<i32>} : memref<6528xf32, #tpu.memory_space<vmem>>, vector<16xf32>,
      %parallel_loop3A_570 = vector.broadcast %parallel_loop3A_540 : f32 to vector<16xf32>
      %parallel_loop3A_571 = arith.mulf %parallel_loop3A_569, %parallel_loop3A_570 : vector<16xf32>
      %parallel_loop3A_572 = arith.addf %parallel_loop3A_505, %parallel_loop3A_571 : vector<16xf32>
      %parallel_loop3A_573 = vector.broadcast %parallel_loop3A_553 : f32 to vector<16xf32>
      %parallel_loop3A_574 = arith.mulf %parallel_loop3A_569, %parallel_loop3A_573 : vector<16xf32>
      %parallel_loop3A_575 = arith.addf %parallel_loop3A_508, %parallel_loop3A_574 : vector<16xf32>
      %parallel_loop3A_576 = vector.broadcast %parallel_loop3A_563 : f32 to vector<16xf32>
      %parallel_loop3A_577 = arith.mulf %parallel_loop3A_569, %parallel_loop3A_576 : vector<16xf32>
      %parallel_loop3A_578 = arith.addf %parallel_loop3A_511, %parallel_loop3A_577 : vector<16xf32>
      %parallel_loop3A_579 = arith.constant 16 : i32
      %parallel_loop3A_580 = arith.addi %parallel_loop3A_565, %parallel_loop3A_579 : i32
      %parallel_loop3A_581 = arith.index_cast %parallel_loop3A_580 : i32 to index
      %parallel_loop3A_582 = tpu.vector_load %arg7[%parallel_loop3A_581] {strides = array<i32>} : memref<6528xf32, #tpu.memory_space<vmem>>, vector<16xf32>,
      %parallel_loop3A_583 = vector.broadcast %parallel_loop3A_540 : f32 to vector<16xf32>
      %parallel_loop3A_584 = arith.mulf %parallel_loop3A_582, %parallel_loop3A_583 : vector<16xf32>
      %parallel_loop3A_585 = arith.addf %parallel_loop3A_518, %parallel_loop3A_584 : vector<16xf32>
      %parallel_loop3A_586 = vector.broadcast %parallel_loop3A_553 : f32 to vector<16xf32>
      %parallel_loop3A_587 = arith.mulf %parallel_loop3A_582, %parallel_loop3A_586 : vector<16xf32>
      %parallel_loop3A_588 = arith.addf %parallel_loop3A_521, %parallel_loop3A_587 : vector<16xf32>
      %parallel_loop3A_589 = vector.broadcast %parallel_loop3A_563 : f32 to vector<16xf32>
      %parallel_loop3A_590 = arith.mulf %parallel_loop3A_582, %parallel_loop3A_589 : vector<16xf32>
      %parallel_loop3A_591 = arith.addf %parallel_loop3A_524, %parallel_loop3A_590 : vector<16xf32>
      %parallel_loop3A_592 = arith.constant -8.13802051 : f32
      %parallel_loop3A_593 = arith.mulf %parallel_loop3A_592, %parallel_loop3A_449 : f32
      %parallel_loop3A_594 = arith.constant 1.62760413 : f32
      %parallel_loop3A_595 = arith.addf %parallel_loop3A_593, %parallel_loop3A_594 : f32
      %parallel_loop3A_596 = arith.mulf %parallel_loop3A_595, %parallel_loop3A_449 : f32
      %parallel_loop3A_597 = arith.constant 11.067708 : f32
      %parallel_loop3A_598 = arith.addf %parallel_loop3A_596, %parallel_loop3A_597 : f32
      %parallel_loop3A_599 = arith.mulf %parallel_loop3A_598, %parallel_loop3A_449 : f32
      %parallel_loop3A_600 = arith.constant -2.21354175 : f32
      %parallel_loop3A_601 = arith.addf %parallel_loop3A_599, %parallel_loop3A_600 : f32
      %parallel_loop3A_602 = arith.mulf %parallel_loop3A_601, %parallel_loop3A_449 : f32
      %parallel_loop3A_603 = arith.constant -2.9296875 : f32
      %parallel_loop3A_604 = arith.addf %parallel_loop3A_602, %parallel_loop3A_603 : f32
      %parallel_loop3A_605 = arith.mulf %parallel_loop3A_604, %parallel_loop3A_449 : f32
      %parallel_loop3A_606 = arith.constant 0.5859375 : f32
      %parallel_loop3A_607 = arith.addf %parallel_loop3A_605, %parallel_loop3A_606 : f32
      %parallel_loop3A_608 = arith.constant -813.802062 : f32
      %parallel_loop3A_609 = arith.mulf %parallel_loop3A_608, %parallel_loop3A_449 : f32
      %parallel_loop3A_610 = arith.constant 130.208328 : f32
      %parallel_loop3A_611 = arith.addf %parallel_loop3A_609, %parallel_loop3A_610 : f32
      %parallel_loop3A_612 = arith.mulf %parallel_loop3A_611, %parallel_loop3A_449 : f32
      %parallel_loop3A_613 = arith.constant 664.0625 : f32
      %parallel_loop3A_614 = arith.addf %parallel_loop3A_612, %parallel_loop3A_613 : f32
      %parallel_loop3A_615 = arith.mulf %parallel_loop3A_614, %parallel_loop3A_449 : f32
      %parallel_loop3A_616 = arith.constant -88.5416641 : f32
      %parallel_loop3A_617 = arith.addf %parallel_loop3A_615, %parallel_loop3A_616 : f32
      %parallel_loop3A_618 = arith.mulf %parallel_loop3A_617, %parallel_loop3A_449 : f32
      %parallel_loop3A_619 = arith.constant -58.59375 : f32
      %parallel_loop3A_620 = arith.addf %parallel_loop3A_618, %parallel_loop3A_619 : f32
      %parallel_loop3A_621 = arith.constant -65104.168 : f32
      %parallel_loop3A_622 = arith.mulf %parallel_loop3A_621, %parallel_loop3A_449 : f32
      %parallel_loop3A_623 = arith.constant 7.812500e+03 : f32
      %parallel_loop3A_624 = arith.addf %parallel_loop3A_622, %parallel_loop3A_623 : f32
      %parallel_loop3A_625 = arith.mulf %parallel_loop3A_624, %parallel_loop3A_449 : f32
      %parallel_loop3A_626 = arith.constant 2.656250e+04 : f32
      %parallel_loop3A_627 = arith.addf %parallel_loop3A_625, %parallel_loop3A_626 : f32
      %parallel_loop3A_628 = arith.mulf %parallel_loop3A_627, %parallel_loop3A_449 : f32
      %parallel_loop3A_629 = arith.constant -1770.83337 : f32
      %parallel_loop3A_630 = arith.addf %parallel_loop3A_628, %parallel_loop3A_629 : f32
      %parallel_loop3A_631 = arith.constant 256 : i32
      %parallel_loop3A_632 = arith.addi %parallel_loop3A_457, %parallel_loop3A_631 : i32
      %parallel_loop3A_633 = arith.constant 0 : i32
      %parallel_loop3A_634 = arith.addi %parallel_loop3A_632, %parallel_loop3A_633 : i32
      %parallel_loop3A_635 = arith.index_cast %parallel_loop3A_634 : i32 to index
      %parallel_loop3A_636 = tpu.vector_load %arg7[%parallel_loop3A_635] {strides = array<i32>} : memref<6528xf32, #tpu.memory_space<vmem>>, vector<16xf32>,
      %parallel_loop3A_637 = vector.broadcast %parallel_loop3A_607 : f32 to vector<16xf32>
      %parallel_loop3A_638 = arith.mulf %parallel_loop3A_636, %parallel_loop3A_637 : vector<16xf32>
      %parallel_loop3A_639 = arith.addf %parallel_loop3A_572, %parallel_loop3A_638 : vector<16xf32>
      %parallel_loop3A_640 = vector.broadcast %parallel_loop3A_620 : f32 to vector<16xf32>
      %parallel_loop3A_641 = arith.mulf %parallel_loop3A_636, %parallel_loop3A_640 : vector<16xf32>
      %parallel_loop3A_642 = arith.addf %parallel_loop3A_575, %parallel_loop3A_641 : vector<16xf32>
      %parallel_loop3A_643 = vector.broadcast %parallel_loop3A_630 : f32 to vector<16xf32>
      %parallel_loop3A_644 = arith.mulf %parallel_loop3A_636, %parallel_loop3A_643 : vector<16xf32>
      %parallel_loop3A_645 = arith.addf %parallel_loop3A_578, %parallel_loop3A_644 : vector<16xf32>
      %parallel_loop3A_646 = arith.constant 16 : i32
      %parallel_loop3A_647 = arith.addi %parallel_loop3A_632, %parallel_loop3A_646 : i32
      %parallel_loop3A_648 = arith.index_cast %parallel_loop3A_647 : i32 to index
      %parallel_loop3A_649 = tpu.vector_load %arg7[%parallel_loop3A_648] {strides = array<i32>} : memref<6528xf32, #tpu.memory_space<vmem>>, vector<16xf32>,
      %parallel_loop3A_650 = vector.broadcast %parallel_loop3A_607 : f32 to vector<16xf32>
      %parallel_loop3A_651 = arith.mulf %parallel_loop3A_649, %parallel_loop3A_650 : vector<16xf32>
      %parallel_loop3A_652 = arith.addf %parallel_loop3A_585, %parallel_loop3A_651 : vector<16xf32>
      %parallel_loop3A_653 = vector.broadcast %parallel_loop3A_620 : f32 to vector<16xf32>
      %parallel_loop3A_654 = arith.mulf %parallel_loop3A_649, %parallel_loop3A_653 : vector<16xf32>
      %parallel_loop3A_655 = arith.addf %parallel_loop3A_588, %parallel_loop3A_654 : vector<16xf32>
      %parallel_loop3A_656 = vector.broadcast %parallel_loop3A_630 : f32 to vector<16xf32>
      %parallel_loop3A_657 = arith.mulf %parallel_loop3A_649, %parallel_loop3A_656 : vector<16xf32>
      %parallel_loop3A_658 = arith.addf %parallel_loop3A_591, %parallel_loop3A_657 : vector<16xf32>
      %parallel_loop3A_659 = arith.constant 8.13802051 : f32
      %parallel_loop3A_660 = arith.mulf %parallel_loop3A_659, %parallel_loop3A_449 : f32
      %parallel_loop3A_661 = arith.constant 1.62760413 : f32
      %parallel_loop3A_662 = arith.addf %parallel_loop3A_660, %parallel_loop3A_661 : f32
      %parallel_loop3A_663 = arith.mulf %parallel_loop3A_662, %parallel_loop3A_449 : f32
      %parallel_loop3A_664 = arith.constant -11.067708 : f32
      %parallel_loop3A_665 = arith.addf %parallel_loop3A_663, %parallel_loop3A_664 : f32
      %parallel_loop3A_666 = arith.mulf %parallel_loop3A_665, %parallel_loop3A_449 : f32
      %parallel_loop3A_667 = arith.constant -2.21354175 : f32
      %parallel_loop3A_668 = arith.addf %parallel_loop3A_666, %parallel_loop3A_667 : f32
      %parallel_loop3A_669 = arith.mulf %parallel_loop3A_668, %parallel_loop3A_449 : f32
      %parallel_loop3A_670 = arith.constant 2.9296875 : f32
      %parallel_loop3A_671 = arith.addf %parallel_loop3A_669, %parallel_loop3A_670 : f32
      %parallel_loop3A_672 = arith.mulf %parallel_loop3A_671, %parallel_loop3A_449 : f32
      %parallel_loop3A_673 = arith.constant 0.5859375 : f32
      %parallel_loop3A_674 = arith.addf %parallel_loop3A_672, %parallel_loop3A_673 : f32
      %parallel_loop3A_675 = arith.constant 813.802062 : f32
      %parallel_loop3A_676 = arith.mulf %parallel_loop3A_675, %parallel_loop3A_449 : f32
      %parallel_loop3A_677 = arith.constant 130.208328 : f32
      %parallel_loop3A_678 = arith.addf %parallel_loop3A_676, %parallel_loop3A_677 : f32
      %parallel_loop3A_679 = arith.mulf %parallel_loop3A_678, %parallel_loop3A_449 : f32
      %parallel_loop3A_680 = arith.constant -664.0625 : f32
      %parallel_loop3A_681 = arith.addf %parallel_loop3A_679, %parallel_loop3A_680 : f32
      %parallel_loop3A_682 = arith.mulf %parallel_loop3A_681, %parallel_loop3A_449 : f32
      %parallel_loop3A_683 = arith.constant -88.5416641 : f32
      %parallel_loop3A_684 = arith.addf %parallel_loop3A_682, %parallel_loop3A_683 : f32
      %parallel_loop3A_685 = arith.mulf %parallel_loop3A_684, %parallel_loop3A_449 : f32
      %parallel_loop3A_686 = arith.constant 58.59375 : f32
      %parallel_loop3A_687 = arith.addf %parallel_loop3A_685, %parallel_loop3A_686 : f32
      %parallel_loop3A_688 = arith.constant 65104.168 : f32
      %parallel_loop3A_689 = arith.mulf %parallel_loop3A_688, %parallel_loop3A_449 : f32
      %parallel_loop3A_690 = arith.constant 7.812500e+03 : f32
      %parallel_loop3A_691 = arith.addf %parallel_loop3A_689, %parallel_loop3A_690 : f32
      %parallel_loop3A_692 = arith.mulf %parallel_loop3A_691, %parallel_loop3A_449 : f32
      %parallel_loop3A_693 = arith.constant -2.656250e+04 : f32
      %parallel_loop3A_694 = arith.addf %parallel_loop3A_692, %parallel_loop3A_693 : f32
      %parallel_loop3A_695 = arith.mulf %parallel_loop3A_694, %parallel_loop3A_449 : f32
      %parallel_loop3A_696 = arith.constant -1770.83337 : f32
      %parallel_loop3A_697 = arith.addf %parallel_loop3A_695, %parallel_loop3A_696 : f32
      %parallel_loop3A_698 = arith.constant 384 : i32
      %parallel_loop3A_699 = arith.addi %parallel_loop3A_457, %parallel_loop3A_698 : i32
      %parallel_loop3A_700 = arith.constant 0 : i32
      %parallel_loop3A_701 = arith.addi %parallel_loop3A_699, %parallel_loop3A_700 : i32
      %parallel_loop3A_702 = arith.index_cast %parallel_loop3A_701 : i32 to index
      %parallel_loop3A_703 = tpu.vector_load %arg7[%parallel_loop3A_702] {strides = array<i32>} : memref<6528xf32, #tpu.memory_space<vmem>>, vector<16xf32>,
      %parallel_loop3A_704 = vector.broadcast %parallel_loop3A_674 : f32 to vector<16xf32>
      %parallel_loop3A_705 = arith.mulf %parallel_loop3A_703, %parallel_loop3A_704 : vector<16xf32>
      %parallel_loop3A_706 = arith.addf %parallel_loop3A_639, %parallel_loop3A_705 : vector<16xf32>
      %parallel_loop3A_707 = vector.broadcast %parallel_loop3A_687 : f32 to vector<16xf32>
      %parallel_loop3A_708 = arith.mulf %parallel_loop3A_703, %parallel_loop3A_707 : vector<16xf32>
      %parallel_loop3A_709 = arith.addf %parallel_loop3A_642, %parallel_loop3A_708 : vector<16xf32>
      %parallel_loop3A_710 = vector.broadcast %parallel_loop3A_697 : f32 to vector<16xf32>
      %parallel_loop3A_711 = arith.mulf %parallel_loop3A_703, %parallel_loop3A_710 : vector<16xf32>
      %parallel_loop3A_712 = arith.addf %parallel_loop3A_645, %parallel_loop3A_711 : vector<16xf32>
      %parallel_loop3A_713 = arith.constant 16 : i32
      %parallel_loop3A_714 = arith.addi %parallel_loop3A_699, %parallel_loop3A_713 : i32
      %parallel_loop3A_715 = arith.index_cast %parallel_loop3A_714 : i32 to index
      %parallel_loop3A_716 = tpu.vector_load %arg7[%parallel_loop3A_715] {strides = array<i32>} : memref<6528xf32, #tpu.memory_space<vmem>>, vector<16xf32>,
      %parallel_loop3A_717 = vector.broadcast %parallel_loop3A_674 : f32 to vector<16xf32>
      %parallel_loop3A_718 = arith.mulf %parallel_loop3A_716, %parallel_loop3A_717 : vector<16xf32>
      %parallel_loop3A_719 = arith.addf %parallel_loop3A_652, %parallel_loop3A_718 : vector<16xf32>
      %parallel_loop3A_720 = vector.broadcast %parallel_loop3A_687 : f32 to vector<16xf32>
      %parallel_loop3A_721 = arith.mulf %parallel_loop3A_716, %parallel_loop3A_720 : vector<16xf32>
      %parallel_loop3A_722 = arith.addf %parallel_loop3A_655, %parallel_loop3A_721 : vector<16xf32>
      %parallel_loop3A_723 = vector.broadcast %parallel_loop3A_697 : f32 to vector<16xf32>
      %parallel_loop3A_724 = arith.mulf %parallel_loop3A_716, %parallel_loop3A_723 : vector<16xf32>
      %parallel_loop3A_725 = arith.addf %parallel_loop3A_658, %parallel_loop3A_724 : vector<16xf32>
      %parallel_loop3A_726 = arith.constant -4.06901026 : f32
      %parallel_loop3A_727 = arith.mulf %parallel_loop3A_726, %parallel_loop3A_449 : f32
      %parallel_loop3A_728 = arith.constant -2.44140625 : f32
      %parallel_loop3A_729 = arith.addf %parallel_loop3A_727, %parallel_loop3A_728 : f32
      %parallel_loop3A_730 = arith.mulf %parallel_loop3A_729, %parallel_loop3A_449 : f32
      %parallel_loop3A_731 = arith.constant 4.23177099 : f32
      %parallel_loop3A_732 = arith.addf %parallel_loop3A_730, %parallel_loop3A_731 : f32
      %parallel_loop3A_733 = arith.mulf %parallel_loop3A_732, %parallel_loop3A_449 : f32
      %parallel_loop3A_734 = arith.constant 2.5390625 : f32
      %parallel_loop3A_735 = arith.addf %parallel_loop3A_733, %parallel_loop3A_734 : f32
      %parallel_loop3A_736 = arith.mulf %parallel_loop3A_735, %parallel_loop3A_449 : f32
      %parallel_loop3A_737 = arith.constant -0.162760422 : f32
      %parallel_loop3A_738 = arith.addf %parallel_loop3A_736, %parallel_loop3A_737 : f32
      %parallel_loop3A_739 = arith.mulf %parallel_loop3A_738, %parallel_loop3A_449 : f32
      %parallel_loop3A_740 = arith.constant -0.09765625 : f32
      %parallel_loop3A_741 = arith.addf %parallel_loop3A_739, %parallel_loop3A_740 : f32
      %parallel_loop3A_742 = arith.constant -406.901031 : f32
      %parallel_loop3A_743 = arith.mulf %parallel_loop3A_742, %parallel_loop3A_449 : f32
      %parallel_loop3A_744 = arith.constant -195.3125 : f32
      %parallel_loop3A_745 = arith.addf %parallel_loop3A_743, %parallel_loop3A_744 : f32
      %parallel_loop3A_746 = arith.mulf %parallel_loop3A_745, %parallel_loop3A_449 : f32
      %parallel_loop3A_747 = arith.constant 253.90625 : f32
      %parallel_loop3A_748 = arith.addf %parallel_loop3A_746, %parallel_loop3A_747 : f32
      %parallel_loop3A_749 = arith.mulf %parallel_loop3A_748, %parallel_loop3A_449 : f32
      %parallel_loop3A_750 = arith.constant 101.5625 : f32
      %parallel_loop3A_751 = arith.addf %parallel_loop3A_749, %parallel_loop3A_750 : f32
      %parallel_loop3A_752 = arith.mulf %parallel_loop3A_751, %parallel_loop3A_449 : f32
      %parallel_loop3A_753 = arith.constant -3.25520825 : f32
      %parallel_loop3A_754 = arith.addf %parallel_loop3A_752, %parallel_loop3A_753 : f32
      %parallel_loop3A_755 = arith.constant -32552.084 : f32
      %parallel_loop3A_756 = arith.mulf %parallel_loop3A_755, %parallel_loop3A_449 : f32
      %parallel_loop3A_757 = arith.constant -11718.75 : f32
      %parallel_loop3A_758 = arith.addf %parallel_loop3A_756, %parallel_loop3A_757 : f32
      %parallel_loop3A_759 = arith.mulf %parallel_loop3A_758, %parallel_loop3A_449 : f32
      %parallel_loop3A_760 = arith.constant 10156.25 : f32
      %parallel_loop3A_761 = arith.addf %parallel_loop3A_759, %parallel_loop3A_760 : f32
      %parallel_loop3A_762 = arith.mulf %parallel_loop3A_761, %parallel_loop3A_449 : f32
      %parallel_loop3A_763 = arith.constant 2.031250e+03 : f32
      %parallel_loop3A_764 = arith.addf %parallel_loop3A_762, %parallel_loop3A_763 : f32
      %parallel_loop3A_765 = arith.constant 512 : i32
      %parallel_loop3A_766 = arith.addi %parallel_loop3A_457, %parallel_loop3A_765 : i32
      %parallel_loop3A_767 = arith.constant 0 : i32
      %parallel_loop3A_768 = arith.addi %parallel_loop3A_766, %parallel_loop3A_767 : i32
      %parallel_loop3A_769 = arith.index_cast %parallel_loop3A_768 : i32 to index
      %parallel_loop3A_770 = tpu.vector_load %arg7[%parallel_loop3A_769] {strides = array<i32>} : memref<6528xf32, #tpu.memory_space<vmem>>, vector<16xf32>,
      %parallel_loop3A_771 = vector.broadcast %parallel_loop3A_741 : f32 to vector<16xf32>
      %parallel_loop3A_772 = arith.mulf %parallel_loop3A_770, %parallel_loop3A_771 : vector<16xf32>
      %parallel_loop3A_773 = arith.addf %parallel_loop3A_706, %parallel_loop3A_772 : vector<16xf32>
      %parallel_loop3A_774 = vector.broadcast %parallel_loop3A_754 : f32 to vector<16xf32>
      %parallel_loop3A_775 = arith.mulf %parallel_loop3A_770, %parallel_loop3A_774 : vector<16xf32>
      %parallel_loop3A_776 = arith.addf %parallel_loop3A_709, %parallel_loop3A_775 : vector<16xf32>
      %parallel_loop3A_777 = vector.broadcast %parallel_loop3A_764 : f32 to vector<16xf32>
      %parallel_loop3A_778 = arith.mulf %parallel_loop3A_770, %parallel_loop3A_777 : vector<16xf32>
      %parallel_loop3A_779 = arith.addf %parallel_loop3A_712, %parallel_loop3A_778 : vector<16xf32>
      %parallel_loop3A_780 = arith.constant 16 : i32
      %parallel_loop3A_781 = arith.addi %parallel_loop3A_766, %parallel_loop3A_780 : i32
      %parallel_loop3A_782 = arith.index_cast %parallel_loop3A_781 : i32 to index
      %parallel_loop3A_783 = tpu.vector_load %arg7[%parallel_loop3A_782] {strides = array<i32>} : memref<6528xf32, #tpu.memory_space<vmem>>, vector<16xf32>,
      %parallel_loop3A_784 = vector.broadcast %parallel_loop3A_741 : f32 to vector<16xf32>
      %parallel_loop3A_785 = arith.mulf %parallel_loop3A_783, %parallel_loop3A_784 : vector<16xf32>
      %parallel_loop3A_786 = arith.addf %parallel_loop3A_719, %parallel_loop3A_785 : vector<16xf32>
      %parallel_loop3A_787 = vector.broadcast %parallel_loop3A_754 : f32 to vector<16xf32>
      %parallel_loop3A_788 = arith.mulf %parallel_loop3A_783, %parallel_loop3A_787 : vector<16xf32>
      %parallel_loop3A_789 = arith.addf %parallel_loop3A_722, %parallel_loop3A_788 : vector<16xf32>
      %parallel_loop3A_790 = vector.broadcast %parallel_loop3A_764 : f32 to vector<16xf32>
      %parallel_loop3A_791 = arith.mulf %parallel_loop3A_783, %parallel_loop3A_790 : vector<16xf32>
      %parallel_loop3A_792 = arith.addf %parallel_loop3A_725, %parallel_loop3A_791 : vector<16xf32>
      %parallel_loop3A_793 = arith.constant 0.813802063 : f32
      %parallel_loop3A_794 = arith.mulf %parallel_loop3A_793, %parallel_loop3A_449 : f32
      %parallel_loop3A_795 = arith.constant 0.813802063 : f32
      %parallel_loop3A_796 = arith.addf %parallel_loop3A_794, %parallel_loop3A_795 : f32
      %parallel_loop3A_797 = arith.mulf %parallel_loop3A_796, %parallel_loop3A_449 : f32
      %parallel_loop3A_798 = arith.constant -0.325520843 : f32
      %parallel_loop3A_799 = arith.addf %parallel_loop3A_797, %parallel_loop3A_798 : f32
      %parallel_loop3A_800 = arith.mulf %parallel_loop3A_799, %parallel_loop3A_449 : f32
      %parallel_loop3A_801 = arith.constant -0.325520843 : f32
      %parallel_loop3A_802 = arith.addf %parallel_loop3A_800, %parallel_loop3A_801 : f32
      %parallel_loop3A_803 = arith.mulf %parallel_loop3A_802, %parallel_loop3A_449 : f32
      %parallel_loop3A_804 = arith.constant 0.01171875 : f32
      %parallel_loop3A_805 = arith.addf %parallel_loop3A_803, %parallel_loop3A_804 : f32
      %parallel_loop3A_806 = arith.mulf %parallel_loop3A_805, %parallel_loop3A_449 : f32
      %parallel_loop3A_807 = arith.constant 0.01171875 : f32
      %parallel_loop3A_808 = arith.addf %parallel_loop3A_806, %parallel_loop3A_807 : f32
      %parallel_loop3A_809 = arith.constant 81.3802109 : f32
      %parallel_loop3A_810 = arith.mulf %parallel_loop3A_809, %parallel_loop3A_449 : f32
      %parallel_loop3A_811 = arith.constant 65.1041641 : f32
      %parallel_loop3A_812 = arith.addf %parallel_loop3A_810, %parallel_loop3A_811 : f32
      %parallel_loop3A_813 = arith.mulf %parallel_loop3A_812, %parallel_loop3A_449 : f32
      %parallel_loop3A_814 = arith.constant -19.53125 : f32
      %parallel_loop3A_815 = arith.addf %parallel_loop3A_813, %parallel_loop3A_814 : f32
      %parallel_loop3A_816 = arith.mulf %parallel_loop3A_815, %parallel_loop3A_449 : f32
      %parallel_loop3A_817 = arith.constant -13.020833 : f32
      %parallel_loop3A_818 = arith.addf %parallel_loop3A_816, %parallel_loop3A_817 : f32
      %parallel_loop3A_819 = arith.mulf %parallel_loop3A_818, %parallel_loop3A_449 : f32
      %parallel_loop3A_820 = arith.constant 2.343750e-01 : f32
      %parallel_loop3A_821 = arith.addf %parallel_loop3A_819, %parallel_loop3A_820 : f32
      %parallel_loop3A_822 = arith.constant 6510.4165 : f32
      %parallel_loop3A_823 = arith.mulf %parallel_loop3A_822, %parallel_loop3A_449 : f32
      %parallel_loop3A_824 = arith.constant 3.906250e+03 : f32
      %parallel_loop3A_825 = arith.addf %parallel_loop3A_823, %parallel_loop3A_824 : f32
      %parallel_loop3A_826 = arith.mulf %parallel_loop3A_825, %parallel_loop3A_449 : f32
      %parallel_loop3A_827 = arith.constant -7.812500e+02 : f32
      %parallel_loop3A_828 = arith.addf %parallel_loop3A_826, %parallel_loop3A_827 : f32
      %parallel_loop3A_829 = arith.mulf %parallel_loop3A_828, %parallel_loop3A_449 : f32
      %parallel_loop3A_830 = arith.constant -260.416656 : f32
      %parallel_loop3A_831 = arith.addf %parallel_loop3A_829, %parallel_loop3A_830 : f32
      %parallel_loop3A_832 = arith.constant 640 : i32
      %parallel_loop3A_833 = arith.addi %parallel_loop3A_457, %parallel_loop3A_832 : i32
      %parallel_loop3A_834 = arith.constant 0 : i32
      %parallel_loop3A_835 = arith.addi %parallel_loop3A_833, %parallel_loop3A_834 : i32
      %parallel_loop3A_836 = arith.index_cast %parallel_loop3A_835 : i32 to index
      %parallel_loop3A_837 = tpu.vector_load %arg7[%parallel_loop3A_836] {strides = array<i32>} : memref<6528xf32, #tpu.memory_space<vmem>>, vector<16xf32>,
      %parallel_loop3A_838 = vector.broadcast %parallel_loop3A_808 : f32 to vector<16xf32>
      %parallel_loop3A_839 = arith.mulf %parallel_loop3A_837, %parallel_loop3A_838 : vector<16xf32>
      %parallel_loop3A_840 = arith.addf %parallel_loop3A_773, %parallel_loop3A_839 : vector<16xf32>
      %parallel_loop3A_841 = vector.broadcast %parallel_loop3A_821 : f32 to vector<16xf32>
      %parallel_loop3A_842 = arith.mulf %parallel_loop3A_837, %parallel_loop3A_841 : vector<16xf32>
      %parallel_loop3A_843 = arith.addf %parallel_loop3A_776, %parallel_loop3A_842 : vector<16xf32>
      %parallel_loop3A_844 = vector.broadcast %parallel_loop3A_831 : f32 to vector<16xf32>
      %parallel_loop3A_845 = arith.mulf %parallel_loop3A_837, %parallel_loop3A_844 : vector<16xf32>
      %parallel_loop3A_846 = arith.addf %parallel_loop3A_779, %parallel_loop3A_845 : vector<16xf32>
      %parallel_loop3A_847 = arith.constant 16 : i32
      %parallel_loop3A_848 = arith.addi %parallel_loop3A_833, %parallel_loop3A_847 : i32
      %parallel_loop3A_849 = arith.index_cast %parallel_loop3A_848 : i32 to index
      %parallel_loop3A_850 = tpu.vector_load %arg7[%parallel_loop3A_849] {strides = array<i32>} : memref<6528xf32, #tpu.memory_space<vmem>>, vector<16xf32>,
      %parallel_loop3A_851 = vector.broadcast %parallel_loop3A_808 : f32 to vector<16xf32>
      %parallel_loop3A_852 = arith.mulf %parallel_loop3A_850, %parallel_loop3A_851 : vector<16xf32>
      %parallel_loop3A_853 = arith.addf %parallel_loop3A_786, %parallel_loop3A_852 : vector<16xf32>
      %parallel_loop3A_854 = vector.broadcast %parallel_loop3A_821 : f32 to vector<16xf32>
      %parallel_loop3A_855 = arith.mulf %parallel_loop3A_850, %parallel_loop3A_854 : vector<16xf32>
      %parallel_loop3A_856 = arith.addf %parallel_loop3A_789, %parallel_loop3A_855 : vector<16xf32>
      %parallel_loop3A_857 = vector.broadcast %parallel_loop3A_831 : f32 to vector<16xf32>
      %parallel_loop3A_858 = arith.mulf %parallel_loop3A_850, %parallel_loop3A_857 : vector<16xf32>
      %parallel_loop3A_859 = arith.addf %parallel_loop3A_792, %parallel_loop3A_858 : vector<16xf32>
      %parallel_loop3A_860 = vector.extract_strided_slice %parallel_loop3A_41 {offsets = [2], sizes = [1], strides = [1]} : vector<16xf32> to vector<1xf32>
      %parallel_loop3A_861 = vector.extract %parallel_loop3A_860[0] : f32 from vector<1xf32>
      %parallel_loop3A_862 = vector.extract_strided_slice %parallel_loop3A_30 {offsets = [2], sizes = [1], strides = [1]} : vector<16xi32> to vector<1xi32>
      %parallel_loop3A_863 = vector.extract %parallel_loop3A_862[0] : i32 from vector<1xi32>
      %parallel_loop3A_864 = arith.constant 4 : i32
      %parallel_loop3A_865 = arith.muli %parallel_loop3A_863, %parallel_loop3A_864 : i32
      %parallel_loop3A_866 = arith.constant 2 : i32
      %parallel_loop3A_867 = arith.addi %parallel_loop3A_865, %parallel_loop3A_866 : i32
      %parallel_loop3A_868 = arith.constant 32 : i32
      %parallel_loop3A_869 = arith.muli %parallel_loop3A_867, %parallel_loop3A_868 : i32
      %parallel_loop3A_870 = arith.constant -0.813802063 : f32
      %parallel_loop3A_871 = arith.mulf %parallel_loop3A_870, %parallel_loop3A_861 : f32
      %parallel_loop3A_872 = arith.constant 0.813802063 : f32
      %parallel_loop3A_873 = arith.addf %parallel_loop3A_871, %parallel_loop3A_872 : f32
      %parallel_loop3A_874 = arith.mulf %parallel_loop3A_873, %parallel_loop3A_861 : f32
      %parallel_loop3A_875 = arith.constant 0.325520843 : f32
      %parallel_loop3A_876 = arith.addf %parallel_loop3A_874, %parallel_loop3A_875 : f32
      %parallel_loop3A_877 = arith.mulf %parallel_loop3A_876, %parallel_loop3A_861 : f32
      %parallel_loop3A_878 = arith.constant -0.325520843 : f32
      %parallel_loop3A_879 = arith.addf %parallel_loop3A_877, %parallel_loop3A_878 : f32
      %parallel_loop3A_880 = arith.mulf %parallel_loop3A_879, %parallel_loop3A_861 : f32
      %parallel_loop3A_881 = arith.constant -0.01171875 : f32
      %parallel_loop3A_882 = arith.addf %parallel_loop3A_880, %parallel_loop3A_881 : f32
      %parallel_loop3A_883 = arith.mulf %parallel_loop3A_882, %parallel_loop3A_861 : f32
      %parallel_loop3A_884 = arith.constant 0.01171875 : f32
      %parallel_loop3A_885 = arith.addf %parallel_loop3A_883, %parallel_loop3A_884 : f32
      %parallel_loop3A_886 = arith.constant -81.3802109 : f32
      %parallel_loop3A_887 = arith.mulf %parallel_loop3A_886, %parallel_loop3A_861 : f32
      %parallel_loop3A_888 = arith.constant 65.1041641 : f32
      %parallel_loop3A_889 = arith.addf %parallel_loop3A_887, %parallel_loop3A_888 : f32
      %parallel_loop3A_890 = arith.mulf %parallel_loop3A_889, %parallel_loop3A_861 : f32
      %parallel_loop3A_891 = arith.constant 19.53125 : f32
      %parallel_loop3A_892 = arith.addf %parallel_loop3A_890, %parallel_loop3A_891 : f32
      %parallel_loop3A_893 = arith.mulf %parallel_loop3A_892, %parallel_loop3A_861 : f32
      %parallel_loop3A_894 = arith.constant -13.020833 : f32
      %parallel_loop3A_895 = arith.addf %parallel_loop3A_893, %parallel_loop3A_894 : f32
      %parallel_loop3A_896 = arith.mulf %parallel_loop3A_895, %parallel_loop3A_861 : f32
      %parallel_loop3A_897 = arith.constant -2.343750e-01 : f32
      %parallel_loop3A_898 = arith.addf %parallel_loop3A_896, %parallel_loop3A_897 : f32
      %parallel_loop3A_899 = arith.constant -6510.4165 : f32
      %parallel_loop3A_900 = arith.mulf %parallel_loop3A_899, %parallel_loop3A_861 : f32
      %parallel_loop3A_901 = arith.constant 3.906250e+03 : f32
      %parallel_loop3A_902 = arith.addf %parallel_loop3A_900, %parallel_loop3A_901 : f32
      %parallel_loop3A_903 = arith.mulf %parallel_loop3A_902, %parallel_loop3A_861 : f32
      %parallel_loop3A_904 = arith.constant 7.812500e+02 : f32
      %parallel_loop3A_905 = arith.addf %parallel_loop3A_903, %parallel_loop3A_904 : f32
      %parallel_loop3A_906 = arith.mulf %parallel_loop3A_905, %parallel_loop3A_861 : f32
      %parallel_loop3A_907 = arith.constant -260.416656 : f32
      %parallel_loop3A_908 = arith.addf %parallel_loop3A_906, %parallel_loop3A_907 : f32
      %parallel_loop3A_909 = arith.constant 0 : i32
      %parallel_loop3A_910 = arith.addi %parallel_loop3A_869, %parallel_loop3A_909 : i32
      %parallel_loop3A_911 = arith.constant 0 : i32
      %parallel_loop3A_912 = arith.addi %parallel_loop3A_910, %parallel_loop3A_911 : i32
      %parallel_loop3A_913 = arith.index_cast %parallel_loop3A_912 : i32 to index
      %parallel_loop3A_914 = tpu.vector_load %arg7[%parallel_loop3A_913] {strides = array<i32>} : memref<6528xf32, #tpu.memory_space<vmem>>, vector<16xf32>,
      %parallel_loop3A_915 = vector.broadcast %parallel_loop3A_885 : f32 to vector<16xf32>
      %parallel_loop3A_916 = arith.mulf %parallel_loop3A_914, %parallel_loop3A_915 : vector<16xf32>
      %parallel_loop3A_917 = arith.addf %parallel_loop3A_840, %parallel_loop3A_916 : vector<16xf32>
      %parallel_loop3A_918 = vector.broadcast %parallel_loop3A_898 : f32 to vector<16xf32>
      %parallel_loop3A_919 = arith.mulf %parallel_loop3A_914, %parallel_loop3A_918 : vector<16xf32>
      %parallel_loop3A_920 = arith.addf %parallel_loop3A_843, %parallel_loop3A_919 : vector<16xf32>
      %parallel_loop3A_921 = vector.broadcast %parallel_loop3A_908 : f32 to vector<16xf32>
      %parallel_loop3A_922 = arith.mulf %parallel_loop3A_914, %parallel_loop3A_921 : vector<16xf32>
      %parallel_loop3A_923 = arith.addf %parallel_loop3A_846, %parallel_loop3A_922 : vector<16xf32>
      %parallel_loop3A_924 = arith.constant 16 : i32
      %parallel_loop3A_925 = arith.addi %parallel_loop3A_910, %parallel_loop3A_924 : i32
      %parallel_loop3A_926 = arith.index_cast %parallel_loop3A_925 : i32 to index
      %parallel_loop3A_927 = tpu.vector_load %arg7[%parallel_loop3A_926] {strides = array<i32>} : memref<6528xf32, #tpu.memory_space<vmem>>, vector<16xf32>,
      %parallel_loop3A_928 = vector.broadcast %parallel_loop3A_885 : f32 to vector<16xf32>
      %parallel_loop3A_929 = arith.mulf %parallel_loop3A_927, %parallel_loop3A_928 : vector<16xf32>
      %parallel_loop3A_930 = arith.addf %parallel_loop3A_853, %parallel_loop3A_929 : vector<16xf32>
      %parallel_loop3A_931 = vector.broadcast %parallel_loop3A_898 : f32 to vector<16xf32>
      %parallel_loop3A_932 = arith.mulf %parallel_loop3A_927, %parallel_loop3A_931 : vector<16xf32>
      %parallel_loop3A_933 = arith.addf %parallel_loop3A_856, %parallel_loop3A_932 : vector<16xf32>
      %parallel_loop3A_934 = vector.broadcast %parallel_loop3A_908 : f32 to vector<16xf32>
      %parallel_loop3A_935 = arith.mulf %parallel_loop3A_927, %parallel_loop3A_934 : vector<16xf32>
      %parallel_loop3A_936 = arith.addf %parallel_loop3A_859, %parallel_loop3A_935 : vector<16xf32>
      %parallel_loop3A_937 = arith.constant 4.06901026 : f32
      %parallel_loop3A_938 = arith.mulf %parallel_loop3A_937, %parallel_loop3A_861 : f32
      %parallel_loop3A_939 = arith.constant -2.44140625 : f32
      %parallel_loop3A_940 = arith.addf %parallel_loop3A_938, %parallel_loop3A_939 : f32
      %parallel_loop3A_941 = arith.mulf %parallel_loop3A_940, %parallel_loop3A_861 : f32
      %parallel_loop3A_942 = arith.constant -4.23177099 : f32
      %parallel_loop3A_943 = arith.addf %parallel_loop3A_941, %parallel_loop3A_942 : f32
      %parallel_loop3A_944 = arith.mulf %parallel_loop3A_943, %parallel_loop3A_861 : f32
      %parallel_loop3A_945 = arith.constant 2.5390625 : f32
      %parallel_loop3A_946 = arith.addf %parallel_loop3A_944, %parallel_loop3A_945 : f32
      %parallel_loop3A_947 = arith.mulf %parallel_loop3A_946, %parallel_loop3A_861 : f32
      %parallel_loop3A_948 = arith.constant 0.162760422 : f32
      %parallel_loop3A_949 = arith.addf %parallel_loop3A_947, %parallel_loop3A_948 : f32
      %parallel_loop3A_950 = arith.mulf %parallel_loop3A_949, %parallel_loop3A_861 : f32
      %parallel_loop3A_951 = arith.constant -0.09765625 : f32
      %parallel_loop3A_952 = arith.addf %parallel_loop3A_950, %parallel_loop3A_951 : f32
      %parallel_loop3A_953 = arith.constant 406.901031 : f32
      %parallel_loop3A_954 = arith.mulf %parallel_loop3A_953, %parallel_loop3A_861 : f32
      %parallel_loop3A_955 = arith.constant -195.3125 : f32
      %parallel_loop3A_956 = arith.addf %parallel_loop3A_954, %parallel_loop3A_955 : f32
      %parallel_loop3A_957 = arith.mulf %parallel_loop3A_956, %parallel_loop3A_861 : f32
      %parallel_loop3A_958 = arith.constant -253.90625 : f32
      %parallel_loop3A_959 = arith.addf %parallel_loop3A_957, %parallel_loop3A_958 : f32
      %parallel_loop3A_960 = arith.mulf %parallel_loop3A_959, %parallel_loop3A_861 : f32
      %parallel_loop3A_961 = arith.constant 101.5625 : f32
      %parallel_loop3A_962 = arith.addf %parallel_loop3A_960, %parallel_loop3A_961 : f32
      %parallel_loop3A_963 = arith.mulf %parallel_loop3A_962, %parallel_loop3A_861 : f32
      %parallel_loop3A_964 = arith.constant 3.25520825 : f32
      %parallel_loop3A_965 = arith.addf %parallel_loop3A_963, %parallel_loop3A_964 : f32
      %parallel_loop3A_966 = arith.constant 32552.084 : f32
      %parallel_loop3A_967 = arith.mulf %parallel_loop3A_966, %parallel_loop3A_861 : f32
      %parallel_loop3A_968 = arith.constant -11718.75 : f32
      %parallel_loop3A_969 = arith.addf %parallel_loop3A_967, %parallel_loop3A_968 : f32
      %parallel_loop3A_970 = arith.mulf %parallel_loop3A_969, %parallel_loop3A_861 : f32
      %parallel_loop3A_971 = arith.constant -10156.25 : f32
      %parallel_loop3A_972 = arith.addf %parallel_loop3A_970, %parallel_loop3A_971 : f32
      %parallel_loop3A_973 = arith.mulf %parallel_loop3A_972, %parallel_loop3A_861 : f32
      %parallel_loop3A_974 = arith.constant 2.031250e+03 : f32
      %parallel_loop3A_975 = arith.addf %parallel_loop3A_973, %parallel_loop3A_974 : f32
      %parallel_loop3A_976 = arith.constant 128 : i32
      %parallel_loop3A_977 = arith.addi %parallel_loop3A_869, %parallel_loop3A_976 : i32
      %parallel_loop3A_978 = arith.constant 0 : i32
      %parallel_loop3A_979 = arith.addi %parallel_loop3A_977, %parallel_loop3A_978 : i32
      %parallel_loop3A_980 = arith.index_cast %parallel_loop3A_979 : i32 to index
      %parallel_loop3A_981 = tpu.vector_load %arg7[%parallel_loop3A_980] {strides = array<i32>} : memref<6528xf32, #tpu.memory_space<vmem>>, vector<16xf32>,
      %parallel_loop3A_982 = vector.broadcast %parallel_loop3A_952 : f32 to vector<16xf32>
      %parallel_loop3A_983 = arith.mulf %parallel_loop3A_981, %parallel_loop3A_982 : vector<16xf32>
      %parallel_loop3A_984 = arith.addf %parallel_loop3A_917, %parallel_loop3A_983 : vector<16xf32>
      %parallel_loop3A_985 = vector.broadcast %parallel_loop3A_965 : f32 to vector<16xf32>
      %parallel_loop3A_986 = arith.mulf %parallel_loop3A_981, %parallel_loop3A_985 : vector<16xf32>
      %parallel_loop3A_987 = arith.addf %parallel_loop3A_920, %parallel_loop3A_986 : vector<16xf32>
      %parallel_loop3A_988 = vector.broadcast %parallel_loop3A_975 : f32 to vector<16xf32>
      %parallel_loop3A_989 = arith.mulf %parallel_loop3A_981, %parallel_loop3A_988 : vector<16xf32>
      %parallel_loop3A_990 = arith.addf %parallel_loop3A_923, %parallel_loop3A_989 : vector<16xf32>
      %parallel_loop3A_991 = arith.constant 16 : i32
      %parallel_loop3A_992 = arith.addi %parallel_loop3A_977, %parallel_loop3A_991 : i32
      %parallel_loop3A_993 = arith.index_cast %parallel_loop3A_992 : i32 to index
      %parallel_loop3A_994 = tpu.vector_load %arg7[%parallel_loop3A_993] {strides = array<i32>} : memref<6528xf32, #tpu.memory_space<vmem>>, vector<16xf32>,
      %parallel_loop3A_995 = vector.broadcast %parallel_loop3A_952 : f32 to vector<16xf32>
      %parallel_loop3A_996 = arith.mulf %parallel_loop3A_994, %parallel_loop3A_995 : vector<16xf32>
      %parallel_loop3A_997 = arith.addf %parallel_loop3A_930, %parallel_loop3A_996 : vector<16xf32>
      %parallel_loop3A_998 = vector.broadcast %parallel_loop3A_965 : f32 to vector<16xf32>
      %parallel_loop3A_999 = arith.mulf %parallel_loop3A_994, %parallel_loop3A_998 : vector<16xf32>
      %parallel_loop3A_1000 = arith.addf %parallel_loop3A_933, %parallel_loop3A_999 : vector<16xf32>
      %parallel_loop3A_1001 = vector.broadcast %parallel_loop3A_975 : f32 to vector<16xf32>
      %parallel_loop3A_1002 = arith.mulf %parallel_loop3A_994, %parallel_loop3A_1001 : vector<16xf32>
      %parallel_loop3A_1003 = arith.addf %parallel_loop3A_936, %parallel_loop3A_1002 : vector<16xf32>
      %parallel_loop3A_1004 = arith.constant -8.13802051 : f32
      %parallel_loop3A_1005 = arith.mulf %parallel_loop3A_1004, %parallel_loop3A_861 : f32
      %parallel_loop3A_1006 = arith.constant 1.62760413 : f32
      %parallel_loop3A_1007 = arith.addf %parallel_loop3A_1005, %parallel_loop3A_1006 : f32
      %parallel_loop3A_1008 = arith.mulf %parallel_loop3A_1007, %parallel_loop3A_861 : f32
      %parallel_loop3A_1009 = arith.constant 11.067708 : f32
      %parallel_loop3A_1010 = arith.addf %parallel_loop3A_1008, %parallel_loop3A_1009 : f32
      %parallel_loop3A_1011 = arith.mulf %parallel_loop3A_1010, %parallel_loop3A_861 : f32
      %parallel_loop3A_1012 = arith.constant -2.21354175 : f32
      %parallel_loop3A_1013 = arith.addf %parallel_loop3A_1011, %parallel_loop3A_1012 : f32
      %parallel_loop3A_1014 = arith.mulf %parallel_loop3A_1013, %parallel_loop3A_861 : f32
      %parallel_loop3A_1015 = arith.constant -2.9296875 : f32
      %parallel_loop3A_1016 = arith.addf %parallel_loop3A_1014, %parallel_loop3A_1015 : f32
      %parallel_loop3A_1017 = arith.mulf %parallel_loop3A_1016, %parallel_loop3A_861 : f32
      %parallel_loop3A_1018 = arith.constant 0.5859375 : f32
      %parallel_loop3A_1019 = arith.addf %parallel_loop3A_1017, %parallel_loop3A_1018 : f32
      %parallel_loop3A_1020 = arith.constant -813.802062 : f32
      %parallel_loop3A_1021 = arith.mulf %parallel_loop3A_1020, %parallel_loop3A_861 : f32
      %parallel_loop3A_1022 = arith.constant 130.208328 : f32
      %parallel_loop3A_1023 = arith.addf %parallel_loop3A_1021, %parallel_loop3A_1022 : f32
      %parallel_loop3A_1024 = arith.mulf %parallel_loop3A_1023, %parallel_loop3A_861 : f32
      %parallel_loop3A_1025 = arith.constant 664.0625 : f32
      %parallel_loop3A_1026 = arith.addf %parallel_loop3A_1024, %parallel_loop3A_1025 : f32
      %parallel_loop3A_1027 = arith.mulf %parallel_loop3A_1026, %parallel_loop3A_861 : f32
      %parallel_loop3A_1028 = arith.constant -88.5416641 : f32
      %parallel_loop3A_1029 = arith.addf %parallel_loop3A_1027, %parallel_loop3A_1028 : f32
      %parallel_loop3A_1030 = arith.mulf %parallel_loop3A_1029, %parallel_loop3A_861 : f32
      %parallel_loop3A_1031 = arith.constant -58.59375 : f32
      %parallel_loop3A_1032 = arith.addf %parallel_loop3A_1030, %parallel_loop3A_1031 : f32
      %parallel_loop3A_1033 = arith.constant -65104.168 : f32
      %parallel_loop3A_1034 = arith.mulf %parallel_loop3A_1033, %parallel_loop3A_861 : f32
      %parallel_loop3A_1035 = arith.constant 7.812500e+03 : f32
      %parallel_loop3A_1036 = arith.addf %parallel_loop3A_1034, %parallel_loop3A_1035 : f32
      %parallel_loop3A_1037 = arith.mulf %parallel_loop3A_1036, %parallel_loop3A_861 : f32
      %parallel_loop3A_1038 = arith.constant 2.656250e+04 : f32
      %parallel_loop3A_1039 = arith.addf %parallel_loop3A_1037, %parallel_loop3A_1038 : f32
      %parallel_loop3A_1040 = arith.mulf %parallel_loop3A_1039, %parallel_loop3A_861 : f32
      %parallel_loop3A_1041 = arith.constant -1770.83337 : f32
      %parallel_loop3A_1042 = arith.addf %parallel_loop3A_1040, %parallel_loop3A_1041 : f32
      %parallel_loop3A_1043 = arith.constant 256 : i32
      %parallel_loop3A_1044 = arith.addi %parallel_loop3A_869, %parallel_loop3A_1043 : i32
      %parallel_loop3A_1045 = arith.constant 0 : i32
      %parallel_loop3A_1046 = arith.addi %parallel_loop3A_1044, %parallel_loop3A_1045 : i32
      %parallel_loop3A_1047 = arith.index_cast %parallel_loop3A_1046 : i32 to index
      %parallel_loop3A_1048 = tpu.vector_load %arg7[%parallel_loop3A_1047] {strides = array<i32>} : memref<6528xf32, #tpu.memory_space<vmem>>, vector<16xf32>,
      %parallel_loop3A_1049 = vector.broadcast %parallel_loop3A_1019 : f32 to vector<16xf32>
      %parallel_loop3A_1050 = arith.mulf %parallel_loop3A_1048, %parallel_loop3A_1049 : vector<16xf32>
      %parallel_loop3A_1051 = arith.addf %parallel_loop3A_984, %parallel_loop3A_1050 : vector<16xf32>
      %parallel_loop3A_1052 = vector.broadcast %parallel_loop3A_1032 : f32 to vector<16xf32>
      %parallel_loop3A_1053 = arith.mulf %parallel_loop3A_1048, %parallel_loop3A_1052 : vector<16xf32>
      %parallel_loop3A_1054 = arith.addf %parallel_loop3A_987, %parallel_loop3A_1053 : vector<16xf32>
      %parallel_loop3A_1055 = vector.broadcast %parallel_loop3A_1042 : f32 to vector<16xf32>
      %parallel_loop3A_1056 = arith.mulf %parallel_loop3A_1048, %parallel_loop3A_1055 : vector<16xf32>
      %parallel_loop3A_1057 = arith.addf %parallel_loop3A_990, %parallel_loop3A_1056 : vector<16xf32>
      %parallel_loop3A_1058 = arith.constant 16 : i32
      %parallel_loop3A_1059 = arith.addi %parallel_loop3A_1044, %parallel_loop3A_1058 : i32
      %parallel_loop3A_1060 = arith.index_cast %parallel_loop3A_1059 : i32 to index
      %parallel_loop3A_1061 = tpu.vector_load %arg7[%parallel_loop3A_1060] {strides = array<i32>} : memref<6528xf32, #tpu.memory_space<vmem>>, vector<16xf32>,
      %parallel_loop3A_1062 = vector.broadcast %parallel_loop3A_1019 : f32 to vector<16xf32>
      %parallel_loop3A_1063 = arith.mulf %parallel_loop3A_1061, %parallel_loop3A_1062 : vector<16xf32>
      %parallel_loop3A_1064 = arith.addf %parallel_loop3A_997, %parallel_loop3A_1063 : vector<16xf32>
      %parallel_loop3A_1065 = vector.broadcast %parallel_loop3A_1032 : f32 to vector<16xf32>
      %parallel_loop3A_1066 = arith.mulf %parallel_loop3A_1061, %parallel_loop3A_1065 : vector<16xf32>
      %parallel_loop3A_1067 = arith.addf %parallel_loop3A_1000, %parallel_loop3A_1066 : vector<16xf32>
      %parallel_loop3A_1068 = vector.broadcast %parallel_loop3A_1042 : f32 to vector<16xf32>
      %parallel_loop3A_1069 = arith.mulf %parallel_loop3A_1061, %parallel_loop3A_1068 : vector<16xf32>
      %parallel_loop3A_1070 = arith.addf %parallel_loop3A_1003, %parallel_loop3A_1069 : vector<16xf32>
      %parallel_loop3A_1071 = arith.constant 8.13802051 : f32
      %parallel_loop3A_1072 = arith.mulf %parallel_loop3A_1071, %parallel_loop3A_861 : f32
      %parallel_loop3A_1073 = arith.constant 1.62760413 : f32
      %parallel_loop3A_1074 = arith.addf %parallel_loop3A_1072, %parallel_loop3A_1073 : f32
      %parallel_loop3A_1075 = arith.mulf %parallel_loop3A_1074, %parallel_loop3A_861 : f32
      %parallel_loop3A_1076 = arith.constant -11.067708 : f32
      %parallel_loop3A_1077 = arith.addf %parallel_loop3A_1075, %parallel_loop3A_1076 : f32
      %parallel_loop3A_1078 = arith.mulf %parallel_loop3A_1077, %parallel_loop3A_861 : f32
      %parallel_loop3A_1079 = arith.constant -2.21354175 : f32
      %parallel_loop3A_1080 = arith.addf %parallel_loop3A_1078, %parallel_loop3A_1079 : f32
      %parallel_loop3A_1081 = arith.mulf %parallel_loop3A_1080, %parallel_loop3A_861 : f32
      %parallel_loop3A_1082 = arith.constant 2.9296875 : f32
      %parallel_loop3A_1083 = arith.addf %parallel_loop3A_1081, %parallel_loop3A_1082 : f32
      %parallel_loop3A_1084 = arith.mulf %parallel_loop3A_1083, %parallel_loop3A_861 : f32
      %parallel_loop3A_1085 = arith.constant 0.5859375 : f32
      %parallel_loop3A_1086 = arith.addf %parallel_loop3A_1084, %parallel_loop3A_1085 : f32
      %parallel_loop3A_1087 = arith.constant 813.802062 : f32
      %parallel_loop3A_1088 = arith.mulf %parallel_loop3A_1087, %parallel_loop3A_861 : f32
      %parallel_loop3A_1089 = arith.constant 130.208328 : f32
      %parallel_loop3A_1090 = arith.addf %parallel_loop3A_1088, %parallel_loop3A_1089 : f32
      %parallel_loop3A_1091 = arith.mulf %parallel_loop3A_1090, %parallel_loop3A_861 : f32
      %parallel_loop3A_1092 = arith.constant -664.0625 : f32
      %parallel_loop3A_1093 = arith.addf %parallel_loop3A_1091, %parallel_loop3A_1092 : f32
      %parallel_loop3A_1094 = arith.mulf %parallel_loop3A_1093, %parallel_loop3A_861 : f32
      %parallel_loop3A_1095 = arith.constant -88.5416641 : f32
      %parallel_loop3A_1096 = arith.addf %parallel_loop3A_1094, %parallel_loop3A_1095 : f32
      %parallel_loop3A_1097 = arith.mulf %parallel_loop3A_1096, %parallel_loop3A_861 : f32
      %parallel_loop3A_1098 = arith.constant 58.59375 : f32
      %parallel_loop3A_1099 = arith.addf %parallel_loop3A_1097, %parallel_loop3A_1098 : f32
      %parallel_loop3A_1100 = arith.constant 65104.168 : f32
      %parallel_loop3A_1101 = arith.mulf %parallel_loop3A_1100, %parallel_loop3A_861 : f32
      %parallel_loop3A_1102 = arith.constant 7.812500e+03 : f32
      %parallel_loop3A_1103 = arith.addf %parallel_loop3A_1101, %parallel_loop3A_1102 : f32
      %parallel_loop3A_1104 = arith.mulf %parallel_loop3A_1103, %parallel_loop3A_861 : f32
      %parallel_loop3A_1105 = arith.constant -2.656250e+04 : f32
      %parallel_loop3A_1106 = arith.addf %parallel_loop3A_1104, %parallel_loop3A_1105 : f32
      %parallel_loop3A_1107 = arith.mulf %parallel_loop3A_1106, %parallel_loop3A_861 : f32
      %parallel_loop3A_1108 = arith.constant -1770.83337 : f32
      %parallel_loop3A_1109 = arith.addf %parallel_loop3A_1107, %parallel_loop3A_1108 : f32
      %parallel_loop3A_1110 = arith.constant 384 : i32
      %parallel_loop3A_1111 = arith.addi %parallel_loop3A_869, %parallel_loop3A_1110 : i32
      %parallel_loop3A_1112 = arith.constant 0 : i32
      %parallel_loop3A_1113 = arith.addi %parallel_loop3A_1111, %parallel_loop3A_1112 : i32
      %parallel_loop3A_1114 = arith.index_cast %parallel_loop3A_1113 : i32 to index
      %parallel_loop3A_1115 = tpu.vector_load %arg7[%parallel_loop3A_1114] {strides = array<i32>} : memref<6528xf32, #tpu.memory_space<vmem>>, vector<16xf32>,
      %parallel_loop3A_1116 = vector.broadcast %parallel_loop3A_1086 : f32 to vector<16xf32>
      %parallel_loop3A_1117 = arith.mulf %parallel_loop3A_1115, %parallel_loop3A_1116 : vector<16xf32>
      %parallel_loop3A_1118 = arith.addf %parallel_loop3A_1051, %parallel_loop3A_1117 : vector<16xf32>
      %parallel_loop3A_1119 = vector.broadcast %parallel_loop3A_1099 : f32 to vector<16xf32>
      %parallel_loop3A_1120 = arith.mulf %parallel_loop3A_1115, %parallel_loop3A_1119 : vector<16xf32>
      %parallel_loop3A_1121 = arith.addf %parallel_loop3A_1054, %parallel_loop3A_1120 : vector<16xf32>
      %parallel_loop3A_1122 = vector.broadcast %parallel_loop3A_1109 : f32 to vector<16xf32>
      %parallel_loop3A_1123 = arith.mulf %parallel_loop3A_1115, %parallel_loop3A_1122 : vector<16xf32>
      %parallel_loop3A_1124 = arith.addf %parallel_loop3A_1057, %parallel_loop3A_1123 : vector<16xf32>
      %parallel_loop3A_1125 = arith.constant 16 : i32
      %parallel_loop3A_1126 = arith.addi %parallel_loop3A_1111, %parallel_loop3A_1125 : i32
      %parallel_loop3A_1127 = arith.index_cast %parallel_loop3A_1126 : i32 to index
      %parallel_loop3A_1128 = tpu.vector_load %arg7[%parallel_loop3A_1127] {strides = array<i32>} : memref<6528xf32, #tpu.memory_space<vmem>>, vector<16xf32>,
      %parallel_loop3A_1129 = vector.broadcast %parallel_loop3A_1086 : f32 to vector<16xf32>
      %parallel_loop3A_1130 = arith.mulf %parallel_loop3A_1128, %parallel_loop3A_1129 : vector<16xf32>
      %parallel_loop3A_1131 = arith.addf %parallel_loop3A_1064, %parallel_loop3A_1130 : vector<16xf32>
      %parallel_loop3A_1132 = vector.broadcast %parallel_loop3A_1099 : f32 to vector<16xf32>
      %parallel_loop3A_1133 = arith.mulf %parallel_loop3A_1128, %parallel_loop3A_1132 : vector<16xf32>
      %parallel_loop3A_1134 = arith.addf %parallel_loop3A_1067, %parallel_loop3A_1133 : vector<16xf32>
      %parallel_loop3A_1135 = vector.broadcast %parallel_loop3A_1109 : f32 to vector<16xf32>
      %parallel_loop3A_1136 = arith.mulf %parallel_loop3A_1128, %parallel_loop3A_1135 : vector<16xf32>
      %parallel_loop3A_1137 = arith.addf %parallel_loop3A_1070, %parallel_loop3A_1136 : vector<16xf32>
      %parallel_loop3A_1138 = arith.constant -4.06901026 : f32
      %parallel_loop3A_1139 = arith.mulf %parallel_loop3A_1138, %parallel_loop3A_861 : f32
      %parallel_loop3A_1140 = arith.constant -2.44140625 : f32
      %parallel_loop3A_1141 = arith.addf %parallel_loop3A_1139, %parallel_loop3A_1140 : f32
      %parallel_loop3A_1142 = arith.mulf %parallel_loop3A_1141, %parallel_loop3A_861 : f32
      %parallel_loop3A_1143 = arith.constant 4.23177099 : f32
      %parallel_loop3A_1144 = arith.addf %parallel_loop3A_1142, %parallel_loop3A_1143 : f32
      %parallel_loop3A_1145 = arith.mulf %parallel_loop3A_1144, %parallel_loop3A_861 : f32
      %parallel_loop3A_1146 = arith.constant 2.5390625 : f32
      %parallel_loop3A_1147 = arith.addf %parallel_loop3A_1145, %parallel_loop3A_1146 : f32
      %parallel_loop3A_1148 = arith.mulf %parallel_loop3A_1147, %parallel_loop3A_861 : f32
      %parallel_loop3A_1149 = arith.constant -0.162760422 : f32
      %parallel_loop3A_1150 = arith.addf %parallel_loop3A_1148, %parallel_loop3A_1149 : f32
      %parallel_loop3A_1151 = arith.mulf %parallel_loop3A_1150, %parallel_loop3A_861 : f32
      %parallel_loop3A_1152 = arith.constant -0.09765625 : f32
      %parallel_loop3A_1153 = arith.addf %parallel_loop3A_1151, %parallel_loop3A_1152 : f32
      %parallel_loop3A_1154 = arith.constant -406.901031 : f32
      %parallel_loop3A_1155 = arith.mulf %parallel_loop3A_1154, %parallel_loop3A_861 : f32
      %parallel_loop3A_1156 = arith.constant -195.3125 : f32
      %parallel_loop3A_1157 = arith.addf %parallel_loop3A_1155, %parallel_loop3A_1156 : f32
      %parallel_loop3A_1158 = arith.mulf %parallel_loop3A_1157, %parallel_loop3A_861 : f32
      %parallel_loop3A_1159 = arith.constant 253.90625 : f32
      %parallel_loop3A_1160 = arith.addf %parallel_loop3A_1158, %parallel_loop3A_1159 : f32
      %parallel_loop3A_1161 = arith.mulf %parallel_loop3A_1160, %parallel_loop3A_861 : f32
      %parallel_loop3A_1162 = arith.constant 101.5625 : f32
      %parallel_loop3A_1163 = arith.addf %parallel_loop3A_1161, %parallel_loop3A_1162 : f32
      %parallel_loop3A_1164 = arith.mulf %parallel_loop3A_1163, %parallel_loop3A_861 : f32
      %parallel_loop3A_1165 = arith.constant -3.25520825 : f32
      %parallel_loop3A_1166 = arith.addf %parallel_loop3A_1164, %parallel_loop3A_1165 : f32
      %parallel_loop3A_1167 = arith.constant -32552.084 : f32
      %parallel_loop3A_1168 = arith.mulf %parallel_loop3A_1167, %parallel_loop3A_861 : f32
      %parallel_loop3A_1169 = arith.constant -11718.75 : f32
      %parallel_loop3A_1170 = arith.addf %parallel_loop3A_1168, %parallel_loop3A_1169 : f32
      %parallel_loop3A_1171 = arith.mulf %parallel_loop3A_1170, %parallel_loop3A_861 : f32
      %parallel_loop3A_1172 = arith.constant 10156.25 : f32
      %parallel_loop3A_1173 = arith.addf %parallel_loop3A_1171, %parallel_loop3A_1172 : f32
      %parallel_loop3A_1174 = arith.mulf %parallel_loop3A_1173, %parallel_loop3A_861 : f32
      %parallel_loop3A_1175 = arith.constant 2.031250e+03 : f32
      %parallel_loop3A_1176 = arith.addf %parallel_loop3A_1174, %parallel_loop3A_1175 : f32
      %parallel_loop3A_1177 = arith.constant 512 : i32
      %parallel_loop3A_1178 = arith.addi %parallel_loop3A_869, %parallel_loop3A_1177 : i32
      %parallel_loop3A_1179 = arith.constant 0 : i32
      %parallel_loop3A_1180 = arith.addi %parallel_loop3A_1178, %parallel_loop3A_1179 : i32
      %parallel_loop3A_1181 = arith.index_cast %parallel_loop3A_1180 : i32 to index
      %parallel_loop3A_1182 = tpu.vector_load %arg7[%parallel_loop3A_1181] {strides = array<i32>} : memref<6528xf32, #tpu.memory_space<vmem>>, vector<16xf32>,
      %parallel_loop3A_1183 = vector.broadcast %parallel_loop3A_1153 : f32 to vector<16xf32>
      %parallel_loop3A_1184 = arith.mulf %parallel_loop3A_1182, %parallel_loop3A_1183 : vector<16xf32>
      %parallel_loop3A_1185 = arith.addf %parallel_loop3A_1118, %parallel_loop3A_1184 : vector<16xf32>
      %parallel_loop3A_1186 = vector.broadcast %parallel_loop3A_1166 : f32 to vector<16xf32>
      %parallel_loop3A_1187 = arith.mulf %parallel_loop3A_1182, %parallel_loop3A_1186 : vector<16xf32>
      %parallel_loop3A_1188 = arith.addf %parallel_loop3A_1121, %parallel_loop3A_1187 : vector<16xf32>
      %parallel_loop3A_1189 = vector.broadcast %parallel_loop3A_1176 : f32 to vector<16xf32>
      %parallel_loop3A_1190 = arith.mulf %parallel_loop3A_1182, %parallel_loop3A_1189 : vector<16xf32>
      %parallel_loop3A_1191 = arith.addf %parallel_loop3A_1124, %parallel_loop3A_1190 : vector<16xf32>
      %parallel_loop3A_1192 = arith.constant 16 : i32
      %parallel_loop3A_1193 = arith.addi %parallel_loop3A_1178, %parallel_loop3A_1192 : i32
      %parallel_loop3A_1194 = arith.index_cast %parallel_loop3A_1193 : i32 to index
      %parallel_loop3A_1195 = tpu.vector_load %arg7[%parallel_loop3A_1194] {strides = array<i32>} : memref<6528xf32, #tpu.memory_space<vmem>>, vector<16xf32>,
      %parallel_loop3A_1196 = vector.broadcast %parallel_loop3A_1153 : f32 to vector<16xf32>
      %parallel_loop3A_1197 = arith.mulf %parallel_loop3A_1195, %parallel_loop3A_1196 : vector<16xf32>
      %parallel_loop3A_1198 = arith.addf %parallel_loop3A_1131, %parallel_loop3A_1197 : vector<16xf32>
      %parallel_loop3A_1199 = vector.broadcast %parallel_loop3A_1166 : f32 to vector<16xf32>
      %parallel_loop3A_1200 = arith.mulf %parallel_loop3A_1195, %parallel_loop3A_1199 : vector<16xf32>
      %parallel_loop3A_1201 = arith.addf %parallel_loop3A_1134, %parallel_loop3A_1200 : vector<16xf32>
      %parallel_loop3A_1202 = vector.broadcast %parallel_loop3A_1176 : f32 to vector<16xf32>
      %parallel_loop3A_1203 = arith.mulf %parallel_loop3A_1195, %parallel_loop3A_1202 : vector<16xf32>
      %parallel_loop3A_1204 = arith.addf %parallel_loop3A_1137, %parallel_loop3A_1203 : vector<16xf32>
      %parallel_loop3A_1205 = arith.constant 0.813802063 : f32
      %parallel_loop3A_1206 = arith.mulf %parallel_loop3A_1205, %parallel_loop3A_861 : f32
      %parallel_loop3A_1207 = arith.constant 0.813802063 : f32
      %parallel_loop3A_1208 = arith.addf %parallel_loop3A_1206, %parallel_loop3A_1207 : f32
      %parallel_loop3A_1209 = arith.mulf %parallel_loop3A_1208, %parallel_loop3A_861 : f32
      %parallel_loop3A_1210 = arith.constant -0.325520843 : f32
      %parallel_loop3A_1211 = arith.addf %parallel_loop3A_1209, %parallel_loop3A_1210 : f32
      %parallel_loop3A_1212 = arith.mulf %parallel_loop3A_1211, %parallel_loop3A_861 : f32
      %parallel_loop3A_1213 = arith.constant -0.325520843 : f32
      %parallel_loop3A_1214 = arith.addf %parallel_loop3A_1212, %parallel_loop3A_1213 : f32
      %parallel_loop3A_1215 = arith.mulf %parallel_loop3A_1214, %parallel_loop3A_861 : f32
      %parallel_loop3A_1216 = arith.constant 0.01171875 : f32
      %parallel_loop3A_1217 = arith.addf %parallel_loop3A_1215, %parallel_loop3A_1216 : f32
      %parallel_loop3A_1218 = arith.mulf %parallel_loop3A_1217, %parallel_loop3A_861 : f32
      %parallel_loop3A_1219 = arith.constant 0.01171875 : f32
      %parallel_loop3A_1220 = arith.addf %parallel_loop3A_1218, %parallel_loop3A_1219 : f32
      %parallel_loop3A_1221 = arith.constant 81.3802109 : f32
      %parallel_loop3A_1222 = arith.mulf %parallel_loop3A_1221, %parallel_loop3A_861 : f32
      %parallel_loop3A_1223 = arith.constant 65.1041641 : f32
      %parallel_loop3A_1224 = arith.addf %parallel_loop3A_1222, %parallel_loop3A_1223 : f32
      %parallel_loop3A_1225 = arith.mulf %parallel_loop3A_1224, %parallel_loop3A_861 : f32
      %parallel_loop3A_1226 = arith.constant -19.53125 : f32
      %parallel_loop3A_1227 = arith.addf %parallel_loop3A_1225, %parallel_loop3A_1226 : f32
      %parallel_loop3A_1228 = arith.mulf %parallel_loop3A_1227, %parallel_loop3A_861 : f32
      %parallel_loop3A_1229 = arith.constant -13.020833 : f32
      %parallel_loop3A_1230 = arith.addf %parallel_loop3A_1228, %parallel_loop3A_1229 : f32
      %parallel_loop3A_1231 = arith.mulf %parallel_loop3A_1230, %parallel_loop3A_861 : f32
      %parallel_loop3A_1232 = arith.constant 2.343750e-01 : f32
      %parallel_loop3A_1233 = arith.addf %parallel_loop3A_1231, %parallel_loop3A_1232 : f32
      %parallel_loop3A_1234 = arith.constant 6510.4165 : f32
      %parallel_loop3A_1235 = arith.mulf %parallel_loop3A_1234, %parallel_loop3A_861 : f32
      %parallel_loop3A_1236 = arith.constant 3.906250e+03 : f32
      %parallel_loop3A_1237 = arith.addf %parallel_loop3A_1235, %parallel_loop3A_1236 : f32
      %parallel_loop3A_1238 = arith.mulf %parallel_loop3A_1237, %parallel_loop3A_861 : f32
      %parallel_loop3A_1239 = arith.constant -7.812500e+02 : f32
      %parallel_loop3A_1240 = arith.addf %parallel_loop3A_1238, %parallel_loop3A_1239 : f32
      %parallel_loop3A_1241 = arith.mulf %parallel_loop3A_1240, %parallel_loop3A_861 : f32
      %parallel_loop3A_1242 = arith.constant -260.416656 : f32
      %parallel_loop3A_1243 = arith.addf %parallel_loop3A_1241, %parallel_loop3A_1242 : f32
      %parallel_loop3A_1244 = arith.constant 640 : i32
      %parallel_loop3A_1245 = arith.addi %parallel_loop3A_869, %parallel_loop3A_1244 : i32
      %parallel_loop3A_1246 = arith.constant 0 : i32
      %parallel_loop3A_1247 = arith.addi %parallel_loop3A_1245, %parallel_loop3A_1246 : i32
      %parallel_loop3A_1248 = arith.index_cast %parallel_loop3A_1247 : i32 to index
      %parallel_loop3A_1249 = tpu.vector_load %arg7[%parallel_loop3A_1248] {strides = array<i32>} : memref<6528xf32, #tpu.memory_space<vmem>>, vector<16xf32>,
      %parallel_loop3A_1250 = vector.broadcast %parallel_loop3A_1220 : f32 to vector<16xf32>
      %parallel_loop3A_1251 = arith.mulf %parallel_loop3A_1249, %parallel_loop3A_1250 : vector<16xf32>
      %parallel_loop3A_1252 = arith.addf %parallel_loop3A_1185, %parallel_loop3A_1251 : vector<16xf32>
      %parallel_loop3A_1253 = vector.broadcast %parallel_loop3A_1233 : f32 to vector<16xf32>
      %parallel_loop3A_1254 = arith.mulf %parallel_loop3A_1249, %parallel_loop3A_1253 : vector<16xf32>
      %parallel_loop3A_1255 = arith.addf %parallel_loop3A_1188, %parallel_loop3A_1254 : vector<16xf32>
      %parallel_loop3A_1256 = vector.broadcast %parallel_loop3A_1243 : f32 to vector<16xf32>
      %parallel_loop3A_1257 = arith.mulf %parallel_loop3A_1249, %parallel_loop3A_1256 : vector<16xf32>
      %parallel_loop3A_1258 = arith.addf %parallel_loop3A_1191, %parallel_loop3A_1257 : vector<16xf32>
      %parallel_loop3A_1259 = arith.constant 16 : i32
      %parallel_loop3A_1260 = arith.addi %parallel_loop3A_1245, %parallel_loop3A_1259 : i32
      %parallel_loop3A_1261 = arith.index_cast %parallel_loop3A_1260 : i32 to index
      %parallel_loop3A_1262 = tpu.vector_load %arg7[%parallel_loop3A_1261] {strides = array<i32>} : memref<6528xf32, #tpu.memory_space<vmem>>, vector<16xf32>,
      %parallel_loop3A_1263 = vector.broadcast %parallel_loop3A_1220 : f32 to vector<16xf32>
      %parallel_loop3A_1264 = arith.mulf %parallel_loop3A_1262, %parallel_loop3A_1263 : vector<16xf32>
      %parallel_loop3A_1265 = arith.addf %parallel_loop3A_1198, %parallel_loop3A_1264 : vector<16xf32>
      %parallel_loop3A_1266 = vector.broadcast %parallel_loop3A_1233 : f32 to vector<16xf32>
      %parallel_loop3A_1267 = arith.mulf %parallel_loop3A_1262, %parallel_loop3A_1266 : vector<16xf32>
      %parallel_loop3A_1268 = arith.addf %parallel_loop3A_1201, %parallel_loop3A_1267 : vector<16xf32>
      %parallel_loop3A_1269 = vector.broadcast %parallel_loop3A_1243 : f32 to vector<16xf32>
      %parallel_loop3A_1270 = arith.mulf %parallel_loop3A_1262, %parallel_loop3A_1269 : vector<16xf32>
      %parallel_loop3A_1271 = arith.addf %parallel_loop3A_1204, %parallel_loop3A_1270 : vector<16xf32>
      %parallel_loop3A_1272 = vector.extract_strided_slice %parallel_loop3A_41 {offsets = [3], sizes = [1], strides = [1]} : vector<16xf32> to vector<1xf32>
      %parallel_loop3A_1273 = vector.extract %parallel_loop3A_1272[0] : f32 from vector<1xf32>
      %parallel_loop3A_1274 = vector.extract_strided_slice %parallel_loop3A_30 {offsets = [3], sizes = [1], strides = [1]} : vector<16xi32> to vector<1xi32>
      %parallel_loop3A_1275 = vector.extract %parallel_loop3A_1274[0] : i32 from vector<1xi32>
      %parallel_loop3A_1276 = arith.constant 4 : i32
      %parallel_loop3A_1277 = arith.muli %parallel_loop3A_1275, %parallel_loop3A_1276 : i32
      %parallel_loop3A_1278 = arith.constant 3 : i32
      %parallel_loop3A_1279 = arith.addi %parallel_loop3A_1277, %parallel_loop3A_1278 : i32
      %parallel_loop3A_1280 = arith.constant 32 : i32
      %parallel_loop3A_1281 = arith.muli %parallel_loop3A_1279, %parallel_loop3A_1280 : i32
      %parallel_loop3A_1282 = arith.constant -0.813802063 : f32
      %parallel_loop3A_1283 = arith.mulf %parallel_loop3A_1282, %parallel_loop3A_1273 : f32
      %parallel_loop3A_1284 = arith.constant 0.813802063 : f32
      %parallel_loop3A_1285 = arith.addf %parallel_loop3A_1283, %parallel_loop3A_1284 : f32
      %parallel_loop3A_1286 = arith.mulf %parallel_loop3A_1285, %parallel_loop3A_1273 : f32
      %parallel_loop3A_1287 = arith.constant 0.325520843 : f32
      %parallel_loop3A_1288 = arith.addf %parallel_loop3A_1286, %parallel_loop3A_1287 : f32
      %parallel_loop3A_1289 = arith.mulf %parallel_loop3A_1288, %parallel_loop3A_1273 : f32
      %parallel_loop3A_1290 = arith.constant -0.325520843 : f32
      %parallel_loop3A_1291 = arith.addf %parallel_loop3A_1289, %parallel_loop3A_1290 : f32
      %parallel_loop3A_1292 = arith.mulf %parallel_loop3A_1291, %parallel_loop3A_1273 : f32
      %parallel_loop3A_1293 = arith.constant -0.01171875 : f32
      %parallel_loop3A_1294 = arith.addf %parallel_loop3A_1292, %parallel_loop3A_1293 : f32
      %parallel_loop3A_1295 = arith.mulf %parallel_loop3A_1294, %parallel_loop3A_1273 : f32
      %parallel_loop3A_1296 = arith.constant 0.01171875 : f32
      %parallel_loop3A_1297 = arith.addf %parallel_loop3A_1295, %parallel_loop3A_1296 : f32
      %parallel_loop3A_1298 = arith.constant -81.3802109 : f32
      %parallel_loop3A_1299 = arith.mulf %parallel_loop3A_1298, %parallel_loop3A_1273 : f32
      %parallel_loop3A_1300 = arith.constant 65.1041641 : f32
      %parallel_loop3A_1301 = arith.addf %parallel_loop3A_1299, %parallel_loop3A_1300 : f32
      %parallel_loop3A_1302 = arith.mulf %parallel_loop3A_1301, %parallel_loop3A_1273 : f32
      %parallel_loop3A_1303 = arith.constant 19.53125 : f32
      %parallel_loop3A_1304 = arith.addf %parallel_loop3A_1302, %parallel_loop3A_1303 : f32
      %parallel_loop3A_1305 = arith.mulf %parallel_loop3A_1304, %parallel_loop3A_1273 : f32
      %parallel_loop3A_1306 = arith.constant -13.020833 : f32
      %parallel_loop3A_1307 = arith.addf %parallel_loop3A_1305, %parallel_loop3A_1306 : f32
      %parallel_loop3A_1308 = arith.mulf %parallel_loop3A_1307, %parallel_loop3A_1273 : f32
      %parallel_loop3A_1309 = arith.constant -2.343750e-01 : f32
      %parallel_loop3A_1310 = arith.addf %parallel_loop3A_1308, %parallel_loop3A_1309 : f32
      %parallel_loop3A_1311 = arith.constant -6510.4165 : f32
      %parallel_loop3A_1312 = arith.mulf %parallel_loop3A_1311, %parallel_loop3A_1273 : f32
      %parallel_loop3A_1313 = arith.constant 3.906250e+03 : f32
      %parallel_loop3A_1314 = arith.addf %parallel_loop3A_1312, %parallel_loop3A_1313 : f32
      %parallel_loop3A_1315 = arith.mulf %parallel_loop3A_1314, %parallel_loop3A_1273 : f32
      %parallel_loop3A_1316 = arith.constant 7.812500e+02 : f32
      %parallel_loop3A_1317 = arith.addf %parallel_loop3A_1315, %parallel_loop3A_1316 : f32
      %parallel_loop3A_1318 = arith.mulf %parallel_loop3A_1317, %parallel_loop3A_1273 : f32
      %parallel_loop3A_1319 = arith.constant -260.416656 : f32
      %parallel_loop3A_1320 = arith.addf %parallel_loop3A_1318, %parallel_loop3A_1319 : f32
      %parallel_loop3A_1321 = arith.constant 0 : i32
      %parallel_loop3A_1322 = arith.addi %parallel_loop3A_1281, %parallel_loop3A_1321 : i32
      %parallel_loop3A_1323 = arith.constant 0 : i32
      %parallel_loop3A_1324 = arith.addi %parallel_loop3A_1322, %parallel_loop3A_1323 : i32
      %parallel_loop3A_1325 = arith.index_cast %parallel_loop3A_1324 : i32 to index
      %parallel_loop3A_1326 = tpu.vector_load %arg7[%parallel_loop3A_1325] {strides = array<i32>} : memref<6528xf32, #tpu.memory_space<vmem>>, vector<16xf32>,
      %parallel_loop3A_1327 = vector.broadcast %parallel_loop3A_1297 : f32 to vector<16xf32>
      %parallel_loop3A_1328 = arith.mulf %parallel_loop3A_1326, %parallel_loop3A_1327 : vector<16xf32>
      %parallel_loop3A_1329 = arith.addf %parallel_loop3A_1252, %parallel_loop3A_1328 : vector<16xf32>
      %parallel_loop3A_1330 = vector.broadcast %parallel_loop3A_1310 : f32 to vector<16xf32>
      %parallel_loop3A_1331 = arith.mulf %parallel_loop3A_1326, %parallel_loop3A_1330 : vector<16xf32>
      %parallel_loop3A_1332 = arith.addf %parallel_loop3A_1255, %parallel_loop3A_1331 : vector<16xf32>
      %parallel_loop3A_1333 = vector.broadcast %parallel_loop3A_1320 : f32 to vector<16xf32>
      %parallel_loop3A_1334 = arith.mulf %parallel_loop3A_1326, %parallel_loop3A_1333 : vector<16xf32>
      %parallel_loop3A_1335 = arith.addf %parallel_loop3A_1258, %parallel_loop3A_1334 : vector<16xf32>
      %parallel_loop3A_1336 = arith.constant 16 : i32
      %parallel_loop3A_1337 = arith.addi %parallel_loop3A_1322, %parallel_loop3A_1336 : i32
      %parallel_loop3A_1338 = arith.index_cast %parallel_loop3A_1337 : i32 to index
      %parallel_loop3A_1339 = tpu.vector_load %arg7[%parallel_loop3A_1338] {strides = array<i32>} : memref<6528xf32, #tpu.memory_space<vmem>>, vector<16xf32>,
      %parallel_loop3A_1340 = vector.broadcast %parallel_loop3A_1297 : f32 to vector<16xf32>
      %parallel_loop3A_1341 = arith.mulf %parallel_loop3A_1339, %parallel_loop3A_1340 : vector<16xf32>
      %parallel_loop3A_1342 = arith.addf %parallel_loop3A_1265, %parallel_loop3A_1341 : vector<16xf32>
      %parallel_loop3A_1343 = vector.broadcast %parallel_loop3A_1310 : f32 to vector<16xf32>
      %parallel_loop3A_1344 = arith.mulf %parallel_loop3A_1339, %parallel_loop3A_1343 : vector<16xf32>
      %parallel_loop3A_1345 = arith.addf %parallel_loop3A_1268, %parallel_loop3A_1344 : vector<16xf32>
      %parallel_loop3A_1346 = vector.broadcast %parallel_loop3A_1320 : f32 to vector<16xf32>
      %parallel_loop3A_1347 = arith.mulf %parallel_loop3A_1339, %parallel_loop3A_1346 : vector<16xf32>
      %parallel_loop3A_1348 = arith.addf %parallel_loop3A_1271, %parallel_loop3A_1347 : vector<16xf32>
      %parallel_loop3A_1349 = arith.constant 4.06901026 : f32
      %parallel_loop3A_1350 = arith.mulf %parallel_loop3A_1349, %parallel_loop3A_1273 : f32
      %parallel_loop3A_1351 = arith.constant -2.44140625 : f32
      %parallel_loop3A_1352 = arith.addf %parallel_loop3A_1350, %parallel_loop3A_1351 : f32
      %parallel_loop3A_1353 = arith.mulf %parallel_loop3A_1352, %parallel_loop3A_1273 : f32
      %parallel_loop3A_1354 = arith.constant -4.23177099 : f32
      %parallel_loop3A_1355 = arith.addf %parallel_loop3A_1353, %parallel_loop3A_1354 : f32
      %parallel_loop3A_1356 = arith.mulf %parallel_loop3A_1355, %parallel_loop3A_1273 : f32
      %parallel_loop3A_1357 = arith.constant 2.5390625 : f32
      %parallel_loop3A_1358 = arith.addf %parallel_loop3A_1356, %parallel_loop3A_1357 : f32
      %parallel_loop3A_1359 = arith.mulf %parallel_loop3A_1358, %parallel_loop3A_1273 : f32
      %parallel_loop3A_1360 = arith.constant 0.162760422 : f32
      %parallel_loop3A_1361 = arith.addf %parallel_loop3A_1359, %parallel_loop3A_1360 : f32
      %parallel_loop3A_1362 = arith.mulf %parallel_loop3A_1361, %parallel_loop3A_1273 : f32
      %parallel_loop3A_1363 = arith.constant -0.09765625 : f32
      %parallel_loop3A_1364 = arith.addf %parallel_loop3A_1362, %parallel_loop3A_1363 : f32
      %parallel_loop3A_1365 = arith.constant 406.901031 : f32
      %parallel_loop3A_1366 = arith.mulf %parallel_loop3A_1365, %parallel_loop3A_1273 : f32
      %parallel_loop3A_1367 = arith.constant -195.3125 : f32
      %parallel_loop3A_1368 = arith.addf %parallel_loop3A_1366, %parallel_loop3A_1367 : f32
      %parallel_loop3A_1369 = arith.mulf %parallel_loop3A_1368, %parallel_loop3A_1273 : f32
      %parallel_loop3A_1370 = arith.constant -253.90625 : f32
      %parallel_loop3A_1371 = arith.addf %parallel_loop3A_1369, %parallel_loop3A_1370 : f32
      %parallel_loop3A_1372 = arith.mulf %parallel_loop3A_1371, %parallel_loop3A_1273 : f32
      %parallel_loop3A_1373 = arith.constant 101.5625 : f32
      %parallel_loop3A_1374 = arith.addf %parallel_loop3A_1372, %parallel_loop3A_1373 : f32
      %parallel_loop3A_1375 = arith.mulf %parallel_loop3A_1374, %parallel_loop3A_1273 : f32
      %parallel_loop3A_1376 = arith.constant 3.25520825 : f32
      %parallel_loop3A_1377 = arith.addf %parallel_loop3A_1375, %parallel_loop3A_1376 : f32
      %parallel_loop3A_1378 = arith.constant 32552.084 : f32
      %parallel_loop3A_1379 = arith.mulf %parallel_loop3A_1378, %parallel_loop3A_1273 : f32
      %parallel_loop3A_1380 = arith.constant -11718.75 : f32
      %parallel_loop3A_1381 = arith.addf %parallel_loop3A_1379, %parallel_loop3A_1380 : f32
      %parallel_loop3A_1382 = arith.mulf %parallel_loop3A_1381, %parallel_loop3A_1273 : f32
      %parallel_loop3A_1383 = arith.constant -10156.25 : f32
      %parallel_loop3A_1384 = arith.addf %parallel_loop3A_1382, %parallel_loop3A_1383 : f32
      %parallel_loop3A_1385 = arith.mulf %parallel_loop3A_1384, %parallel_loop3A_1273 : f32
      %parallel_loop3A_1386 = arith.constant 2.031250e+03 : f32
      %parallel_loop3A_1387 = arith.addf %parallel_loop3A_1385, %parallel_loop3A_1386 : f32
      %parallel_loop3A_1388 = arith.constant 128 : i32
      %parallel_loop3A_1389 = arith.addi %parallel_loop3A_1281, %parallel_loop3A_1388 : i32
      %parallel_loop3A_1390 = arith.constant 0 : i32
      %parallel_loop3A_1391 = arith.addi %parallel_loop3A_1389, %parallel_loop3A_1390 : i32
      %parallel_loop3A_1392 = arith.index_cast %parallel_loop3A_1391 : i32 to index
      %parallel_loop3A_1393 = tpu.vector_load %arg7[%parallel_loop3A_1392] {strides = array<i32>} : memref<6528xf32, #tpu.memory_space<vmem>>, vector<16xf32>,
      %parallel_loop3A_1394 = vector.broadcast %parallel_loop3A_1364 : f32 to vector<16xf32>
      %parallel_loop3A_1395 = arith.mulf %parallel_loop3A_1393, %parallel_loop3A_1394 : vector<16xf32>
      %parallel_loop3A_1396 = arith.addf %parallel_loop3A_1329, %parallel_loop3A_1395 : vector<16xf32>
      %parallel_loop3A_1397 = vector.broadcast %parallel_loop3A_1377 : f32 to vector<16xf32>
      %parallel_loop3A_1398 = arith.mulf %parallel_loop3A_1393, %parallel_loop3A_1397 : vector<16xf32>
      %parallel_loop3A_1399 = arith.addf %parallel_loop3A_1332, %parallel_loop3A_1398 : vector<16xf32>
      %parallel_loop3A_1400 = vector.broadcast %parallel_loop3A_1387 : f32 to vector<16xf32>
      %parallel_loop3A_1401 = arith.mulf %parallel_loop3A_1393, %parallel_loop3A_1400 : vector<16xf32>
      %parallel_loop3A_1402 = arith.addf %parallel_loop3A_1335, %parallel_loop3A_1401 : vector<16xf32>
      %parallel_loop3A_1403 = arith.constant 16 : i32
      %parallel_loop3A_1404 = arith.addi %parallel_loop3A_1389, %parallel_loop3A_1403 : i32
      %parallel_loop3A_1405 = arith.index_cast %parallel_loop3A_1404 : i32 to index
      %parallel_loop3A_1406 = tpu.vector_load %arg7[%parallel_loop3A_1405] {strides = array<i32>} : memref<6528xf32, #tpu.memory_space<vmem>>, vector<16xf32>,
      %parallel_loop3A_1407 = vector.broadcast %parallel_loop3A_1364 : f32 to vector<16xf32>
      %parallel_loop3A_1408 = arith.mulf %parallel_loop3A_1406, %parallel_loop3A_1407 : vector<16xf32>
      %parallel_loop3A_1409 = arith.addf %parallel_loop3A_1342, %parallel_loop3A_1408 : vector<16xf32>
      %parallel_loop3A_1410 = vector.broadcast %parallel_loop3A_1377 : f32 to vector<16xf32>
      %parallel_loop3A_1411 = arith.mulf %parallel_loop3A_1406, %parallel_loop3A_1410 : vector<16xf32>
      %parallel_loop3A_1412 = arith.addf %parallel_loop3A_1345, %parallel_loop3A_1411 : vector<16xf32>
      %parallel_loop3A_1413 = vector.broadcast %parallel_loop3A_1387 : f32 to vector<16xf32>
      %parallel_loop3A_1414 = arith.mulf %parallel_loop3A_1406, %parallel_loop3A_1413 : vector<16xf32>
      %parallel_loop3A_1415 = arith.addf %parallel_loop3A_1348, %parallel_loop3A_1414 : vector<16xf32>
      %parallel_loop3A_1416 = arith.constant -8.13802051 : f32
      %parallel_loop3A_1417 = arith.mulf %parallel_loop3A_1416, %parallel_loop3A_1273 : f32
      %parallel_loop3A_1418 = arith.constant 1.62760413 : f32
      %parallel_loop3A_1419 = arith.addf %parallel_loop3A_1417, %parallel_loop3A_1418 : f32
      %parallel_loop3A_1420 = arith.mulf %parallel_loop3A_1419, %parallel_loop3A_1273 : f32
      %parallel_loop3A_1421 = arith.constant 11.067708 : f32
      %parallel_loop3A_1422 = arith.addf %parallel_loop3A_1420, %parallel_loop3A_1421 : f32
      %parallel_loop3A_1423 = arith.mulf %parallel_loop3A_1422, %parallel_loop3A_1273 : f32
      %parallel_loop3A_1424 = arith.constant -2.21354175 : f32
      %parallel_loop3A_1425 = arith.addf %parallel_loop3A_1423, %parallel_loop3A_1424 : f32
      %parallel_loop3A_1426 = arith.mulf %parallel_loop3A_1425, %parallel_loop3A_1273 : f32
      %parallel_loop3A_1427 = arith.constant -2.9296875 : f32
      %parallel_loop3A_1428 = arith.addf %parallel_loop3A_1426, %parallel_loop3A_1427 : f32
      %parallel_loop3A_1429 = arith.mulf %parallel_loop3A_1428, %parallel_loop3A_1273 : f32
      %parallel_loop3A_1430 = arith.constant 0.5859375 : f32
      %parallel_loop3A_1431 = arith.addf %parallel_loop3A_1429, %parallel_loop3A_1430 : f32
      %parallel_loop3A_1432 = arith.constant -813.802062 : f32
      %parallel_loop3A_1433 = arith.mulf %parallel_loop3A_1432, %parallel_loop3A_1273 : f32
      %parallel_loop3A_1434 = arith.constant 130.208328 : f32
      %parallel_loop3A_1435 = arith.addf %parallel_loop3A_1433, %parallel_loop3A_1434 : f32
      %parallel_loop3A_1436 = arith.mulf %parallel_loop3A_1435, %parallel_loop3A_1273 : f32
      %parallel_loop3A_1437 = arith.constant 664.0625 : f32
      %parallel_loop3A_1438 = arith.addf %parallel_loop3A_1436, %parallel_loop3A_1437 : f32
      %parallel_loop3A_1439 = arith.mulf %parallel_loop3A_1438, %parallel_loop3A_1273 : f32
      %parallel_loop3A_1440 = arith.constant -88.5416641 : f32
      %parallel_loop3A_1441 = arith.addf %parallel_loop3A_1439, %parallel_loop3A_1440 : f32
      %parallel_loop3A_1442 = arith.mulf %parallel_loop3A_1441, %parallel_loop3A_1273 : f32
      %parallel_loop3A_1443 = arith.constant -58.59375 : f32
      %parallel_loop3A_1444 = arith.addf %parallel_loop3A_1442, %parallel_loop3A_1443 : f32
      %parallel_loop3A_1445 = arith.constant -65104.168 : f32
      %parallel_loop3A_1446 = arith.mulf %parallel_loop3A_1445, %parallel_loop3A_1273 : f32
      %parallel_loop3A_1447 = arith.constant 7.812500e+03 : f32
      %parallel_loop3A_1448 = arith.addf %parallel_loop3A_1446, %parallel_loop3A_1447 : f32
      %parallel_loop3A_1449 = arith.mulf %parallel_loop3A_1448, %parallel_loop3A_1273 : f32
      %parallel_loop3A_1450 = arith.constant 2.656250e+04 : f32
      %parallel_loop3A_1451 = arith.addf %parallel_loop3A_1449, %parallel_loop3A_1450 : f32
      %parallel_loop3A_1452 = arith.mulf %parallel_loop3A_1451, %parallel_loop3A_1273 : f32
      %parallel_loop3A_1453 = arith.constant -1770.83337 : f32
      %parallel_loop3A_1454 = arith.addf %parallel_loop3A_1452, %parallel_loop3A_1453 : f32
      %parallel_loop3A_1455 = arith.constant 256 : i32
      %parallel_loop3A_1456 = arith.addi %parallel_loop3A_1281, %parallel_loop3A_1455 : i32
      %parallel_loop3A_1457 = arith.constant 0 : i32
      %parallel_loop3A_1458 = arith.addi %parallel_loop3A_1456, %parallel_loop3A_1457 : i32
      %parallel_loop3A_1459 = arith.index_cast %parallel_loop3A_1458 : i32 to index
      %parallel_loop3A_1460 = tpu.vector_load %arg7[%parallel_loop3A_1459] {strides = array<i32>} : memref<6528xf32, #tpu.memory_space<vmem>>, vector<16xf32>,
      %parallel_loop3A_1461 = vector.broadcast %parallel_loop3A_1431 : f32 to vector<16xf32>
      %parallel_loop3A_1462 = arith.mulf %parallel_loop3A_1460, %parallel_loop3A_1461 : vector<16xf32>
      %parallel_loop3A_1463 = arith.addf %parallel_loop3A_1396, %parallel_loop3A_1462 : vector<16xf32>
      %parallel_loop3A_1464 = vector.broadcast %parallel_loop3A_1444 : f32 to vector<16xf32>
      %parallel_loop3A_1465 = arith.mulf %parallel_loop3A_1460, %parallel_loop3A_1464 : vector<16xf32>
      %parallel_loop3A_1466 = arith.addf %parallel_loop3A_1399, %parallel_loop3A_1465 : vector<16xf32>
      %parallel_loop3A_1467 = vector.broadcast %parallel_loop3A_1454 : f32 to vector<16xf32>
      %parallel_loop3A_1468 = arith.mulf %parallel_loop3A_1460, %parallel_loop3A_1467 : vector<16xf32>
      %parallel_loop3A_1469 = arith.addf %parallel_loop3A_1402, %parallel_loop3A_1468 : vector<16xf32>
      %parallel_loop3A_1470 = arith.constant 16 : i32
      %parallel_loop3A_1471 = arith.addi %parallel_loop3A_1456, %parallel_loop3A_1470 : i32
      %parallel_loop3A_1472 = arith.index_cast %parallel_loop3A_1471 : i32 to index
      %parallel_loop3A_1473 = tpu.vector_load %arg7[%parallel_loop3A_1472] {strides = array<i32>} : memref<6528xf32, #tpu.memory_space<vmem>>, vector<16xf32>,
      %parallel_loop3A_1474 = vector.broadcast %parallel_loop3A_1431 : f32 to vector<16xf32>
      %parallel_loop3A_1475 = arith.mulf %parallel_loop3A_1473, %parallel_loop3A_1474 : vector<16xf32>
      %parallel_loop3A_1476 = arith.addf %parallel_loop3A_1409, %parallel_loop3A_1475 : vector<16xf32>
      %parallel_loop3A_1477 = vector.broadcast %parallel_loop3A_1444 : f32 to vector<16xf32>
      %parallel_loop3A_1478 = arith.mulf %parallel_loop3A_1473, %parallel_loop3A_1477 : vector<16xf32>
      %parallel_loop3A_1479 = arith.addf %parallel_loop3A_1412, %parallel_loop3A_1478 : vector<16xf32>
      %parallel_loop3A_1480 = vector.broadcast %parallel_loop3A_1454 : f32 to vector<16xf32>
      %parallel_loop3A_1481 = arith.mulf %parallel_loop3A_1473, %parallel_loop3A_1480 : vector<16xf32>
      %parallel_loop3A_1482 = arith.addf %parallel_loop3A_1415, %parallel_loop3A_1481 : vector<16xf32>
      %parallel_loop3A_1483 = arith.constant 8.13802051 : f32
      %parallel_loop3A_1484 = arith.mulf %parallel_loop3A_1483, %parallel_loop3A_1273 : f32
      %parallel_loop3A_1485 = arith.constant 1.62760413 : f32
      %parallel_loop3A_1486 = arith.addf %parallel_loop3A_1484, %parallel_loop3A_1485 : f32
      %parallel_loop3A_1487 = arith.mulf %parallel_loop3A_1486, %parallel_loop3A_1273 : f32
      %parallel_loop3A_1488 = arith.constant -11.067708 : f32
      %parallel_loop3A_1489 = arith.addf %parallel_loop3A_1487, %parallel_loop3A_1488 : f32
      %parallel_loop3A_1490 = arith.mulf %parallel_loop3A_1489, %parallel_loop3A_1273 : f32
      %parallel_loop3A_1491 = arith.constant -2.21354175 : f32
      %parallel_loop3A_1492 = arith.addf %parallel_loop3A_1490, %parallel_loop3A_1491 : f32
      %parallel_loop3A_1493 = arith.mulf %parallel_loop3A_1492, %parallel_loop3A_1273 : f32
      %parallel_loop3A_1494 = arith.constant 2.9296875 : f32
      %parallel_loop3A_1495 = arith.addf %parallel_loop3A_1493, %parallel_loop3A_1494 : f32
      %parallel_loop3A_1496 = arith.mulf %parallel_loop3A_1495, %parallel_loop3A_1273 : f32
      %parallel_loop3A_1497 = arith.constant 0.5859375 : f32
      %parallel_loop3A_1498 = arith.addf %parallel_loop3A_1496, %parallel_loop3A_1497 : f32
      %parallel_loop3A_1499 = arith.constant 813.802062 : f32
      %parallel_loop3A_1500 = arith.mulf %parallel_loop3A_1499, %parallel_loop3A_1273 : f32
      %parallel_loop3A_1501 = arith.constant 130.208328 : f32
      %parallel_loop3A_1502 = arith.addf %parallel_loop3A_1500, %parallel_loop3A_1501 : f32
      %parallel_loop3A_1503 = arith.mulf %parallel_loop3A_1502, %parallel_loop3A_1273 : f32
      %parallel_loop3A_1504 = arith.constant -664.0625 : f32
      %parallel_loop3A_1505 = arith.addf %parallel_loop3A_1503, %parallel_loop3A_1504 : f32
      %parallel_loop3A_1506 = arith.mulf %parallel_loop3A_1505, %parallel_loop3A_1273 : f32
      %parallel_loop3A_1507 = arith.constant -88.5416641 : f32
      %parallel_loop3A_1508 = arith.addf %parallel_loop3A_1506, %parallel_loop3A_1507 : f32
      %parallel_loop3A_1509 = arith.mulf %parallel_loop3A_1508, %parallel_loop3A_1273 : f32
      %parallel_loop3A_1510 = arith.constant 58.59375 : f32
      %parallel_loop3A_1511 = arith.addf %parallel_loop3A_1509, %parallel_loop3A_1510 : f32
      %parallel_loop3A_1512 = arith.constant 65104.168 : f32
      %parallel_loop3A_1513 = arith.mulf %parallel_loop3A_1512, %parallel_loop3A_1273 : f32
      %parallel_loop3A_1514 = arith.constant 7.812500e+03 : f32
      %parallel_loop3A_1515 = arith.addf %parallel_loop3A_1513, %parallel_loop3A_1514 : f32
      %parallel_loop3A_1516 = arith.mulf %parallel_loop3A_1515, %parallel_loop3A_1273 : f32
      %parallel_loop3A_1517 = arith.constant -2.656250e+04 : f32
      %parallel_loop3A_1518 = arith.addf %parallel_loop3A_1516, %parallel_loop3A_1517 : f32
      %parallel_loop3A_1519 = arith.mulf %parallel_loop3A_1518, %parallel_loop3A_1273 : f32
      %parallel_loop3A_1520 = arith.constant -1770.83337 : f32
      %parallel_loop3A_1521 = arith.addf %parallel_loop3A_1519, %parallel_loop3A_1520 : f32
      %parallel_loop3A_1522 = arith.constant 384 : i32
      %parallel_loop3A_1523 = arith.addi %parallel_loop3A_1281, %parallel_loop3A_1522 : i32
      %parallel_loop3A_1524 = arith.constant 0 : i32
      %parallel_loop3A_1525 = arith.addi %parallel_loop3A_1523, %parallel_loop3A_1524 : i32
      %parallel_loop3A_1526 = arith.index_cast %parallel_loop3A_1525 : i32 to index
      %parallel_loop3A_1527 = tpu.vector_load %arg7[%parallel_loop3A_1526] {strides = array<i32>} : memref<6528xf32, #tpu.memory_space<vmem>>, vector<16xf32>,
      %parallel_loop3A_1528 = vector.broadcast %parallel_loop3A_1498 : f32 to vector<16xf32>
      %parallel_loop3A_1529 = arith.mulf %parallel_loop3A_1527, %parallel_loop3A_1528 : vector<16xf32>
      %parallel_loop3A_1530 = arith.addf %parallel_loop3A_1463, %parallel_loop3A_1529 : vector<16xf32>
      %parallel_loop3A_1531 = vector.broadcast %parallel_loop3A_1511 : f32 to vector<16xf32>
      %parallel_loop3A_1532 = arith.mulf %parallel_loop3A_1527, %parallel_loop3A_1531 : vector<16xf32>
      %parallel_loop3A_1533 = arith.addf %parallel_loop3A_1466, %parallel_loop3A_1532 : vector<16xf32>
      %parallel_loop3A_1534 = vector.broadcast %parallel_loop3A_1521 : f32 to vector<16xf32>
      %parallel_loop3A_1535 = arith.mulf %parallel_loop3A_1527, %parallel_loop3A_1534 : vector<16xf32>
      %parallel_loop3A_1536 = arith.addf %parallel_loop3A_1469, %parallel_loop3A_1535 : vector<16xf32>
      %parallel_loop3A_1537 = arith.constant 16 : i32
      %parallel_loop3A_1538 = arith.addi %parallel_loop3A_1523, %parallel_loop3A_1537 : i32
      %parallel_loop3A_1539 = arith.index_cast %parallel_loop3A_1538 : i32 to index
      %parallel_loop3A_1540 = tpu.vector_load %arg7[%parallel_loop3A_1539] {strides = array<i32>} : memref<6528xf32, #tpu.memory_space<vmem>>, vector<16xf32>,
      %parallel_loop3A_1541 = vector.broadcast %parallel_loop3A_1498 : f32 to vector<16xf32>
      %parallel_loop3A_1542 = arith.mulf %parallel_loop3A_1540, %parallel_loop3A_1541 : vector<16xf32>
      %parallel_loop3A_1543 = arith.addf %parallel_loop3A_1476, %parallel_loop3A_1542 : vector<16xf32>
      %parallel_loop3A_1544 = vector.broadcast %parallel_loop3A_1511 : f32 to vector<16xf32>
      %parallel_loop3A_1545 = arith.mulf %parallel_loop3A_1540, %parallel_loop3A_1544 : vector<16xf32>
      %parallel_loop3A_1546 = arith.addf %parallel_loop3A_1479, %parallel_loop3A_1545 : vector<16xf32>
      %parallel_loop3A_1547 = vector.broadcast %parallel_loop3A_1521 : f32 to vector<16xf32>
      %parallel_loop3A_1548 = arith.mulf %parallel_loop3A_1540, %parallel_loop3A_1547 : vector<16xf32>
      %parallel_loop3A_1549 = arith.addf %parallel_loop3A_1482, %parallel_loop3A_1548 : vector<16xf32>
      %parallel_loop3A_1550 = arith.constant -4.06901026 : f32
      %parallel_loop3A_1551 = arith.mulf %parallel_loop3A_1550, %parallel_loop3A_1273 : f32
      %parallel_loop3A_1552 = arith.constant -2.44140625 : f32
      %parallel_loop3A_1553 = arith.addf %parallel_loop3A_1551, %parallel_loop3A_1552 : f32
      %parallel_loop3A_1554 = arith.mulf %parallel_loop3A_1553, %parallel_loop3A_1273 : f32
      %parallel_loop3A_1555 = arith.constant 4.23177099 : f32
      %parallel_loop3A_1556 = arith.addf %parallel_loop3A_1554, %parallel_loop3A_1555 : f32
      %parallel_loop3A_1557 = arith.mulf %parallel_loop3A_1556, %parallel_loop3A_1273 : f32
      %parallel_loop3A_1558 = arith.constant 2.5390625 : f32
      %parallel_loop3A_1559 = arith.addf %parallel_loop3A_1557, %parallel_loop3A_1558 : f32
      %parallel_loop3A_1560 = arith.mulf %parallel_loop3A_1559, %parallel_loop3A_1273 : f32
      %parallel_loop3A_1561 = arith.constant -0.162760422 : f32
      %parallel_loop3A_1562 = arith.addf %parallel_loop3A_1560, %parallel_loop3A_1561 : f32
      %parallel_loop3A_1563 = arith.mulf %parallel_loop3A_1562, %parallel_loop3A_1273 : f32
      %parallel_loop3A_1564 = arith.constant -0.09765625 : f32
      %parallel_loop3A_1565 = arith.addf %parallel_loop3A_1563, %parallel_loop3A_1564 : f32
      %parallel_loop3A_1566 = arith.constant -406.901031 : f32
      %parallel_loop3A_1567 = arith.mulf %parallel_loop3A_1566, %parallel_loop3A_1273 : f32
      %parallel_loop3A_1568 = arith.constant -195.3125 : f32
      %parallel_loop3A_1569 = arith.addf %parallel_loop3A_1567, %parallel_loop3A_1568 : f32
      %parallel_loop3A_1570 = arith.mulf %parallel_loop3A_1569, %parallel_loop3A_1273 : f32
      %parallel_loop3A_1571 = arith.constant 253.90625 : f32
      %parallel_loop3A_1572 = arith.addf %parallel_loop3A_1570, %parallel_loop3A_1571 : f32
      %parallel_loop3A_1573 = arith.mulf %parallel_loop3A_1572, %parallel_loop3A_1273 : f32
      %parallel_loop3A_1574 = arith.constant 101.5625 : f32
      %parallel_loop3A_1575 = arith.addf %parallel_loop3A_1573, %parallel_loop3A_1574 : f32
      %parallel_loop3A_1576 = arith.mulf %parallel_loop3A_1575, %parallel_loop3A_1273 : f32
      %parallel_loop3A_1577 = arith.constant -3.25520825 : f32
      %parallel_loop3A_1578 = arith.addf %parallel_loop3A_1576, %parallel_loop3A_1577 : f32
      %parallel_loop3A_1579 = arith.constant -32552.084 : f32
      %parallel_loop3A_1580 = arith.mulf %parallel_loop3A_1579, %parallel_loop3A_1273 : f32
      %parallel_loop3A_1581 = arith.constant -11718.75 : f32
      %parallel_loop3A_1582 = arith.addf %parallel_loop3A_1580, %parallel_loop3A_1581 : f32
      %parallel_loop3A_1583 = arith.mulf %parallel_loop3A_1582, %parallel_loop3A_1273 : f32
      %parallel_loop3A_1584 = arith.constant 10156.25 : f32
      %parallel_loop3A_1585 = arith.addf %parallel_loop3A_1583, %parallel_loop3A_1584 : f32
      %parallel_loop3A_1586 = arith.mulf %parallel_loop3A_1585, %parallel_loop3A_1273 : f32
      %parallel_loop3A_1587 = arith.constant 2.031250e+03 : f32
      %parallel_loop3A_1588 = arith.addf %parallel_loop3A_1586, %parallel_loop3A_1587 : f32
      %parallel_loop3A_1589 = arith.constant 512 : i32
      %parallel_loop3A_1590 = arith.addi %parallel_loop3A_1281, %parallel_loop3A_1589 : i32
      %parallel_loop3A_1591 = arith.constant 0 : i32
      %parallel_loop3A_1592 = arith.addi %parallel_loop3A_1590, %parallel_loop3A_1591 : i32
      %parallel_loop3A_1593 = arith.index_cast %parallel_loop3A_1592 : i32 to index
      %parallel_loop3A_1594 = tpu.vector_load %arg7[%parallel_loop3A_1593] {strides = array<i32>} : memref<6528xf32, #tpu.memory_space<vmem>>, vector<16xf32>,
      %parallel_loop3A_1595 = vector.broadcast %parallel_loop3A_1565 : f32 to vector<16xf32>
      %parallel_loop3A_1596 = arith.mulf %parallel_loop3A_1594, %parallel_loop3A_1595 : vector<16xf32>
      %parallel_loop3A_1597 = arith.addf %parallel_loop3A_1530, %parallel_loop3A_1596 : vector<16xf32>
      %parallel_loop3A_1598 = vector.broadcast %parallel_loop3A_1578 : f32 to vector<16xf32>
      %parallel_loop3A_1599 = arith.mulf %parallel_loop3A_1594, %parallel_loop3A_1598 : vector<16xf32>
      %parallel_loop3A_1600 = arith.addf %parallel_loop3A_1533, %parallel_loop3A_1599 : vector<16xf32>
      %parallel_loop3A_1601 = vector.broadcast %parallel_loop3A_1588 : f32 to vector<16xf32>
      %parallel_loop3A_1602 = arith.mulf %parallel_loop3A_1594, %parallel_loop3A_1601 : vector<16xf32>
      %parallel_loop3A_1603 = arith.addf %parallel_loop3A_1536, %parallel_loop3A_1602 : vector<16xf32>
      %parallel_loop3A_1604 = arith.constant 16 : i32
      %parallel_loop3A_1605 = arith.addi %parallel_loop3A_1590, %parallel_loop3A_1604 : i32
      %parallel_loop3A_1606 = arith.index_cast %parallel_loop3A_1605 : i32 to index
      %parallel_loop3A_1607 = tpu.vector_load %arg7[%parallel_loop3A_1606] {strides = array<i32>} : memref<6528xf32, #tpu.memory_space<vmem>>, vector<16xf32>,
      %parallel_loop3A_1608 = vector.broadcast %parallel_loop3A_1565 : f32 to vector<16xf32>
      %parallel_loop3A_1609 = arith.mulf %parallel_loop3A_1607, %parallel_loop3A_1608 : vector<16xf32>
      %parallel_loop3A_1610 = arith.addf %parallel_loop3A_1543, %parallel_loop3A_1609 : vector<16xf32>
      %parallel_loop3A_1611 = vector.broadcast %parallel_loop3A_1578 : f32 to vector<16xf32>
      %parallel_loop3A_1612 = arith.mulf %parallel_loop3A_1607, %parallel_loop3A_1611 : vector<16xf32>
      %parallel_loop3A_1613 = arith.addf %parallel_loop3A_1546, %parallel_loop3A_1612 : vector<16xf32>
      %parallel_loop3A_1614 = vector.broadcast %parallel_loop3A_1588 : f32 to vector<16xf32>
      %parallel_loop3A_1615 = arith.mulf %parallel_loop3A_1607, %parallel_loop3A_1614 : vector<16xf32>
      %parallel_loop3A_1616 = arith.addf %parallel_loop3A_1549, %parallel_loop3A_1615 : vector<16xf32>
      %parallel_loop3A_1617 = arith.constant 0.813802063 : f32
      %parallel_loop3A_1618 = arith.mulf %parallel_loop3A_1617, %parallel_loop3A_1273 : f32
      %parallel_loop3A_1619 = arith.constant 0.813802063 : f32
      %parallel_loop3A_1620 = arith.addf %parallel_loop3A_1618, %parallel_loop3A_1619 : f32
      %parallel_loop3A_1621 = arith.mulf %parallel_loop3A_1620, %parallel_loop3A_1273 : f32
      %parallel_loop3A_1622 = arith.constant -0.325520843 : f32
      %parallel_loop3A_1623 = arith.addf %parallel_loop3A_1621, %parallel_loop3A_1622 : f32
      %parallel_loop3A_1624 = arith.mulf %parallel_loop3A_1623, %parallel_loop3A_1273 : f32
      %parallel_loop3A_1625 = arith.constant -0.325520843 : f32
      %parallel_loop3A_1626 = arith.addf %parallel_loop3A_1624, %parallel_loop3A_1625 : f32
      %parallel_loop3A_1627 = arith.mulf %parallel_loop3A_1626, %parallel_loop3A_1273 : f32
      %parallel_loop3A_1628 = arith.constant 0.01171875 : f32
      %parallel_loop3A_1629 = arith.addf %parallel_loop3A_1627, %parallel_loop3A_1628 : f32
      %parallel_loop3A_1630 = arith.mulf %parallel_loop3A_1629, %parallel_loop3A_1273 : f32
      %parallel_loop3A_1631 = arith.constant 0.01171875 : f32
      %parallel_loop3A_1632 = arith.addf %parallel_loop3A_1630, %parallel_loop3A_1631 : f32
      %parallel_loop3A_1633 = arith.constant 81.3802109 : f32
      %parallel_loop3A_1634 = arith.mulf %parallel_loop3A_1633, %parallel_loop3A_1273 : f32
      %parallel_loop3A_1635 = arith.constant 65.1041641 : f32
      %parallel_loop3A_1636 = arith.addf %parallel_loop3A_1634, %parallel_loop3A_1635 : f32
      %parallel_loop3A_1637 = arith.mulf %parallel_loop3A_1636, %parallel_loop3A_1273 : f32
      %parallel_loop3A_1638 = arith.constant -19.53125 : f32
      %parallel_loop3A_1639 = arith.addf %parallel_loop3A_1637, %parallel_loop3A_1638 : f32
      %parallel_loop3A_1640 = arith.mulf %parallel_loop3A_1639, %parallel_loop3A_1273 : f32
      %parallel_loop3A_1641 = arith.constant -13.020833 : f32
      %parallel_loop3A_1642 = arith.addf %parallel_loop3A_1640, %parallel_loop3A_1641 : f32
      %parallel_loop3A_1643 = arith.mulf %parallel_loop3A_1642, %parallel_loop3A_1273 : f32
      %parallel_loop3A_1644 = arith.constant 2.343750e-01 : f32
      %parallel_loop3A_1645 = arith.addf %parallel_loop3A_1643, %parallel_loop3A_1644 : f32
      %parallel_loop3A_1646 = arith.constant 6510.4165 : f32
      %parallel_loop3A_1647 = arith.mulf %parallel_loop3A_1646, %parallel_loop3A_1273 : f32
      %parallel_loop3A_1648 = arith.constant 3.906250e+03 : f32
      %parallel_loop3A_1649 = arith.addf %parallel_loop3A_1647, %parallel_loop3A_1648 : f32
      %parallel_loop3A_1650 = arith.mulf %parallel_loop3A_1649, %parallel_loop3A_1273 : f32
      %parallel_loop3A_1651 = arith.constant -7.812500e+02 : f32
      %parallel_loop3A_1652 = arith.addf %parallel_loop3A_1650, %parallel_loop3A_1651 : f32
      %parallel_loop3A_1653 = arith.mulf %parallel_loop3A_1652, %parallel_loop3A_1273 : f32
      %parallel_loop3A_1654 = arith.constant -260.416656 : f32
      %parallel_loop3A_1655 = arith.addf %parallel_loop3A_1653, %parallel_loop3A_1654 : f32
      %parallel_loop3A_1656 = arith.constant 640 : i32
      %parallel_loop3A_1657 = arith.addi %parallel_loop3A_1281, %parallel_loop3A_1656 : i32
      %parallel_loop3A_1658 = arith.constant 0 : i32
      %parallel_loop3A_1659 = arith.addi %parallel_loop3A_1657, %parallel_loop3A_1658 : i32
      %parallel_loop3A_1660 = arith.index_cast %parallel_loop3A_1659 : i32 to index
      %parallel_loop3A_1661 = tpu.vector_load %arg7[%parallel_loop3A_1660] {strides = array<i32>} : memref<6528xf32, #tpu.memory_space<vmem>>, vector<16xf32>,
      %parallel_loop3A_1662 = vector.broadcast %parallel_loop3A_1632 : f32 to vector<16xf32>
      %parallel_loop3A_1663 = arith.mulf %parallel_loop3A_1661, %parallel_loop3A_1662 : vector<16xf32>
      %parallel_loop3A_1664 = arith.addf %parallel_loop3A_1597, %parallel_loop3A_1663 : vector<16xf32>
      %parallel_loop3A_1665 = vector.broadcast %parallel_loop3A_1645 : f32 to vector<16xf32>
      %parallel_loop3A_1666 = arith.mulf %parallel_loop3A_1661, %parallel_loop3A_1665 : vector<16xf32>
      %parallel_loop3A_1667 = arith.addf %parallel_loop3A_1600, %parallel_loop3A_1666 : vector<16xf32>
      %parallel_loop3A_1668 = vector.broadcast %parallel_loop3A_1655 : f32 to vector<16xf32>
      %parallel_loop3A_1669 = arith.mulf %parallel_loop3A_1661, %parallel_loop3A_1668 : vector<16xf32>
      %parallel_loop3A_1670 = arith.addf %parallel_loop3A_1603, %parallel_loop3A_1669 : vector<16xf32>
      %parallel_loop3A_1671 = arith.constant 16 : i32
      %parallel_loop3A_1672 = arith.addi %parallel_loop3A_1657, %parallel_loop3A_1671 : i32
      %parallel_loop3A_1673 = arith.index_cast %parallel_loop3A_1672 : i32 to index
      %parallel_loop3A_1674 = tpu.vector_load %arg7[%parallel_loop3A_1673] {strides = array<i32>} : memref<6528xf32, #tpu.memory_space<vmem>>, vector<16xf32>,
      %parallel_loop3A_1675 = vector.broadcast %parallel_loop3A_1632 : f32 to vector<16xf32>
      %parallel_loop3A_1676 = arith.mulf %parallel_loop3A_1674, %parallel_loop3A_1675 : vector<16xf32>
      %parallel_loop3A_1677 = arith.addf %parallel_loop3A_1610, %parallel_loop3A_1676 : vector<16xf32>
      %parallel_loop3A_1678 = vector.broadcast %parallel_loop3A_1645 : f32 to vector<16xf32>
      %parallel_loop3A_1679 = arith.mulf %parallel_loop3A_1674, %parallel_loop3A_1678 : vector<16xf32>
      %parallel_loop3A_1680 = arith.addf %parallel_loop3A_1613, %parallel_loop3A_1679 : vector<16xf32>
      %parallel_loop3A_1681 = vector.broadcast %parallel_loop3A_1655 : f32 to vector<16xf32>
      %parallel_loop3A_1682 = arith.mulf %parallel_loop3A_1674, %parallel_loop3A_1681 : vector<16xf32>
      %parallel_loop3A_1683 = arith.addf %parallel_loop3A_1616, %parallel_loop3A_1682 : vector<16xf32>
      %parallel_loop3A_1684 = arith.index_cast %parallel_loop3A_10 : i32 to index
      %parallel_loop3A_1685 = arith.constant 0 : index
      %parallel_loop3A_1686 = tpu.vector_load %arg9[%parallel_loop3A_1684, %parallel_loop3A_1685] {strides = array<i32>} : memref<128x32xf32, #tpu.memory_space<vmem>>, vector<16xf32>,
      tpu.vector_store %arg9[%parallel_loop3A_1684, %parallel_loop3A_1685], %parallel_loop3A_1664 {strides = array<i32>} : memref<128x32xf32, #tpu.memory_space<vmem>>, vector<16xf32>,
      %parallel_loop3A_1687 = arith.index_cast %parallel_loop3A_10 : i32 to index
      %parallel_loop3A_1688 = arith.constant 0 : index
      %parallel_loop3A_1689 = tpu.vector_load %arg10[%parallel_loop3A_1687, %parallel_loop3A_1688] {strides = array<i32>} : memref<128x32xf32, #tpu.memory_space<vmem>>, vector<16xf32>,
      tpu.vector_store %arg10[%parallel_loop3A_1687, %parallel_loop3A_1688], %parallel_loop3A_1667 {strides = array<i32>} : memref<128x32xf32, #tpu.memory_space<vmem>>, vector<16xf32>,
      %parallel_loop3A_1690 = arith.index_cast %parallel_loop3A_10 : i32 to index
      %parallel_loop3A_1691 = arith.constant 0 : index
      %parallel_loop3A_1692 = tpu.vector_load %arg11[%parallel_loop3A_1690, %parallel_loop3A_1691] {strides = array<i32>} : memref<128x32xf32, #tpu.memory_space<vmem>>, vector<16xf32>,
      tpu.vector_store %arg11[%parallel_loop3A_1690, %parallel_loop3A_1691], %parallel_loop3A_1670 {strides = array<i32>} : memref<128x32xf32, #tpu.memory_space<vmem>>, vector<16xf32>,
      %parallel_loop3A_1693 = arith.index_cast %parallel_loop3A_10 : i32 to index
      %parallel_loop3A_1694 = arith.constant 16 : index
      %parallel_loop3A_1695 = tpu.vector_load %arg9[%parallel_loop3A_1693, %parallel_loop3A_1694] {strides = array<i32>} : memref<128x32xf32, #tpu.memory_space<vmem>>, vector<16xf32>,
      tpu.vector_store %arg9[%parallel_loop3A_1693, %parallel_loop3A_1694], %parallel_loop3A_1677 {strides = array<i32>} : memref<128x32xf32, #tpu.memory_space<vmem>>, vector<16xf32>,
      %parallel_loop3A_1696 = arith.index_cast %parallel_loop3A_10 : i32 to index
      %parallel_loop3A_1697 = arith.constant 16 : index
      %parallel_loop3A_1698 = tpu.vector_load %arg10[%parallel_loop3A_1696, %parallel_loop3A_1697] {strides = array<i32>} : memref<128x32xf32, #tpu.memory_space<vmem>>, vector<16xf32>,
      tpu.vector_store %arg10[%parallel_loop3A_1696, %parallel_loop3A_1697], %parallel_loop3A_1680 {strides = array<i32>} : memref<128x32xf32, #tpu.memory_space<vmem>>, vector<16xf32>,
      %parallel_loop3A_1699 = arith.index_cast %parallel_loop3A_10 : i32 to index
      %parallel_loop3A_1700 = arith.constant 16 : index
      %parallel_loop3A_1701 = tpu.vector_load %arg11[%parallel_loop3A_1699, %parallel_loop3A_1700] {strides = array<i32>} : memref<128x32xf32, #tpu.memory_space<vmem>>, vector<16xf32>,
      tpu.vector_store %arg11[%parallel_loop3A_1699, %parallel_loop3A_1700], %parallel_loop3A_1683 {strides = array<i32>} : memref<128x32xf32, #tpu.memory_space<vmem>>, vector<16xf32>,
    } {sc.loop_unroll_factor = 2 : i64, sc.parallel_access}
    %parallel_loop3A_7 = arith.constant 0 : i32
    %parallel_loop3A_8 = arith.constant 32 : i32
    %parallel_loop3A_9 = arith.constant 1 : i32
    scf.for %parallel_loop3A_10 = %parallel_loop3A_7 to %parallel_loop3A_8 step %parallel_loop3A_9  : i32 {
      %parallel_loop3A_11 = arith.constant 0 : i32
      %parallel_loop3A_12 = vector.broadcast %parallel_loop3A_11 : i32 to vector<16xi32>
      %parallel_loop3A_13 = vector.broadcast %parallel_loop3A_10 : i32 to vector<16xi32>
      %parallel_loop3A_14 = arith.addi %parallel_loop3A_12, %parallel_loop3A_13 : vector<16xi32>
      %parallel_loop3A_15 = tpu.iota {dimensions = array<i32: 0>} : vector<16xi32>
      %parallel_loop3A_16 = arith.constant 0 : i32
      %parallel_loop3A_17 = vector.broadcast %parallel_loop3A_16 : i32 to vector<16xi32>
      %parallel_loop3A_18 = arith.addi %parallel_loop3A_15, %parallel_loop3A_17 : vector<16xi32>
      %parallel_loop3A_19 = tpu.vector_load_idx %arg9[%parallel_loop3A_18, %parallel_loop3A_14] : memref<128x32xf32, #tpu.memory_space<vmem>>[vector<16xi32>, vector<16xi32>], vector<16xf32>,
      %parallel_loop3A_20 = arith.index_cast %parallel_loop3A_10 : i32 to index
      %parallel_loop3A_21 = arith.constant 0 : index
      %parallel_loop3A_22 = tpu.vector_load %arg12[%parallel_loop3A_20, %parallel_loop3A_21] {strides = array<i32>} : memref<32x128xf32, #tpu.memory_space<vmem>>, vector<16xf32>,
      tpu.vector_store %arg12[%parallel_loop3A_20, %parallel_loop3A_21], %parallel_loop3A_19 {strides = array<i32>} : memref<32x128xf32, #tpu.memory_space<vmem>>, vector<16xf32>,
      %parallel_loop3A_23 = tpu.vector_load_idx %arg10[%parallel_loop3A_18, %parallel_loop3A_14] : memref<128x32xf32, #tpu.memory_space<vmem>>[vector<16xi32>, vector<16xi32>], vector<16xf32>,
      %parallel_loop3A_24 = arith.index_cast %parallel_loop3A_10 : i32 to index
      %parallel_loop3A_25 = arith.constant 0 : index
      %parallel_loop3A_26 = tpu.vector_load %arg13[%parallel_loop3A_24, %parallel_loop3A_25] {strides = array<i32>} : memref<32x128xf32, #tpu.memory_space<vmem>>, vector<16xf32>,
      tpu.vector_store %arg13[%parallel_loop3A_24, %parallel_loop3A_25], %parallel_loop3A_23 {strides = array<i32>} : memref<32x128xf32, #tpu.memory_space<vmem>>, vector<16xf32>,
      %parallel_loop3A_27 = tpu.vector_load_idx %arg11[%parallel_loop3A_18, %parallel_loop3A_14] : memref<128x32xf32, #tpu.memory_space<vmem>>[vector<16xi32>, vector<16xi32>], vector<16xf32>,
      %parallel_loop3A_28 = arith.index_cast %parallel_loop3A_10 : i32 to index
      %parallel_loop3A_29 = arith.constant 0 : index
      %parallel_loop3A_30 = tpu.vector_load %arg14[%parallel_loop3A_28, %parallel_loop3A_29] {strides = array<i32>} : memref<32x128xf32, #tpu.memory_space<vmem>>, vector<16xf32>,
      tpu.vector_store %arg14[%parallel_loop3A_28, %parallel_loop3A_29], %parallel_loop3A_27 {strides = array<i32>} : memref<32x128xf32, #tpu.memory_space<vmem>>, vector<16xf32>,
      %parallel_loop3A_31 = tpu.iota {dimensions = array<i32: 0>} : vector<16xi32>
      %parallel_loop3A_32 = arith.constant 16 : i32
      %parallel_loop3A_33 = vector.broadcast %parallel_loop3A_32 : i32 to vector<16xi32>
      %parallel_loop3A_34 = arith.addi %parallel_loop3A_31, %parallel_loop3A_33 : vector<16xi32>
      %parallel_loop3A_35 = tpu.vector_load_idx %arg9[%parallel_loop3A_34, %parallel_loop3A_14] : memref<128x32xf32, #tpu.memory_space<vmem>>[vector<16xi32>, vector<16xi32>], vector<16xf32>,
      %parallel_loop3A_36 = arith.index_cast %parallel_loop3A_10 : i32 to index
      %parallel_loop3A_37 = arith.constant 16 : index
      %parallel_loop3A_38 = tpu.vector_load %arg12[%parallel_loop3A_36, %parallel_loop3A_37] {strides = array<i32>} : memref<32x128xf32, #tpu.memory_space<vmem>>, vector<16xf32>,
      tpu.vector_store %arg12[%parallel_loop3A_36, %parallel_loop3A_37], %parallel_loop3A_35 {strides = array<i32>} : memref<32x128xf32, #tpu.memory_space<vmem>>, vector<16xf32>,
      %parallel_loop3A_39 = tpu.vector_load_idx %arg10[%parallel_loop3A_34, %parallel_loop3A_14] : memref<128x32xf32, #tpu.memory_space<vmem>>[vector<16xi32>, vector<16xi32>], vector<16xf32>,
      %parallel_loop3A_40 = arith.index_cast %parallel_loop3A_10 : i32 to index
      %parallel_loop3A_41 = arith.constant 16 : index
      %parallel_loop3A_42 = tpu.vector_load %arg13[%parallel_loop3A_40, %parallel_loop3A_41] {strides = array<i32>} : memref<32x128xf32, #tpu.memory_space<vmem>>, vector<16xf32>,
      tpu.vector_store %arg13[%parallel_loop3A_40, %parallel_loop3A_41], %parallel_loop3A_39 {strides = array<i32>} : memref<32x128xf32, #tpu.memory_space<vmem>>, vector<16xf32>,
      %parallel_loop3A_43 = tpu.vector_load_idx %arg11[%parallel_loop3A_34, %parallel_loop3A_14] : memref<128x32xf32, #tpu.memory_space<vmem>>[vector<16xi32>, vector<16xi32>], vector<16xf32>,
      %parallel_loop3A_44 = arith.index_cast %parallel_loop3A_10 : i32 to index
      %parallel_loop3A_45 = arith.constant 16 : index
      %parallel_loop3A_46 = tpu.vector_load %arg14[%parallel_loop3A_44, %parallel_loop3A_45] {strides = array<i32>} : memref<32x128xf32, #tpu.memory_space<vmem>>, vector<16xf32>,
      tpu.vector_store %arg14[%parallel_loop3A_44, %parallel_loop3A_45], %parallel_loop3A_43 {strides = array<i32>} : memref<32x128xf32, #tpu.memory_space<vmem>>, vector<16xf32>,
      %parallel_loop3A_47 = tpu.iota {dimensions = array<i32: 0>} : vector<16xi32>
      %parallel_loop3A_48 = arith.constant 32 : i32
      %parallel_loop3A_49 = vector.broadcast %parallel_loop3A_48 : i32 to vector<16xi32>
      %parallel_loop3A_50 = arith.addi %parallel_loop3A_47, %parallel_loop3A_49 : vector<16xi32>
      %parallel_loop3A_51 = tpu.vector_load_idx %arg9[%parallel_loop3A_50, %parallel_loop3A_14] : memref<128x32xf32, #tpu.memory_space<vmem>>[vector<16xi32>, vector<16xi32>], vector<16xf32>,
      %parallel_loop3A_52 = arith.index_cast %parallel_loop3A_10 : i32 to index
      %parallel_loop3A_53 = arith.constant 32 : index
      %parallel_loop3A_54 = tpu.vector_load %arg12[%parallel_loop3A_52, %parallel_loop3A_53] {strides = array<i32>} : memref<32x128xf32, #tpu.memory_space<vmem>>, vector<16xf32>,
      tpu.vector_store %arg12[%parallel_loop3A_52, %parallel_loop3A_53], %parallel_loop3A_51 {strides = array<i32>} : memref<32x128xf32, #tpu.memory_space<vmem>>, vector<16xf32>,
      %parallel_loop3A_55 = tpu.vector_load_idx %arg10[%parallel_loop3A_50, %parallel_loop3A_14] : memref<128x32xf32, #tpu.memory_space<vmem>>[vector<16xi32>, vector<16xi32>], vector<16xf32>,
      %parallel_loop3A_56 = arith.index_cast %parallel_loop3A_10 : i32 to index
      %parallel_loop3A_57 = arith.constant 32 : index
      %parallel_loop3A_58 = tpu.vector_load %arg13[%parallel_loop3A_56, %parallel_loop3A_57] {strides = array<i32>} : memref<32x128xf32, #tpu.memory_space<vmem>>, vector<16xf32>,
      tpu.vector_store %arg13[%parallel_loop3A_56, %parallel_loop3A_57], %parallel_loop3A_55 {strides = array<i32>} : memref<32x128xf32, #tpu.memory_space<vmem>>, vector<16xf32>,
      %parallel_loop3A_59 = tpu.vector_load_idx %arg11[%parallel_loop3A_50, %parallel_loop3A_14] : memref<128x32xf32, #tpu.memory_space<vmem>>[vector<16xi32>, vector<16xi32>], vector<16xf32>,
      %parallel_loop3A_60 = arith.index_cast %parallel_loop3A_10 : i32 to index
      %parallel_loop3A_61 = arith.constant 32 : index
      %parallel_loop3A_62 = tpu.vector_load %arg14[%parallel_loop3A_60, %parallel_loop3A_61] {strides = array<i32>} : memref<32x128xf32, #tpu.memory_space<vmem>>, vector<16xf32>,
      tpu.vector_store %arg14[%parallel_loop3A_60, %parallel_loop3A_61], %parallel_loop3A_59 {strides = array<i32>} : memref<32x128xf32, #tpu.memory_space<vmem>>, vector<16xf32>,
      %parallel_loop3A_63 = tpu.iota {dimensions = array<i32: 0>} : vector<16xi32>
      %parallel_loop3A_64 = arith.constant 48 : i32
      %parallel_loop3A_65 = vector.broadcast %parallel_loop3A_64 : i32 to vector<16xi32>
      %parallel_loop3A_66 = arith.addi %parallel_loop3A_63, %parallel_loop3A_65 : vector<16xi32>
      %parallel_loop3A_67 = tpu.vector_load_idx %arg9[%parallel_loop3A_66, %parallel_loop3A_14] : memref<128x32xf32, #tpu.memory_space<vmem>>[vector<16xi32>, vector<16xi32>], vector<16xf32>,
      %parallel_loop3A_68 = arith.index_cast %parallel_loop3A_10 : i32 to index
      %parallel_loop3A_69 = arith.constant 48 : index
      %parallel_loop3A_70 = tpu.vector_load %arg12[%parallel_loop3A_68, %parallel_loop3A_69] {strides = array<i32>} : memref<32x128xf32, #tpu.memory_space<vmem>>, vector<16xf32>,
      tpu.vector_store %arg12[%parallel_loop3A_68, %parallel_loop3A_69], %parallel_loop3A_67 {strides = array<i32>} : memref<32x128xf32, #tpu.memory_space<vmem>>, vector<16xf32>,
      %parallel_loop3A_71 = tpu.vector_load_idx %arg10[%parallel_loop3A_66, %parallel_loop3A_14] : memref<128x32xf32, #tpu.memory_space<vmem>>[vector<16xi32>, vector<16xi32>], vector<16xf32>,
      %parallel_loop3A_72 = arith.index_cast %parallel_loop3A_10 : i32 to index
      %parallel_loop3A_73 = arith.constant 48 : index
      %parallel_loop3A_74 = tpu.vector_load %arg13[%parallel_loop3A_72, %parallel_loop3A_73] {strides = array<i32>} : memref<32x128xf32, #tpu.memory_space<vmem>>, vector<16xf32>,
      tpu.vector_store %arg13[%parallel_loop3A_72, %parallel_loop3A_73], %parallel_loop3A_71 {strides = array<i32>} : memref<32x128xf32, #tpu.memory_space<vmem>>, vector<16xf32>,
      %parallel_loop3A_75 = tpu.vector_load_idx %arg11[%parallel_loop3A_66, %parallel_loop3A_14] : memref<128x32xf32, #tpu.memory_space<vmem>>[vector<16xi32>, vector<16xi32>], vector<16xf32>,
      %parallel_loop3A_76 = arith.index_cast %parallel_loop3A_10 : i32 to index
      %parallel_loop3A_77 = arith.constant 48 : index
      %parallel_loop3A_78 = tpu.vector_load %arg14[%parallel_loop3A_76, %parallel_loop3A_77] {strides = array<i32>} : memref<32x128xf32, #tpu.memory_space<vmem>>, vector<16xf32>,
      tpu.vector_store %arg14[%parallel_loop3A_76, %parallel_loop3A_77], %parallel_loop3A_75 {strides = array<i32>} : memref<32x128xf32, #tpu.memory_space<vmem>>, vector<16xf32>,
      %parallel_loop3A_79 = tpu.iota {dimensions = array<i32: 0>} : vector<16xi32>
      %parallel_loop3A_80 = arith.constant 64 : i32
      %parallel_loop3A_81 = vector.broadcast %parallel_loop3A_80 : i32 to vector<16xi32>
      %parallel_loop3A_82 = arith.addi %parallel_loop3A_79, %parallel_loop3A_81 : vector<16xi32>
      %parallel_loop3A_83 = tpu.vector_load_idx %arg9[%parallel_loop3A_82, %parallel_loop3A_14] : memref<128x32xf32, #tpu.memory_space<vmem>>[vector<16xi32>, vector<16xi32>], vector<16xf32>,
      %parallel_loop3A_84 = arith.index_cast %parallel_loop3A_10 : i32 to index
      %parallel_loop3A_85 = arith.constant 64 : index
      %parallel_loop3A_86 = tpu.vector_load %arg12[%parallel_loop3A_84, %parallel_loop3A_85] {strides = array<i32>} : memref<32x128xf32, #tpu.memory_space<vmem>>, vector<16xf32>,
      tpu.vector_store %arg12[%parallel_loop3A_84, %parallel_loop3A_85], %parallel_loop3A_83 {strides = array<i32>} : memref<32x128xf32, #tpu.memory_space<vmem>>, vector<16xf32>,
      %parallel_loop3A_87 = tpu.vector_load_idx %arg10[%parallel_loop3A_82, %parallel_loop3A_14] : memref<128x32xf32, #tpu.memory_space<vmem>>[vector<16xi32>, vector<16xi32>], vector<16xf32>,
      %parallel_loop3A_88 = arith.index_cast %parallel_loop3A_10 : i32 to index
      %parallel_loop3A_89 = arith.constant 64 : index
      %parallel_loop3A_90 = tpu.vector_load %arg13[%parallel_loop3A_88, %parallel_loop3A_89] {strides = array<i32>} : memref<32x128xf32, #tpu.memory_space<vmem>>, vector<16xf32>,
      tpu.vector_store %arg13[%parallel_loop3A_88, %parallel_loop3A_89], %parallel_loop3A_87 {strides = array<i32>} : memref<32x128xf32, #tpu.memory_space<vmem>>, vector<16xf32>,
      %parallel_loop3A_91 = tpu.vector_load_idx %arg11[%parallel_loop3A_82, %parallel_loop3A_14] : memref<128x32xf32, #tpu.memory_space<vmem>>[vector<16xi32>, vector<16xi32>], vector<16xf32>,
      %parallel_loop3A_92 = arith.index_cast %parallel_loop3A_10 : i32 to index
      %parallel_loop3A_93 = arith.constant 64 : index
      %parallel_loop3A_94 = tpu.vector_load %arg14[%parallel_loop3A_92, %parallel_loop3A_93] {strides = array<i32>} : memref<32x128xf32, #tpu.memory_space<vmem>>, vector<16xf32>,
      tpu.vector_store %arg14[%parallel_loop3A_92, %parallel_loop3A_93], %parallel_loop3A_91 {strides = array<i32>} : memref<32x128xf32, #tpu.memory_space<vmem>>, vector<16xf32>,
      %parallel_loop3A_95 = tpu.iota {dimensions = array<i32: 0>} : vector<16xi32>
      %parallel_loop3A_96 = arith.constant 80 : i32
      %parallel_loop3A_97 = vector.broadcast %parallel_loop3A_96 : i32 to vector<16xi32>
      %parallel_loop3A_98 = arith.addi %parallel_loop3A_95, %parallel_loop3A_97 : vector<16xi32>
      %parallel_loop3A_99 = tpu.vector_load_idx %arg9[%parallel_loop3A_98, %parallel_loop3A_14] : memref<128x32xf32, #tpu.memory_space<vmem>>[vector<16xi32>, vector<16xi32>], vector<16xf32>,
      %parallel_loop3A_100 = arith.index_cast %parallel_loop3A_10 : i32 to index
      %parallel_loop3A_101 = arith.constant 80 : index
      %parallel_loop3A_102 = tpu.vector_load %arg12[%parallel_loop3A_100, %parallel_loop3A_101] {strides = array<i32>} : memref<32x128xf32, #tpu.memory_space<vmem>>, vector<16xf32>,
      tpu.vector_store %arg12[%parallel_loop3A_100, %parallel_loop3A_101], %parallel_loop3A_99 {strides = array<i32>} : memref<32x128xf32, #tpu.memory_space<vmem>>, vector<16xf32>,
      %parallel_loop3A_103 = tpu.vector_load_idx %arg10[%parallel_loop3A_98, %parallel_loop3A_14] : memref<128x32xf32, #tpu.memory_space<vmem>>[vector<16xi32>, vector<16xi32>], vector<16xf32>,
      %parallel_loop3A_104 = arith.index_cast %parallel_loop3A_10 : i32 to index
      %parallel_loop3A_105 = arith.constant 80 : index
      %parallel_loop3A_106 = tpu.vector_load %arg13[%parallel_loop3A_104, %parallel_loop3A_105] {strides = array<i32>} : memref<32x128xf32, #tpu.memory_space<vmem>>, vector<16xf32>,
      tpu.vector_store %arg13[%parallel_loop3A_104, %parallel_loop3A_105], %parallel_loop3A_103 {strides = array<i32>} : memref<32x128xf32, #tpu.memory_space<vmem>>, vector<16xf32>,
      %parallel_loop3A_107 = tpu.vector_load_idx %arg11[%parallel_loop3A_98, %parallel_loop3A_14] : memref<128x32xf32, #tpu.memory_space<vmem>>[vector<16xi32>, vector<16xi32>], vector<16xf32>,
      %parallel_loop3A_108 = arith.index_cast %parallel_loop3A_10 : i32 to index
      %parallel_loop3A_109 = arith.constant 80 : index
      %parallel_loop3A_110 = tpu.vector_load %arg14[%parallel_loop3A_108, %parallel_loop3A_109] {strides = array<i32>} : memref<32x128xf32, #tpu.memory_space<vmem>>, vector<16xf32>,
      tpu.vector_store %arg14[%parallel_loop3A_108, %parallel_loop3A_109], %parallel_loop3A_107 {strides = array<i32>} : memref<32x128xf32, #tpu.memory_space<vmem>>, vector<16xf32>,
      %parallel_loop3A_111 = tpu.iota {dimensions = array<i32: 0>} : vector<16xi32>
      %parallel_loop3A_112 = arith.constant 96 : i32
      %parallel_loop3A_113 = vector.broadcast %parallel_loop3A_112 : i32 to vector<16xi32>
      %parallel_loop3A_114 = arith.addi %parallel_loop3A_111, %parallel_loop3A_113 : vector<16xi32>
      %parallel_loop3A_115 = tpu.vector_load_idx %arg9[%parallel_loop3A_114, %parallel_loop3A_14] : memref<128x32xf32, #tpu.memory_space<vmem>>[vector<16xi32>, vector<16xi32>], vector<16xf32>,
      %parallel_loop3A_116 = arith.index_cast %parallel_loop3A_10 : i32 to index
      %parallel_loop3A_117 = arith.constant 96 : index
      %parallel_loop3A_118 = tpu.vector_load %arg12[%parallel_loop3A_116, %parallel_loop3A_117] {strides = array<i32>} : memref<32x128xf32, #tpu.memory_space<vmem>>, vector<16xf32>,
      tpu.vector_store %arg12[%parallel_loop3A_116, %parallel_loop3A_117], %parallel_loop3A_115 {strides = array<i32>} : memref<32x128xf32, #tpu.memory_space<vmem>>, vector<16xf32>,
      %parallel_loop3A_119 = tpu.vector_load_idx %arg10[%parallel_loop3A_114, %parallel_loop3A_14] : memref<128x32xf32, #tpu.memory_space<vmem>>[vector<16xi32>, vector<16xi32>], vector<16xf32>,
      %parallel_loop3A_120 = arith.index_cast %parallel_loop3A_10 : i32 to index
      %parallel_loop3A_121 = arith.constant 96 : index
      %parallel_loop3A_122 = tpu.vector_load %arg13[%parallel_loop3A_120, %parallel_loop3A_121] {strides = array<i32>} : memref<32x128xf32, #tpu.memory_space<vmem>>, vector<16xf32>,
      tpu.vector_store %arg13[%parallel_loop3A_120, %parallel_loop3A_121], %parallel_loop3A_119 {strides = array<i32>} : memref<32x128xf32, #tpu.memory_space<vmem>>, vector<16xf32>,
      %parallel_loop3A_123 = tpu.vector_load_idx %arg11[%parallel_loop3A_114, %parallel_loop3A_14] : memref<128x32xf32, #tpu.memory_space<vmem>>[vector<16xi32>, vector<16xi32>], vector<16xf32>,
      %parallel_loop3A_124 = arith.index_cast %parallel_loop3A_10 : i32 to index
      %parallel_loop3A_125 = arith.constant 96 : index
      %parallel_loop3A_126 = tpu.vector_load %arg14[%parallel_loop3A_124, %parallel_loop3A_125] {strides = array<i32>} : memref<32x128xf32, #tpu.memory_space<vmem>>, vector<16xf32>,
      tpu.vector_store %arg14[%parallel_loop3A_124, %parallel_loop3A_125], %parallel_loop3A_123 {strides = array<i32>} : memref<32x128xf32, #tpu.memory_space<vmem>>, vector<16xf32>,
      %parallel_loop3A_127 = tpu.iota {dimensions = array<i32: 0>} : vector<16xi32>
      %parallel_loop3A_128 = arith.constant 112 : i32
      %parallel_loop3A_129 = vector.broadcast %parallel_loop3A_128 : i32 to vector<16xi32>
      %parallel_loop3A_130 = arith.addi %parallel_loop3A_127, %parallel_loop3A_129 : vector<16xi32>
      %parallel_loop3A_131 = tpu.vector_load_idx %arg9[%parallel_loop3A_130, %parallel_loop3A_14] : memref<128x32xf32, #tpu.memory_space<vmem>>[vector<16xi32>, vector<16xi32>], vector<16xf32>,
      %parallel_loop3A_132 = arith.index_cast %parallel_loop3A_10 : i32 to index
      %parallel_loop3A_133 = arith.constant 112 : index
      %parallel_loop3A_134 = tpu.vector_load %arg12[%parallel_loop3A_132, %parallel_loop3A_133] {strides = array<i32>} : memref<32x128xf32, #tpu.memory_space<vmem>>, vector<16xf32>,
      tpu.vector_store %arg12[%parallel_loop3A_132, %parallel_loop3A_133], %parallel_loop3A_131 {strides = array<i32>} : memref<32x128xf32, #tpu.memory_space<vmem>>, vector<16xf32>,
      %parallel_loop3A_135 = tpu.vector_load_idx %arg10[%parallel_loop3A_130, %parallel_loop3A_14] : memref<128x32xf32, #tpu.memory_space<vmem>>[vector<16xi32>, vector<16xi32>], vector<16xf32>,
      %parallel_loop3A_136 = arith.index_cast %parallel_loop3A_10 : i32 to index
      %parallel_loop3A_137 = arith.constant 112 : index
      %parallel_loop3A_138 = tpu.vector_load %arg13[%parallel_loop3A_136, %parallel_loop3A_137] {strides = array<i32>} : memref<32x128xf32, #tpu.memory_space<vmem>>, vector<16xf32>,
      tpu.vector_store %arg13[%parallel_loop3A_136, %parallel_loop3A_137], %parallel_loop3A_135 {strides = array<i32>} : memref<32x128xf32, #tpu.memory_space<vmem>>, vector<16xf32>,
      %parallel_loop3A_139 = tpu.vector_load_idx %arg11[%parallel_loop3A_130, %parallel_loop3A_14] : memref<128x32xf32, #tpu.memory_space<vmem>>[vector<16xi32>, vector<16xi32>], vector<16xf32>,
      %parallel_loop3A_140 = arith.index_cast %parallel_loop3A_10 : i32 to index
      %parallel_loop3A_141 = arith.constant 112 : index
      %parallel_loop3A_142 = tpu.vector_load %arg14[%parallel_loop3A_140, %parallel_loop3A_141] {strides = array<i32>} : memref<32x128xf32, #tpu.memory_space<vmem>>, vector<16xf32>,
      tpu.vector_store %arg14[%parallel_loop3A_140, %parallel_loop3A_141], %parallel_loop3A_139 {strides = array<i32>} : memref<32x128xf32, #tpu.memory_space<vmem>>, vector<16xf32>,
    } {sc.loop_unroll_factor = 2 : i64, sc.parallel_access}
    "tpu.region"() ({
      %run_scoped3A = tpu.sem_alloc : memref<!tpu.dma_semaphore, #tpu.memory_space<semaphore_mem>>
      %dma_start3A = arith.constant 0 : i32
      %dma_start3A_10 = tpu.memref_slice %arg4[%dma_start3A, %mul3A_2] : memref<32x2048xf32, #tpu.memory_space<hbm>> -> memref<32x128xf32, #tpu.memory_space<hbm>>
      %dma_start3A_11 = arith.constant 0 : i32
      %dma_start3A_12 = tpu.memref_slice %arg4[%dma_start3A_11, %mul3A_2] : memref<32x2048xf32, #tpu.memory_space<hbm>> -> memref<32x128xf32, #tpu.memory_space<hbm>>
      tpu.enqueue_dma source(%arg12 : memref<32x128xf32, #tpu.memory_space<vmem>>) target(%dma_start3A_12 : memref<32x128xf32, #tpu.memory_space<hbm>>) target_semaphore(%run_scoped3A : memref<!tpu.dma_semaphore, #tpu.memory_space<semaphore_mem>>)
      %dma_wait3A = arith.constant 0 : i32
      %dma_wait3A_13 = tpu.memref_slice %arg4[%dma_wait3A, %mul3A_2] : memref<32x2048xf32, #tpu.memory_space<hbm>> -> memref<32x128xf32, #tpu.memory_space<hbm>>
      %dma_wait3A_14 = arith.constant 0 : i32
      %dma_wait3A_15 = tpu.memref_slice %arg4[%dma_wait3A_14, %mul3A_2] : memref<32x2048xf32, #tpu.memory_space<hbm>> -> memref<32x128xf32, #tpu.memory_space<hbm>>
      tpu.wait_dma2 semaphore(%run_scoped3A : memref<!tpu.dma_semaphore, #tpu.memory_space<semaphore_mem>>) src(%arg12 : memref<32x128xf32, #tpu.memory_space<vmem>>) dst(%dma_wait3A_15 : memref<32x128xf32, #tpu.memory_space<hbm>>)
      tpu.yield
    }) : () -> ()
    "tpu.region"() ({
      %run_scoped3A = tpu.sem_alloc : memref<!tpu.dma_semaphore, #tpu.memory_space<semaphore_mem>>
      %dma_start3A = arith.constant 0 : i32
      %dma_start3A_10 = tpu.memref_slice %arg5[%dma_start3A, %mul3A_2] : memref<32x2048xf32, #tpu.memory_space<hbm>> -> memref<32x128xf32, #tpu.memory_space<hbm>>
      %dma_start3A_11 = arith.constant 0 : i32
      %dma_start3A_12 = tpu.memref_slice %arg5[%dma_start3A_11, %mul3A_2] : memref<32x2048xf32, #tpu.memory_space<hbm>> -> memref<32x128xf32, #tpu.memory_space<hbm>>
      tpu.enqueue_dma source(%arg13 : memref<32x128xf32, #tpu.memory_space<vmem>>) target(%dma_start3A_12 : memref<32x128xf32, #tpu.memory_space<hbm>>) target_semaphore(%run_scoped3A : memref<!tpu.dma_semaphore, #tpu.memory_space<semaphore_mem>>)
      %dma_wait3A = arith.constant 0 : i32
      %dma_wait3A_13 = tpu.memref_slice %arg5[%dma_wait3A, %mul3A_2] : memref<32x2048xf32, #tpu.memory_space<hbm>> -> memref<32x128xf32, #tpu.memory_space<hbm>>
      %dma_wait3A_14 = arith.constant 0 : i32
      %dma_wait3A_15 = tpu.memref_slice %arg5[%dma_wait3A_14, %mul3A_2] : memref<32x2048xf32, #tpu.memory_space<hbm>> -> memref<32x128xf32, #tpu.memory_space<hbm>>
      tpu.wait_dma2 semaphore(%run_scoped3A : memref<!tpu.dma_semaphore, #tpu.memory_space<semaphore_mem>>) src(%arg13 : memref<32x128xf32, #tpu.memory_space<vmem>>) dst(%dma_wait3A_15 : memref<32x128xf32, #tpu.memory_space<hbm>>)
      tpu.yield
    }) : () -> ()
    "tpu.region"() ({
      %run_scoped3A = tpu.sem_alloc : memref<!tpu.dma_semaphore, #tpu.memory_space<semaphore_mem>>
      %dma_start3A = arith.constant 0 : i32
      %dma_start3A_10 = tpu.memref_slice %arg6[%dma_start3A, %mul3A_2] : memref<32x2048xf32, #tpu.memory_space<hbm>> -> memref<32x128xf32, #tpu.memory_space<hbm>>
      %dma_start3A_11 = arith.constant 0 : i32
      %dma_start3A_12 = tpu.memref_slice %arg6[%dma_start3A_11, %mul3A_2] : memref<32x2048xf32, #tpu.memory_space<hbm>> -> memref<32x128xf32, #tpu.memory_space<hbm>>
      tpu.enqueue_dma source(%arg14 : memref<32x128xf32, #tpu.memory_space<vmem>>) target(%dma_start3A_12 : memref<32x128xf32, #tpu.memory_space<hbm>>) target_semaphore(%run_scoped3A : memref<!tpu.dma_semaphore, #tpu.memory_space<semaphore_mem>>)
      %dma_wait3A = arith.constant 0 : i32
      %dma_wait3A_13 = tpu.memref_slice %arg6[%dma_wait3A, %mul3A_2] : memref<32x2048xf32, #tpu.memory_space<hbm>> -> memref<32x128xf32, #tpu.memory_space<hbm>>
      %dma_wait3A_14 = arith.constant 0 : i32
      %dma_wait3A_15 = tpu.memref_slice %arg6[%dma_wait3A_14, %mul3A_2] : memref<32x2048xf32, #tpu.memory_space<hbm>> -> memref<32x128xf32, #tpu.memory_space<hbm>>
      tpu.wait_dma2 semaphore(%run_scoped3A : memref<!tpu.dma_semaphore, #tpu.memory_space<semaphore_mem>>) src(%arg14 : memref<32x128xf32, #tpu.memory_space<vmem>>) dst(%dma_wait3A_15 : memref<32x128xf32, #tpu.memory_space<hbm>>)
      tpu.yield
    }) : () -> ()
    return
  }
}

module attributes {stable_mosaic.version = 14 : i64} {
  func.func @_body(%arg0: i32, %arg1: memref<4x128xf32, #tpu.memory_space<vmem>>, %arg2: memref<1632x4x128xf32, #tpu.memory_space<vmem>>, %arg3: memref<1632x4x128xf32, #tpu.memory_space<vmem>>, %arg4: memref<1632x4x128xf32, #tpu.memory_space<vmem>>) attributes {dimension_semantics = [#tpu.dimension_semantics<arbitrary>], iteration_bounds = array<i64: 16>, scalar_prefetch = 0 : i64, scratch_operands = 0 : i64, tpu.core_type = #tpu.core_type<tc>, window_params = [{transform_indices = @transform_0, window_bounds = array<i64: 4, 128>}, {transform_indices = @transform_1, window_bounds = array<i64: 1632, 4, 128>}, {transform_indices = @transform_2, window_bounds = array<i64: 1632, 4, 128>}, {transform_indices = @transform_3, window_bounds = array<i64: 1632, 4, 128>}]} {
    %get3A = arith.constant 0 : index
    %get3A_0 = arith.constant 0 : index
    %get3A_1 = vector.load %arg1[%get3A, %get3A_0] : memref<4x128xf32, #tpu.memory_space<vmem>>, vector<4x128xf32>
    %mul3A = arith.constant 5.000000e+01 : f32
    %mul3A_2 = vector.broadcast %mul3A : f32 to vector<4x128xf32>
    %mul3A_3 = arith.mulf %mul3A_2, %get3A_1 : vector<4x128xf32>
    %div3A = arith.constant 5.000000e+00 : f32
    %div3A_4 = vector.broadcast %div3A : f32 to vector<4x128xf32>
    %div3A_5 = arith.divf %mul3A_3, %div3A_4 : vector<4x128xf32>
    %floor3A = math.floor %div3A_5 : vector<4x128xf32>
    %jit3A = arith.constant 0 : i32
    %jit3A_6 = arith.constant 9 : i32
    %convert_element_type3A = arith.sitofp %jit3A : i32 to f32
    %max3A = vector.broadcast %convert_element_type3A : f32 to vector<4x128xf32>
    %max3A_7 = arith.maximumf %max3A, %floor3A : vector<4x128xf32>
    %convert_element_type3A_8 = arith.sitofp %jit3A_6 : i32 to f32
    %min3A = vector.broadcast %convert_element_type3A_8 : f32 to vector<4x128xf32>
    %min3A_9 = arith.minimumf %min3A, %max3A_7 : vector<4x128xf32>
    %mul3A_10 = arith.constant 5.000000e+00 : f32
    %mul3A_11 = vector.broadcast %mul3A_10 : f32 to vector<4x128xf32>
    %mul3A_12 = arith.mulf %min3A_9, %mul3A_11 : vector<4x128xf32>
    %sub3A = arith.subf %mul3A_3, %mul3A_12 : vector<4x128xf32>
    %mul3A_13 = arith.constant 2.000000e+00 : f32
    %mul3A_14 = vector.broadcast %mul3A_13 : f32 to vector<4x128xf32>
    %mul3A_15 = arith.mulf %mul3A_14, %sub3A : vector<4x128xf32>
    %div3A_16 = arith.constant 5.000000e+00 : f32
    %div3A_17 = vector.broadcast %div3A_16 : f32 to vector<4x128xf32>
    %div3A_18 = arith.divf %mul3A_15, %div3A_17 : vector<4x128xf32>
    %sub3A_19 = arith.constant 1.000000e+00 : f32
    %sub3A_20 = vector.broadcast %sub3A_19 : f32 to vector<4x128xf32>
    %sub3A_21 = arith.subf %div3A_18, %sub3A_20 : vector<4x128xf32>
    %iota3A = tpu.iota {dimensions = array<i32: 0>} : vector<204x128xi32>
    %jit3A_22 = arith.constant 4 : i32
    %div3A_23 = vector.broadcast %jit3A_22 : i32 to vector<204x128xi32>
    %div3A_24 = arith.divsi %iota3A, %div3A_23 : vector<204x128xi32>
    %sign3A = arith.constant 0 : i32
    %sign3A_25 = vector.broadcast %sign3A : i32 to vector<204x128xi32>
    %sign3A_26 = arith.cmpi sgt, %iota3A, %sign3A_25 : vector<204x128xi32>
    %sign3A_27 = arith.extui %sign3A_26 : vector<204x128xi1> to vector<204x128xi32>
    %sign3A_28 = arith.constant 0 : i32
    %sign3A_29 = vector.broadcast %sign3A_28 : i32 to vector<204x128xi32>
    %sign3A_30 = arith.cmpi slt, %iota3A, %sign3A_29 : vector<204x128xi32>
    %sign3A_31 = arith.extui %sign3A_30 : vector<204x128xi1> to vector<204x128xi32>
    %sign3A_32 = arith.subi %sign3A_27, %sign3A_31 : vector<204x128xi32>
    %sign3A_33 = arith.constant 0 : i32
    %sign3A_34 = arith.cmpi sgt, %jit3A_22, %sign3A_33 : i32
    %sign3A_35 = arith.extui %sign3A_34 : i1 to i32
    %sign3A_36 = arith.constant 0 : i32
    %sign3A_37 = arith.cmpi slt, %jit3A_22, %sign3A_36 : i32
    %sign3A_38 = arith.extui %sign3A_37 : i1 to i32
    %sign3A_39 = arith.subi %sign3A_35, %sign3A_38 : i32
    %ne3A = vector.broadcast %sign3A_39 : i32 to vector<204x128xi32>
    %ne3A_40 = arith.cmpi ne, %sign3A_32, %ne3A : vector<204x128xi32>
    %rem3A = vector.broadcast %jit3A_22 : i32 to vector<204x128xi32>
    %rem3A_41 = arith.remsi %iota3A, %rem3A : vector<204x128xi32>
    %ne3A_42 = arith.constant 0 : i32
    %ne3A_43 = vector.broadcast %ne3A_42 : i32 to vector<204x128xi32>
    %ne3A_44 = arith.cmpi ne, %rem3A_41, %ne3A_43 : vector<204x128xi32>
    %and3A = arith.andi %ne3A_40, %ne3A_44 : vector<204x128xi1>
    %sub3A_45 = arith.constant 1 : i32
    %sub3A_46 = vector.broadcast %sub3A_45 : i32 to vector<204x128xi32>
    %sub3A_47 = arith.subi %div3A_24, %sub3A_46 : vector<204x128xi32>
    %select_n3A = arith.select %and3A, %sub3A_47, %div3A_24 : vector<204x128xi1>, vector<204x128xi32>
    %mul3A_48 = arith.constant 4 : i32
    %mul3A_49 = vector.broadcast %mul3A_48 : i32 to vector<204x128xi32>
    %mul3A_50 = arith.muli %select_n3A, %mul3A_49 : vector<204x128xi32>
    %sub3A_51 = arith.subi %iota3A, %mul3A_50 : vector<204x128xi32>
    %eq3A = arith.constant 0 : i32
    %eq3A_52 = vector.broadcast %eq3A : i32 to vector<204x128xi32>
    %eq3A_53 = arith.cmpi eq, %sub3A_51, %eq3A_52 : vector<204x128xi32>
    %slice3A = vector.extract_strided_slice %sub3A_21 {offsets = [0, 0], sizes = [1, 128], strides = [1, 1]} : vector<4x128xf32> to vector<1x128xf32>
    %eq3A_54 = arith.constant 1 : i32
    %eq3A_55 = vector.broadcast %eq3A_54 : i32 to vector<204x128xi32>
    %eq3A_56 = arith.cmpi eq, %sub3A_51, %eq3A_55 : vector<204x128xi32>
    %slice3A_57 = vector.extract_strided_slice %sub3A_21 {offsets = [1, 0], sizes = [1, 128], strides = [1, 1]} : vector<4x128xf32> to vector<1x128xf32>
    %eq3A_58 = arith.constant 2 : i32
    %eq3A_59 = vector.broadcast %eq3A_58 : i32 to vector<204x128xi32>
    %eq3A_60 = arith.cmpi eq, %sub3A_51, %eq3A_59 : vector<204x128xi32>
    %slice3A_61 = vector.extract_strided_slice %sub3A_21 {offsets = [2, 0], sizes = [1, 128], strides = [1, 1]} : vector<4x128xf32> to vector<1x128xf32>
    %slice3A_62 = vector.extract_strided_slice %sub3A_21 {offsets = [3, 0], sizes = [1, 128], strides = [1, 1]} : vector<4x128xf32> to vector<1x128xf32>
    %broadcast_in_dim3A = vector.shape_cast %slice3A_61 : vector<1x128xf32> to vector<1x128xf32>
    %broadcast_in_dim3A_63 = vector.broadcast %broadcast_in_dim3A : vector<1x128xf32> to vector<204x128xf32>
    %broadcast_in_dim3A_64 = vector.shape_cast %slice3A_62 : vector<1x128xf32> to vector<1x128xf32>
    %broadcast_in_dim3A_65 = vector.broadcast %broadcast_in_dim3A_64 : vector<1x128xf32> to vector<204x128xf32>
    %select_n3A_66 = arith.select %eq3A_60, %broadcast_in_dim3A_63, %broadcast_in_dim3A_65 : vector<204x128xi1>, vector<204x128xf32>
    %broadcast_in_dim3A_67 = vector.shape_cast %slice3A_57 : vector<1x128xf32> to vector<1x128xf32>
    %broadcast_in_dim3A_68 = vector.broadcast %broadcast_in_dim3A_67 : vector<1x128xf32> to vector<204x128xf32>
    %select_n3A_69 = arith.select %eq3A_56, %broadcast_in_dim3A_68, %select_n3A_66 : vector<204x128xi1>, vector<204x128xf32>
    %broadcast_in_dim3A_70 = vector.shape_cast %slice3A : vector<1x128xf32> to vector<1x128xf32>
    %broadcast_in_dim3A_71 = vector.broadcast %broadcast_in_dim3A_70 : vector<1x128xf32> to vector<204x128xf32>
    %select_n3A_72 = arith.select %eq3A_53, %broadcast_in_dim3A_71, %select_n3A_69 : vector<204x128xi1>, vector<204x128xf32>
    %eq3A_73 = arith.constant 0 : i32
    %eq3A_74 = vector.broadcast %eq3A_73 : i32 to vector<204x128xi32>
    %eq3A_75 = arith.cmpi eq, %sub3A_51, %eq3A_74 : vector<204x128xi32>
    %slice3A_76 = vector.extract_strided_slice %mul3A_12 {offsets = [0, 0], sizes = [1, 128], strides = [1, 1]} : vector<4x128xf32> to vector<1x128xf32>
    %eq3A_77 = arith.constant 1 : i32
    %eq3A_78 = vector.broadcast %eq3A_77 : i32 to vector<204x128xi32>
    %eq3A_79 = arith.cmpi eq, %sub3A_51, %eq3A_78 : vector<204x128xi32>
    %slice3A_80 = vector.extract_strided_slice %mul3A_12 {offsets = [1, 0], sizes = [1, 128], strides = [1, 1]} : vector<4x128xf32> to vector<1x128xf32>
    %eq3A_81 = arith.constant 2 : i32
    %eq3A_82 = vector.broadcast %eq3A_81 : i32 to vector<204x128xi32>
    %eq3A_83 = arith.cmpi eq, %sub3A_51, %eq3A_82 : vector<204x128xi32>
    %slice3A_84 = vector.extract_strided_slice %mul3A_12 {offsets = [2, 0], sizes = [1, 128], strides = [1, 1]} : vector<4x128xf32> to vector<1x128xf32>
    %slice3A_85 = vector.extract_strided_slice %mul3A_12 {offsets = [3, 0], sizes = [1, 128], strides = [1, 1]} : vector<4x128xf32> to vector<1x128xf32>
    %broadcast_in_dim3A_86 = vector.shape_cast %slice3A_84 : vector<1x128xf32> to vector<1x128xf32>
    %broadcast_in_dim3A_87 = vector.broadcast %broadcast_in_dim3A_86 : vector<1x128xf32> to vector<204x128xf32>
    %broadcast_in_dim3A_88 = vector.shape_cast %slice3A_85 : vector<1x128xf32> to vector<1x128xf32>
    %broadcast_in_dim3A_89 = vector.broadcast %broadcast_in_dim3A_88 : vector<1x128xf32> to vector<204x128xf32>
    %select_n3A_90 = arith.select %eq3A_83, %broadcast_in_dim3A_87, %broadcast_in_dim3A_89 : vector<204x128xi1>, vector<204x128xf32>
    %broadcast_in_dim3A_91 = vector.shape_cast %slice3A_80 : vector<1x128xf32> to vector<1x128xf32>
    %broadcast_in_dim3A_92 = vector.broadcast %broadcast_in_dim3A_91 : vector<1x128xf32> to vector<204x128xf32>
    %select_n3A_93 = arith.select %eq3A_79, %broadcast_in_dim3A_92, %select_n3A_90 : vector<204x128xi1>, vector<204x128xf32>
    %broadcast_in_dim3A_94 = vector.shape_cast %slice3A_76 : vector<1x128xf32> to vector<1x128xf32>
    %broadcast_in_dim3A_95 = vector.broadcast %broadcast_in_dim3A_94 : vector<1x128xf32> to vector<204x128xf32>
    %select_n3A_96 = arith.select %eq3A_75, %broadcast_in_dim3A_95, %select_n3A_93 : vector<204x128xi1>, vector<204x128xf32>
    %convert_element_type3A_97 = arith.fptosi %select_n3A_96 : vector<204x128xf32> to vector<204x128xi32>
    %sub3A_98 = arith.subi %select_n3A, %convert_element_type3A_97 : vector<204x128xi32>
    %broadcast_in_dim3A_99 = arith.constant 0.000000e+00 : f32
    %broadcast_in_dim3A_100 = vector.broadcast %broadcast_in_dim3A_99 : f32 to vector<204x128xf32>
    %broadcast_in_dim3A_101 = arith.constant 0.000000e+00 : f32
    %broadcast_in_dim3A_102 = vector.broadcast %broadcast_in_dim3A_101 : f32 to vector<204x128xf32>
    %broadcast_in_dim3A_103 = arith.constant 0.000000e+00 : f32
    %broadcast_in_dim3A_104 = vector.broadcast %broadcast_in_dim3A_103 : f32 to vector<204x128xf32>
    %eq3A_105 = arith.constant 0 : i32
    %eq3A_106 = vector.broadcast %eq3A_105 : i32 to vector<204x128xi32>
    %eq3A_107 = arith.cmpi eq, %sub3A_98, %eq3A_106 : vector<204x128xi32>
    %broadcast_in_dim3A_108 = arith.constant -0.813802063 : f32
    %broadcast_in_dim3A_109 = vector.broadcast %broadcast_in_dim3A_108 : f32 to vector<204x128xf32>
    %mul3A_110 = arith.mulf %broadcast_in_dim3A_109, %select_n3A_72 : vector<204x128xf32>
    %add3A = arith.constant 0.813802063 : f32
    %add3A_111 = vector.broadcast %add3A : f32 to vector<204x128xf32>
    %add3A_112 = arith.addf %mul3A_110, %add3A_111 : vector<204x128xf32>
    %mul3A_113 = arith.mulf %add3A_112, %select_n3A_72 : vector<204x128xf32>
    %add3A_114 = arith.constant 0.325520843 : f32
    %add3A_115 = vector.broadcast %add3A_114 : f32 to vector<204x128xf32>
    %add3A_116 = arith.addf %mul3A_113, %add3A_115 : vector<204x128xf32>
    %mul3A_117 = arith.mulf %add3A_116, %select_n3A_72 : vector<204x128xf32>
    %add3A_118 = arith.constant -0.325520843 : f32
    %add3A_119 = vector.broadcast %add3A_118 : f32 to vector<204x128xf32>
    %add3A_120 = arith.addf %mul3A_117, %add3A_119 : vector<204x128xf32>
    %mul3A_121 = arith.mulf %add3A_120, %select_n3A_72 : vector<204x128xf32>
    %add3A_122 = arith.constant -0.01171875 : f32
    %add3A_123 = vector.broadcast %add3A_122 : f32 to vector<204x128xf32>
    %add3A_124 = arith.addf %mul3A_121, %add3A_123 : vector<204x128xf32>
    %mul3A_125 = arith.mulf %add3A_124, %select_n3A_72 : vector<204x128xf32>
    %add3A_126 = arith.constant 0.01171875 : f32
    %add3A_127 = vector.broadcast %add3A_126 : f32 to vector<204x128xf32>
    %add3A_128 = arith.addf %mul3A_125, %add3A_127 : vector<204x128xf32>
    %select_n3A_129 = arith.select %eq3A_107, %add3A_128, %broadcast_in_dim3A_100 : vector<204x128xi1>, vector<204x128xf32>
    %broadcast_in_dim3A_130 = arith.constant -81.3802109 : f32
    %broadcast_in_dim3A_131 = vector.broadcast %broadcast_in_dim3A_130 : f32 to vector<204x128xf32>
    %mul3A_132 = arith.mulf %broadcast_in_dim3A_131, %select_n3A_72 : vector<204x128xf32>
    %add3A_133 = arith.constant 65.1041641 : f32
    %add3A_134 = vector.broadcast %add3A_133 : f32 to vector<204x128xf32>
    %add3A_135 = arith.addf %mul3A_132, %add3A_134 : vector<204x128xf32>
    %mul3A_136 = arith.mulf %add3A_135, %select_n3A_72 : vector<204x128xf32>
    %add3A_137 = arith.constant 19.53125 : f32
    %add3A_138 = vector.broadcast %add3A_137 : f32 to vector<204x128xf32>
    %add3A_139 = arith.addf %mul3A_136, %add3A_138 : vector<204x128xf32>
    %mul3A_140 = arith.mulf %add3A_139, %select_n3A_72 : vector<204x128xf32>
    %add3A_141 = arith.constant -13.020833 : f32
    %add3A_142 = vector.broadcast %add3A_141 : f32 to vector<204x128xf32>
    %add3A_143 = arith.addf %mul3A_140, %add3A_142 : vector<204x128xf32>
    %mul3A_144 = arith.mulf %add3A_143, %select_n3A_72 : vector<204x128xf32>
    %add3A_145 = arith.constant -2.343750e-01 : f32
    %add3A_146 = vector.broadcast %add3A_145 : f32 to vector<204x128xf32>
    %add3A_147 = arith.addf %mul3A_144, %add3A_146 : vector<204x128xf32>
    %select_n3A_148 = arith.select %eq3A_107, %add3A_147, %broadcast_in_dim3A_102 : vector<204x128xi1>, vector<204x128xf32>
    %broadcast_in_dim3A_149 = arith.constant -6510.4165 : f32
    %broadcast_in_dim3A_150 = vector.broadcast %broadcast_in_dim3A_149 : f32 to vector<204x128xf32>
    %mul3A_151 = arith.mulf %broadcast_in_dim3A_150, %select_n3A_72 : vector<204x128xf32>
    %add3A_152 = arith.constant 3.906250e+03 : f32
    %add3A_153 = vector.broadcast %add3A_152 : f32 to vector<204x128xf32>
    %add3A_154 = arith.addf %mul3A_151, %add3A_153 : vector<204x128xf32>
    %mul3A_155 = arith.mulf %add3A_154, %select_n3A_72 : vector<204x128xf32>
    %add3A_156 = arith.constant 7.812500e+02 : f32
    %add3A_157 = vector.broadcast %add3A_156 : f32 to vector<204x128xf32>
    %add3A_158 = arith.addf %mul3A_155, %add3A_157 : vector<204x128xf32>
    %mul3A_159 = arith.mulf %add3A_158, %select_n3A_72 : vector<204x128xf32>
    %add3A_160 = arith.constant -260.416656 : f32
    %add3A_161 = vector.broadcast %add3A_160 : f32 to vector<204x128xf32>
    %add3A_162 = arith.addf %mul3A_159, %add3A_161 : vector<204x128xf32>
    %select_n3A_163 = arith.select %eq3A_107, %add3A_162, %broadcast_in_dim3A_104 : vector<204x128xi1>, vector<204x128xf32>
    %eq3A_164 = arith.constant 1 : i32
    %eq3A_165 = vector.broadcast %eq3A_164 : i32 to vector<204x128xi32>
    %eq3A_166 = arith.cmpi eq, %sub3A_98, %eq3A_165 : vector<204x128xi32>
    %broadcast_in_dim3A_167 = arith.constant 4.06901026 : f32
    %broadcast_in_dim3A_168 = vector.broadcast %broadcast_in_dim3A_167 : f32 to vector<204x128xf32>
    %mul3A_169 = arith.mulf %broadcast_in_dim3A_168, %select_n3A_72 : vector<204x128xf32>
    %add3A_170 = arith.constant -2.44140625 : f32
    %add3A_171 = vector.broadcast %add3A_170 : f32 to vector<204x128xf32>
    %add3A_172 = arith.addf %mul3A_169, %add3A_171 : vector<204x128xf32>
    %mul3A_173 = arith.mulf %add3A_172, %select_n3A_72 : vector<204x128xf32>
    %add3A_174 = arith.constant -4.23177099 : f32
    %add3A_175 = vector.broadcast %add3A_174 : f32 to vector<204x128xf32>
    %add3A_176 = arith.addf %mul3A_173, %add3A_175 : vector<204x128xf32>
    %mul3A_177 = arith.mulf %add3A_176, %select_n3A_72 : vector<204x128xf32>
    %add3A_178 = arith.constant 2.5390625 : f32
    %add3A_179 = vector.broadcast %add3A_178 : f32 to vector<204x128xf32>
    %add3A_180 = arith.addf %mul3A_177, %add3A_179 : vector<204x128xf32>
    %mul3A_181 = arith.mulf %add3A_180, %select_n3A_72 : vector<204x128xf32>
    %add3A_182 = arith.constant 0.162760422 : f32
    %add3A_183 = vector.broadcast %add3A_182 : f32 to vector<204x128xf32>
    %add3A_184 = arith.addf %mul3A_181, %add3A_183 : vector<204x128xf32>
    %mul3A_185 = arith.mulf %add3A_184, %select_n3A_72 : vector<204x128xf32>
    %add3A_186 = arith.constant -0.09765625 : f32
    %add3A_187 = vector.broadcast %add3A_186 : f32 to vector<204x128xf32>
    %add3A_188 = arith.addf %mul3A_185, %add3A_187 : vector<204x128xf32>
    %select_n3A_189 = arith.select %eq3A_166, %add3A_188, %select_n3A_129 : vector<204x128xi1>, vector<204x128xf32>
    %broadcast_in_dim3A_190 = arith.constant 406.901031 : f32
    %broadcast_in_dim3A_191 = vector.broadcast %broadcast_in_dim3A_190 : f32 to vector<204x128xf32>
    %mul3A_192 = arith.mulf %broadcast_in_dim3A_191, %select_n3A_72 : vector<204x128xf32>
    %add3A_193 = arith.constant -195.3125 : f32
    %add3A_194 = vector.broadcast %add3A_193 : f32 to vector<204x128xf32>
    %add3A_195 = arith.addf %mul3A_192, %add3A_194 : vector<204x128xf32>
    %mul3A_196 = arith.mulf %add3A_195, %select_n3A_72 : vector<204x128xf32>
    %add3A_197 = arith.constant -253.90625 : f32
    %add3A_198 = vector.broadcast %add3A_197 : f32 to vector<204x128xf32>
    %add3A_199 = arith.addf %mul3A_196, %add3A_198 : vector<204x128xf32>
    %mul3A_200 = arith.mulf %add3A_199, %select_n3A_72 : vector<204x128xf32>
    %add3A_201 = arith.constant 101.5625 : f32
    %add3A_202 = vector.broadcast %add3A_201 : f32 to vector<204x128xf32>
    %add3A_203 = arith.addf %mul3A_200, %add3A_202 : vector<204x128xf32>
    %mul3A_204 = arith.mulf %add3A_203, %select_n3A_72 : vector<204x128xf32>
    %add3A_205 = arith.constant 3.25520825 : f32
    %add3A_206 = vector.broadcast %add3A_205 : f32 to vector<204x128xf32>
    %add3A_207 = arith.addf %mul3A_204, %add3A_206 : vector<204x128xf32>
    %select_n3A_208 = arith.select %eq3A_166, %add3A_207, %select_n3A_148 : vector<204x128xi1>, vector<204x128xf32>
    %broadcast_in_dim3A_209 = arith.constant 32552.084 : f32
    %broadcast_in_dim3A_210 = vector.broadcast %broadcast_in_dim3A_209 : f32 to vector<204x128xf32>
    %mul3A_211 = arith.mulf %broadcast_in_dim3A_210, %select_n3A_72 : vector<204x128xf32>
    %add3A_212 = arith.constant -11718.75 : f32
    %add3A_213 = vector.broadcast %add3A_212 : f32 to vector<204x128xf32>
    %add3A_214 = arith.addf %mul3A_211, %add3A_213 : vector<204x128xf32>
    %mul3A_215 = arith.mulf %add3A_214, %select_n3A_72 : vector<204x128xf32>
    %add3A_216 = arith.constant -10156.25 : f32
    %add3A_217 = vector.broadcast %add3A_216 : f32 to vector<204x128xf32>
    %add3A_218 = arith.addf %mul3A_215, %add3A_217 : vector<204x128xf32>
    %mul3A_219 = arith.mulf %add3A_218, %select_n3A_72 : vector<204x128xf32>
    %add3A_220 = arith.constant 2.031250e+03 : f32
    %add3A_221 = vector.broadcast %add3A_220 : f32 to vector<204x128xf32>
    %add3A_222 = arith.addf %mul3A_219, %add3A_221 : vector<204x128xf32>
    %select_n3A_223 = arith.select %eq3A_166, %add3A_222, %select_n3A_163 : vector<204x128xi1>, vector<204x128xf32>
    %eq3A_224 = arith.constant 2 : i32
    %eq3A_225 = vector.broadcast %eq3A_224 : i32 to vector<204x128xi32>
    %eq3A_226 = arith.cmpi eq, %sub3A_98, %eq3A_225 : vector<204x128xi32>
    %broadcast_in_dim3A_227 = arith.constant -8.13802051 : f32
    %broadcast_in_dim3A_228 = vector.broadcast %broadcast_in_dim3A_227 : f32 to vector<204x128xf32>
    %mul3A_229 = arith.mulf %broadcast_in_dim3A_228, %select_n3A_72 : vector<204x128xf32>
    %add3A_230 = arith.constant 1.62760413 : f32
    %add3A_231 = vector.broadcast %add3A_230 : f32 to vector<204x128xf32>
    %add3A_232 = arith.addf %mul3A_229, %add3A_231 : vector<204x128xf32>
    %mul3A_233 = arith.mulf %add3A_232, %select_n3A_72 : vector<204x128xf32>
    %add3A_234 = arith.constant 11.067708 : f32
    %add3A_235 = vector.broadcast %add3A_234 : f32 to vector<204x128xf32>
    %add3A_236 = arith.addf %mul3A_233, %add3A_235 : vector<204x128xf32>
    %mul3A_237 = arith.mulf %add3A_236, %select_n3A_72 : vector<204x128xf32>
    %add3A_238 = arith.constant -2.21354175 : f32
    %add3A_239 = vector.broadcast %add3A_238 : f32 to vector<204x128xf32>
    %add3A_240 = arith.addf %mul3A_237, %add3A_239 : vector<204x128xf32>
    %mul3A_241 = arith.mulf %add3A_240, %select_n3A_72 : vector<204x128xf32>
    %add3A_242 = arith.constant -2.9296875 : f32
    %add3A_243 = vector.broadcast %add3A_242 : f32 to vector<204x128xf32>
    %add3A_244 = arith.addf %mul3A_241, %add3A_243 : vector<204x128xf32>
    %mul3A_245 = arith.mulf %add3A_244, %select_n3A_72 : vector<204x128xf32>
    %add3A_246 = arith.constant 0.5859375 : f32
    %add3A_247 = vector.broadcast %add3A_246 : f32 to vector<204x128xf32>
    %add3A_248 = arith.addf %mul3A_245, %add3A_247 : vector<204x128xf32>
    %select_n3A_249 = arith.select %eq3A_226, %add3A_248, %select_n3A_189 : vector<204x128xi1>, vector<204x128xf32>
    %broadcast_in_dim3A_250 = arith.constant -813.802062 : f32
    %broadcast_in_dim3A_251 = vector.broadcast %broadcast_in_dim3A_250 : f32 to vector<204x128xf32>
    %mul3A_252 = arith.mulf %broadcast_in_dim3A_251, %select_n3A_72 : vector<204x128xf32>
    %add3A_253 = arith.constant 130.208328 : f32
    %add3A_254 = vector.broadcast %add3A_253 : f32 to vector<204x128xf32>
    %add3A_255 = arith.addf %mul3A_252, %add3A_254 : vector<204x128xf32>
    %mul3A_256 = arith.mulf %add3A_255, %select_n3A_72 : vector<204x128xf32>
    %add3A_257 = arith.constant 664.0625 : f32
    %add3A_258 = vector.broadcast %add3A_257 : f32 to vector<204x128xf32>
    %add3A_259 = arith.addf %mul3A_256, %add3A_258 : vector<204x128xf32>
    %mul3A_260 = arith.mulf %add3A_259, %select_n3A_72 : vector<204x128xf32>
    %add3A_261 = arith.constant -88.5416641 : f32
    %add3A_262 = vector.broadcast %add3A_261 : f32 to vector<204x128xf32>
    %add3A_263 = arith.addf %mul3A_260, %add3A_262 : vector<204x128xf32>
    %mul3A_264 = arith.mulf %add3A_263, %select_n3A_72 : vector<204x128xf32>
    %add3A_265 = arith.constant -58.59375 : f32
    %add3A_266 = vector.broadcast %add3A_265 : f32 to vector<204x128xf32>
    %add3A_267 = arith.addf %mul3A_264, %add3A_266 : vector<204x128xf32>
    %select_n3A_268 = arith.select %eq3A_226, %add3A_267, %select_n3A_208 : vector<204x128xi1>, vector<204x128xf32>
    %broadcast_in_dim3A_269 = arith.constant -65104.168 : f32
    %broadcast_in_dim3A_270 = vector.broadcast %broadcast_in_dim3A_269 : f32 to vector<204x128xf32>
    %mul3A_271 = arith.mulf %broadcast_in_dim3A_270, %select_n3A_72 : vector<204x128xf32>
    %add3A_272 = arith.constant 7.812500e+03 : f32
    %add3A_273 = vector.broadcast %add3A_272 : f32 to vector<204x128xf32>
    %add3A_274 = arith.addf %mul3A_271, %add3A_273 : vector<204x128xf32>
    %mul3A_275 = arith.mulf %add3A_274, %select_n3A_72 : vector<204x128xf32>
    %add3A_276 = arith.constant 2.656250e+04 : f32
    %add3A_277 = vector.broadcast %add3A_276 : f32 to vector<204x128xf32>
    %add3A_278 = arith.addf %mul3A_275, %add3A_277 : vector<204x128xf32>
    %mul3A_279 = arith.mulf %add3A_278, %select_n3A_72 : vector<204x128xf32>
    %add3A_280 = arith.constant -1770.83337 : f32
    %add3A_281 = vector.broadcast %add3A_280 : f32 to vector<204x128xf32>
    %add3A_282 = arith.addf %mul3A_279, %add3A_281 : vector<204x128xf32>
    %select_n3A_283 = arith.select %eq3A_226, %add3A_282, %select_n3A_223 : vector<204x128xi1>, vector<204x128xf32>
    %eq3A_284 = arith.constant 3 : i32
    %eq3A_285 = vector.broadcast %eq3A_284 : i32 to vector<204x128xi32>
    %eq3A_286 = arith.cmpi eq, %sub3A_98, %eq3A_285 : vector<204x128xi32>
    %broadcast_in_dim3A_287 = arith.constant 8.13802051 : f32
    %broadcast_in_dim3A_288 = vector.broadcast %broadcast_in_dim3A_287 : f32 to vector<204x128xf32>
    %mul3A_289 = arith.mulf %broadcast_in_dim3A_288, %select_n3A_72 : vector<204x128xf32>
    %add3A_290 = arith.constant 1.62760413 : f32
    %add3A_291 = vector.broadcast %add3A_290 : f32 to vector<204x128xf32>
    %add3A_292 = arith.addf %mul3A_289, %add3A_291 : vector<204x128xf32>
    %mul3A_293 = arith.mulf %add3A_292, %select_n3A_72 : vector<204x128xf32>
    %add3A_294 = arith.constant -11.067708 : f32
    %add3A_295 = vector.broadcast %add3A_294 : f32 to vector<204x128xf32>
    %add3A_296 = arith.addf %mul3A_293, %add3A_295 : vector<204x128xf32>
    %mul3A_297 = arith.mulf %add3A_296, %select_n3A_72 : vector<204x128xf32>
    %add3A_298 = arith.constant -2.21354175 : f32
    %add3A_299 = vector.broadcast %add3A_298 : f32 to vector<204x128xf32>
    %add3A_300 = arith.addf %mul3A_297, %add3A_299 : vector<204x128xf32>
    %mul3A_301 = arith.mulf %add3A_300, %select_n3A_72 : vector<204x128xf32>
    %add3A_302 = arith.constant 2.9296875 : f32
    %add3A_303 = vector.broadcast %add3A_302 : f32 to vector<204x128xf32>
    %add3A_304 = arith.addf %mul3A_301, %add3A_303 : vector<204x128xf32>
    %mul3A_305 = arith.mulf %add3A_304, %select_n3A_72 : vector<204x128xf32>
    %add3A_306 = arith.constant 0.5859375 : f32
    %add3A_307 = vector.broadcast %add3A_306 : f32 to vector<204x128xf32>
    %add3A_308 = arith.addf %mul3A_305, %add3A_307 : vector<204x128xf32>
    %select_n3A_309 = arith.select %eq3A_286, %add3A_308, %select_n3A_249 : vector<204x128xi1>, vector<204x128xf32>
    %broadcast_in_dim3A_310 = arith.constant 813.802062 : f32
    %broadcast_in_dim3A_311 = vector.broadcast %broadcast_in_dim3A_310 : f32 to vector<204x128xf32>
    %mul3A_312 = arith.mulf %broadcast_in_dim3A_311, %select_n3A_72 : vector<204x128xf32>
    %add3A_313 = arith.constant 130.208328 : f32
    %add3A_314 = vector.broadcast %add3A_313 : f32 to vector<204x128xf32>
    %add3A_315 = arith.addf %mul3A_312, %add3A_314 : vector<204x128xf32>
    %mul3A_316 = arith.mulf %add3A_315, %select_n3A_72 : vector<204x128xf32>
    %add3A_317 = arith.constant -664.0625 : f32
    %add3A_318 = vector.broadcast %add3A_317 : f32 to vector<204x128xf32>
    %add3A_319 = arith.addf %mul3A_316, %add3A_318 : vector<204x128xf32>
    %mul3A_320 = arith.mulf %add3A_319, %select_n3A_72 : vector<204x128xf32>
    %add3A_321 = arith.constant -88.5416641 : f32
    %add3A_322 = vector.broadcast %add3A_321 : f32 to vector<204x128xf32>
    %add3A_323 = arith.addf %mul3A_320, %add3A_322 : vector<204x128xf32>
    %mul3A_324 = arith.mulf %add3A_323, %select_n3A_72 : vector<204x128xf32>
    %add3A_325 = arith.constant 58.59375 : f32
    %add3A_326 = vector.broadcast %add3A_325 : f32 to vector<204x128xf32>
    %add3A_327 = arith.addf %mul3A_324, %add3A_326 : vector<204x128xf32>
    %select_n3A_328 = arith.select %eq3A_286, %add3A_327, %select_n3A_268 : vector<204x128xi1>, vector<204x128xf32>
    %broadcast_in_dim3A_329 = arith.constant 65104.168 : f32
    %broadcast_in_dim3A_330 = vector.broadcast %broadcast_in_dim3A_329 : f32 to vector<204x128xf32>
    %mul3A_331 = arith.mulf %broadcast_in_dim3A_330, %select_n3A_72 : vector<204x128xf32>
    %add3A_332 = arith.constant 7.812500e+03 : f32
    %add3A_333 = vector.broadcast %add3A_332 : f32 to vector<204x128xf32>
    %add3A_334 = arith.addf %mul3A_331, %add3A_333 : vector<204x128xf32>
    %mul3A_335 = arith.mulf %add3A_334, %select_n3A_72 : vector<204x128xf32>
    %add3A_336 = arith.constant -2.656250e+04 : f32
    %add3A_337 = vector.broadcast %add3A_336 : f32 to vector<204x128xf32>
    %add3A_338 = arith.addf %mul3A_335, %add3A_337 : vector<204x128xf32>
    %mul3A_339 = arith.mulf %add3A_338, %select_n3A_72 : vector<204x128xf32>
    %add3A_340 = arith.constant -1770.83337 : f32
    %add3A_341 = vector.broadcast %add3A_340 : f32 to vector<204x128xf32>
    %add3A_342 = arith.addf %mul3A_339, %add3A_341 : vector<204x128xf32>
    %select_n3A_343 = arith.select %eq3A_286, %add3A_342, %select_n3A_283 : vector<204x128xi1>, vector<204x128xf32>
    %eq3A_344 = arith.constant 4 : i32
    %eq3A_345 = vector.broadcast %eq3A_344 : i32 to vector<204x128xi32>
    %eq3A_346 = arith.cmpi eq, %sub3A_98, %eq3A_345 : vector<204x128xi32>
    %broadcast_in_dim3A_347 = arith.constant -4.06901026 : f32
    %broadcast_in_dim3A_348 = vector.broadcast %broadcast_in_dim3A_347 : f32 to vector<204x128xf32>
    %mul3A_349 = arith.mulf %broadcast_in_dim3A_348, %select_n3A_72 : vector<204x128xf32>
    %add3A_350 = arith.constant -2.44140625 : f32
    %add3A_351 = vector.broadcast %add3A_350 : f32 to vector<204x128xf32>
    %add3A_352 = arith.addf %mul3A_349, %add3A_351 : vector<204x128xf32>
    %mul3A_353 = arith.mulf %add3A_352, %select_n3A_72 : vector<204x128xf32>
    %add3A_354 = arith.constant 4.23177099 : f32
    %add3A_355 = vector.broadcast %add3A_354 : f32 to vector<204x128xf32>
    %add3A_356 = arith.addf %mul3A_353, %add3A_355 : vector<204x128xf32>
    %mul3A_357 = arith.mulf %add3A_356, %select_n3A_72 : vector<204x128xf32>
    %add3A_358 = arith.constant 2.5390625 : f32
    %add3A_359 = vector.broadcast %add3A_358 : f32 to vector<204x128xf32>
    %add3A_360 = arith.addf %mul3A_357, %add3A_359 : vector<204x128xf32>
    %mul3A_361 = arith.mulf %add3A_360, %select_n3A_72 : vector<204x128xf32>
    %add3A_362 = arith.constant -0.162760422 : f32
    %add3A_363 = vector.broadcast %add3A_362 : f32 to vector<204x128xf32>
    %add3A_364 = arith.addf %mul3A_361, %add3A_363 : vector<204x128xf32>
    %mul3A_365 = arith.mulf %add3A_364, %select_n3A_72 : vector<204x128xf32>
    %add3A_366 = arith.constant -0.09765625 : f32
    %add3A_367 = vector.broadcast %add3A_366 : f32 to vector<204x128xf32>
    %add3A_368 = arith.addf %mul3A_365, %add3A_367 : vector<204x128xf32>
    %select_n3A_369 = arith.select %eq3A_346, %add3A_368, %select_n3A_309 : vector<204x128xi1>, vector<204x128xf32>
    %broadcast_in_dim3A_370 = arith.constant -406.901031 : f32
    %broadcast_in_dim3A_371 = vector.broadcast %broadcast_in_dim3A_370 : f32 to vector<204x128xf32>
    %mul3A_372 = arith.mulf %broadcast_in_dim3A_371, %select_n3A_72 : vector<204x128xf32>
    %add3A_373 = arith.constant -195.3125 : f32
    %add3A_374 = vector.broadcast %add3A_373 : f32 to vector<204x128xf32>
    %add3A_375 = arith.addf %mul3A_372, %add3A_374 : vector<204x128xf32>
    %mul3A_376 = arith.mulf %add3A_375, %select_n3A_72 : vector<204x128xf32>
    %add3A_377 = arith.constant 253.90625 : f32
    %add3A_378 = vector.broadcast %add3A_377 : f32 to vector<204x128xf32>
    %add3A_379 = arith.addf %mul3A_376, %add3A_378 : vector<204x128xf32>
    %mul3A_380 = arith.mulf %add3A_379, %select_n3A_72 : vector<204x128xf32>
    %add3A_381 = arith.constant 101.5625 : f32
    %add3A_382 = vector.broadcast %add3A_381 : f32 to vector<204x128xf32>
    %add3A_383 = arith.addf %mul3A_380, %add3A_382 : vector<204x128xf32>
    %mul3A_384 = arith.mulf %add3A_383, %select_n3A_72 : vector<204x128xf32>
    %add3A_385 = arith.constant -3.25520825 : f32
    %add3A_386 = vector.broadcast %add3A_385 : f32 to vector<204x128xf32>
    %add3A_387 = arith.addf %mul3A_384, %add3A_386 : vector<204x128xf32>
    %select_n3A_388 = arith.select %eq3A_346, %add3A_387, %select_n3A_328 : vector<204x128xi1>, vector<204x128xf32>
    %broadcast_in_dim3A_389 = arith.constant -32552.084 : f32
    %broadcast_in_dim3A_390 = vector.broadcast %broadcast_in_dim3A_389 : f32 to vector<204x128xf32>
    %mul3A_391 = arith.mulf %broadcast_in_dim3A_390, %select_n3A_72 : vector<204x128xf32>
    %add3A_392 = arith.constant -11718.75 : f32
    %add3A_393 = vector.broadcast %add3A_392 : f32 to vector<204x128xf32>
    %add3A_394 = arith.addf %mul3A_391, %add3A_393 : vector<204x128xf32>
    %mul3A_395 = arith.mulf %add3A_394, %select_n3A_72 : vector<204x128xf32>
    %add3A_396 = arith.constant 10156.25 : f32
    %add3A_397 = vector.broadcast %add3A_396 : f32 to vector<204x128xf32>
    %add3A_398 = arith.addf %mul3A_395, %add3A_397 : vector<204x128xf32>
    %mul3A_399 = arith.mulf %add3A_398, %select_n3A_72 : vector<204x128xf32>
    %add3A_400 = arith.constant 2.031250e+03 : f32
    %add3A_401 = vector.broadcast %add3A_400 : f32 to vector<204x128xf32>
    %add3A_402 = arith.addf %mul3A_399, %add3A_401 : vector<204x128xf32>
    %select_n3A_403 = arith.select %eq3A_346, %add3A_402, %select_n3A_343 : vector<204x128xi1>, vector<204x128xf32>
    %eq3A_404 = arith.constant 5 : i32
    %eq3A_405 = vector.broadcast %eq3A_404 : i32 to vector<204x128xi32>
    %eq3A_406 = arith.cmpi eq, %sub3A_98, %eq3A_405 : vector<204x128xi32>
    %broadcast_in_dim3A_407 = arith.constant 0.813802063 : f32
    %broadcast_in_dim3A_408 = vector.broadcast %broadcast_in_dim3A_407 : f32 to vector<204x128xf32>
    %mul3A_409 = arith.mulf %broadcast_in_dim3A_408, %select_n3A_72 : vector<204x128xf32>
    %add3A_410 = arith.constant 0.813802063 : f32
    %add3A_411 = vector.broadcast %add3A_410 : f32 to vector<204x128xf32>
    %add3A_412 = arith.addf %mul3A_409, %add3A_411 : vector<204x128xf32>
    %mul3A_413 = arith.mulf %add3A_412, %select_n3A_72 : vector<204x128xf32>
    %add3A_414 = arith.constant -0.325520843 : f32
    %add3A_415 = vector.broadcast %add3A_414 : f32 to vector<204x128xf32>
    %add3A_416 = arith.addf %mul3A_413, %add3A_415 : vector<204x128xf32>
    %mul3A_417 = arith.mulf %add3A_416, %select_n3A_72 : vector<204x128xf32>
    %add3A_418 = arith.constant -0.325520843 : f32
    %add3A_419 = vector.broadcast %add3A_418 : f32 to vector<204x128xf32>
    %add3A_420 = arith.addf %mul3A_417, %add3A_419 : vector<204x128xf32>
    %mul3A_421 = arith.mulf %add3A_420, %select_n3A_72 : vector<204x128xf32>
    %add3A_422 = arith.constant 0.01171875 : f32
    %add3A_423 = vector.broadcast %add3A_422 : f32 to vector<204x128xf32>
    %add3A_424 = arith.addf %mul3A_421, %add3A_423 : vector<204x128xf32>
    %mul3A_425 = arith.mulf %add3A_424, %select_n3A_72 : vector<204x128xf32>
    %add3A_426 = arith.constant 0.01171875 : f32
    %add3A_427 = vector.broadcast %add3A_426 : f32 to vector<204x128xf32>
    %add3A_428 = arith.addf %mul3A_425, %add3A_427 : vector<204x128xf32>
    %select_n3A_429 = arith.select %eq3A_406, %add3A_428, %select_n3A_369 : vector<204x128xi1>, vector<204x128xf32>
    %broadcast_in_dim3A_430 = arith.constant 81.3802109 : f32
    %broadcast_in_dim3A_431 = vector.broadcast %broadcast_in_dim3A_430 : f32 to vector<204x128xf32>
    %mul3A_432 = arith.mulf %broadcast_in_dim3A_431, %select_n3A_72 : vector<204x128xf32>
    %add3A_433 = arith.constant 65.1041641 : f32
    %add3A_434 = vector.broadcast %add3A_433 : f32 to vector<204x128xf32>
    %add3A_435 = arith.addf %mul3A_432, %add3A_434 : vector<204x128xf32>
    %mul3A_436 = arith.mulf %add3A_435, %select_n3A_72 : vector<204x128xf32>
    %add3A_437 = arith.constant -19.53125 : f32
    %add3A_438 = vector.broadcast %add3A_437 : f32 to vector<204x128xf32>
    %add3A_439 = arith.addf %mul3A_436, %add3A_438 : vector<204x128xf32>
    %mul3A_440 = arith.mulf %add3A_439, %select_n3A_72 : vector<204x128xf32>
    %add3A_441 = arith.constant -13.020833 : f32
    %add3A_442 = vector.broadcast %add3A_441 : f32 to vector<204x128xf32>
    %add3A_443 = arith.addf %mul3A_440, %add3A_442 : vector<204x128xf32>
    %mul3A_444 = arith.mulf %add3A_443, %select_n3A_72 : vector<204x128xf32>
    %add3A_445 = arith.constant 2.343750e-01 : f32
    %add3A_446 = vector.broadcast %add3A_445 : f32 to vector<204x128xf32>
    %add3A_447 = arith.addf %mul3A_444, %add3A_446 : vector<204x128xf32>
    %select_n3A_448 = arith.select %eq3A_406, %add3A_447, %select_n3A_388 : vector<204x128xi1>, vector<204x128xf32>
    %broadcast_in_dim3A_449 = arith.constant 6510.4165 : f32
    %broadcast_in_dim3A_450 = vector.broadcast %broadcast_in_dim3A_449 : f32 to vector<204x128xf32>
    %mul3A_451 = arith.mulf %broadcast_in_dim3A_450, %select_n3A_72 : vector<204x128xf32>
    %add3A_452 = arith.constant 3.906250e+03 : f32
    %add3A_453 = vector.broadcast %add3A_452 : f32 to vector<204x128xf32>
    %add3A_454 = arith.addf %mul3A_451, %add3A_453 : vector<204x128xf32>
    %mul3A_455 = arith.mulf %add3A_454, %select_n3A_72 : vector<204x128xf32>
    %add3A_456 = arith.constant -7.812500e+02 : f32
    %add3A_457 = vector.broadcast %add3A_456 : f32 to vector<204x128xf32>
    %add3A_458 = arith.addf %mul3A_455, %add3A_457 : vector<204x128xf32>
    %mul3A_459 = arith.mulf %add3A_458, %select_n3A_72 : vector<204x128xf32>
    %add3A_460 = arith.constant -260.416656 : f32
    %add3A_461 = vector.broadcast %add3A_460 : f32 to vector<204x128xf32>
    %add3A_462 = arith.addf %mul3A_459, %add3A_461 : vector<204x128xf32>
    %select_n3A_463 = arith.select %eq3A_406, %add3A_462, %select_n3A_403 : vector<204x128xi1>, vector<204x128xf32>
    %reshape3A = vector.shape_cast %select_n3A_429 : vector<204x128xf32> to vector<51x4x128xf32>
    %reshape3A_464 = vector.shape_cast %select_n3A_448 : vector<204x128xf32> to vector<51x4x128xf32>
    %reshape3A_465 = vector.shape_cast %select_n3A_463 : vector<204x128xf32> to vector<51x4x128xf32>
    %swap3A = arith.constant 0 : index
    %swap3A_466 = arith.constant 0 : index
    %swap3A_467 = arith.constant 0 : index
    %swap3A_468 = vector.load %arg2[%swap3A, %swap3A_466, %swap3A_467] : memref<1632x4x128xf32, #tpu.memory_space<vmem>>, vector<51x4x128xf32>
    tpu.vector_store %arg2[%swap3A, %swap3A_466, %swap3A_467], %reshape3A {strides = array<i32>} : memref<1632x4x128xf32, #tpu.memory_space<vmem>>, vector<51x4x128xf32>,
    %swap3A_469 = arith.constant 0 : index
    %swap3A_470 = arith.constant 0 : index
    %swap3A_471 = arith.constant 0 : index
    %swap3A_472 = vector.load %arg3[%swap3A_469, %swap3A_470, %swap3A_471] : memref<1632x4x128xf32, #tpu.memory_space<vmem>>, vector<51x4x128xf32>
    tpu.vector_store %arg3[%swap3A_469, %swap3A_470, %swap3A_471], %reshape3A_464 {strides = array<i32>} : memref<1632x4x128xf32, #tpu.memory_space<vmem>>, vector<51x4x128xf32>,
    %swap3A_473 = arith.constant 0 : index
    %swap3A_474 = arith.constant 0 : index
    %swap3A_475 = arith.constant 0 : index
    %swap3A_476 = vector.load %arg4[%swap3A_473, %swap3A_474, %swap3A_475] : memref<1632x4x128xf32, #tpu.memory_space<vmem>>, vector<51x4x128xf32>
    tpu.vector_store %arg4[%swap3A_473, %swap3A_474, %swap3A_475], %reshape3A_465 {strides = array<i32>} : memref<1632x4x128xf32, #tpu.memory_space<vmem>>, vector<51x4x128xf32>,
    %swap3A_477 = arith.constant 51 : index
    %swap3A_478 = arith.constant 0 : index
    %swap3A_479 = arith.constant 0 : index
    %swap3A_480 = vector.load %arg2[%swap3A_477, %swap3A_478, %swap3A_479] : memref<1632x4x128xf32, #tpu.memory_space<vmem>>, vector<51x4x128xf32>
    tpu.vector_store %arg2[%swap3A_477, %swap3A_478, %swap3A_479], %reshape3A {strides = array<i32>} : memref<1632x4x128xf32, #tpu.memory_space<vmem>>, vector<51x4x128xf32>,
    %swap3A_481 = arith.constant 51 : index
    %swap3A_482 = arith.constant 0 : index
    %swap3A_483 = arith.constant 0 : index
    %swap3A_484 = vector.load %arg3[%swap3A_481, %swap3A_482, %swap3A_483] : memref<1632x4x128xf32, #tpu.memory_space<vmem>>, vector<51x4x128xf32>
    tpu.vector_store %arg3[%swap3A_481, %swap3A_482, %swap3A_483], %reshape3A_464 {strides = array<i32>} : memref<1632x4x128xf32, #tpu.memory_space<vmem>>, vector<51x4x128xf32>,
    %swap3A_485 = arith.constant 51 : index
    %swap3A_486 = arith.constant 0 : index
    %swap3A_487 = arith.constant 0 : index
    %swap3A_488 = vector.load %arg4[%swap3A_485, %swap3A_486, %swap3A_487] : memref<1632x4x128xf32, #tpu.memory_space<vmem>>, vector<51x4x128xf32>
    tpu.vector_store %arg4[%swap3A_485, %swap3A_486, %swap3A_487], %reshape3A_465 {strides = array<i32>} : memref<1632x4x128xf32, #tpu.memory_space<vmem>>, vector<51x4x128xf32>,
    %swap3A_489 = arith.constant 102 : index
    %swap3A_490 = arith.constant 0 : index
    %swap3A_491 = arith.constant 0 : index
    %swap3A_492 = vector.load %arg2[%swap3A_489, %swap3A_490, %swap3A_491] : memref<1632x4x128xf32, #tpu.memory_space<vmem>>, vector<51x4x128xf32>
    tpu.vector_store %arg2[%swap3A_489, %swap3A_490, %swap3A_491], %reshape3A {strides = array<i32>} : memref<1632x4x128xf32, #tpu.memory_space<vmem>>, vector<51x4x128xf32>,
    %swap3A_493 = arith.constant 102 : index
    %swap3A_494 = arith.constant 0 : index
    %swap3A_495 = arith.constant 0 : index
    %swap3A_496 = vector.load %arg3[%swap3A_493, %swap3A_494, %swap3A_495] : memref<1632x4x128xf32, #tpu.memory_space<vmem>>, vector<51x4x128xf32>
    tpu.vector_store %arg3[%swap3A_493, %swap3A_494, %swap3A_495], %reshape3A_464 {strides = array<i32>} : memref<1632x4x128xf32, #tpu.memory_space<vmem>>, vector<51x4x128xf32>,
    %swap3A_497 = arith.constant 102 : index
    %swap3A_498 = arith.constant 0 : index
    %swap3A_499 = arith.constant 0 : index
    %swap3A_500 = vector.load %arg4[%swap3A_497, %swap3A_498, %swap3A_499] : memref<1632x4x128xf32, #tpu.memory_space<vmem>>, vector<51x4x128xf32>
    tpu.vector_store %arg4[%swap3A_497, %swap3A_498, %swap3A_499], %reshape3A_465 {strides = array<i32>} : memref<1632x4x128xf32, #tpu.memory_space<vmem>>, vector<51x4x128xf32>,
    %swap3A_501 = arith.constant 153 : index
    %swap3A_502 = arith.constant 0 : index
    %swap3A_503 = arith.constant 0 : index
    %swap3A_504 = vector.load %arg2[%swap3A_501, %swap3A_502, %swap3A_503] : memref<1632x4x128xf32, #tpu.memory_space<vmem>>, vector<51x4x128xf32>
    tpu.vector_store %arg2[%swap3A_501, %swap3A_502, %swap3A_503], %reshape3A {strides = array<i32>} : memref<1632x4x128xf32, #tpu.memory_space<vmem>>, vector<51x4x128xf32>,
    %swap3A_505 = arith.constant 153 : index
    %swap3A_506 = arith.constant 0 : index
    %swap3A_507 = arith.constant 0 : index
    %swap3A_508 = vector.load %arg3[%swap3A_505, %swap3A_506, %swap3A_507] : memref<1632x4x128xf32, #tpu.memory_space<vmem>>, vector<51x4x128xf32>
    tpu.vector_store %arg3[%swap3A_505, %swap3A_506, %swap3A_507], %reshape3A_464 {strides = array<i32>} : memref<1632x4x128xf32, #tpu.memory_space<vmem>>, vector<51x4x128xf32>,
    %swap3A_509 = arith.constant 153 : index
    %swap3A_510 = arith.constant 0 : index
    %swap3A_511 = arith.constant 0 : index
    %swap3A_512 = vector.load %arg4[%swap3A_509, %swap3A_510, %swap3A_511] : memref<1632x4x128xf32, #tpu.memory_space<vmem>>, vector<51x4x128xf32>
    tpu.vector_store %arg4[%swap3A_509, %swap3A_510, %swap3A_511], %reshape3A_465 {strides = array<i32>} : memref<1632x4x128xf32, #tpu.memory_space<vmem>>, vector<51x4x128xf32>,
    %swap3A_513 = arith.constant 204 : index
    %swap3A_514 = arith.constant 0 : index
    %swap3A_515 = arith.constant 0 : index
    %swap3A_516 = vector.load %arg2[%swap3A_513, %swap3A_514, %swap3A_515] : memref<1632x4x128xf32, #tpu.memory_space<vmem>>, vector<51x4x128xf32>
    tpu.vector_store %arg2[%swap3A_513, %swap3A_514, %swap3A_515], %reshape3A {strides = array<i32>} : memref<1632x4x128xf32, #tpu.memory_space<vmem>>, vector<51x4x128xf32>,
    %swap3A_517 = arith.constant 204 : index
    %swap3A_518 = arith.constant 0 : index
    %swap3A_519 = arith.constant 0 : index
    %swap3A_520 = vector.load %arg3[%swap3A_517, %swap3A_518, %swap3A_519] : memref<1632x4x128xf32, #tpu.memory_space<vmem>>, vector<51x4x128xf32>
    tpu.vector_store %arg3[%swap3A_517, %swap3A_518, %swap3A_519], %reshape3A_464 {strides = array<i32>} : memref<1632x4x128xf32, #tpu.memory_space<vmem>>, vector<51x4x128xf32>,
    %swap3A_521 = arith.constant 204 : index
    %swap3A_522 = arith.constant 0 : index
    %swap3A_523 = arith.constant 0 : index
    %swap3A_524 = vector.load %arg4[%swap3A_521, %swap3A_522, %swap3A_523] : memref<1632x4x128xf32, #tpu.memory_space<vmem>>, vector<51x4x128xf32>
    tpu.vector_store %arg4[%swap3A_521, %swap3A_522, %swap3A_523], %reshape3A_465 {strides = array<i32>} : memref<1632x4x128xf32, #tpu.memory_space<vmem>>, vector<51x4x128xf32>,
    %swap3A_525 = arith.constant 255 : index
    %swap3A_526 = arith.constant 0 : index
    %swap3A_527 = arith.constant 0 : index
    %swap3A_528 = vector.load %arg2[%swap3A_525, %swap3A_526, %swap3A_527] : memref<1632x4x128xf32, #tpu.memory_space<vmem>>, vector<51x4x128xf32>
    tpu.vector_store %arg2[%swap3A_525, %swap3A_526, %swap3A_527], %reshape3A {strides = array<i32>} : memref<1632x4x128xf32, #tpu.memory_space<vmem>>, vector<51x4x128xf32>,
    %swap3A_529 = arith.constant 255 : index
    %swap3A_530 = arith.constant 0 : index
    %swap3A_531 = arith.constant 0 : index
    %swap3A_532 = vector.load %arg3[%swap3A_529, %swap3A_530, %swap3A_531] : memref<1632x4x128xf32, #tpu.memory_space<vmem>>, vector<51x4x128xf32>
    tpu.vector_store %arg3[%swap3A_529, %swap3A_530, %swap3A_531], %reshape3A_464 {strides = array<i32>} : memref<1632x4x128xf32, #tpu.memory_space<vmem>>, vector<51x4x128xf32>,
    %swap3A_533 = arith.constant 255 : index
    %swap3A_534 = arith.constant 0 : index
    %swap3A_535 = arith.constant 0 : index
    %swap3A_536 = vector.load %arg4[%swap3A_533, %swap3A_534, %swap3A_535] : memref<1632x4x128xf32, #tpu.memory_space<vmem>>, vector<51x4x128xf32>
    tpu.vector_store %arg4[%swap3A_533, %swap3A_534, %swap3A_535], %reshape3A_465 {strides = array<i32>} : memref<1632x4x128xf32, #tpu.memory_space<vmem>>, vector<51x4x128xf32>,
    %swap3A_537 = arith.constant 306 : index
    %swap3A_538 = arith.constant 0 : index
    %swap3A_539 = arith.constant 0 : index
    %swap3A_540 = vector.load %arg2[%swap3A_537, %swap3A_538, %swap3A_539] : memref<1632x4x128xf32, #tpu.memory_space<vmem>>, vector<51x4x128xf32>
    tpu.vector_store %arg2[%swap3A_537, %swap3A_538, %swap3A_539], %reshape3A {strides = array<i32>} : memref<1632x4x128xf32, #tpu.memory_space<vmem>>, vector<51x4x128xf32>,
    %swap3A_541 = arith.constant 306 : index
    %swap3A_542 = arith.constant 0 : index
    %swap3A_543 = arith.constant 0 : index
    %swap3A_544 = vector.load %arg3[%swap3A_541, %swap3A_542, %swap3A_543] : memref<1632x4x128xf32, #tpu.memory_space<vmem>>, vector<51x4x128xf32>
    tpu.vector_store %arg3[%swap3A_541, %swap3A_542, %swap3A_543], %reshape3A_464 {strides = array<i32>} : memref<1632x4x128xf32, #tpu.memory_space<vmem>>, vector<51x4x128xf32>,
    %swap3A_545 = arith.constant 306 : index
    %swap3A_546 = arith.constant 0 : index
    %swap3A_547 = arith.constant 0 : index
    %swap3A_548 = vector.load %arg4[%swap3A_545, %swap3A_546, %swap3A_547] : memref<1632x4x128xf32, #tpu.memory_space<vmem>>, vector<51x4x128xf32>
    tpu.vector_store %arg4[%swap3A_545, %swap3A_546, %swap3A_547], %reshape3A_465 {strides = array<i32>} : memref<1632x4x128xf32, #tpu.memory_space<vmem>>, vector<51x4x128xf32>,
    %swap3A_549 = arith.constant 357 : index
    %swap3A_550 = arith.constant 0 : index
    %swap3A_551 = arith.constant 0 : index
    %swap3A_552 = vector.load %arg2[%swap3A_549, %swap3A_550, %swap3A_551] : memref<1632x4x128xf32, #tpu.memory_space<vmem>>, vector<51x4x128xf32>
    tpu.vector_store %arg2[%swap3A_549, %swap3A_550, %swap3A_551], %reshape3A {strides = array<i32>} : memref<1632x4x128xf32, #tpu.memory_space<vmem>>, vector<51x4x128xf32>,
    %swap3A_553 = arith.constant 357 : index
    %swap3A_554 = arith.constant 0 : index
    %swap3A_555 = arith.constant 0 : index
    %swap3A_556 = vector.load %arg3[%swap3A_553, %swap3A_554, %swap3A_555] : memref<1632x4x128xf32, #tpu.memory_space<vmem>>, vector<51x4x128xf32>
    tpu.vector_store %arg3[%swap3A_553, %swap3A_554, %swap3A_555], %reshape3A_464 {strides = array<i32>} : memref<1632x4x128xf32, #tpu.memory_space<vmem>>, vector<51x4x128xf32>,
    %swap3A_557 = arith.constant 357 : index
    %swap3A_558 = arith.constant 0 : index
    %swap3A_559 = arith.constant 0 : index
    %swap3A_560 = vector.load %arg4[%swap3A_557, %swap3A_558, %swap3A_559] : memref<1632x4x128xf32, #tpu.memory_space<vmem>>, vector<51x4x128xf32>
    tpu.vector_store %arg4[%swap3A_557, %swap3A_558, %swap3A_559], %reshape3A_465 {strides = array<i32>} : memref<1632x4x128xf32, #tpu.memory_space<vmem>>, vector<51x4x128xf32>,
    %swap3A_561 = arith.constant 408 : index
    %swap3A_562 = arith.constant 0 : index
    %swap3A_563 = arith.constant 0 : index
    %swap3A_564 = vector.load %arg2[%swap3A_561, %swap3A_562, %swap3A_563] : memref<1632x4x128xf32, #tpu.memory_space<vmem>>, vector<51x4x128xf32>
    tpu.vector_store %arg2[%swap3A_561, %swap3A_562, %swap3A_563], %reshape3A {strides = array<i32>} : memref<1632x4x128xf32, #tpu.memory_space<vmem>>, vector<51x4x128xf32>,
    %swap3A_565 = arith.constant 408 : index
    %swap3A_566 = arith.constant 0 : index
    %swap3A_567 = arith.constant 0 : index
    %swap3A_568 = vector.load %arg3[%swap3A_565, %swap3A_566, %swap3A_567] : memref<1632x4x128xf32, #tpu.memory_space<vmem>>, vector<51x4x128xf32>
    tpu.vector_store %arg3[%swap3A_565, %swap3A_566, %swap3A_567], %reshape3A_464 {strides = array<i32>} : memref<1632x4x128xf32, #tpu.memory_space<vmem>>, vector<51x4x128xf32>,
    %swap3A_569 = arith.constant 408 : index
    %swap3A_570 = arith.constant 0 : index
    %swap3A_571 = arith.constant 0 : index
    %swap3A_572 = vector.load %arg4[%swap3A_569, %swap3A_570, %swap3A_571] : memref<1632x4x128xf32, #tpu.memory_space<vmem>>, vector<51x4x128xf32>
    tpu.vector_store %arg4[%swap3A_569, %swap3A_570, %swap3A_571], %reshape3A_465 {strides = array<i32>} : memref<1632x4x128xf32, #tpu.memory_space<vmem>>, vector<51x4x128xf32>,
    %swap3A_573 = arith.constant 459 : index
    %swap3A_574 = arith.constant 0 : index
    %swap3A_575 = arith.constant 0 : index
    %swap3A_576 = vector.load %arg2[%swap3A_573, %swap3A_574, %swap3A_575] : memref<1632x4x128xf32, #tpu.memory_space<vmem>>, vector<51x4x128xf32>
    tpu.vector_store %arg2[%swap3A_573, %swap3A_574, %swap3A_575], %reshape3A {strides = array<i32>} : memref<1632x4x128xf32, #tpu.memory_space<vmem>>, vector<51x4x128xf32>,
    %swap3A_577 = arith.constant 459 : index
    %swap3A_578 = arith.constant 0 : index
    %swap3A_579 = arith.constant 0 : index
    %swap3A_580 = vector.load %arg3[%swap3A_577, %swap3A_578, %swap3A_579] : memref<1632x4x128xf32, #tpu.memory_space<vmem>>, vector<51x4x128xf32>
    tpu.vector_store %arg3[%swap3A_577, %swap3A_578, %swap3A_579], %reshape3A_464 {strides = array<i32>} : memref<1632x4x128xf32, #tpu.memory_space<vmem>>, vector<51x4x128xf32>,
    %swap3A_581 = arith.constant 459 : index
    %swap3A_582 = arith.constant 0 : index
    %swap3A_583 = arith.constant 0 : index
    %swap3A_584 = vector.load %arg4[%swap3A_581, %swap3A_582, %swap3A_583] : memref<1632x4x128xf32, #tpu.memory_space<vmem>>, vector<51x4x128xf32>
    tpu.vector_store %arg4[%swap3A_581, %swap3A_582, %swap3A_583], %reshape3A_465 {strides = array<i32>} : memref<1632x4x128xf32, #tpu.memory_space<vmem>>, vector<51x4x128xf32>,
    %swap3A_585 = arith.constant 510 : index
    %swap3A_586 = arith.constant 0 : index
    %swap3A_587 = arith.constant 0 : index
    %swap3A_588 = vector.load %arg2[%swap3A_585, %swap3A_586, %swap3A_587] : memref<1632x4x128xf32, #tpu.memory_space<vmem>>, vector<51x4x128xf32>
    tpu.vector_store %arg2[%swap3A_585, %swap3A_586, %swap3A_587], %reshape3A {strides = array<i32>} : memref<1632x4x128xf32, #tpu.memory_space<vmem>>, vector<51x4x128xf32>,
    %swap3A_589 = arith.constant 510 : index
    %swap3A_590 = arith.constant 0 : index
    %swap3A_591 = arith.constant 0 : index
    %swap3A_592 = vector.load %arg3[%swap3A_589, %swap3A_590, %swap3A_591] : memref<1632x4x128xf32, #tpu.memory_space<vmem>>, vector<51x4x128xf32>
    tpu.vector_store %arg3[%swap3A_589, %swap3A_590, %swap3A_591], %reshape3A_464 {strides = array<i32>} : memref<1632x4x128xf32, #tpu.memory_space<vmem>>, vector<51x4x128xf32>,
    %swap3A_593 = arith.constant 510 : index
    %swap3A_594 = arith.constant 0 : index
    %swap3A_595 = arith.constant 0 : index
    %swap3A_596 = vector.load %arg4[%swap3A_593, %swap3A_594, %swap3A_595] : memref<1632x4x128xf32, #tpu.memory_space<vmem>>, vector<51x4x128xf32>
    tpu.vector_store %arg4[%swap3A_593, %swap3A_594, %swap3A_595], %reshape3A_465 {strides = array<i32>} : memref<1632x4x128xf32, #tpu.memory_space<vmem>>, vector<51x4x128xf32>,
    %swap3A_597 = arith.constant 561 : index
    %swap3A_598 = arith.constant 0 : index
    %swap3A_599 = arith.constant 0 : index
    %swap3A_600 = vector.load %arg2[%swap3A_597, %swap3A_598, %swap3A_599] : memref<1632x4x128xf32, #tpu.memory_space<vmem>>, vector<51x4x128xf32>
    tpu.vector_store %arg2[%swap3A_597, %swap3A_598, %swap3A_599], %reshape3A {strides = array<i32>} : memref<1632x4x128xf32, #tpu.memory_space<vmem>>, vector<51x4x128xf32>,
    %swap3A_601 = arith.constant 561 : index
    %swap3A_602 = arith.constant 0 : index
    %swap3A_603 = arith.constant 0 : index
    %swap3A_604 = vector.load %arg3[%swap3A_601, %swap3A_602, %swap3A_603] : memref<1632x4x128xf32, #tpu.memory_space<vmem>>, vector<51x4x128xf32>
    tpu.vector_store %arg3[%swap3A_601, %swap3A_602, %swap3A_603], %reshape3A_464 {strides = array<i32>} : memref<1632x4x128xf32, #tpu.memory_space<vmem>>, vector<51x4x128xf32>,
    %swap3A_605 = arith.constant 561 : index
    %swap3A_606 = arith.constant 0 : index
    %swap3A_607 = arith.constant 0 : index
    %swap3A_608 = vector.load %arg4[%swap3A_605, %swap3A_606, %swap3A_607] : memref<1632x4x128xf32, #tpu.memory_space<vmem>>, vector<51x4x128xf32>
    tpu.vector_store %arg4[%swap3A_605, %swap3A_606, %swap3A_607], %reshape3A_465 {strides = array<i32>} : memref<1632x4x128xf32, #tpu.memory_space<vmem>>, vector<51x4x128xf32>,
    %swap3A_609 = arith.constant 612 : index
    %swap3A_610 = arith.constant 0 : index
    %swap3A_611 = arith.constant 0 : index
    %swap3A_612 = vector.load %arg2[%swap3A_609, %swap3A_610, %swap3A_611] : memref<1632x4x128xf32, #tpu.memory_space<vmem>>, vector<51x4x128xf32>
    tpu.vector_store %arg2[%swap3A_609, %swap3A_610, %swap3A_611], %reshape3A {strides = array<i32>} : memref<1632x4x128xf32, #tpu.memory_space<vmem>>, vector<51x4x128xf32>,
    %swap3A_613 = arith.constant 612 : index
    %swap3A_614 = arith.constant 0 : index
    %swap3A_615 = arith.constant 0 : index
    %swap3A_616 = vector.load %arg3[%swap3A_613, %swap3A_614, %swap3A_615] : memref<1632x4x128xf32, #tpu.memory_space<vmem>>, vector<51x4x128xf32>
    tpu.vector_store %arg3[%swap3A_613, %swap3A_614, %swap3A_615], %reshape3A_464 {strides = array<i32>} : memref<1632x4x128xf32, #tpu.memory_space<vmem>>, vector<51x4x128xf32>,
    %swap3A_617 = arith.constant 612 : index
    %swap3A_618 = arith.constant 0 : index
    %swap3A_619 = arith.constant 0 : index
    %swap3A_620 = vector.load %arg4[%swap3A_617, %swap3A_618, %swap3A_619] : memref<1632x4x128xf32, #tpu.memory_space<vmem>>, vector<51x4x128xf32>
    tpu.vector_store %arg4[%swap3A_617, %swap3A_618, %swap3A_619], %reshape3A_465 {strides = array<i32>} : memref<1632x4x128xf32, #tpu.memory_space<vmem>>, vector<51x4x128xf32>,
    %swap3A_621 = arith.constant 663 : index
    %swap3A_622 = arith.constant 0 : index
    %swap3A_623 = arith.constant 0 : index
    %swap3A_624 = vector.load %arg2[%swap3A_621, %swap3A_622, %swap3A_623] : memref<1632x4x128xf32, #tpu.memory_space<vmem>>, vector<51x4x128xf32>
    tpu.vector_store %arg2[%swap3A_621, %swap3A_622, %swap3A_623], %reshape3A {strides = array<i32>} : memref<1632x4x128xf32, #tpu.memory_space<vmem>>, vector<51x4x128xf32>,
    %swap3A_625 = arith.constant 663 : index
    %swap3A_626 = arith.constant 0 : index
    %swap3A_627 = arith.constant 0 : index
    %swap3A_628 = vector.load %arg3[%swap3A_625, %swap3A_626, %swap3A_627] : memref<1632x4x128xf32, #tpu.memory_space<vmem>>, vector<51x4x128xf32>
    tpu.vector_store %arg3[%swap3A_625, %swap3A_626, %swap3A_627], %reshape3A_464 {strides = array<i32>} : memref<1632x4x128xf32, #tpu.memory_space<vmem>>, vector<51x4x128xf32>,
    %swap3A_629 = arith.constant 663 : index
    %swap3A_630 = arith.constant 0 : index
    %swap3A_631 = arith.constant 0 : index
    %swap3A_632 = vector.load %arg4[%swap3A_629, %swap3A_630, %swap3A_631] : memref<1632x4x128xf32, #tpu.memory_space<vmem>>, vector<51x4x128xf32>
    tpu.vector_store %arg4[%swap3A_629, %swap3A_630, %swap3A_631], %reshape3A_465 {strides = array<i32>} : memref<1632x4x128xf32, #tpu.memory_space<vmem>>, vector<51x4x128xf32>,
    %swap3A_633 = arith.constant 714 : index
    %swap3A_634 = arith.constant 0 : index
    %swap3A_635 = arith.constant 0 : index
    %swap3A_636 = vector.load %arg2[%swap3A_633, %swap3A_634, %swap3A_635] : memref<1632x4x128xf32, #tpu.memory_space<vmem>>, vector<51x4x128xf32>
    tpu.vector_store %arg2[%swap3A_633, %swap3A_634, %swap3A_635], %reshape3A {strides = array<i32>} : memref<1632x4x128xf32, #tpu.memory_space<vmem>>, vector<51x4x128xf32>,
    %swap3A_637 = arith.constant 714 : index
    %swap3A_638 = arith.constant 0 : index
    %swap3A_639 = arith.constant 0 : index
    %swap3A_640 = vector.load %arg3[%swap3A_637, %swap3A_638, %swap3A_639] : memref<1632x4x128xf32, #tpu.memory_space<vmem>>, vector<51x4x128xf32>
    tpu.vector_store %arg3[%swap3A_637, %swap3A_638, %swap3A_639], %reshape3A_464 {strides = array<i32>} : memref<1632x4x128xf32, #tpu.memory_space<vmem>>, vector<51x4x128xf32>,
    %swap3A_641 = arith.constant 714 : index
    %swap3A_642 = arith.constant 0 : index
    %swap3A_643 = arith.constant 0 : index
    %swap3A_644 = vector.load %arg4[%swap3A_641, %swap3A_642, %swap3A_643] : memref<1632x4x128xf32, #tpu.memory_space<vmem>>, vector<51x4x128xf32>
    tpu.vector_store %arg4[%swap3A_641, %swap3A_642, %swap3A_643], %reshape3A_465 {strides = array<i32>} : memref<1632x4x128xf32, #tpu.memory_space<vmem>>, vector<51x4x128xf32>,
    %swap3A_645 = arith.constant 765 : index
    %swap3A_646 = arith.constant 0 : index
    %swap3A_647 = arith.constant 0 : index
    %swap3A_648 = vector.load %arg2[%swap3A_645, %swap3A_646, %swap3A_647] : memref<1632x4x128xf32, #tpu.memory_space<vmem>>, vector<51x4x128xf32>
    tpu.vector_store %arg2[%swap3A_645, %swap3A_646, %swap3A_647], %reshape3A {strides = array<i32>} : memref<1632x4x128xf32, #tpu.memory_space<vmem>>, vector<51x4x128xf32>,
    %swap3A_649 = arith.constant 765 : index
    %swap3A_650 = arith.constant 0 : index
    %swap3A_651 = arith.constant 0 : index
    %swap3A_652 = vector.load %arg3[%swap3A_649, %swap3A_650, %swap3A_651] : memref<1632x4x128xf32, #tpu.memory_space<vmem>>, vector<51x4x128xf32>
    tpu.vector_store %arg3[%swap3A_649, %swap3A_650, %swap3A_651], %reshape3A_464 {strides = array<i32>} : memref<1632x4x128xf32, #tpu.memory_space<vmem>>, vector<51x4x128xf32>,
    %swap3A_653 = arith.constant 765 : index
    %swap3A_654 = arith.constant 0 : index
    %swap3A_655 = arith.constant 0 : index
    %swap3A_656 = vector.load %arg4[%swap3A_653, %swap3A_654, %swap3A_655] : memref<1632x4x128xf32, #tpu.memory_space<vmem>>, vector<51x4x128xf32>
    tpu.vector_store %arg4[%swap3A_653, %swap3A_654, %swap3A_655], %reshape3A_465 {strides = array<i32>} : memref<1632x4x128xf32, #tpu.memory_space<vmem>>, vector<51x4x128xf32>,
    %swap3A_657 = arith.constant 816 : index
    %swap3A_658 = arith.constant 0 : index
    %swap3A_659 = arith.constant 0 : index
    %swap3A_660 = vector.load %arg2[%swap3A_657, %swap3A_658, %swap3A_659] : memref<1632x4x128xf32, #tpu.memory_space<vmem>>, vector<51x4x128xf32>
    tpu.vector_store %arg2[%swap3A_657, %swap3A_658, %swap3A_659], %reshape3A {strides = array<i32>} : memref<1632x4x128xf32, #tpu.memory_space<vmem>>, vector<51x4x128xf32>,
    %swap3A_661 = arith.constant 816 : index
    %swap3A_662 = arith.constant 0 : index
    %swap3A_663 = arith.constant 0 : index
    %swap3A_664 = vector.load %arg3[%swap3A_661, %swap3A_662, %swap3A_663] : memref<1632x4x128xf32, #tpu.memory_space<vmem>>, vector<51x4x128xf32>
    tpu.vector_store %arg3[%swap3A_661, %swap3A_662, %swap3A_663], %reshape3A_464 {strides = array<i32>} : memref<1632x4x128xf32, #tpu.memory_space<vmem>>, vector<51x4x128xf32>,
    %swap3A_665 = arith.constant 816 : index
    %swap3A_666 = arith.constant 0 : index
    %swap3A_667 = arith.constant 0 : index
    %swap3A_668 = vector.load %arg4[%swap3A_665, %swap3A_666, %swap3A_667] : memref<1632x4x128xf32, #tpu.memory_space<vmem>>, vector<51x4x128xf32>
    tpu.vector_store %arg4[%swap3A_665, %swap3A_666, %swap3A_667], %reshape3A_465 {strides = array<i32>} : memref<1632x4x128xf32, #tpu.memory_space<vmem>>, vector<51x4x128xf32>,
    %swap3A_669 = arith.constant 867 : index
    %swap3A_670 = arith.constant 0 : index
    %swap3A_671 = arith.constant 0 : index
    %swap3A_672 = vector.load %arg2[%swap3A_669, %swap3A_670, %swap3A_671] : memref<1632x4x128xf32, #tpu.memory_space<vmem>>, vector<51x4x128xf32>
    tpu.vector_store %arg2[%swap3A_669, %swap3A_670, %swap3A_671], %reshape3A {strides = array<i32>} : memref<1632x4x128xf32, #tpu.memory_space<vmem>>, vector<51x4x128xf32>,
    %swap3A_673 = arith.constant 867 : index
    %swap3A_674 = arith.constant 0 : index
    %swap3A_675 = arith.constant 0 : index
    %swap3A_676 = vector.load %arg3[%swap3A_673, %swap3A_674, %swap3A_675] : memref<1632x4x128xf32, #tpu.memory_space<vmem>>, vector<51x4x128xf32>
    tpu.vector_store %arg3[%swap3A_673, %swap3A_674, %swap3A_675], %reshape3A_464 {strides = array<i32>} : memref<1632x4x128xf32, #tpu.memory_space<vmem>>, vector<51x4x128xf32>,
    %swap3A_677 = arith.constant 867 : index
    %swap3A_678 = arith.constant 0 : index
    %swap3A_679 = arith.constant 0 : index
    %swap3A_680 = vector.load %arg4[%swap3A_677, %swap3A_678, %swap3A_679] : memref<1632x4x128xf32, #tpu.memory_space<vmem>>, vector<51x4x128xf32>
    tpu.vector_store %arg4[%swap3A_677, %swap3A_678, %swap3A_679], %reshape3A_465 {strides = array<i32>} : memref<1632x4x128xf32, #tpu.memory_space<vmem>>, vector<51x4x128xf32>,
    %swap3A_681 = arith.constant 918 : index
    %swap3A_682 = arith.constant 0 : index
    %swap3A_683 = arith.constant 0 : index
    %swap3A_684 = vector.load %arg2[%swap3A_681, %swap3A_682, %swap3A_683] : memref<1632x4x128xf32, #tpu.memory_space<vmem>>, vector<51x4x128xf32>
    tpu.vector_store %arg2[%swap3A_681, %swap3A_682, %swap3A_683], %reshape3A {strides = array<i32>} : memref<1632x4x128xf32, #tpu.memory_space<vmem>>, vector<51x4x128xf32>,
    %swap3A_685 = arith.constant 918 : index
    %swap3A_686 = arith.constant 0 : index
    %swap3A_687 = arith.constant 0 : index
    %swap3A_688 = vector.load %arg3[%swap3A_685, %swap3A_686, %swap3A_687] : memref<1632x4x128xf32, #tpu.memory_space<vmem>>, vector<51x4x128xf32>
    tpu.vector_store %arg3[%swap3A_685, %swap3A_686, %swap3A_687], %reshape3A_464 {strides = array<i32>} : memref<1632x4x128xf32, #tpu.memory_space<vmem>>, vector<51x4x128xf32>,
    %swap3A_689 = arith.constant 918 : index
    %swap3A_690 = arith.constant 0 : index
    %swap3A_691 = arith.constant 0 : index
    %swap3A_692 = vector.load %arg4[%swap3A_689, %swap3A_690, %swap3A_691] : memref<1632x4x128xf32, #tpu.memory_space<vmem>>, vector<51x4x128xf32>
    tpu.vector_store %arg4[%swap3A_689, %swap3A_690, %swap3A_691], %reshape3A_465 {strides = array<i32>} : memref<1632x4x128xf32, #tpu.memory_space<vmem>>, vector<51x4x128xf32>,
    %swap3A_693 = arith.constant 969 : index
    %swap3A_694 = arith.constant 0 : index
    %swap3A_695 = arith.constant 0 : index
    %swap3A_696 = vector.load %arg2[%swap3A_693, %swap3A_694, %swap3A_695] : memref<1632x4x128xf32, #tpu.memory_space<vmem>>, vector<51x4x128xf32>
    tpu.vector_store %arg2[%swap3A_693, %swap3A_694, %swap3A_695], %reshape3A {strides = array<i32>} : memref<1632x4x128xf32, #tpu.memory_space<vmem>>, vector<51x4x128xf32>,
    %swap3A_697 = arith.constant 969 : index
    %swap3A_698 = arith.constant 0 : index
    %swap3A_699 = arith.constant 0 : index
    %swap3A_700 = vector.load %arg3[%swap3A_697, %swap3A_698, %swap3A_699] : memref<1632x4x128xf32, #tpu.memory_space<vmem>>, vector<51x4x128xf32>
    tpu.vector_store %arg3[%swap3A_697, %swap3A_698, %swap3A_699], %reshape3A_464 {strides = array<i32>} : memref<1632x4x128xf32, #tpu.memory_space<vmem>>, vector<51x4x128xf32>,
    %swap3A_701 = arith.constant 969 : index
    %swap3A_702 = arith.constant 0 : index
    %swap3A_703 = arith.constant 0 : index
    %swap3A_704 = vector.load %arg4[%swap3A_701, %swap3A_702, %swap3A_703] : memref<1632x4x128xf32, #tpu.memory_space<vmem>>, vector<51x4x128xf32>
    tpu.vector_store %arg4[%swap3A_701, %swap3A_702, %swap3A_703], %reshape3A_465 {strides = array<i32>} : memref<1632x4x128xf32, #tpu.memory_space<vmem>>, vector<51x4x128xf32>,
    %swap3A_705 = arith.constant 1020 : index
    %swap3A_706 = arith.constant 0 : index
    %swap3A_707 = arith.constant 0 : index
    %swap3A_708 = vector.load %arg2[%swap3A_705, %swap3A_706, %swap3A_707] : memref<1632x4x128xf32, #tpu.memory_space<vmem>>, vector<51x4x128xf32>
    tpu.vector_store %arg2[%swap3A_705, %swap3A_706, %swap3A_707], %reshape3A {strides = array<i32>} : memref<1632x4x128xf32, #tpu.memory_space<vmem>>, vector<51x4x128xf32>,
    %swap3A_709 = arith.constant 1020 : index
    %swap3A_710 = arith.constant 0 : index
    %swap3A_711 = arith.constant 0 : index
    %swap3A_712 = vector.load %arg3[%swap3A_709, %swap3A_710, %swap3A_711] : memref<1632x4x128xf32, #tpu.memory_space<vmem>>, vector<51x4x128xf32>
    tpu.vector_store %arg3[%swap3A_709, %swap3A_710, %swap3A_711], %reshape3A_464 {strides = array<i32>} : memref<1632x4x128xf32, #tpu.memory_space<vmem>>, vector<51x4x128xf32>,
    %swap3A_713 = arith.constant 1020 : index
    %swap3A_714 = arith.constant 0 : index
    %swap3A_715 = arith.constant 0 : index
    %swap3A_716 = vector.load %arg4[%swap3A_713, %swap3A_714, %swap3A_715] : memref<1632x4x128xf32, #tpu.memory_space<vmem>>, vector<51x4x128xf32>
    tpu.vector_store %arg4[%swap3A_713, %swap3A_714, %swap3A_715], %reshape3A_465 {strides = array<i32>} : memref<1632x4x128xf32, #tpu.memory_space<vmem>>, vector<51x4x128xf32>,
    %swap3A_717 = arith.constant 1071 : index
    %swap3A_718 = arith.constant 0 : index
    %swap3A_719 = arith.constant 0 : index
    %swap3A_720 = vector.load %arg2[%swap3A_717, %swap3A_718, %swap3A_719] : memref<1632x4x128xf32, #tpu.memory_space<vmem>>, vector<51x4x128xf32>
    tpu.vector_store %arg2[%swap3A_717, %swap3A_718, %swap3A_719], %reshape3A {strides = array<i32>} : memref<1632x4x128xf32, #tpu.memory_space<vmem>>, vector<51x4x128xf32>,
    %swap3A_721 = arith.constant 1071 : index
    %swap3A_722 = arith.constant 0 : index
    %swap3A_723 = arith.constant 0 : index
    %swap3A_724 = vector.load %arg3[%swap3A_721, %swap3A_722, %swap3A_723] : memref<1632x4x128xf32, #tpu.memory_space<vmem>>, vector<51x4x128xf32>
    tpu.vector_store %arg3[%swap3A_721, %swap3A_722, %swap3A_723], %reshape3A_464 {strides = array<i32>} : memref<1632x4x128xf32, #tpu.memory_space<vmem>>, vector<51x4x128xf32>,
    %swap3A_725 = arith.constant 1071 : index
    %swap3A_726 = arith.constant 0 : index
    %swap3A_727 = arith.constant 0 : index
    %swap3A_728 = vector.load %arg4[%swap3A_725, %swap3A_726, %swap3A_727] : memref<1632x4x128xf32, #tpu.memory_space<vmem>>, vector<51x4x128xf32>
    tpu.vector_store %arg4[%swap3A_725, %swap3A_726, %swap3A_727], %reshape3A_465 {strides = array<i32>} : memref<1632x4x128xf32, #tpu.memory_space<vmem>>, vector<51x4x128xf32>,
    %swap3A_729 = arith.constant 1122 : index
    %swap3A_730 = arith.constant 0 : index
    %swap3A_731 = arith.constant 0 : index
    %swap3A_732 = vector.load %arg2[%swap3A_729, %swap3A_730, %swap3A_731] : memref<1632x4x128xf32, #tpu.memory_space<vmem>>, vector<51x4x128xf32>
    tpu.vector_store %arg2[%swap3A_729, %swap3A_730, %swap3A_731], %reshape3A {strides = array<i32>} : memref<1632x4x128xf32, #tpu.memory_space<vmem>>, vector<51x4x128xf32>,
    %swap3A_733 = arith.constant 1122 : index
    %swap3A_734 = arith.constant 0 : index
    %swap3A_735 = arith.constant 0 : index
    %swap3A_736 = vector.load %arg3[%swap3A_733, %swap3A_734, %swap3A_735] : memref<1632x4x128xf32, #tpu.memory_space<vmem>>, vector<51x4x128xf32>
    tpu.vector_store %arg3[%swap3A_733, %swap3A_734, %swap3A_735], %reshape3A_464 {strides = array<i32>} : memref<1632x4x128xf32, #tpu.memory_space<vmem>>, vector<51x4x128xf32>,
    %swap3A_737 = arith.constant 1122 : index
    %swap3A_738 = arith.constant 0 : index
    %swap3A_739 = arith.constant 0 : index
    %swap3A_740 = vector.load %arg4[%swap3A_737, %swap3A_738, %swap3A_739] : memref<1632x4x128xf32, #tpu.memory_space<vmem>>, vector<51x4x128xf32>
    tpu.vector_store %arg4[%swap3A_737, %swap3A_738, %swap3A_739], %reshape3A_465 {strides = array<i32>} : memref<1632x4x128xf32, #tpu.memory_space<vmem>>, vector<51x4x128xf32>,
    %swap3A_741 = arith.constant 1173 : index
    %swap3A_742 = arith.constant 0 : index
    %swap3A_743 = arith.constant 0 : index
    %swap3A_744 = vector.load %arg2[%swap3A_741, %swap3A_742, %swap3A_743] : memref<1632x4x128xf32, #tpu.memory_space<vmem>>, vector<51x4x128xf32>
    tpu.vector_store %arg2[%swap3A_741, %swap3A_742, %swap3A_743], %reshape3A {strides = array<i32>} : memref<1632x4x128xf32, #tpu.memory_space<vmem>>, vector<51x4x128xf32>,
    %swap3A_745 = arith.constant 1173 : index
    %swap3A_746 = arith.constant 0 : index
    %swap3A_747 = arith.constant 0 : index
    %swap3A_748 = vector.load %arg3[%swap3A_745, %swap3A_746, %swap3A_747] : memref<1632x4x128xf32, #tpu.memory_space<vmem>>, vector<51x4x128xf32>
    tpu.vector_store %arg3[%swap3A_745, %swap3A_746, %swap3A_747], %reshape3A_464 {strides = array<i32>} : memref<1632x4x128xf32, #tpu.memory_space<vmem>>, vector<51x4x128xf32>,
    %swap3A_749 = arith.constant 1173 : index
    %swap3A_750 = arith.constant 0 : index
    %swap3A_751 = arith.constant 0 : index
    %swap3A_752 = vector.load %arg4[%swap3A_749, %swap3A_750, %swap3A_751] : memref<1632x4x128xf32, #tpu.memory_space<vmem>>, vector<51x4x128xf32>
    tpu.vector_store %arg4[%swap3A_749, %swap3A_750, %swap3A_751], %reshape3A_465 {strides = array<i32>} : memref<1632x4x128xf32, #tpu.memory_space<vmem>>, vector<51x4x128xf32>,
    %swap3A_753 = arith.constant 1224 : index
    %swap3A_754 = arith.constant 0 : index
    %swap3A_755 = arith.constant 0 : index
    %swap3A_756 = vector.load %arg2[%swap3A_753, %swap3A_754, %swap3A_755] : memref<1632x4x128xf32, #tpu.memory_space<vmem>>, vector<51x4x128xf32>
    tpu.vector_store %arg2[%swap3A_753, %swap3A_754, %swap3A_755], %reshape3A {strides = array<i32>} : memref<1632x4x128xf32, #tpu.memory_space<vmem>>, vector<51x4x128xf32>,
    %swap3A_757 = arith.constant 1224 : index
    %swap3A_758 = arith.constant 0 : index
    %swap3A_759 = arith.constant 0 : index
    %swap3A_760 = vector.load %arg3[%swap3A_757, %swap3A_758, %swap3A_759] : memref<1632x4x128xf32, #tpu.memory_space<vmem>>, vector<51x4x128xf32>
    tpu.vector_store %arg3[%swap3A_757, %swap3A_758, %swap3A_759], %reshape3A_464 {strides = array<i32>} : memref<1632x4x128xf32, #tpu.memory_space<vmem>>, vector<51x4x128xf32>,
    %swap3A_761 = arith.constant 1224 : index
    %swap3A_762 = arith.constant 0 : index
    %swap3A_763 = arith.constant 0 : index
    %swap3A_764 = vector.load %arg4[%swap3A_761, %swap3A_762, %swap3A_763] : memref<1632x4x128xf32, #tpu.memory_space<vmem>>, vector<51x4x128xf32>
    tpu.vector_store %arg4[%swap3A_761, %swap3A_762, %swap3A_763], %reshape3A_465 {strides = array<i32>} : memref<1632x4x128xf32, #tpu.memory_space<vmem>>, vector<51x4x128xf32>,
    %swap3A_765 = arith.constant 1275 : index
    %swap3A_766 = arith.constant 0 : index
    %swap3A_767 = arith.constant 0 : index
    %swap3A_768 = vector.load %arg2[%swap3A_765, %swap3A_766, %swap3A_767] : memref<1632x4x128xf32, #tpu.memory_space<vmem>>, vector<51x4x128xf32>
    tpu.vector_store %arg2[%swap3A_765, %swap3A_766, %swap3A_767], %reshape3A {strides = array<i32>} : memref<1632x4x128xf32, #tpu.memory_space<vmem>>, vector<51x4x128xf32>,
    %swap3A_769 = arith.constant 1275 : index
    %swap3A_770 = arith.constant 0 : index
    %swap3A_771 = arith.constant 0 : index
    %swap3A_772 = vector.load %arg3[%swap3A_769, %swap3A_770, %swap3A_771] : memref<1632x4x128xf32, #tpu.memory_space<vmem>>, vector<51x4x128xf32>
    tpu.vector_store %arg3[%swap3A_769, %swap3A_770, %swap3A_771], %reshape3A_464 {strides = array<i32>} : memref<1632x4x128xf32, #tpu.memory_space<vmem>>, vector<51x4x128xf32>,
    %swap3A_773 = arith.constant 1275 : index
    %swap3A_774 = arith.constant 0 : index
    %swap3A_775 = arith.constant 0 : index
    %swap3A_776 = vector.load %arg4[%swap3A_773, %swap3A_774, %swap3A_775] : memref<1632x4x128xf32, #tpu.memory_space<vmem>>, vector<51x4x128xf32>
    tpu.vector_store %arg4[%swap3A_773, %swap3A_774, %swap3A_775], %reshape3A_465 {strides = array<i32>} : memref<1632x4x128xf32, #tpu.memory_space<vmem>>, vector<51x4x128xf32>,
    %swap3A_777 = arith.constant 1326 : index
    %swap3A_778 = arith.constant 0 : index
    %swap3A_779 = arith.constant 0 : index
    %swap3A_780 = vector.load %arg2[%swap3A_777, %swap3A_778, %swap3A_779] : memref<1632x4x128xf32, #tpu.memory_space<vmem>>, vector<51x4x128xf32>
    tpu.vector_store %arg2[%swap3A_777, %swap3A_778, %swap3A_779], %reshape3A {strides = array<i32>} : memref<1632x4x128xf32, #tpu.memory_space<vmem>>, vector<51x4x128xf32>,
    %swap3A_781 = arith.constant 1326 : index
    %swap3A_782 = arith.constant 0 : index
    %swap3A_783 = arith.constant 0 : index
    %swap3A_784 = vector.load %arg3[%swap3A_781, %swap3A_782, %swap3A_783] : memref<1632x4x128xf32, #tpu.memory_space<vmem>>, vector<51x4x128xf32>
    tpu.vector_store %arg3[%swap3A_781, %swap3A_782, %swap3A_783], %reshape3A_464 {strides = array<i32>} : memref<1632x4x128xf32, #tpu.memory_space<vmem>>, vector<51x4x128xf32>,
    %swap3A_785 = arith.constant 1326 : index
    %swap3A_786 = arith.constant 0 : index
    %swap3A_787 = arith.constant 0 : index
    %swap3A_788 = vector.load %arg4[%swap3A_785, %swap3A_786, %swap3A_787] : memref<1632x4x128xf32, #tpu.memory_space<vmem>>, vector<51x4x128xf32>
    tpu.vector_store %arg4[%swap3A_785, %swap3A_786, %swap3A_787], %reshape3A_465 {strides = array<i32>} : memref<1632x4x128xf32, #tpu.memory_space<vmem>>, vector<51x4x128xf32>,
    %swap3A_789 = arith.constant 1377 : index
    %swap3A_790 = arith.constant 0 : index
    %swap3A_791 = arith.constant 0 : index
    %swap3A_792 = vector.load %arg2[%swap3A_789, %swap3A_790, %swap3A_791] : memref<1632x4x128xf32, #tpu.memory_space<vmem>>, vector<51x4x128xf32>
    tpu.vector_store %arg2[%swap3A_789, %swap3A_790, %swap3A_791], %reshape3A {strides = array<i32>} : memref<1632x4x128xf32, #tpu.memory_space<vmem>>, vector<51x4x128xf32>,
    %swap3A_793 = arith.constant 1377 : index
    %swap3A_794 = arith.constant 0 : index
    %swap3A_795 = arith.constant 0 : index
    %swap3A_796 = vector.load %arg3[%swap3A_793, %swap3A_794, %swap3A_795] : memref<1632x4x128xf32, #tpu.memory_space<vmem>>, vector<51x4x128xf32>
    tpu.vector_store %arg3[%swap3A_793, %swap3A_794, %swap3A_795], %reshape3A_464 {strides = array<i32>} : memref<1632x4x128xf32, #tpu.memory_space<vmem>>, vector<51x4x128xf32>,
    %swap3A_797 = arith.constant 1377 : index
    %swap3A_798 = arith.constant 0 : index
    %swap3A_799 = arith.constant 0 : index
    %swap3A_800 = vector.load %arg4[%swap3A_797, %swap3A_798, %swap3A_799] : memref<1632x4x128xf32, #tpu.memory_space<vmem>>, vector<51x4x128xf32>
    tpu.vector_store %arg4[%swap3A_797, %swap3A_798, %swap3A_799], %reshape3A_465 {strides = array<i32>} : memref<1632x4x128xf32, #tpu.memory_space<vmem>>, vector<51x4x128xf32>,
    %swap3A_801 = arith.constant 1428 : index
    %swap3A_802 = arith.constant 0 : index
    %swap3A_803 = arith.constant 0 : index
    %swap3A_804 = vector.load %arg2[%swap3A_801, %swap3A_802, %swap3A_803] : memref<1632x4x128xf32, #tpu.memory_space<vmem>>, vector<51x4x128xf32>
    tpu.vector_store %arg2[%swap3A_801, %swap3A_802, %swap3A_803], %reshape3A {strides = array<i32>} : memref<1632x4x128xf32, #tpu.memory_space<vmem>>, vector<51x4x128xf32>,
    %swap3A_805 = arith.constant 1428 : index
    %swap3A_806 = arith.constant 0 : index
    %swap3A_807 = arith.constant 0 : index
    %swap3A_808 = vector.load %arg3[%swap3A_805, %swap3A_806, %swap3A_807] : memref<1632x4x128xf32, #tpu.memory_space<vmem>>, vector<51x4x128xf32>
    tpu.vector_store %arg3[%swap3A_805, %swap3A_806, %swap3A_807], %reshape3A_464 {strides = array<i32>} : memref<1632x4x128xf32, #tpu.memory_space<vmem>>, vector<51x4x128xf32>,
    %swap3A_809 = arith.constant 1428 : index
    %swap3A_810 = arith.constant 0 : index
    %swap3A_811 = arith.constant 0 : index
    %swap3A_812 = vector.load %arg4[%swap3A_809, %swap3A_810, %swap3A_811] : memref<1632x4x128xf32, #tpu.memory_space<vmem>>, vector<51x4x128xf32>
    tpu.vector_store %arg4[%swap3A_809, %swap3A_810, %swap3A_811], %reshape3A_465 {strides = array<i32>} : memref<1632x4x128xf32, #tpu.memory_space<vmem>>, vector<51x4x128xf32>,
    %swap3A_813 = arith.constant 1479 : index
    %swap3A_814 = arith.constant 0 : index
    %swap3A_815 = arith.constant 0 : index
    %swap3A_816 = vector.load %arg2[%swap3A_813, %swap3A_814, %swap3A_815] : memref<1632x4x128xf32, #tpu.memory_space<vmem>>, vector<51x4x128xf32>
    tpu.vector_store %arg2[%swap3A_813, %swap3A_814, %swap3A_815], %reshape3A {strides = array<i32>} : memref<1632x4x128xf32, #tpu.memory_space<vmem>>, vector<51x4x128xf32>,
    %swap3A_817 = arith.constant 1479 : index
    %swap3A_818 = arith.constant 0 : index
    %swap3A_819 = arith.constant 0 : index
    %swap3A_820 = vector.load %arg3[%swap3A_817, %swap3A_818, %swap3A_819] : memref<1632x4x128xf32, #tpu.memory_space<vmem>>, vector<51x4x128xf32>
    tpu.vector_store %arg3[%swap3A_817, %swap3A_818, %swap3A_819], %reshape3A_464 {strides = array<i32>} : memref<1632x4x128xf32, #tpu.memory_space<vmem>>, vector<51x4x128xf32>,
    %swap3A_821 = arith.constant 1479 : index
    %swap3A_822 = arith.constant 0 : index
    %swap3A_823 = arith.constant 0 : index
    %swap3A_824 = vector.load %arg4[%swap3A_821, %swap3A_822, %swap3A_823] : memref<1632x4x128xf32, #tpu.memory_space<vmem>>, vector<51x4x128xf32>
    tpu.vector_store %arg4[%swap3A_821, %swap3A_822, %swap3A_823], %reshape3A_465 {strides = array<i32>} : memref<1632x4x128xf32, #tpu.memory_space<vmem>>, vector<51x4x128xf32>,
    %swap3A_825 = arith.constant 1530 : index
    %swap3A_826 = arith.constant 0 : index
    %swap3A_827 = arith.constant 0 : index
    %swap3A_828 = vector.load %arg2[%swap3A_825, %swap3A_826, %swap3A_827] : memref<1632x4x128xf32, #tpu.memory_space<vmem>>, vector<51x4x128xf32>
    tpu.vector_store %arg2[%swap3A_825, %swap3A_826, %swap3A_827], %reshape3A {strides = array<i32>} : memref<1632x4x128xf32, #tpu.memory_space<vmem>>, vector<51x4x128xf32>,
    %swap3A_829 = arith.constant 1530 : index
    %swap3A_830 = arith.constant 0 : index
    %swap3A_831 = arith.constant 0 : index
    %swap3A_832 = vector.load %arg3[%swap3A_829, %swap3A_830, %swap3A_831] : memref<1632x4x128xf32, #tpu.memory_space<vmem>>, vector<51x4x128xf32>
    tpu.vector_store %arg3[%swap3A_829, %swap3A_830, %swap3A_831], %reshape3A_464 {strides = array<i32>} : memref<1632x4x128xf32, #tpu.memory_space<vmem>>, vector<51x4x128xf32>,
    %swap3A_833 = arith.constant 1530 : index
    %swap3A_834 = arith.constant 0 : index
    %swap3A_835 = arith.constant 0 : index
    %swap3A_836 = vector.load %arg4[%swap3A_833, %swap3A_834, %swap3A_835] : memref<1632x4x128xf32, #tpu.memory_space<vmem>>, vector<51x4x128xf32>
    tpu.vector_store %arg4[%swap3A_833, %swap3A_834, %swap3A_835], %reshape3A_465 {strides = array<i32>} : memref<1632x4x128xf32, #tpu.memory_space<vmem>>, vector<51x4x128xf32>,
    %swap3A_837 = arith.constant 1581 : index
    %swap3A_838 = arith.constant 0 : index
    %swap3A_839 = arith.constant 0 : index
    %swap3A_840 = vector.load %arg2[%swap3A_837, %swap3A_838, %swap3A_839] : memref<1632x4x128xf32, #tpu.memory_space<vmem>>, vector<51x4x128xf32>
    tpu.vector_store %arg2[%swap3A_837, %swap3A_838, %swap3A_839], %reshape3A {strides = array<i32>} : memref<1632x4x128xf32, #tpu.memory_space<vmem>>, vector<51x4x128xf32>,
    %swap3A_841 = arith.constant 1581 : index
    %swap3A_842 = arith.constant 0 : index
    %swap3A_843 = arith.constant 0 : index
    %swap3A_844 = vector.load %arg3[%swap3A_841, %swap3A_842, %swap3A_843] : memref<1632x4x128xf32, #tpu.memory_space<vmem>>, vector<51x4x128xf32>
    tpu.vector_store %arg3[%swap3A_841, %swap3A_842, %swap3A_843], %reshape3A_464 {strides = array<i32>} : memref<1632x4x128xf32, #tpu.memory_space<vmem>>, vector<51x4x128xf32>,
    %swap3A_845 = arith.constant 1581 : index
    %swap3A_846 = arith.constant 0 : index
    %swap3A_847 = arith.constant 0 : index
    %swap3A_848 = vector.load %arg4[%swap3A_845, %swap3A_846, %swap3A_847] : memref<1632x4x128xf32, #tpu.memory_space<vmem>>, vector<51x4x128xf32>
    tpu.vector_store %arg4[%swap3A_845, %swap3A_846, %swap3A_847], %reshape3A_465 {strides = array<i32>} : memref<1632x4x128xf32, #tpu.memory_space<vmem>>, vector<51x4x128xf32>,
    return
  }
  func.func @transform_0(%arg0: i32) -> (i32, i32) {
    %c0_i32 = arith.constant 0 : i32
    %c0_i32_0 = arith.constant 0 : i32
    return %c0_i32, %arg0 : i32, i32
  }
  func.func @transform_1(%arg0: i32) -> (i32, i32, i32) {
    %c0_i32 = arith.constant 0 : i32
    %c0_i32_0 = arith.constant 0 : i32
    %c0_i32_1 = arith.constant 0 : i32
    return %c0_i32, %c0_i32_0, %arg0 : i32, i32, i32
  }
  func.func @transform_2(%arg0: i32) -> (i32, i32, i32) {
    %c0_i32 = arith.constant 0 : i32
    %c0_i32_0 = arith.constant 0 : i32
    %c0_i32_1 = arith.constant 0 : i32
    return %c0_i32, %c0_i32_0, %arg0 : i32, i32, i32
  }
  func.func @transform_3(%arg0: i32) -> (i32, i32, i32) {
    %c0_i32 = arith.constant 0 : i32
    %c0_i32_0 = arith.constant 0 : i32
    %c0_i32_1 = arith.constant 0 : i32
    return %c0_i32, %c0_i32_0, %arg0 : i32, i32, i32
  }
}

</mosaic_0001>

<sc_bundles>
// kernel: kernel.4.cloned.1.call-start
scs
__scs_entry_jumppad:
0x0: {  	(pc) =	sbr.rel $0x88, $3  }
0x1: {  	(tag) =	ssettag $0x0;
	lr =	simm.s32 $0x1  }
0x2: {  	[smem:$0x3F9F] =	sst lr;
	_ =	strace $0xD0000000  }
0x3: {  	_ = 	snop  }
0x4: {  	_ = 	snop  }
0x5: {  	_ = 	snop  }
0x6: {  	_ = 	snop  }
0x7: {  	_ = 	snop  }
__scs_overlays_trampoline_lowered:
0x8: {  	[smem:$0x3FAE] =	sst s0  }
0x9: {  	[smem:$0x3FAF] =	sst s1  }
0xa: {  	[smem:$0x3FB0] =	sst s2  }
0xb: {  	[smem:$0x3FB1] =	sst s3  }
0xc: {  	[smem:$0x3FB2] =	sst s4  }
0xd: {  	[smem:$0x3FB3] =	sst s5  }
0xe: {  	[smem:$0x3FB4] =	sst s6  }
0xf: {  	[smem:$0x3FB5] =	sst s7  }
0x10: {  	[smem:$0x3FB6] =	sst s8  }
0x11: {  	[smem:$0x3FB7] =	sst s9;
	s0 =	simm.s32 @!p0 $0x0  }
0x12: {  	s1 =	sld [smem:$0x3F9D];
	s0 =	simm.s32 @p0 $0x1  }
0x13: {  	[smem:$0x3FB8] =	sst s0;
	s0 =	simm.s32 @!p1 $0x0  }
0x14: {  	s2 =	sld [smem:$0x3F9C];
	s0 =	simm.s32 @p1 $0x1  }
0x15: {  	[smem:$0x3FB9] =	sst s0;
	s0 =	simm.s32 @!p2 $0x0  }
0x16: {  	s3 =	sld [smem:$0x3FDB];
	s0 =	simm.s32 @p2 $0x1  }
0x17: {  	s4 =	simm.s32 $0x1BF5;
	[smem:$0x3FBB] =	sst s0  }
0x18: {  	s0 =	sld [smem:$0x3F9E];
	_ =	swait.ge [sflag:s4], $0x0  }
0x19: {  	s7 =	sld [smem:$0x3F9F]  }
0x1a: {  	s8 =	sadd.s32 $0xFFFFE003, lr  }
0x1b: {  	s9 =	sadd.s32 $0xFFFFFEF7, lr;
	s5 =	simm.s32 $0xFFFFFFFF;
	p2 =	slt.u32 s8, $0xFFFFF086  }
0x1c: {  	p1 =	slt.u32 s9, $0xF7A;
	s5 =	simm.s32 @!p2 $0x0  }
0x1d: {  	s5 =	simm.s32 @p1 $0x1;
	p0 =	seq.s32 s7, s2  }
0x1e: {  	s7 =	smul.u32 @!p0 $0xF7A, s2;
	p2 =	seq.s32 @!p0 s5, $0x0  }
0x1f: {  	s9 =	smul.u32 $0xF7A, s1;
	s8 =	simm.s32 @!p0 $0x1BF5;
	p2 =	por !p2, p0  }
0x20: {  	[sflag:s8] =	ssyncset.s32 @!p0 $0xFFFFF086;
	s6 =	sadd.s32 @!p0 s3, s7;
	s7 =	simm.s32 @!p0 $0x108  }
0x21: {  	s3 =	sadd.s32 s3, s9;
	s6 =	sadd.s32 @!p0 $0x88, s6;
	s7 =	simm.s32 @p2 $0x1082  }
0x22: {  	[simem:s7], [sflag:s8] =	dma.local @!p0 [hbm:s6], $0xF7A  }
0x23: {  	s9 =	sor.u32 $0xD0000000, s2;
	s6 =	simm.s32 $0x108;
	_ =	swait.ge @!p0 [sflag:s8], $0x0  }
0x24: {  	s3 =	sadd.s32 $0x88, s3;
	s6 =	simm.s32 @!p1 $0x1082;
	[sflag:s4] =	ssyncset.s32 $0xFFFFF086  }
0x25: {  	[simem:s6], [sflag:s4] =	dma.local [hbm:s3], $0xF7A  }
0x26: {  	[smem:$0x3F9F] =	sst s1;
	(tag) =	ssettag s2;
	_ =	strace s9  }
0x27: {  	s1 =	sld [smem:$0x3FAF]  }
0x28: {  	s2 =	sld [smem:$0x3FB0]  }
0x29: {  	s4 =	sld [smem:$0x3FB2]  }
0x2a: {  	p0 =	seq.s32 s5, $0x0;
	s5 =	sld [smem:$0x3FB3]  }
0x2b: {  	s6 =	sld [smem:$0x3FB4]  }
0x2c: {  	s7 =	sld [smem:$0x3FB5]  }
0x2d: {  	s3 =	simm.s32 $0x108;
	s8 =	sld [smem:$0x3FB6]  }
0x2e: {  	s3 =	simm.s32 @!p0 $0x1082;
	s9 =	sld [smem:$0x3FB7]  }
0x2f: {  	lr =	sadd.s32 s0, s3;
	s0 =	sld [smem:$0x3FAE]  }
0x30: {  	s3 =	sld [smem:$0x3FB1]  }
0x31: {  	[smem:$0x3FBA] =	sst s10  }
0x32: {  	s10 =	sld [smem:$0x3FB8];
	_ =	sdelay $0x3  }
0x33: {  	p0 =	seq.s32 s10, $0x1;
	s10 =	sld [smem:$0x3FBA];
	_ =	sdelay $0x3  }
0x34: {  	[smem:$0x3FBA] =	sst s10  }
0x35: {  	s10 =	sld [smem:$0x3FB9];
	_ =	sdelay $0x3  }
0x36: {  	p1 =	seq.s32 s10, $0x1;
	s10 =	sld [smem:$0x3FBA];
	_ =	sdelay $0x3  }
0x37: {  	[smem:$0x3FBA] =	sst s10  }
0x38: {  	s10 =	sld [smem:$0x3FBB]  }
0x39: {  	_ = 	snop;
	(pc) =	sbr.ind lr, $3  }
0x3a: {  	_ = 	snop  }
0x3b: {  	_ = 	snop  }
0x3c: {  	p2 =	seq.s32 s10, $0x1;
	s10 =	sld [smem:$0x3FBA]  }
0x3d: {  	_ =	shalt  }
0x3e: {  	_ =	shalt  }
0x3f: {  	_ =	shalt  }
0x40: {  	_ =	shalt  }
0x41: {  	_ =	shalt  }
0x42: {  	_ =	shalt  }
0x43: {  	_ =	shalt  }
0x44: {  	_ =	shalt  }
0x45: {  	_ =	shalt  }
0x46: {  	_ =	shalt  }
0x47: {  	_ =	shalt  }
0x48: {  	_ =	shalt  }
0x49: {  	_ =	shalt  }
0x4a: {  	_ =	shalt  }
0x4b: {  	_ =	shalt  }
0x4c: {  	_ =	shalt  }
0x4d: {  	_ =	shalt  }
0x4e: {  	_ =	shalt  }
0x4f: {  	_ =	shalt  }
0x50: {  	_ =	shalt  }
0x51: {  	_ =	shalt  }
0x52: {  	_ =	shalt  }
0x53: {  	_ =	shalt  }
0x54: {  	_ =	shalt  }
0x55: {  	_ =	shalt  }
0x56: {  	_ =	shalt  }
0x57: {  	_ =	shalt  }
0x58: {  	_ =	shalt  }
0x59: {  	_ =	shalt  }
0x5a: {  	_ =	shalt  }
0x5b: {  	_ =	shalt  }
0x5c: {  	_ =	shalt  }
0x5d: {  	_ =	shalt  }
0x5e: {  	_ =	shalt  }
0x5f: {  	_ =	shalt  }
0x60: {  	_ =	shalt  }
0x61: {  	_ =	shalt  }
0x62: {  	_ =	shalt  }
0x63: {  	_ =	shalt  }
0x64: {  	_ =	shalt  }
0x65: {  	_ =	shalt  }
0x66: {  	_ =	shalt  }
0x67: {  	_ =	shalt  }
0x68: {  	_ =	shalt  }
0x69: {  	_ =	shalt  }
0x6a: {  	_ =	shalt  }
0x6b: {  	_ =	shalt  }
0x6c: {  	_ =	shalt  }
0x6d: {  	_ =	shalt  }
0x6e: {  	_ =	shalt  }
0x6f: {  	_ =	shalt  }
0x70: {  	_ =	shalt  }
0x71: {  	_ =	shalt  }
0x72: {  	_ =	shalt  }
0x73: {  	_ =	shalt  }
0x74: {  	_ =	shalt  }
0x75: {  	_ =	shalt  }
0x76: {  	_ =	shalt  }
0x77: {  	_ =	shalt  }
0x78: {  	_ =	shalt  }
0x79: {  	_ =	shalt  }
0x7a: {  	_ =	shalt  }
0x7b: {  	_ =	shalt  }
0x7c: {  	_ =	shalt  }
0x7d: {  	_ =	shalt  }
0x7e: {  	_ =	shalt  }
0x7f: {  	_ =	shalt  }
0x80: {  	_ =	shalt  }
0x81: {  	_ =	shalt  }
0x82: {  	_ =	shalt  }
0x83: {  	_ =	shalt  }
0x84: {  	_ =	shalt  }
0x85: {  	_ =	shalt  }
0x86: {  	_ =	shalt  }
0x87: {  	_ =	shalt  }
.Lfunc_end0:
.L_simem_size_0:
called_computation_lowered:
.L_overlay_start_0:
0x88: {  	s0 =	sld [smem:$0x3FD9]  }
0x89: {  	s1 =	sld [smem:$0x3FFE];
	_ =	sdelay $0x3  }
0x8a: {  	s0 =	sadd.s32 s1, s0  }
0x8b: {  	[smem:$0x3FC6] =	sst s0  }
0x8c: {  	_ = 	snop  }
0x8d: {  	s0 =	sld [smem:$0x3FD0];
	_ =	sdelay $0x2  }
0x8e: {  	s13 =	simm.s32 $0xA;
	s2 =	simm.s32 $0x10  }
0x8f: {  	[smem:s2], [sflag:s13] =	dma.local [hbm:s0], $0x1  }
0x90: {  	_ =	swait.eq [sflag:s13], $0x1  }
0x91: {  	s14 =	sld [smem:$0x10];
	[sflag:s13] =	ssyncset.done $0x0  }
0x92: {  	s15 =	sld [smem:$0x11];
	[sflag:s13] =	ssyncadd.s32 $0xFFFFFFFF  }
0x93: {  	s16 =	sld [smem:$0x12];
	(tm) =	ssettm $0x1  }
0x94: {  	s3 =	sld [smem:$0x3FFB];
	_ =	sdelay $0x3  }
0x95: {  	_ =	strace s3  }
0x96: {  	s3 =	sld [smem:$0x3FFC];
	_ =	sdelay $0x3  }
0x97: {  	_ =	strace s3  }
0x98: {  	s3 =	sld [smem:$0x3FFD];
	_ =	sdelay $0x3  }
0x99: {  	_ =	strace s3  }
0x9a: {  	_ =	strace $0x8FFFFFFF  }
0x9b: {  	s17 =	sld [smem:$0x3FDB];
	_ =	sdelay $0x1  }
0x9c: {  	s4 =	simm.s32 $_scs_section_size  }
0x9d: {  	s5 =	simm.s32 $_size__tile_overlayer_lowered;
	s6 =	simm.s32 $_tile_overlayer_lowered  }
0x9e: {  	s20 =	simm.s32 $0x1BFF;
	s19 =	sshll.u32 s6, $0x1;
	s3 =	sadd.s32 s4, s17  }
0x9f: {  	s7 =	simm.s32 $0x0;
	s18 =	sshll.u32 s5, $0x1;
	s5 =	sadd.s32 s19, s3  }
0xa0: {  	[timem:s7], [sflag:s20] =	dma.local [hbm:s5], s18  }
0xa1: {  	_ =	swait.ge [sflag:s20], s18  }
0xa2: {  	s4 =	ssub.s32 $0x0, s18;
	[sflag:s20] =	ssyncset.done $0x0  }
0xa3: {  	[sflag:s20] =	ssyncadd.s32 s4;
	_ =	sdelay $0x1  }
0xa4: {  	s21 =	simm.s32 $0x1B8B  }
0xa5: {  	_ =	swait.ge [sflag:s21], $0x1  }
0xa6: {  	[sflag:s21] =	ssyncset.done $0x0  }
0xa7: {  	s23 =	simm.s32 $0x1B8E;
	s22 =	sld [smem:$0x3FFE];
	[sflag:s21] =	ssyncadd.s32 $0xFFFFFFFF  }
0xa8: {  	s24 =	simm.s32 $execute0_lowered;
	[smem:$0x3FD2] =	sst s23  }
0xa9: {  	s5 =	sshll.u32 s24, $0x1;
	_ =	strace $0x80000046;
	[dreg:$0x1] =	wrdreg $0xFFFFFFFF  }
0xaa: {  	s25 =	simm.s32 $_size_execute0_lowered;
	s3 =	sadd.s32 s3, s5;
	[dreg:$0x0] =	wrdreg $0x0  }
0xab: {  	s5 =	sshll.u32 s25, $0x1;
	[dreg:$0x2] =	wrdreg s3  }
0xac: {  	[dreg:$0x3] =	wrdreg s5  }
0xad: {  	[dreg:$0x4] =	wrdreg $0xC0  }
0xae: {  	_ =	task [dreg:s7], $0x5FFFF  }
0xaf: {  	[dreg:$0x1] =	wrdreg $0xFFFFFFFF  }
0xb0: {  	[dreg:$0x0] =	wrdreg $0x60  }
0xb1: {  	[dreg:$0x2] =	wrdreg s22  }
0xb2: {  	[dreg:$0x3] =	wrdreg s14  }
0xb3: {  	[dreg:$0x4] =	wrdreg s15  }
0xb4: {  	[dreg:$0x5] =	wrdreg s16  }
0xb5: {  	[dreg:$0x6] =	wrdreg $0x9  }
0xb6: {  	_ =	task.clear_ibuf [dreg:s7], $0x7FFFF;
	_ =	strace $0x90000046  }
0xb7: {  	s26 =	simm.s32 $0x9;
	_ =	strace $0x80000048  }
0xb8: {  	_ =	swait.ge [sflag:s26], $0x1  }
0xb9: {  	[sflag:s26] =	ssyncadd.s32 $0xFFFFFFFF  }
0xba: {  	_ =	strace $0x90000048  }
0xbb: {  	_ =	sfence  }
0xbc: {  	s28 =	sld [smem:$0x0];
	_ =	sdelay $0x1  }
0xbd: {  	s29 =	srdreg.scid  }
0xbe: {  	s30 =	sshll.u32 s29, $0xD;
	s31 =	sshrl.u32 s29, $0x2  }
0xbf: {  	s1 =	sand.u32 $0x1, s29;
	s2 =	sand.u32 $0x4000, s30;
	s0 =	sadd.s32 s31, s28  }
0xc0: {  	s1 =	sor.u32 s2, s1;
	s0 =	sshll.u32 s0, $0x11  }
0xc1: {  	s0 =	sor.u32 s0, s1  }
0xc2: {  	s0 =	sadd.s32 $0x8F2B, s0  }
0xc3: {  	[sflag:s0] =	ssyncadd.remote.s32 $0x1  }
0xc4: {  	_ =	sfence.sel $0xFFFF  }
0xc5: {  	[dreg:$0x0] =	wrdreg $0xFFFFFFFF;
	(pc) =	sbr.abs _section_cstart, $3  }
0xc6: {  	[dreg:$0x1] =	wrdreg $0xFFFFFFFF  }
0xc7: {  	_ =	task.clear_ibuf [dreg:s7], $0x2FFFF;
	_ =	strace $0x9FFFFFFF  }
0xc8: {  	(tm) =	ssettm $0x7FFFFFFF  }
0xc9: {  	_ =	shalt  }
tec
execute0_lowered:
.L_overlay_start_1:
0x0: {  	(tag) =	ssettag $0x1  }
0x1: {  	s1 =	simm.s32 $0x0  }
0x2: {  	[smem:$0x7FF] =	sst s1  }
0x3: {  	s0 =	rddreg [dreg:$0x0];
	v0 =	vimm.f32 $5.000000000e+00;
	_ =	strace $0x80000047  }
0x4: {  	(erf) = vrcp.f32 v0;
	_ =	sdelay $0x7  }
0x5: {  	s2 =	sadd.s32 $0xC00, s0  }
0x6: {  	[tilespmem:s1], [sflag:$0x1] =	stream.linear.gather [hbm4b:s2+s1], $0x1980, $0x38;
	v0 =	vpop (erf);
	[tilespmem:$0x10C00] =	vst v63  }
0x7: {  	s3 =	stileid.u32;
	s30 =	simm.s32 $0x1;
	[tilespmem:$0x1FFF0] =	vst v0  }
0x8: {  	s3 =	sshll.u32 s3, $0x6;
	_ =	swait.ge [sflag:s30], $0x1980  }
0x9: {  	s0 =	sadd.s32 s3, s0;
	[sflag:s30] =	ssyncset.done $0x0  }
0xa: {  	s31 =	simm.s32 $0x1980;
	s0 =	sadd.s32 $0x1000, s0;
	[sflag:s30] =	ssyncadd.s32 $0xFFFFE680  }
0xb: {  	[tilespmem:s31], [sflag:$0x1] =	stream.linear.gather [hbm4b:s0+s1], $0x200, $0x38;
	[tilespmem:$0x10C00] =	vst v63  }
0xc: {  	s5 =	simm.s32 $0x5C80;
	_ =	swait.ge [sflag:s30], $0x200  }
0xd: {  	s6 =	simm.s32 $0x9C90;
	s7 =	simm.s32 $0x1C80;
	[sflag:s30] =	ssyncset.done $0x0  }
0xe: {  	s0 =	simm.s32 $0xFFFFFFFE;
	s1 =	simm.s32 $0x1984;
	[sflag:s30] =	ssyncadd.s32 $0xFFFFFE00  }
.LBB2_1:
0xf: {  	v0 =	vld [tilespmem:s1+$0xFFFFFFFC];
	_ =	sdelay $0x1  }
0x10: {  	v3 =	vld [tilespmem:$0x1FFF0];
	_ =	sdelay $0x2  }
0x11: {  	v0 =	vmul.f32 $5.000000000e+01, v0;
	_ =	sdelay $0x1  }
0x12: {  	v1 =	vmul.f32 v0, v3;
	_ =	sdelay $0x1  }
0x13: {  	v1 =	vtrunc.f32 v1  }
0x14: {  	v1 =	vcvt.f32.s32 v1;
	_ =	sdelay $0x1  }
0x15: {  	vm0 =	vgt.s32 v1, $0x0  }
0x16: {  	v1 =	vnsel vm0, $0x0, v1  }
0x17: {  	v1 =	vmin.u32 v1, $0x9  }
0x18: {  	v2 =	vmul.u32 $0x5, v1;
	_ =	sdelay $0x1  }
0x19: {  	v1 =	vcvt.s32.f32 v2;
	_ =	sdelay $0x1  }
0x1a: {  	v0 =	vsub.f32 v0, v1;
	_ =	sdelay $0x1  }
0x1b: {  	v0 =	vadd.f32 v0, v0;
	_ =	sdelay $0x1  }
0x1c: {  	v0 =	vmul.f32 v0, v3;
	_ =	sdelay $0x1  }
0x1d: {  	v53 =	vadd.f32 $-1.000000000e+00, v0;
	_ =	sdelay $0x1  }
0x1e: {  	(v2sf) =	vpush v53, $0x0;
	_ =	sdelay $0xc  }
0x1f: {  	[dreg:$0x9] =	wrdreg s7  }
0x20: {  	[dreg:$0x8] =	wrdreg s6  }
0x21: {  	[dreg:$0x6] =	wrdreg s1;
	s1 =	spop (v2sf)  }
0x22: {  	[dreg:$0x5] =	wrdreg s0;
	s0 =	smul.f32 $8.138020630e-01, s1  }
0x23: {  	[dreg:$0x7] =	wrdreg s5;
	s4 =	smul.f32 $8.138021090e+01, s1  }
0x24: {  	s23 =	smul.f32 $8.138020510e+00, s1;
	s2 =	ssub.f32 $8.138020630e-01, s0  }
0x25: {  	s24 =	smul.f32 $3.255208400e+04, s1;
	s18 =	ssub.f32 $6.510416410e+01, s4  }
0x26: {  	s28 =	smul.f32 $8.138020620e+02, s1;
	s10 =	ssub.f32 $1.627604130e+00, s23  }
0x27: {  	s11 =	sadd.f32 $-1.171875000e+04, s24  }
0x28: {  	s29 =	ssub.f32 $1.302083280e+02, s28  }
0x29: {  	s0 =	sadd.f32 $8.138020630e-01, s0;
	s2 =	smul.f32 s2, s1  }
0x2a: {  	s4 =	sadd.f32 $6.510416410e+01, s4;
	s5 =	smul.f32 s18, s1  }
0x2b: {  	s26 =	smul.f32 s11, s1;
	s18 =	sadd.f32 $1.302083280e+02, s28  }
0x2c: {  	s11 =	smul.f32 s29, s1;
	s2 =	sadd.f32 $3.255208430e-01, s2  }
0x2d: {  	s4 =	smul.f32 s4, s1;
	s20 =	sadd.f32 $1.953125000e+01, s5  }
0x2e: {  	s5 =	smul.f32 $4.069010310e+02, s1;
	s13 =	sadd.f32 $6.640625000e+02, s11  }
0x2f: {  	s4 =	sadd.f32 $-1.953125000e+01, s4  }
0x30: {  	s2 =	smul.f32 s2, s1;
	s9 =	sadd.f32 $-1.953125000e+02, s5  }
0x31: {  	s7 =	smul.f32 s20, s1;
	s5 =	ssub.f32 $-1.953125000e+02, s5  }
0x32: {  	s4 =	smul.f32 s4, s1;
	s2 =	sadd.f32 $-3.255208430e-01, s2  }
0x33: {  	s7 =	sadd.f32 $-1.302083300e+01, s7;
	s9 =	smul.f32 s9, s1  }
0x34: {  	s5 =	smul.f32 s5, s1;
	s4 =	sadd.f32 $-1.302083300e+01, s4  }
0x35: {  	s2 =	smul.f32 s2, s1;
	s9 =	sadd.f32 $-2.539062500e+02, s9  }
0x36: {  	s7 =	smul.f32 s7, s1;
	s5 =	sadd.f32 $2.539062500e+02, s5  }
0x37: {  	s4 =	smul.f32 s4, s1;
	s3 =	sadd.f32 $-1.171875000e-02, s2  }
0x38: {  	s2 =	smul.f32 $4.069010260e+00, s1;
	s7 =	sadd.f32 $-2.343750000e-01, s7  }
0x39: {  	s21 =	smul.f32 s9, s1;
	s9 =	sadd.f32 $1.627604130e+00, s23  }
0x3a: {  	s4 =	sadd.f32 $2.343750000e-01, s4  }
0x3b: {  	s19 =	sadd.f32 $-2.441406250e+00, s2  }
0x3c: {  	[dreg:$0xa] =	wrdreg s7  }
0x3d: {  	s14 =	smul.f32 $6.510416800e+04, s1;
	s7 =	sadd.f32 $1.015625000e+02, s21  }
0x3e: {  	s5 =	smul.f32 s5, s1;
	s2 =	ssub.f32 $-2.441406250e+00, s2  }
0x3f: {  	s3 =	smul.f32 s3, s1;
	s21 =	sadd.f32 $7.812500000e+03, s14  }
0x40: {  	s12 =	smul.f32 s9, s1;
	s5 =	sadd.f32 $1.015625000e+02, s5  }
0x41: {  	s9 =	smul.f32 s13, s1;
	[dreg:$0x17] =	wrdreg s4  }
0x42: {  	s30 =	sadd.f32 $1.171875000e-02, s3;
	s3 =	smul.f32 $6.510416500e+03, s1  }
0x43: {  	s6 =	smul.f32 s19, s1;
	s9 =	sadd.f32 $-8.854166410e+01, s9  }
0x44: {  	s7 =	smul.f32 s7, s1;
	s8 =	ssub.f32 $3.906250000e+03, s3  }
0x45: {  	s19 =	smul.f32 s18, s1;
	s6 =	sadd.f32 $-4.231770990e+00, s6  }
0x46: {  	s2 =	smul.f32 s2, s1;
	s7 =	sadd.f32 $3.255208250e+00, s7  }
0x47: {  	s5 =	smul.f32 s5, s1;
	s20 =	sadd.f32 $-6.640625000e+02, s19  }
0x48: {  	s2 =	sadd.f32 $4.231770990e+00, s2  }
0x49: {  	s23 =	sadd.f32 $-3.255208250e+00, s5  }
0x4a: {  	s3 =	sadd.f32 $3.906250000e+03, s3  }
0x4b: {  	[dreg:$0xb] =	wrdreg s7  }
0x4c: {  	s8 =	smul.f32 s8, s1;
	s7 =	sadd.f32 $-1.015625000e+04, s26  }
0x4d: {  	s6 =	smul.f32 s6, s1;
	[dreg:$0x14] =	wrdreg s23  }
0x4e: {  	s2 =	smul.f32 s2, s1;
	s8 =	sadd.f32 $7.812500000e+02, s8  }
0x4f: {  	s3 =	smul.f32 s3, s1;
	s6 =	sadd.f32 $2.539062500e+00, s6  }
0x50: {  	s7 =	smul.f32 s7, s1;
	s2 =	sadd.f32 $2.539062500e+00, s2  }
0x51: {  	s3 =	sadd.f32 $-7.812500000e+02, s3;
	s8 =	smul.f32 s8, s1  }
0x52: {  	v54 =	vshll.u32 v2, $0x7;
	s6 =	smul.f32 s6, s1;
	s7 =	sadd.f32 $2.031250000e+03, s7  }
0x53: {  	(v2sf) =	vpush v54, $0x1;
	s31 =	sadd.f32 $-2.604166560e+02, s8  }
0x54: {  	(v2sf) =	vpush v54, $0x0;
	s22 =	sadd.f32 $1.627604220e-01, s6  }
0x55: {  	[dreg:$0xd] =	wrdreg s7  }
0x56: {  	(v2sf) =	vpush v53, $0x1;
	s2 =	smul.f32 s2, s1;
	s7 =	sadd.f32 $-1.106770800e+01, s12  }
0x57: {  	s3 =	smul.f32 s3, s1;
	s12 =	ssub.f32 $7.812500000e+03, s14  }
0x58: {  	s2 =	sadd.f32 $-1.627604220e-01, s2  }
0x59: {  	s3 =	sadd.f32 $-2.604166560e+02, s3  }
0x5a: {  	s6 =	ssub.f32 $-1.171875000e+04, s24;
	s8 =	smul.f32 s22, s1  }
0x5b: {  	s7 =	smul.f32 s7, s1;
	[dreg:$0x19] =	wrdreg s3  }
0x5c: {  	s12 =	smul.f32 s12, s1;
	s8 =	sadd.f32 $-9.765625000e-02, s8  }
0x5d: {  	s2 =	smul.f32 s2, s1;
	s7 =	sadd.f32 $-2.213541750e+00, s7  }
0x5e: {  	s24 =	smul.f32 s6, s1;
	s16 =	sadd.f32 $2.656250000e+04, s12  }
0x5f: {  	s2 =	sadd.f32 $-9.765625000e-02, s2  }
0x60: {  	s25 =	smul.f32 s10, s1;
	s6 =	sadd.f32 $1.015625000e+04, s24  }
0x61: {  	s0 =	smul.f32 s0, s1;
	[dreg:$0xc] =	wrdreg s8  }
0x62: {  	s10 =	spop (v2sf);
	s8 =	sadd.f32 $1.106770800e+01, s25  }
0x63: {  	s26 =	spop (v2sf);
	[dreg:$0x15] =	wrdreg s2  }
0x64: {  	s7 =	smul.f32 s7, s1;
	s25 =	sadd.f32 $-3.255208430e-01, s0  }
0x65: {  	s0 =	spop (v2sf);
	s6 =	smul.f32 s6, s1  }
0x66: {  	s2 =	smul.f32 $8.138020630e-01, s0;
	s7 =	sadd.f32 $2.929687500e+00, s7  }
0x67: {  	s18 =	smul.f32 $8.138020510e+00, s0;
	s6 =	sadd.f32 $2.031250000e+03, s6  }
0x68: {  	s23 =	smul.f32 $8.138020620e+02, s0;
	s28 =	ssub.f32 $8.138020630e-01, s2  }
0x69: {  	s19 =	ssub.f32 $1.627604130e+00, s18  }
0x6a: {  	s8 =	smul.f32 s8, s1;
	s24 =	ssub.f32 $1.302083280e+02, s23  }
0x6b: {  	s5 =	smul.f32 s25, s1;
	s2 =	sadd.f32 $8.138020630e-01, s2  }
0x6c: {  	s8 =	sadd.f32 $-2.213541750e+00, s8  }
0x6d: {  	s7 =	smul.f32 s7, s1;
	s5 =	sadd.f32 $-3.255208430e-01, s5  }
0x6e: {  	[dreg:$0x16] =	wrdreg s6;
	s29 =	smul.f32 s28, s0  }
0x6f: {  	s8 =	smul.f32 s8, s1;
	s7 =	sadd.f32 $5.859375000e-01, s7  }
0x70: {  	s6 =	sadd.f32 $3.255208430e-01, s29  }
0x71: {  	s5 =	smul.f32 s5, s1;
	s8 =	sadd.f32 $-2.929687500e+00, s8  }
0x72: {  	[dreg:$0x11] =	wrdreg s7;
	s7 =	smul.f32 s20, s1  }
0x73: {  	s5 =	sadd.f32 $1.171875000e-02, s5;
	s6 =	smul.f32 s6, s0  }
0x74: {  	s8 =	smul.f32 s8, s1;
	s7 =	sadd.f32 $-8.854166410e+01, s7  }
0x75: {  	s5 =	smul.f32 s5, s1;
	s6 =	sadd.f32 $-3.255208430e-01, s6  }
0x76: {  	s8 =	sadd.f32 $5.859375000e-01, s8  }
0x77: {  	s15 =	smul.f32 s9, s1;
	s5 =	sadd.f32 $1.171875000e-02, s5  }
0x78: {  	s7 =	smul.f32 s7, s1;
	[dreg:$0xe] =	wrdreg s8  }
0x79: {  	s8 =	sadd.f32 $-5.859375000e+01, s15  }
0x7a: {  	s7 =	sadd.f32 $5.859375000e+01, s7  }
0x7b: {  	s17 =	smul.f32 s16, s1;
	[dreg:$0x18] =	wrdreg s5  }
0x7c: {  	[dreg:$0xf] =	wrdreg s8  }
0x7d: {  	s4 =	smul.f32 $8.138021090e+01, s0;
	s8 =	sadd.f32 $-1.770833370e+03, s17  }
0x7e: {  	[dreg:$0x13] =	wrdreg s7  }
0x7f: {  	s7 =	ssub.f32 $6.510416410e+01, s4  }
0x80: {  	[dreg:$0x10] =	wrdreg s8;
	s8 =	smul.f32 s21, s1  }
0x81: {  	s6 =	smul.f32 s6, s0;
	s4 =	sadd.f32 $6.510416410e+01, s4  }
0x82: {  	s9 =	smul.f32 s7, s0;
	s8 =	sadd.f32 $-2.656250000e+04, s8  }
0x83: {  	s5 =	sadd.f32 $-1.171875000e-02, s6;
	s4 =	smul.f32 s4, s0  }
0x84: {  	s12 =	sadd.f32 $1.953125000e+01, s9;
	s8 =	smul.f32 s8, s1  }
0x85: {  	s4 =	sadd.f32 $-1.953125000e+01, s4;
	s1 =	smul.f32 $4.069010260e+00, s0  }
0x86: {  	s7 =	smul.f32 s12, s0;
	s22 =	sadd.f32 $-1.770833370e+03, s8  }
0x87: {  	s12 =	smul.f32 s24, s0;
	s11 =	sadd.f32 $-2.441406250e+00, s1  }
0x88: {  	s7 =	sadd.f32 $-1.302083300e+01, s7  }
0x89: {  	s4 =	smul.f32 s4, s0;
	s28 =	sadd.f32 $6.640625000e+02, s12  }
0x8a: {  	s1 =	ssub.f32 $-2.441406250e+00, s1  }
0x8b: {  	s8 =	smul.f32 s5, s0;
	s4 =	sadd.f32 $-1.302083300e+01, s4  }
0x8c: {  	s5 =	smul.f32 $4.069010310e+02, s0;
	[dreg:$0x12] =	wrdreg s22  }
0x8d: {  	s3 =	sadd.f32 $1.171875000e-02, s8  }
0x8e: {  	s14 =	sadd.f32 $-1.953125000e+02, s5  }
0x8f: {  	s6 =	smul.f32 s11, s0;
	s5 =	ssub.f32 $-1.953125000e+02, s5  }
0x90: {  	s7 =	smul.f32 s7, s0;
	[dreg:$0x1a] =	wrdreg s3  }
0x91: {  	s1 =	smul.f32 s1, s0;
	s6 =	sadd.f32 $-4.231770990e+00, s6  }
0x92: {  	s4 =	smul.f32 s4, s0;
	s7 =	sadd.f32 $-2.343750000e-01, s7  }
0x93: {  	s3 =	smul.f32 $6.510416500e+03, s0;
	s1 =	sadd.f32 $4.231770990e+00, s1  }
0x94: {  	s9 =	smul.f32 s14, s0;
	s4 =	sadd.f32 $2.343750000e-01, s4  }
0x95: {  	s13 =	ssub.f32 $3.906250000e+03, s3  }
0x96: {  	s5 =	smul.f32 s5, s0;
	s9 =	sadd.f32 $-2.539062500e+02, s9  }
0x97: {  	[dreg:$0x1c] =	wrdreg s7  }
0x98: {  	s6 =	smul.f32 s6, s0;
	s5 =	sadd.f32 $2.539062500e+02, s5  }
0x99: {  	s29 =	smul.f32 $6.510416800e+04, s0;
	s3 =	sadd.f32 $3.906250000e+03, s3  }
0x9a: {  	s1 =	smul.f32 s1, s0;
	s6 =	sadd.f32 $2.539062500e+00, s6  }
0x9b: {  	s16 =	smul.f32 s9, s0;
	s9 =	sadd.f32 $1.627604130e+00, s18  }
0x9c: {  	s8 =	smul.f32 s13, s0;
	s13 =	ssub.f32 $7.812500000e+03, s29  }
0x9d: {  	s18 =	sadd.f32 $7.812500000e+03, s29  }
0x9e: {  	s1 =	sadd.f32 $2.539062500e+00, s1;
	s5 =	smul.f32 s5, s0  }
0x9f: {  	s3 =	smul.f32 s3, s0;
	s8 =	sadd.f32 $7.812500000e+02, s8  }
0xa0: {  	s6 =	smul.f32 s6, s0;
	s7 =	sadd.f32 $1.015625000e+02, s16  }
0xa1: {  	s25 =	smul.f32 s9, s0;
	s5 =	sadd.f32 $1.015625000e+02, s5  }
0xa2: {  	s9 =	smul.f32 s28, s0;
	s3 =	sadd.f32 $-7.812500000e+02, s3  }
0xa3: {  	s13 =	smul.f32 s13, s0;
	s17 =	sadd.f32 $1.627604220e-01, s6  }
0xa4: {  	s1 =	smul.f32 s1, s0;
	s9 =	sadd.f32 $-8.854166410e+01, s9  }
0xa5: {  	s8 =	smul.f32 s8, s0;
	s13 =	sadd.f32 $2.656250000e+04, s13  }
0xa6: {  	s6 =	smul.f32 $3.255208400e+04, s0;
	s1 =	sadd.f32 $-1.627604220e-01, s1  }
0xa7: {  	s7 =	smul.f32 s7, s0;
	s15 =	sadd.f32 $-2.604166560e+02, s8  }
0xa8: {  	s20 =	sadd.f32 $-1.171875000e+04, s6  }
0xa9: {  	s7 =	sadd.f32 $3.255208250e+00, s7  }
0xaa: {  	s8 =	smul.f32 s17, s0;
	s6 =	ssub.f32 $-1.171875000e+04, s6  }
0xab: {  	[dreg:$0x1b] =	wrdreg s15  }
0xac: {  	s8 =	sadd.f32 $-9.765625000e-02, s8  }
0xad: {  	s1 =	smul.f32 s1, s0;
	[dreg:$0x1d] =	wrdreg s7  }
0xae: {  	s15 =	sadd.f32 $1.302083280e+02, s23  }
0xaf: {  	s21 =	smul.f32 s19, s0;
	s1 =	sadd.f32 $-9.765625000e-02, s1  }
0xb0: {  	s22 =	smul.f32 s20, s0;
	[dreg:$0x1e] =	wrdreg s8  }
0xb1: {  	s5 =	smul.f32 s5, s0;
	s8 =	sadd.f32 $1.106770800e+01, s21  }
0xb2: {  	s20 =	smul.f32 s2, s0;
	s7 =	sadd.f32 $-1.015625000e+04, s22  }
0xb3: {  	s16 =	smul.f32 s15, s0;
	s21 =	sadd.f32 $-3.255208250e+00, s5  }
0xb4: {  	s22 =	smul.f32 s6, s0;
	s23 =	sadd.f32 $-3.255208430e-01, s20  }
0xb5: {  	s8 =	smul.f32 s8, s0;
	s17 =	sadd.f32 $-6.640625000e+02, s16  }
0xb6: {  	s7 =	smul.f32 s7, s0;
	s6 =	sadd.f32 $1.015625000e+04, s22  }
0xb7: {  	s5 =	smul.f32 s23, s0;
	s8 =	sadd.f32 $-2.213541750e+00, s8  }
0xb8: {  	s7 =	sadd.f32 $2.031250000e+03, s7  }
0xb9: {  	s5 =	sadd.f32 $-3.255208430e-01, s5  }
0xba: {  	[dreg:$0x1f] =	wrdreg s7;
	s8 =	smul.f32 s8, s0  }
0xbb: {  	s7 =	sadd.f32 $-1.106770800e+01, s25;
	s5 =	smul.f32 s5, s0  }
0xbc: {  	s6 =	smul.f32 s6, s0;
	s8 =	sadd.f32 $-2.929687500e+00, s8  }
0xbd: {  	s7 =	smul.f32 s7, s0;
	s5 =	sadd.f32 $1.171875000e-02, s5  }
0xbe: {  	s6 =	sadd.f32 $2.031250000e+03, s6;
	s8 =	smul.f32 s8, s0  }
0xbf: {  	s7 =	sadd.f32 $-2.213541750e+00, s7;
	s5 =	smul.f32 s5, s0  }
0xc0: {  	s8 =	sadd.f32 $5.859375000e-01, s8  }
0xc1: {  	s9 =	smul.f32 s9, s0;
	s5 =	sadd.f32 $1.171875000e-02, s5  }
0xc2: {  	s7 =	smul.f32 s7, s0;
	[smem:$0x7BA] =	sst s8  }
0xc3: {  	s8 =	sadd.f32 $-5.859375000e+01, s9  }
0xc4: {  	s14 =	smul.f32 s13, s0;
	s7 =	sadd.f32 $2.929687500e+00, s7  }
0xc5: {  	[smem:$0x7BB] =	sst s8  }
0xc6: {  	s8 =	sadd.f32 $-1.770833370e+03, s14  }
0xc7: {  	[smem:$0x7C0] =	sst s1;
	(v2sf) =	vpush v53, $0x2  }
0xc8: {  	[smem:$0x7C1] =	sst s21  }
0xc9: {  	s7 =	smul.f32 s7, s0;
	[smem:$0x7C2] =	sst s6  }
0xca: {  	[smem:$0x7C3] =	sst s5  }
0xcb: {  	v58 =	vld [tilespmem:s26+$0x0];
	s7 =	sadd.f32 $5.859375000e-01, s7  }
0xcc: {  	v59 =	vld [tilespmem:s26+$0x10];
	[smem:$0x7BC] =	sst s8;
	s8 =	smul.f32 s18, s0  }
0xcd: {  	[smem:$0x7BD] =	sst s7  }
0xce: {  	s7 =	smul.f32 s17, s0;
	s8 =	sadd.f32 $-2.656250000e+04, s8  }
0xcf: {  	[smem:$0x7C4] =	sst s4  }
0xd0: {  	s7 =	sadd.f32 $-8.854166410e+01, s7;
	s8 =	smul.f32 s8, s0  }
0xd1: {  	v45 =	vmul.f32 s30, v58;
	v61 =	vmul.f32 s30, v59;
	s30 =	rddreg [dreg:$0xa]  }
0xd2: {  	s7 =	smul.f32 s7, s0;
	s19 =	sadd.f32 $-1.770833370e+03, s8  }
0xd3: {  	v48 =	vmul.f32 s30, v58;
	[tilespmem:$0x1F990] =	vst v61;
	v61 =	vmul.f32 s30, v59;
	s30 =	rddreg [dreg:$0xd]  }
0xd4: {  	s0 =	smul.f32 s3, s0;
	s7 =	sadd.f32 $5.859375000e+01, s7  }
0xd5: {  	[smem:$0x7BF] =	sst s19  }
0xd6: {  	s0 =	sadd.f32 $-2.604166560e+02, s0;
	s1 =	spop (v2sf)  }
0xd7: {  	[smem:$0x7BE] =	sst s7;
	s2 =	smul.f32 $8.138020630e-01, s1  }
0xd8: {  	[smem:$0x7C5] =	sst s0;
	s5 =	smul.f32 $8.138021090e+01, s1  }
0xd9: {  	s3 =	smul.f32 $4.069010260e+00, s1;
	s24 =	ssub.f32 $8.138020630e-01, s2  }
0xda: {  	s4 =	smul.f32 $6.510416500e+03, s1;
	s29 =	ssub.f32 $6.510416410e+01, s5  }
0xdb: {  	s17 =	smul.f32 $8.138020510e+00, s1;
	s8 =	sadd.f32 $-2.441406250e+00, s3  }
0xdc: {  	s22 =	smul.f32 $8.138020620e+02, s1;
	s11 =	ssub.f32 $3.906250000e+03, s4  }
0xdd: {  	s18 =	ssub.f32 $1.627604130e+00, s17  }
0xde: {  	s23 =	ssub.f32 $1.302083280e+02, s22  }
0xdf: {  	s3 =	ssub.f32 $-2.441406250e+00, s3  }
0xe0: {  	s2 =	sadd.f32 $8.138020630e-01, s2  }
0xe1: {  	s4 =	sadd.f32 $3.906250000e+03, s4;
	s25 =	smul.f32 s24, s1  }
0xe2: {  	s5 =	sadd.f32 $6.510416410e+01, s5;
	s3 =	smul.f32 s3, s1  }
0xe3: {  	s4 =	smul.f32 s4, s1;
	s6 =	sadd.f32 $3.255208430e-01, s25  }
0xe4: {  	s5 =	smul.f32 s5, s1;
	s3 =	sadd.f32 $4.231770990e+00, s3  }
0xe5: {  	s4 =	sadd.f32 $-7.812500000e+02, s4;
	s6 =	smul.f32 s6, s1  }
0xe6: {  	s5 =	sadd.f32 $-1.953125000e+01, s5;
	s3 =	smul.f32 s3, s1  }
0xe7: {  	s4 =	smul.f32 s4, s1;
	s6 =	sadd.f32 $-3.255208430e-01, s6  }
0xe8: {  	s5 =	smul.f32 s5, s1;
	s3 =	sadd.f32 $2.539062500e+00, s3  }
0xe9: {  	s4 =	sadd.f32 $-2.604166560e+02, s4  }
0xea: {  	s5 =	sadd.f32 $-1.302083300e+01, s5;
	s6 =	smul.f32 s6, s1  }
0xeb: {  	s3 =	smul.f32 s3, s1;
	[smem:$0x7D7] =	sst s4  }
0xec: {  	s5 =	smul.f32 s5, s1;
	s28 =	sadd.f32 $-1.171875000e-02, s6  }
0xed: {  	s6 =	smul.f32 s29, s1;
	s3 =	sadd.f32 $-1.627604220e-01, s3  }
0xee: {  	s5 =	sadd.f32 $2.343750000e-01, s5  }
0xef: {  	s7 =	smul.f32 s28, s1;
	s9 =	sadd.f32 $1.953125000e+01, s6  }
0xf0: {  	s6 =	smul.f32 $4.069010310e+02, s1;
	[smem:$0x7D6] =	sst s5  }
0xf1: {  	s28 =	smul.f32 $6.510416800e+04, s1;
	s0 =	sadd.f32 $1.171875000e-02, s7  }
0xf2: {  	s12 =	sadd.f32 $-1.953125000e+02, s6  }
0xf3: {  	s3 =	smul.f32 s3, s1;
	s29 =	ssub.f32 $7.812500000e+03, s28  }
0xf4: {  	s6 =	ssub.f32 $-1.953125000e+02, s6  }
0xf5: {  	s7 =	smul.f32 s8, s1;
	s3 =	sadd.f32 $-9.765625000e-02, s3  }
0xf6: {  	s8 =	smul.f32 s11, s1;
	[smem:$0x7C6] =	sst s0  }
0xf7: {  	s7 =	sadd.f32 $-4.231770990e+00, s7  }
0xf8: {  	s0 =	smul.f32 s9, s1;
	s8 =	sadd.f32 $7.812500000e+02, s8  }
0xf9: {  	s9 =	smul.f32 s12, s1;
	[smem:$0x7D2] =	sst s3  }
0xfa: {  	s12 =	smul.f32 s23, s1;
	s0 =	sadd.f32 $-1.302083300e+01, s0  }
0xfb: {  	s6 =	smul.f32 s6, s1;
	s9 =	sadd.f32 $-2.539062500e+02, s9  }
0xfc: {  	s7 =	smul.f32 s7, s1;
	s25 =	sadd.f32 $6.640625000e+02, s12  }
0xfd: {  	s8 =	smul.f32 s8, s1;
	s6 =	sadd.f32 $2.539062500e+02, s6  }
0xfe: {  	s7 =	sadd.f32 $2.539062500e+00, s7  }
0xff: {  	s0 =	smul.f32 s0, s1;
	s14 =	sadd.f32 $-2.604166560e+02, s8  }
0x100: {  	s15 =	smul.f32 s9, s1;
	s9 =	sadd.f32 $1.627604130e+00, s17  }
0x101: {  	s17 =	sadd.f32 $1.302083280e+02, s22  }
0x102: {  	s0 =	sadd.f32 $-2.343750000e-01, s0  }
0x103: {  	s13 =	smul.f32 s7, s1;
	s7 =	sadd.f32 $1.015625000e+02, s15  }
0x104: {  	[smem:$0x7C7] =	sst s0  }
0x105: {  	s16 =	sadd.f32 $1.627604220e-01, s13;
	s0 =	smul.f32 $3.255208400e+04, s1  }
0x106: {  	[smem:$0x7C8] =	sst s14;
	s7 =	smul.f32 s7, s1  }
0x107: {  	s8 =	smul.f32 s16, s1;
	s19 =	sadd.f32 $-1.171875000e+04, s0  }
0x108: {  	s7 =	sadd.f32 $3.255208250e+00, s7  }
0x109: {  	s20 =	smul.f32 s18, s1;
	s8 =	sadd.f32 $-9.765625000e-02, s8  }
0x10a: {  	s6 =	smul.f32 s6, s1;
	[smem:$0x7CA] =	sst s7  }
0x10b: {  	s21 =	smul.f32 s19, s1;
	[smem:$0x7C9] =	sst s8  }
0x10c: {  	s24 =	smul.f32 s9, s1;
	s8 =	sadd.f32 $1.106770800e+01, s20  }
0x10d: {  	s9 =	smul.f32 s25, s1;
	s7 =	sadd.f32 $-1.015625000e+04, s21  }
0x10e: {  	s6 =	sadd.f32 $1.015625000e+02, s6;
	s8 =	smul.f32 s8, s1  }
0x10f: {  	s9 =	sadd.f32 $-8.854166410e+01, s9;
	s7 =	smul.f32 s7, s1  }
0x110: {  	s13 =	smul.f32 s29, s1;
	s8 =	sadd.f32 $-2.213541750e+00, s8  }
0x111: {  	s7 =	sadd.f32 $2.031250000e+03, s7  }
0x112: {  	s15 =	sadd.f32 $2.656250000e+04, s13  }
0x113: {  	[smem:$0x7CB] =	sst s7;
	s8 =	smul.f32 s8, s1  }
0x114: {  	s7 =	sadd.f32 $-1.106770800e+01, s24  }
0x115: {  	s8 =	sadd.f32 $-2.929687500e+00, s8  }
0x116: {  	s0 =	ssub.f32 $-1.171875000e+04, s0;
	s7 =	smul.f32 s7, s1  }
0x117: {  	s19 =	sadd.f32 $7.812500000e+03, s28;
	s8 =	smul.f32 s8, s1  }
0x118: {  	s6 =	smul.f32 s6, s1;
	s7 =	sadd.f32 $-2.213541750e+00, s7  }
0x119: {  	s8 =	sadd.f32 $5.859375000e-01, s8  }
0x11a: {  	s14 =	smul.f32 s9, s1;
	s21 =	sadd.f32 $-3.255208250e+00, s6  }
0x11b: {  	s7 =	smul.f32 s7, s1;
	[smem:$0x7CC] =	sst s8  }
0x11c: {  	s23 =	smul.f32 s0, s1;
	s8 =	sadd.f32 $-5.859375000e+01, s14  }
0x11d: {  	(v2sf) =	vpush v54, $0x3;
	s7 =	sadd.f32 $2.929687500e+00, s7  }
0x11e: {  	s16 =	smul.f32 s15, s1;
	s6 =	sadd.f32 $1.015625000e+04, s23  }
0x11f: {  	(v2sf) =	vpush v54, $0x2;
	[smem:$0x7CD] =	sst s8;
	s7 =	smul.f32 s7, s1  }
0x120: {  	(v2sf) =	vpush v53, $0x3;
	s8 =	sadd.f32 $-1.770833370e+03, s16  }
0x121: {  	s7 =	sadd.f32 $5.859375000e-01, s7  }
0x122: {  	s18 =	smul.f32 s17, s1;
	[smem:$0x7CE] =	sst s8  }
0x123: {  	s8 =	smul.f32 s19, s1;
	[smem:$0x7CF] =	sst s7  }
0x124: {  	s7 =	sadd.f32 $-6.640625000e+02, s18  }
0x125: {  	s22 =	smul.f32 s2, s1;
	s8 =	sadd.f32 $-2.656250000e+04, s8  }
0x126: {  	[smem:$0x7D3] =	sst s21;
	s7 =	smul.f32 s7, s1  }
0x127: {  	s24 =	sadd.f32 $-3.255208430e-01, s22;
	s8 =	smul.f32 s8, s1  }
0x128: {  	s6 =	smul.f32 s6, s1;
	s7 =	sadd.f32 $-8.854166410e+01, s7  }
0x129: {  	s20 =	sadd.f32 $-1.770833370e+03, s8;
	s8 =	smul.f32 s24, s1  }
0x12a: {  	s6 =	sadd.f32 $2.031250000e+03, s6;
	s7 =	smul.f32 s7, s1  }
0x12b: {  	s8 =	sadd.f32 $-3.255208430e-01, s8  }
0x12c: {  	s2 =	spop (v2sf);
	s7 =	sadd.f32 $5.859375000e+01, s7  }
0x12d: {  	s18 =	rddreg [dreg:$0x6];
	s8 =	smul.f32 s8, s1  }
0x12e: {  	[smem:$0x7D0] =	sst s7;
	s7 =	spop (v2sf)  }
0x12f: {  	v55 =	vld [tilespmem:s18+$0x0];
	s8 =	sadd.f32 $1.171875000e-02, s8;
	s0 =	spop (v2sf)  }
0x130: {  	[smem:$0x7D4] =	sst s6;
	s3 =	smul.f32 $8.138020630e-01, s0  }
0x131: {  	[smem:$0x7D1] =	sst s20;
	s8 =	smul.f32 s8, s1  }
0x132: {  	s5 =	smul.f32 $8.138021090e+01, s0;
	s25 =	ssub.f32 $8.138020630e-01, s3  }
0x133: {  	s1 =	smul.f32 $4.069010260e+00, s0;
	s8 =	sadd.f32 $1.171875000e-02, s8  }
0x134: {  	v56 =	vmul.f32 $5.000000000e+01, v55;
	s19 =	smul.f32 $8.138020510e+00, s0;
	s29 =	ssub.f32 $6.510416410e+01, s5  }
0x135: {  	s23 =	smul.f32 $8.138020620e+02, s0;
	s11 =	sadd.f32 $-2.441406250e+00, s1  }
0x136: {  	v0 =	vmul.f32 v56, v3;
	s20 =	ssub.f32 $1.627604130e+00, s19  }
0x137: {  	s24 =	ssub.f32 $1.302083280e+02, s23  }
0x138: {  	v0 =	vtrunc.f32 v0;
	s18 =	sadd.f32 $1.302083280e+02, s23  }
0x139: {  	v0 =	vcvt.f32.s32 v0;
	s1 =	ssub.f32 $-2.441406250e+00, s1  }
0x13a: {  	s3 =	sadd.f32 $8.138020630e-01, s3  }
0x13b: {  	vm15 =	vgt.s32 v0, $0x0;
	s5 =	sadd.f32 $6.510416410e+01, s5;
	s28 =	smul.f32 s25, s0  }
0x13c: {  	v0 =	vnsel vm15, $0x0, v0;
	[smem:$0x7D5] =	sst s8;
	s9 =	smul.f32 s29, s0  }
0x13d: {  	v4 =	vld [tilespmem:s26+$0x80];
	v0 =	vmin.u32 v0, $0x9;
	s8 =	smul.f32 s11, s0;
	s6 =	sadd.f32 $3.255208430e-01, s28  }
0x13e: {  	v7 =	vld [tilespmem:s26+$0x90];
	v0 =	vmul.u32 $0x5, v0;
	s1 =	smul.f32 s1, s0;
	s12 =	sadd.f32 $1.953125000e+01, s9  }
0x13f: {  	s5 =	smul.f32 s5, s0;
	s8 =	sadd.f32 $-4.231770990e+00, s8  }
0x140: {  	v57 =	vcvt.s32.f32 v0;
	s1 =	sadd.f32 $4.231770990e+00, s1  }
0x141: {  	s5 =	sadd.f32 $-1.953125000e+01, s5  }
0x142: {  	v30 =	vmul.f32 s31, v58;
	s6 =	smul.f32 s6, s0;
	v1 =	vsub.f32 v56, v57;
	v56 =	vmul.f32 s31, v59;
	s31 =	rddreg [dreg:$0xc]  }
0x143: {  	v9 =	vld [tilespmem:s26+$0x100];
	s9 =	smul.f32 s12, s0;
	v11 =	vmul.f32 s31, v4;
	v27 =	vmul.f32 s31, v7;
	s31 =	rddreg [dreg:$0xb]  }
0x144: {  	v10 =	vld [tilespmem:s26+$0x110];
	s8 =	smul.f32 s8, s0;
	s6 =	sadd.f32 $-3.255208430e-01, s6  }
0x145: {  	v12 =	vld [tilespmem:s26+$0x180];
	s1 =	smul.f32 s1, s0;
	s9 =	sadd.f32 $-1.302083300e+01, s9  }
0x146: {  	v15 =	vld [tilespmem:s26+$0x190];
	s5 =	smul.f32 s5, s0;
	s8 =	sadd.f32 $2.539062500e+00, s8  }
0x147: {  	s1 =	sadd.f32 $2.539062500e+00, s1  }
0x148: {  	v18 =	vmul.f32 s30, v7;
	s5 =	sadd.f32 $-1.302083300e+01, s5  }
0x149: {  	v8 =	vmul.f32 s31, v4;
	v4 =	vmul.f32 s30, v4;
	s30 =	rddreg [dreg:$0xf]  }
0x14a: {  	v14 =	vmul.f32 s30, v9;
	v23 =	vmul.f32 s30, v10;
	s30 =	rddreg [dreg:$0x11]  }
0x14b: {  	s6 =	smul.f32 s6, s0;
	v19 =	vmul.f32 s30, v12;
	v41 =	vmul.f32 s30, v15;
	s30 =	rddreg [dreg:$0x13]  }
0x14c: {  	s9 =	smul.f32 s9, s0;
	v17 =	vmul.f32 s30, v12;
	v29 =	vmul.f32 s30, v15;
	s30 =	rddreg [dreg:$0x12]  }
0x14d: {  	s8 =	smul.f32 s8, s0;
	s6 =	sadd.f32 $-1.171875000e-02, s6  }
0x14e: {  	s1 =	smul.f32 s1, s0;
	s9 =	sadd.f32 $-2.343750000e-01, s9  }
0x14f: {  	s17 =	sadd.f32 $1.627604220e-01, s8;
	s6 =	smul.f32 s6, s0  }
0x150: {  	s1 =	sadd.f32 $-1.627604220e-01, s1  }
0x151: {  	s4 =	sadd.f32 $1.171875000e-02, s6  }
0x152: {  	[smem:$0x7D9] =	sst s9;
	s6 =	smul.f32 $4.069010310e+02, s0  }
0x153: {  	[smem:$0x7D8] =	sst s4  }
0x154: {  	s4 =	smul.f32 $6.510416500e+03, s0;
	s14 =	sadd.f32 $-1.953125000e+02, s6  }
0x155: {  	s8 =	smul.f32 $3.255208400e+04, s0;
	s6 =	ssub.f32 $-1.953125000e+02, s6  }
0x156: {  	s21 =	smul.f32 s20, s0;
	s13 =	ssub.f32 $3.906250000e+03, s4  }
0x157: {  	s12 =	smul.f32 s14, s0;
	s14 =	sadd.f32 $-1.171875000e+04, s8  }
0x158: {  	s6 =	smul.f32 s6, s0;
	s8 =	ssub.f32 $-1.171875000e+04, s8  }
0x159: {  	s4 =	sadd.f32 $3.906250000e+03, s4;
	s11 =	smul.f32 s13, s0  }
0x15a: {  	s12 =	sadd.f32 $-2.539062500e+02, s12;
	s22 =	smul.f32 s14, s0  }
0x15b: {  	s14 =	smul.f32 s24, s0;
	s6 =	sadd.f32 $2.539062500e+02, s6  }
0x15c: {  	v1 =	vadd.f32 v1, v1;
	s4 =	smul.f32 s4, s0;
	s11 =	sadd.f32 $7.812500000e+02, s11  }
0x15d: {  	s16 =	smul.f32 s12, s0;
	s12 =	sadd.f32 $1.627604130e+00, s19  }
0x15e: {  	v1 =	vmul.f32 v1, v3;
	s5 =	smul.f32 s5, s0;
	s28 =	sadd.f32 $6.640625000e+02, s14  }
0x15f: {  	s19 =	smul.f32 s18, s0;
	s4 =	sadd.f32 $-7.812500000e+02, s4  }
0x160: {  	v6 =	vadd.f32 $-1.000000000e+00, v1;
	s6 =	smul.f32 s6, s0;
	s9 =	sadd.f32 $1.015625000e+02, s16  }
0x161: {  	s11 =	smul.f32 s11, s0;
	s20 =	sadd.f32 $-6.640625000e+02, s19  }
0x162: {  	(v2sf) =	vpush v6, $0x0;
	s25 =	smul.f32 s12, s0;
	s6 =	sadd.f32 $1.015625000e+02, s6  }
0x163: {  	s12 =	smul.f32 s28, s0;
	s19 =	sadd.f32 $2.343750000e-01, s5  }
0x164: {  	s15 =	sadd.f32 $-2.604166560e+02, s11  }
0x165: {  	s11 =	smul.f32 s17, s0;
	s12 =	sadd.f32 $-8.854166410e+01, s12  }
0x166: {  	s9 =	smul.f32 s9, s0;
	[smem:$0x7DA] =	sst s15  }
0x167: {  	s29 =	smul.f32 $6.510416800e+04, s0;
	s11 =	sadd.f32 $-9.765625000e-02, s11  }
0x168: {  	s6 =	smul.f32 s6, s0;
	s9 =	sadd.f32 $3.255208250e+00, s9  }
0x169: {  	s24 =	smul.f32 s8, s0;
	s15 =	ssub.f32 $7.812500000e+03, s29  }
0x16a: {  	s23 =	sadd.f32 $-3.255208250e+00, s6  }
0x16b: {  	s6 =	sadd.f32 $1.015625000e+04, s24  }
0x16c: {  	[smem:$0x7DB] =	sst s11  }
0x16d: {  	[smem:$0x7DC] =	sst s9  }
0x16e: {  	s11 =	sadd.f32 $1.106770800e+01, s21  }
0x16f: {  	s9 =	sadd.f32 $-1.015625000e+04, s22  }
0x170: {  	s15 =	smul.f32 s15, s0;
	s21 =	sadd.f32 $7.812500000e+03, s29  }
0x171: {  	s22 =	smul.f32 s3, s0;
	s3 =	spop (v2sf)  }
0x172: {  	s5 =	smul.f32 $8.138021090e+01, s3;
	s16 =	sadd.f32 $2.656250000e+04, s15  }
0x173: {  	s28 =	sadd.f32 $-3.255208430e-01, s22  }
0x174: {  	s11 =	smul.f32 s11, s0;
	s13 =	ssub.f32 $6.510416410e+01, s5  }
0x175: {  	s9 =	smul.f32 s9, s0;
	s5 =	sadd.f32 $6.510416410e+01, s5  }
0x176: {  	s6 =	smul.f32 s6, s0;
	s11 =	sadd.f32 $-2.213541750e+00, s11  }
0x177: {  	s9 =	sadd.f32 $2.031250000e+03, s9  }
0x178: {  	s17 =	smul.f32 s16, s0;
	s16 =	sadd.f32 $2.031250000e+03, s6  }
0x179: {  	s8 =	smul.f32 s28, s0;
	[smem:$0x7DD] =	sst s9  }
0x17a: {  	s11 =	smul.f32 s11, s0;
	s9 =	sadd.f32 $-1.106770800e+01, s25  }
0x17b: {  	s5 =	smul.f32 s5, s3;
	s8 =	sadd.f32 $-3.255208430e-01, s8  }
0x17c: {  	s11 =	sadd.f32 $-2.929687500e+00, s11;
	s9 =	smul.f32 s9, s0  }
0x17d: {  	s5 =	sadd.f32 $-1.953125000e+01, s5;
	s8 =	smul.f32 s8, s0  }
0x17e: {  	s11 =	smul.f32 s11, s0;
	s9 =	sadd.f32 $-2.213541750e+00, s9  }
0x17f: {  	s5 =	smul.f32 s5, s3;
	s8 =	sadd.f32 $1.171875000e-02, s8  }
0x180: {  	s11 =	sadd.f32 $5.859375000e-01, s11  }
0x181: {  	s12 =	smul.f32 s12, s0;
	s5 =	sadd.f32 $-1.302083300e+01, s5  }
0x182: {  	s9 =	smul.f32 s9, s0;
	[smem:$0x7DE] =	sst s11  }
0x183: {  	s8 =	smul.f32 s8, s0;
	s11 =	sadd.f32 $-5.859375000e+01, s12  }
0x184: {  	s9 =	sadd.f32 $2.929687500e+00, s9  }
0x185: {  	s14 =	sadd.f32 $1.171875000e-02, s8  }
0x186: {  	s1 =	smul.f32 s1, s0;
	[smem:$0x7DF] =	sst s11  }
0x187: {  	s8 =	smul.f32 s13, s3;
	s11 =	sadd.f32 $-1.770833370e+03, s17  }
0x188: {  	s9 =	smul.f32 s9, s0;
	s17 =	sadd.f32 $-9.765625000e-02, s1  }
0x189: {  	s22 =	sadd.f32 $1.953125000e+01, s8  }
0x18a: {  	s9 =	sadd.f32 $5.859375000e-01, s9  }
0x18b: {  	[smem:$0x7E0] =	sst s11;
	s11 =	smul.f32 s21, s0  }
0x18c: {  	s1 =	smul.f32 $8.138020630e-01, s3;
	[smem:$0x7E1] =	sst s9  }
0x18d: {  	s9 =	smul.f32 s20, s0;
	s11 =	sadd.f32 $-2.656250000e+04, s11  }
0x18e: {  	s29 =	ssub.f32 $8.138020630e-01, s1  }
0x18f: {  	s9 =	sadd.f32 $-8.854166410e+01, s9;
	s11 =	smul.f32 s11, s0  }
0x190: {  	s8 =	smul.f32 $4.069010310e+02, s3;
	s1 =	sadd.f32 $8.138020630e-01, s1  }
0x191: {  	s9 =	smul.f32 s9, s0;
	s25 =	sadd.f32 $-1.770833370e+03, s11  }
0x192: {  	s11 =	smul.f32 s29, s3;
	s29 =	sadd.f32 $-1.953125000e+02, s8  }
0x193: {  	s8 =	ssub.f32 $-1.953125000e+02, s8  }
0x194: {  	s0 =	smul.f32 s4, s0;
	s18 =	sadd.f32 $5.859375000e+01, s9  }
0x195: {  	s4 =	smul.f32 $6.510416500e+03, s3;
	s6 =	sadd.f32 $3.255208430e-01, s11  }
0x196: {  	s20 =	sadd.f32 $-2.604166560e+02, s0  }
0x197: {  	s24 =	ssub.f32 $3.906250000e+03, s4;
	s6 =	smul.f32 s6, s3  }
0x198: {  	s8 =	smul.f32 s8, s3;
	s4 =	sadd.f32 $3.906250000e+03, s4  }
0x199: {  	s0 =	smul.f32 s22, s3;
	s6 =	sadd.f32 $-3.255208430e-01, s6  }
0x19a: {  	s13 =	smul.f32 s29, s3;
	s8 =	sadd.f32 $2.539062500e+02, s8  }
0x19b: {  	s0 =	sadd.f32 $-1.302083300e+01, s0;
	s6 =	smul.f32 s6, s3  }
0x19c: {  	s13 =	sadd.f32 $-2.539062500e+02, s13;
	s8 =	smul.f32 s8, s3  }
0x19d: {  	s12 =	sadd.f32 $-1.171875000e-02, s6;
	s6 =	smul.f32 $4.069010260e+00, s3  }
0x19e: {  	s0 =	smul.f32 s0, s3;
	s8 =	sadd.f32 $1.015625000e+02, s8  }
0x19f: {  	s15 =	smul.f32 s12, s3;
	s21 =	sadd.f32 $-2.441406250e+00, s6  }
0x1a0: {  	s12 =	smul.f32 s24, s3;
	s6 =	ssub.f32 $-2.441406250e+00, s6  }
0x1a1: {  	s28 =	sadd.f32 $1.171875000e-02, s15;
	s9 =	smul.f32 s21, s3  }
0x1a2: {  	s12 =	sadd.f32 $7.812500000e+02, s12;
	s15 =	smul.f32 s13, s3  }
0x1a3: {  	s21 =	sadd.f32 $-2.343750000e-01, s0;
	s6 =	smul.f32 s6, s3  }
0x1a4: {  	s13 =	smul.f32 $8.138020510e+00, s3;
	s9 =	sadd.f32 $-4.231770990e+00, s9  }
0x1a5: {  	s6 =	sadd.f32 $4.231770990e+00, s6  }
0x1a6: {  	s24 =	ssub.f32 $1.627604130e+00, s13;
	s9 =	smul.f32 s9, s3  }
0x1a7: {  	s13 =	sadd.f32 $1.627604130e+00, s13;
	s6 =	smul.f32 s6, s3  }
0x1a8: {  	s12 =	smul.f32 s12, s3;
	s9 =	sadd.f32 $2.539062500e+00, s9  }
0x1a9: {  	s6 =	sadd.f32 $2.539062500e+00, s6  }
0x1aa: {  	s29 =	sadd.f32 $-2.604166560e+02, s12;
	s11 =	smul.f32 s9, s3  }
0x1ab: {  	s9 =	sadd.f32 $1.015625000e+02, s15;
	s6 =	smul.f32 s6, s3  }
0x1ac: {  	s0 =	smul.f32 $3.255208400e+04, s3;
	s22 =	sadd.f32 $1.627604220e-01, s11  }
0x1ad: {  	s9 =	smul.f32 s9, s3;
	s6 =	sadd.f32 $-1.627604220e-01, s6  }
0x1ae: {  	s12 =	smul.f32 s22, s3;
	s22 =	sadd.f32 $-1.171875000e+04, s0  }
0x1af: {  	s9 =	sadd.f32 $3.255208250e+00, s9  }
0x1b0: {  	s0 =	ssub.f32 $-1.171875000e+04, s0  }
0x1b1: {  	s6 =	smul.f32 s6, s3;
	s12 =	sadd.f32 $-9.765625000e-02, s12  }
0x1b2: {  	s15 =	smul.f32 s24, s3;
	[smem:$0x7E3] =	sst s9  }
0x1b3: {  	s24 =	smul.f32 s22, s3;
	s6 =	sadd.f32 $-9.765625000e-02, s6  }
0x1b4: {  	[smem:$0x7E2] =	sst s12  }
0x1b5: {  	s9 =	sadd.f32 $-1.015625000e+04, s24  }
0x1b6: {  	s12 =	sadd.f32 $1.106770800e+01, s15;
	s15 =	smul.f32 $8.138020620e+02, s3  }
0x1b7: {  	[smem:$0x7EB] =	sst s6;
	s9 =	smul.f32 s9, s3  }
0x1b8: {  	s12 =	smul.f32 s12, s3;
	s11 =	ssub.f32 $1.302083280e+02, s15  }
0x1b9: {  	s9 =	sadd.f32 $2.031250000e+03, s9  }
0x1ba: {  	s12 =	sadd.f32 $-2.213541750e+00, s12;
	s22 =	smul.f32 s11, s3  }
0x1bb: {  	s24 =	smul.f32 s13, s3;
	[smem:$0x7E4] =	sst s9  }
0x1bc: {  	s12 =	smul.f32 s12, s3;
	s11 =	sadd.f32 $6.640625000e+02, s22  }
0x1bd: {  	s9 =	sadd.f32 $-1.106770800e+01, s24;
	s22 =	smul.f32 $6.510416800e+04, s3  }
0x1be: {  	s12 =	sadd.f32 $-2.929687500e+00, s12  }
0x1bf: {  	s13 =	smul.f32 s11, s3;
	s24 =	ssub.f32 $7.812500000e+03, s22  }
0x1c0: {  	s9 =	smul.f32 s9, s3;
	s22 =	sadd.f32 $7.812500000e+03, s22  }
0x1c1: {  	s12 =	smul.f32 s12, s3;
	s13 =	sadd.f32 $-8.854166410e+01, s13  }
0x1c2: {  	s24 =	smul.f32 s24, s3;
	s9 =	sadd.f32 $-2.213541750e+00, s9  }
0x1c3: {  	v5 =	vshll.u32 v0, $0x7;
	s12 =	sadd.f32 $5.859375000e-01, s12  }
0x1c4: {  	(v2sf) =	vpush v5, $0x1;
	s11 =	smul.f32 s13, s3;
	s13 =	sadd.f32 $2.656250000e+04, s24  }
0x1c5: {  	(v2sf) =	vpush v5, $0x0;
	s9 =	smul.f32 s9, s3;
	[smem:$0x7E5] =	sst s12  }
0x1c6: {  	s24 =	sadd.f32 $-5.859375000e+01, s11  }
0x1c7: {  	(v2sf) =	vpush v6, $0x1;
	s9 =	sadd.f32 $2.929687500e+00, s9  }
0x1c8: {  	s11 =	smul.f32 s13, s3;
	s13 =	sadd.f32 $1.302083280e+02, s15  }
0x1c9: {  	[smem:$0x7E6] =	sst s24;
	s9 =	smul.f32 s9, s3  }
0x1ca: {  	s12 =	sadd.f32 $-1.770833370e+03, s11  }
0x1cb: {  	s9 =	sadd.f32 $5.859375000e-01, s9  }
0x1cc: {  	s15 =	smul.f32 s13, s3;
	[smem:$0x7E7] =	sst s12  }
0x1cd: {  	s12 =	smul.f32 s22, s3;
	[smem:$0x7E8] =	sst s9  }
0x1ce: {  	s1 =	smul.f32 s1, s3;
	s9 =	sadd.f32 $-6.640625000e+02, s15  }
0x1cf: {  	s11 =	smul.f32 s0, s3;
	s12 =	sadd.f32 $-2.656250000e+04, s12  }
0x1d0: {  	s13 =	sadd.f32 $-3.255208430e-01, s1;
	s9 =	smul.f32 s9, s3  }
0x1d1: {  	s6 =	sadd.f32 $1.015625000e+04, s11;
	s12 =	smul.f32 s12, s3  }
0x1d2: {  	s9 =	sadd.f32 $-8.854166410e+01, s9  }
0x1d3: {  	s24 =	sadd.f32 $-1.770833370e+03, s12;
	s12 =	spop (v2sf)  }
0x1d4: {  	s6 =	smul.f32 s6, s3;
	s15 =	spop (v2sf)  }
0x1d5: {  	s9 =	smul.f32 s9, s3;
	[smem:$0x7EA] =	sst s24  }
0x1d6: {  	s0 =	spop (v2sf);
	s24 =	sadd.f32 $2.031250000e+03, s6  }
0x1d7: {  	s11 =	smul.f32 $8.138020630e-01, s0;
	s9 =	sadd.f32 $5.859375000e+01, s9  }
0x1d8: {  	[smem:$0x7ED] =	sst s24  }
0x1d9: {  	s8 =	smul.f32 s8, s3;
	s22 =	ssub.f32 $8.138020630e-01, s11  }
0x1da: {  	s5 =	smul.f32 s5, s3;
	[smem:$0x7E9] =	sst s9  }
0x1db: {  	s9 =	sadd.f32 $-3.255208250e+00, s8;
	s8 =	smul.f32 s13, s3  }
0x1dc: {  	s13 =	sadd.f32 $2.343750000e-01, s5  }
0x1dd: {  	s1 =	smul.f32 s22, s0;
	s8 =	sadd.f32 $-3.255208430e-01, s8  }
0x1de: {  	s4 =	smul.f32 s4, s3;
	[smem:$0x7EC] =	sst s9  }
0x1df: {  	s6 =	sadd.f32 $3.255208430e-01, s1;
	s8 =	smul.f32 s8, s3  }
0x1e0: {  	s9 =	sadd.f32 $-7.812500000e+02, s4  }
0x1e1: {  	s6 =	smul.f32 s6, s0;
	s8 =	sadd.f32 $1.171875000e-02, s8  }
0x1e2: {  	[smem:$0x7EF] =	sst s13;
	s4 =	smul.f32 $8.138021090e+01, s0  }
0x1e3: {  	s6 =	sadd.f32 $-3.255208430e-01, s6;
	s8 =	smul.f32 s8, s3  }
0x1e4: {  	s24 =	ssub.f32 $6.510416410e+01, s4;
	s3 =	smul.f32 s9, s3  }
0x1e5: {  	s6 =	smul.f32 s6, s0;
	s8 =	sadd.f32 $1.171875000e-02, s8  }
0x1e6: {  	s9 =	sadd.f32 $-2.604166560e+02, s3  }
0x1e7: {  	s22 =	sadd.f32 $-1.171875000e-02, s6  }
0x1e8: {  	[smem:$0x7EE] =	sst s8;
	s8 =	smul.f32 $4.069010260e+00, s0  }
0x1e9: {  	[smem:$0x7F0] =	sst s9;
	s13 =	smul.f32 s22, s0  }
0x1ea: {  	s22 =	smul.f32 s24, s0;
	s24 =	sadd.f32 $-2.441406250e+00, s8  }
0x1eb: {  	s8 =	ssub.f32 $-2.441406250e+00, s8  }
0x1ec: {  	s3 =	smul.f32 $6.510416500e+03, s0;
	s9 =	sadd.f32 $1.171875000e-02, s13  }
0x1ed: {  	s6 =	smul.f32 $4.069010310e+02, s0;
	s5 =	sadd.f32 $1.953125000e+01, s22  }
0x1ee: {  	s22 =	ssub.f32 $3.906250000e+03, s3  }
0x1ef: {  	s13 =	smul.f32 s24, s0;
	s24 =	sadd.f32 $-1.953125000e+02, s6  }
0x1f0: {  	s6 =	ssub.f32 $-1.953125000e+02, s6  }
0x1f1: {  	s8 =	smul.f32 s8, s0;
	[smem:$0x7F1] =	sst s9  }
0x1f2: {  	s5 =	smul.f32 s5, s0;
	s9 =	sadd.f32 $-4.231770990e+00, s13  }
0x1f3: {  	s13 =	smul.f32 s22, s0;
	s8 =	sadd.f32 $4.231770990e+00, s8  }
0x1f4: {  	s22 =	smul.f32 s24, s0;
	s5 =	sadd.f32 $-1.302083300e+01, s5  }
0x1f5: {  	s6 =	smul.f32 s6, s0;
	s13 =	sadd.f32 $7.812500000e+02, s13  }
0x1f6: {  	s9 =	smul.f32 s9, s0;
	s22 =	sadd.f32 $-2.539062500e+02, s22  }
0x1f7: {  	s8 =	smul.f32 s8, s0;
	s6 =	sadd.f32 $2.539062500e+02, s6  }
0x1f8: {  	s5 =	smul.f32 s5, s0;
	s9 =	sadd.f32 $2.539062500e+00, s9  }
0x1f9: {  	s13 =	smul.f32 s13, s0;
	s8 =	sadd.f32 $2.539062500e+00, s8  }
0x1fa: {  	s5 =	sadd.f32 $-2.343750000e-01, s5  }
0x1fb: {  	s24 =	smul.f32 s9, s0;
	s9 =	sadd.f32 $-2.604166560e+02, s13  }
0x1fc: {  	[smem:$0x7F2] =	sst s5  }
0x1fd: {  	[smem:$0x7F3] =	sst s9  }
0x1fe: {  	v22 =	vmul.f32 s31, v7;
	s13 =	smul.f32 s22, s0;
	s31 =	sadd.f32 $1.627604220e-01, s24  }
0x1ff: {  	s22 =	smul.f32 $8.138020510e+00, s0;
	s24 =	rddreg [dreg:$0xe]  }
0x200: {  	s9 =	sadd.f32 $1.015625000e+02, s13  }
0x201: {  	v16 =	vld [tilespmem:s26+$0x200];
	v13 =	vmul.f32 s24, v9;
	v35 =	vmul.f32 s24, v10;
	s24 =	ssub.f32 $1.627604130e+00, s22  }
0x202: {  	v20 =	vld [tilespmem:s26+$0x210];
	s5 =	smul.f32 $3.255208400e+04, s0;
	s22 =	sadd.f32 $1.627604130e+00, s22  }
0x203: {  	s13 =	smul.f32 s31, s0;
	s31 =	rddreg [dreg:$0x10]  }
0x204: {  	v7 =	vmul.f32 s31, v9;
	v24 =	vmul.f32 s31, v10;
	s31 =	sadd.f32 $-1.171875000e+04, s5  }
0x205: {  	v26 =	vmul.f32 s30, v15;
	v9 =	vmul.f32 s30, v12;
	s30 =	rddreg [dreg:$0x16]  }
0x206: {  	s13 =	sadd.f32 $-9.765625000e-02, s13  }
0x207: {  	v62 =	vld [tilespmem:s26+$0x280];
	s22 =	smul.f32 s22, s0;
	v12 =	vmul.f32 s30, v16;
	v36 =	vmul.f32 s30, v20;
	s30 =	rddreg [dreg:$0x17]  }
0x208: {  	v21 =	vld [tilespmem:s26+$0x290];
	s26 =	smul.f32 s31, s0;
	s31 =	rddreg [dreg:$0x15]  }
0x209: {  	s9 =	smul.f32 s9, s0;
	s22 =	sadd.f32 $-1.106770800e+01, s22  }
0x20a: {  	[smem:$0x7F4] =	sst s13  }
0x20b: {  	s13 =	smul.f32 s24, s0;
	s24 =	sadd.f32 $3.255208250e+00, s9  }
0x20c: {  	v15 =	vmul.f32 s31, v16;
	v44 =	vmul.f32 s31, v20;
	s31 =	rddreg [dreg:$0x18]  }
0x20d: {  	[smem:$0x7F5] =	sst s24  }
0x20e: {  	s13 =	sadd.f32 $1.106770800e+01, s13  }
0x20f: {  	v28 =	vld [tilespmem:s10+$0x20];
	s9 =	smul.f32 $8.138020620e+02, s0;
	s24 =	sadd.f32 $-1.015625000e+04, s26  }
0x210: {  	v33 =	vld [tilespmem:s10+$0x30];
	s26 =	rddreg [dreg:$0x14]  }
0x211: {  	s22 =	smul.f32 s22, s0;
	v25 =	vmul.f32 s26, v16;
	v38 =	vmul.f32 s26, v20;
	s26 =	ssub.f32 $1.302083280e+02, s9  }
0x212: {  	v43 =	vmul.f32 s30, v21;
	v20 =	vmul.f32 s30, v62;
	s30 =	rddreg [dreg:$0x1a]  }
0x213: {  	s22 =	sadd.f32 $-2.213541750e+00, s22  }
0x214: {  	s9 =	sadd.f32 $1.302083280e+02, s9;
	s13 =	smul.f32 s13, s0  }
0x215: {  	s24 =	smul.f32 s24, s0;
	v32 =	vmul.f32 s30, v28;
	v40 =	vmul.f32 s30, v33;
	s30 =	rddreg [dreg:$0x1b]  }
0x216: {  	s13 =	sadd.f32 $-2.213541750e+00, s13  }
0x217: {  	v31 =	vmul.f32 s31, v62;
	v55 =	vmul.f32 s31, v21;
	s26 =	smul.f32 s26, s0;
	s31 =	sadd.f32 $2.031250000e+03, s24  }
0x218: {  	s1 =	smul.f32 $6.510416800e+04, s0;
	s24 =	rddreg [dreg:$0x19]  }
0x219: {  	v10 =	vmul.f32 s24, v62;
	v39 =	vmul.f32 s24, v21;
	s24 =	sadd.f32 $6.640625000e+02, s26  }
0x21a: {  	s22 =	smul.f32 s22, s0;
	s26 =	ssub.f32 $7.812500000e+03, s1  }
0x21b: {  	v47 =	vmul.f32 s30, v33;
	s9 =	smul.f32 s9, s0;
	v21 =	vmul.f32 s30, v28;
	s30 =	sld [smem:$0x7BA]  }
0x21c: {  	v63 =	vld [tilespmem:s10+$0xA0];
	s22 =	sadd.f32 $2.929687500e+00, s22  }
0x21d: {  	v34 =	vld [tilespmem:s10+$0xB0];
	s9 =	sadd.f32 $-6.640625000e+02, s9  }
0x21e: {  	[smem:$0x7F6] =	sst s31  }
0x21f: {  	v46 =	vld [tilespmem:s10+$0x120];
	s13 =	smul.f32 s13, s0;
	s31 =	rddreg [dreg:$0x1c]  }
0x220: {  	v49 =	vld [tilespmem:s10+$0x130];
	v37 =	vmul.f32 s31, v28;
	v52 =	vmul.f32 s31, v33;
	s31 =	rddreg [dreg:$0x1e]  }
0x221: {  	s24 =	smul.f32 s24, s0;
	s13 =	sadd.f32 $-2.929687500e+00, s13  }
0x222: {  	[tilespmem:$0x1F9A0] =	vst v40;
	v40 =	vmul.f32 s31, v63;
	v42 =	vmul.f32 s31, v34;
	s31 =	rddreg [dreg:$0x1d]  }
0x223: {  	s24 =	sadd.f32 $-8.854166410e+01, s24  }
0x224: {  	v28 =	vmul.f32 s31, v63;
	v54 =	vmul.f32 s31, v34;
	s31 =	rddreg [dreg:$0x1f];
	s13 =	smul.f32 s13, s0  }
0x225: {  	s26 =	smul.f32 s26, s0;
	v50 =	vmul.f32 s30, v49;
	[tilespmem:$0x1F9B0] =	vst v42;
	v42 =	vmul.f32 s30, v46;
	s30 =	sld [smem:$0x7BB]  }
0x226: {  	v16 =	vmul.f32 s31, v63;
	v53 =	vmul.f32 s31, v34;
	s31 =	sadd.f32 $5.859375000e-01, s13  }
0x227: {  	v51 =	vld [tilespmem:s10+$0x1A0];
	s13 =	smul.f32 s24, s0;
	s24 =	sadd.f32 $2.656250000e+04, s26  }
0x228: {  	v58 =	vld [tilespmem:s10+$0x1B0];
	s26 =	sld [smem:$0x7BC]  }
0x229: {  	[tilespmem:$0x1F9C0] =	vst v50;
	v50 =	vmul.f32 s30, v46;
	v62 =	vmul.f32 s30, v49;
	s30 =	sld [smem:$0x7BD]  }
0x22a: {  	s13 =	sadd.f32 $-5.859375000e+01, s13  }
0x22b: {  	v33 =	vmul.f32 s26, v46;
	v57 =	vmul.f32 s26, v49;
	s26 =	sld [smem:$0x7BE]  }
0x22c: {  	v60 =	vld [tilespmem:s10+$0x230];
	[smem:$0x7F7] =	sst s13;
	s13 =	smul.f32 s24, s0  }
0x22d: {  	v59 =	vld [tilespmem:s10+$0x220];
	v63 =	vmul.f32 s30, v58;
	s24 =	sld [smem:$0x7C0];
	[tilespmem:$0x1F9D0] =	vst v57;
	v57 =	vmul.f32 s30, v51;
	s30 =	smul.f32 s22, s0  }
0x22e: {  	v46 =	vld [tilespmem:s10+$0x2A0];
	s22 =	sld [smem:$0x7BF]  }
0x22f: {  	[tilespmem:$0x1F9E0] =	vst v63;
	v34 =	vmul.f32 s26, v58;
	v63 =	vld [tilespmem:s10+$0x2B0];
	s10 =	sadd.f32 $5.859375000e-01, s30  }
0x230: {  	v49 =	vmul.f32 s26, v51;
	s30 =	sld [smem:$0x7C1]  }
0x231: {  	s1 =	sadd.f32 $7.812500000e+03, s1;
	[tilespmem:$0x1F9F0] =	vst v34;
	v34 =	vmul.f32 s22, v51;
	v51 =	vmul.f32 s24, v60  }
0x232: {  	s26 =	sadd.f32 $-1.770833370e+03, s13;
	v58 =	vmul.f32 s22, v58  }
0x233: {  	s13 =	sld [smem:$0x7C2];
	[tilespmem:$0x1FA20] =	vst v51;
	v51 =	vmul.f32 s30, v59  }
0x234: {  	[tilespmem:$0x1FA00] =	vst v58;
	v58 =	vmul.f32 s24, v59;
	s24 =	sld [smem:$0x7C4]  }
0x235: {  	s1 =	smul.f32 s1, s0;
	s22 =	sld [smem:$0x7C3];
	[tilespmem:$0x1FA10] =	vst v51;
	v51 =	vmul.f32 s30, v60  }
0x236: {  	v3 =	vld [tilespmem:s7+$0x40];
	v60 =	vmul.f32 s13, v60;
	s30 =	sld [smem:$0x7C5]  }
0x237: {  	s1 =	sadd.f32 $-2.656250000e+04, s1;
	v0 =	vmul.f32 s24, v63;
	[tilespmem:$0x1FA30] =	vst v51  }
0x238: {  	v2 =	vld [tilespmem:s7+$0x50];
	s9 =	smul.f32 s9, s0;
	v51 =	vmul.f32 s13, v59;
	[tilespmem:$0x1FA40] =	vst v60;
	v59 =	vmul.f32 s22, v46;
	s13 =	sld [smem:$0x7C6]  }
0x239: {  	s1 =	smul.f32 s1, s0;
	v60 =	vmul.f32 s22, v63;
	s22 =	sld [smem:$0x7C7];
	[tilespmem:$0x1FA70] =	vst v0;
	v63 =	vmul.f32 s30, v63  }
0x23a: {  	s9 =	sadd.f32 $-8.854166410e+01, s9;
	[tilespmem:$0x1FA50] =	vst v59  }
0x23b: {  	s1 =	sadd.f32 $-1.770833370e+03, s1;
	[tilespmem:$0x1FA80] =	vst v63;
	v63 =	vmul.f32 s13, v3  }
0x23c: {  	[tilespmem:$0x1FA60] =	vst v60;
	v60 =	vld [tilespmem:s7+$0xC0];
	v59 =	vmul.f32 s24, v46;
	s24 =	sld [smem:$0x7C8];
	v0 =	vmul.f32 s22, v3  }
0x23d: {  	[smem:$0x7F8] =	sst s10;
	[tilespmem:$0x1FA90] =	vst v63;
	v63 =	vmul.f32 s13, v2  }
0x23e: {  	v46 =	vmul.f32 s30, v46;
	s30 =	sld [smem:$0x7C9];
	[tilespmem:$0x1FAA0] =	vst v0;
	v0 =	vmul.f32 s22, v2  }
0x23f: {  	v1 =	vld [tilespmem:s7+$0xD0];
	s9 =	smul.f32 s9, s0;
	s10 =	sld [smem:$0x7CA];
	v2 =	vmul.f32 s24, v2;
	[tilespmem:$0x1FAC0] =	vst v63  }
0x240: {  	v3 =	vmul.f32 s24, v3;
	s22 =	sld [smem:$0x7CB];
	v63 =	vld [tilespmem:s7+$0x140];
	[tilespmem:$0x1FAD0] =	vst v0  }
0x241: {  	s24 =	sadd.f32 $5.859375000e+01, s9;
	[tilespmem:$0x1FAE0] =	vst v2;
	v2 =	vmul.f32 s30, v60  }
0x242: {  	s13 =	smul.f32 s6, s0;
	s9 =	sld [smem:$0x7CC];
	v0 =	vld [tilespmem:s7+$0x150];
	[tilespmem:$0x1FAB0] =	vst v3;
	v3 =	vmul.f32 s10, v60  }
0x243: {  	[smem:$0x7F9] =	sst s1;
	v60 =	vmul.f32 s22, v60;
	[tilespmem:$0x1FAF0] =	vst v2  }
0x244: {  	s1 =	sadd.f32 $1.015625000e+02, s13;
	v2 =	vmul.f32 s30, v1;
	[tilespmem:$0x1FB00] =	vst v3  }
0x245: {  	s13 =	sld [smem:$0x7CE];
	[tilespmem:$0x1FB10] =	vst v60;
	v60 =	vmul.f32 s9, v63  }
0x246: {  	v3 =	vmul.f32 s10, v1;
	s10 =	sld [smem:$0x7CD];
	[tilespmem:$0x1FB20] =	vst v2;
	v2 =	vld [tilespmem:s7+$0x1C0]  }
0x247: {  	[tilespmem:$0x1FB50] =	vst v60;
	v60 =	vmul.f32 s9, v0  }
0x248: {  	(v2sf) =	vpush v6, $0x2;
	s8 =	smul.f32 s8, s0;
	v1 =	vmul.f32 s22, v1;
	s22 =	sld [smem:$0x7CF];
	[tilespmem:$0x1FB30] =	vst v3;
	v3 =	vld [tilespmem:s7+$0x1D0]  }
0x249: {  	s11 =	sadd.f32 $8.138020630e-01, s11;
	[tilespmem:$0x1FB80] =	vst v60;
	v60 =	vmul.f32 s10, v63;
	v63 =	vmul.f32 s13, v63  }
0x24a: {  	s30 =	sadd.f32 $-1.627604220e-01, s8;
	[tilespmem:$0x1FB40] =	vst v1  }
0x24b: {  	s9 =	sld [smem:$0x7D0];
	[tilespmem:$0x1FB70] =	vst v63;
	v63 =	vmul.f32 s22, v2  }
0x24c: {  	[tilespmem:$0x1FB60] =	vst v60;
	v60 =	vmul.f32 s10, v0;
	s10 =	sld [smem:$0x7D1]  }
0x24d: {  	s5 =	ssub.f32 $-1.171875000e+04, s5;
	s6 =	smul.f32 s30, s0;
	[tilespmem:$0x1FBB0] =	vst v63;
	v63 =	vmul.f32 s22, v3  }
0x24e: {  	v1 =	vld [tilespmem:s7+$0x240];
	s30 =	smul.f32 s11, s0;
	s11 =	sld [smem:$0x7D2];
	v0 =	vmul.f32 s13, v0;
	[tilespmem:$0x1FB90] =	vst v60  }
0x24f: {  	s22 =	sadd.f32 $-9.765625000e-02, s6;
	[tilespmem:$0x1FBE0] =	vst v63;
	v63 =	vmul.f32 s9, v2;
	v2 =	vmul.f32 s10, v2  }
0x250: {  	s5 =	smul.f32 s5, s0;
	v60 =	vld [tilespmem:s7+$0x250];
	[tilespmem:$0x1FBA0] =	vst v0;
	s6 =	sadd.f32 $-3.255208430e-01, s30  }
0x251: {  	s30 =	sld [smem:$0x7D3];
	[tilespmem:$0x1FBD0] =	vst v2;
	v2 =	vmul.f32 s10, v3  }
0x252: {  	s5 =	sadd.f32 $1.015625000e+04, s5;
	s1 =	smul.f32 s1, s0;
	[tilespmem:$0x1FBC0] =	vst v63;
	v63 =	vmul.f32 s9, v3  }
0x253: {  	s8 =	sld [smem:$0x7D4];
	v0 =	vld [tilespmem:s7+$0x2C0];
	[tilespmem:$0x1FC00] =	vst v2;
	v2 =	vmul.f32 s11, v1  }
0x254: {  	s1 =	sadd.f32 $-3.255208250e+00, s1;
	v3 =	vmul.f32 s30, v1;
	[tilespmem:$0x1FBF0] =	vst v63  }
0x255: {  	v63 =	vld [tilespmem:s7+$0x2D0];
	[tilespmem:$0x1FC10] =	vst v2;
	v2 =	vmul.f32 s11, v60;
	s11 =	sld [smem:$0x7D5]  }
0x256: {  	[smem:$0x7FA] =	sst s1;
	s6 =	smul.f32 s6, s0;
	[tilespmem:$0x1FC20] =	vst v3;
	v3 =	vmul.f32 s30, v60;
	v60 =	vmul.f32 s8, v60  }
0x257: {  	s1 =	spop (v2sf);
	s13 =	sadd.f32 $6.510416410e+01, s4  }
0x258: {  	s9 =	smul.f32 $8.138020630e-01, s1;
	s6 =	sadd.f32 $-3.255208430e-01, s6;
	[tilespmem:$0x1FC60] =	vst v60;
	v60 =	vmul.f32 s11, v0  }
0x259: {  	s7 =	smul.f32 s13, s0;
	s13 =	sld [smem:$0x7D6]  }
0x25a: {  	s5 =	smul.f32 s5, s0;
	s10 =	ssub.f32 $8.138020630e-01, s9;
	[tilespmem:$0x1FC70] =	vst v60;
	v60 =	vmul.f32 s11, v63  }
0x25b: {  	s30 =	sld [smem:$0x7D7];
	[tilespmem:$0x1FC40] =	vst v2;
	v2 =	vld [tilespmem:s2+$0x60]  }
0x25c: {  	v1 =	vmul.f32 s8, v1;
	s8 =	smul.f32 s10, s1;
	s10 =	sadd.f32 $2.031250000e+03, s5;
	[tilespmem:$0x1FCA0] =	vst v60;
	v60 =	vmul.f32 s13, v0  }
0x25d: {  	[tilespmem:$0x1FC50] =	vst v3;
	v3 =	vld [tilespmem:s2+$0x70];
	s5 =	smul.f32 s6, s0;
	s6 =	sld [smem:$0x7D8]  }
0x25e: {  	[tilespmem:$0x1FC80] =	vst v60;
	v60 =	vmul.f32 s13, v63;
	v63 =	vmul.f32 s30, v63  }
0x25f: {  	s7 =	sadd.f32 $-1.953125000e+01, s7  }
0x260: {  	s13 =	sadd.f32 $3.255208430e-01, s8;
	[tilespmem:$0x1FCC0] =	vst v63;
	v63 =	vmul.f32 s6, v2  }
0x261: {  	v0 =	vmul.f32 s30, v0;
	s30 =	sld [smem:$0x7D9]  }
0x262: {  	s8 =	sld [smem:$0x7DA];
	[tilespmem:$0x1FCD0] =	vst v63;
	v63 =	vmul.f32 s6, v3  }
0x263: {  	[tilespmem:$0x1FC30] =	vst v1;
	v1 =	vld [tilespmem:s2+$0xE0];
	s5 =	sadd.f32 $1.171875000e-02, s5;
	s11 =	smul.f32 s7, s0  }
0x264: {  	s7 =	smul.f32 s13, s1;
	s13 =	sld [smem:$0x7DC];
	[tilespmem:$0x1FD00] =	vst v63;
	v63 =	vmul.f32 s30, v2  }
0x265: {  	[tilespmem:$0x1FCB0] =	vst v60;
	v60 =	vld [tilespmem:s2+$0xF0];
	s6 =	sadd.f32 $-1.302083300e+01, s11;
	v2 =	vmul.f32 s8, v2  }
0x266: {  	s11 =	sld [smem:$0x7DB];
	[tilespmem:$0x1FCE0] =	vst v63  }
0x267: {  	v63 =	vmul.f32 s30, v3;
	[tilespmem:$0x1FCF0] =	vst v2;
	v2 =	vmul.f32 s8, v3;
	s30 =	sld [smem:$0x7DD]  }
0x268: {  	[tilespmem:$0x1FC90] =	vst v0;
	v3 =	vmul.f32 s13, v1  }
0x269: {  	s5 =	smul.f32 s5, s0;
	[tilespmem:$0x1FD20] =	vst v2;
	v2 =	vmul.f32 s11, v1  }
0x26a: {  	v0 =	vld [tilespmem:s2+$0x160];
	[tilespmem:$0x1FD40] =	vst v3;
	v3 =	vmul.f32 s13, v60;
	v1 =	vmul.f32 s30, v1  }
0x26b: {  	[tilespmem:$0x1FD30] =	vst v2;
	v2 =	vmul.f32 s11, v60;
	v60 =	vmul.f32 s30, v60;
	s30 =	sadd.f32 $1.171875000e-02, s5  }
0x26c: {  	[tilespmem:$0x1FD10] =	vst v63;
	v63 =	vld [tilespmem:s2+$0x170];
	s5 =	sld [smem:$0x7DE]  }
0x26d: {  	s6 =	smul.f32 s6, s0;
	_ =	sdelay $0x1  }
0x26e: {  	s6 =	sadd.f32 $2.343750000e-01, s6;
	[tilespmem:$0x1FD80] =	vst v60;
	v60 =	vmul.f32 s5, v0  }
0x26f: {  	s8 =	sld [smem:$0x7DF]  }
0x270: {  	[tilespmem:$0x1FD90] =	vst v60;
	v60 =	vmul.f32 s5, v63  }
0x271: {  	[smem:$0x7FB] =	sst s6;
	[tilespmem:$0x1FD60] =	vst v2  }
0x272: {  	v4 =	vadd.f32 v4, v30;
	s6 =	sld [smem:$0x7E0];
	v2 =	vld [tilespmem:s2+$0x1E0];
	[tilespmem:$0x1FDC0] =	vst v60;
	v60 =	vmul.f32 s8, v0  }
0x273: {  	[tilespmem:$0x1FD70] =	vst v3  }
0x274: {  	v4 =	vadd.f32 v4, v7;
	v3 =	vld [tilespmem:s2+$0x1F0];
	[tilespmem:$0x1FDA0] =	vst v60;
	v60 =	vmul.f32 s8, v63;
	s8 =	sld [smem:$0x7E1]  }
0x275: {  	v63 =	vmul.f32 s6, v63  }
0x276: {  	v4 =	vadd.f32 v4, v9  }
0x277: {  	[tilespmem:$0x1FDE0] =	vst v63;
	v63 =	vmul.f32 s8, v2  }
0x278: {  	v4 =	vadd.f32 v4, v12  }
0x279: {  	s3 =	sadd.f32 $3.906250000e+03, s3;
	[tilespmem:$0x1FDF0] =	vst v63;
	v63 =	vmul.f32 s8, v3  }
0x27a: {  	v4 =	vadd.f32 v4, v10  }
0x27b: {  	s3 =	smul.f32 s3, s0;
	[tilespmem:$0x1FE20] =	vst v63;
	v63 =	vmul.f32 s18, v2  }
0x27c: {  	v4 =	vadd.f32 v4, v21;
	s7 =	sadd.f32 $-3.255208430e-01, s7;
	[tilespmem:$0x1FD50] =	vst v1;
	v1 =	vld [tilespmem:s2+$0x260]  }
0x27d: {  	s11 =	sadd.f32 $-7.812500000e+02, s3;
	s3 =	smul.f32 $4.069010260e+00, s1;
	[tilespmem:$0x1FE00] =	vst v63;
	v63 =	vmul.f32 s18, v3  }
0x27e: {  	v4 =	vadd.f32 v4, v16;
	s7 =	smul.f32 s7, s1;
	[tilespmem:$0x1FDD0] =	vst v60;
	v60 =	vld [tilespmem:s2+$0x270]  }
0x27f: {  	s13 =	smul.f32 $8.138021090e+01, s1;
	s4 =	sadd.f32 $-2.441406250e+00, s3;
	[tilespmem:$0x1FE30] =	vst v63;
	v63 =	vmul.f32 s25, v3  }
0x280: {  	v4 =	vadd.f32 v4, v33;
	s0 =	smul.f32 s11, s0;
	s5 =	sadd.f32 $-1.171875000e-02, s7;
	v0 =	vmul.f32 s6, v0;
	v3 =	vadd.f32 v8, v48;
	v48 =	vld [tilespmem:$0x1F990]  }
0x281: {  	(v2sf) =	vpush v5, $0x3;
	s11 =	ssub.f32 $6.510416410e+01, s13;
	s8 =	smul.f32 s4, s1;
	[tilespmem:$0x1FE40] =	vst v63;
	v63 =	vmul.f32 s17, v1  }
0x282: {  	(v2sf) =	vpush v5, $0x2;
	v5 =	vld [tilespmem:s12+$0x20];
	v4 =	vadd.f32 v4, v34;
	s5 =	smul.f32 s5, s1;
	[tilespmem:$0x1FDB0] =	vst v0;
	v2 =	vmul.f32 s25, v2  }
0x283: {  	v0 =	vld [tilespmem:s2+$0x2E0];
	s6 =	smul.f32 s11, s1;
	s11 =	sadd.f32 $-4.231770990e+00, s8;
	v3 =	vadd.f32 v3, v14;
	[tilespmem:$0x1FE50] =	vst v63;
	v63 =	vmul.f32 s17, v60  }
0x284: {  	v18 =	vadd.f32 v18, v56;
	v4 =	vadd.f32 v4, v51;
	v16 =	vld [tilespmem:$0x1FAC0];
	s7 =	sadd.f32 $1.171875000e-02, s5;
	[tilespmem:$0x1FE10] =	vst v2  }
0x285: {  	v2 =	vld [tilespmem:s2+$0x2F0];
	s18 =	sadd.f32 $-2.604166560e+02, s0;
	s5 =	smul.f32 s11, s1;
	v3 =	vadd.f32 v3, v17;
	v8 =	vadd.f32 v27, v48;
	[tilespmem:$0x1FE80] =	vst v63;
	v63 =	vmul.f32 s23, v1  }
0x286: {  	v4 =	vadd.f32 v4, v46;
	v46 =	vld [tilespmem:$0x1FB00];
	(v2sf) =	vpush v6, $0x3;
	s0 =	sadd.f32 $1.953125000e+01, s6;
	s2 =	smul.f32 $4.069010310e+02, s1  }
0x287: {  	s5 =	sadd.f32 $2.539062500e+00, s5;
	v27 =	vld [tilespmem:s15+$0x10];
	v3 =	vadd.f32 v3, v25;
	v14 =	vadd.f32 v8, v35;
	[tilespmem:$0x1FE60] =	vst v63;
	v63 =	vmul.f32 s23, v60  }
0x288: {  	v6 =	vld [tilespmem:s12+$0x30];
	v30 =	vmul.f32 s14, v0;
	s0 =	smul.f32 s0, s1;
	s17 =	sadd.f32 $-1.953125000e+02, s2;
	v35 =	vadd.f32 v18, v24;
	v60 =	vmul.f32 s16, v60  }
0x289: {  	s3 =	ssub.f32 $-2.441406250e+00, s3;
	s5 =	smul.f32 s5, s1;
	v1 =	vmul.f32 s16, v1;
	v3 =	vadd.f32 v3, v20;
	v7 =	vadd.f32 v14, v41;
	v41 =	vld [tilespmem:s15+$0x100];
	[tilespmem:$0x1FE90] =	vst v63  }
0x28a: {  	s0 =	sadd.f32 $-1.302083300e+01, s0;
	s11 =	smul.f32 s17, s1;
	[tilespmem:$0x1FEA0] =	vst v60;
	v63 =	vadd.f32 v11, v45;
	v45 =	vmul.f32 s14, v2;
	v60 =	vadd.f32 v22, v61;
	v22 =	vld [tilespmem:s15+$0x0]  }
0x28b: {  	s5 =	sadd.f32 $1.627604220e-01, s5;
	s23 =	smul.f32 $6.510416500e+03, s1;
	v61 =	vmul.f32 s19, v0;
	v0 =	vmul.f32 s20, v0;
	v25 =	vadd.f32 v7, v44;
	v44 =	vld [tilespmem:$0x1F9A0]  }
0x28c: {  	s0 =	smul.f32 s0, s1;
	s11 =	sadd.f32 $-2.539062500e+02, s11;
	v56 =	vmul.f32 s28, v27;
	v3 =	vadd.f32 v3, v37;
	v7 =	vld [tilespmem:$0x1FAA0];
	[tilespmem:$0x1FEE0] =	vst v45;
	v13 =	vadd.f32 v63, v13  }
0x28d: {  	s5 =	smul.f32 s5, s1;
	s16 =	ssub.f32 $3.906250000e+03, s23;
	v63 =	vmul.f32 s19, v2;
	v23 =	vadd.f32 v60, v23;
	[tilespmem:$0x1FED0] =	vst v0;
	v60 =	vld [tilespmem:s15+$0x80];
	v0 =	vadd.f32 v35, v26  }
0x28e: {  	[smem:$0x7FC] =	sst s7;
	s4 =	smul.f32 s11, s1;
	[tilespmem:$0x1FF40] =	vst v56;
	v3 =	vadd.f32 v3, v28;
	v56 =	vld [tilespmem:$0x1F9B0];
	v45 =	vadd.f32 v13, v19  }
0x28f: {  	s8 =	sadd.f32 $-9.765625000e-02, s5;
	s7 =	smul.f32 s16, s1;
	[tilespmem:$0x1FEF0] =	vst v63;
	v63 =	vld [tilespmem:s15+$0x90];
	v0 =	vadd.f32 v0, v36;
	v36 =	vadd.f32 v25, v55  }
0x290: {  	s14 =	sadd.f32 $-2.343750000e-01, s0;
	s11 =	smul.f32 $8.138020510e+00, s1;
	v3 =	vadd.f32 v3, v50;
	v50 =	vld [tilespmem:$0x1FA20]  }
0x291: {  	[tilespmem:$0x1FEB0] =	vst v30;
	v30 =	vmul.f32 s20, v2;
	s7 =	sadd.f32 $7.812500000e+02, s7;
	v2 =	vadd.f32 v45, v15;
	v45 =	vadd.f32 v36, v44;
	v36 =	vld [tilespmem:$0x1F9C0]  }
0x292: {  	s6 =	ssub.f32 $1.627604130e+00, s11;
	v8 =	vadd.f32 v23, v29;
	v0 =	vadd.f32 v0, v39;
	v39 =	vld [tilespmem:$0x1F9D0]  }
0x293: {  	[tilespmem:$0x1FF00] =	vst v30;
	v30 =	vmul.f32 s29, v27;
	s19 =	sld [smem:$0x7E4];
	s25 =	smul.f32 s7, s1;
	v44 =	vld [tilespmem:s15+$0x200]  }
0x294: {  	v29 =	vmul.f32 s29, v22;
	s29 =	sld [smem:$0x7E3];
	v26 =	vadd.f32 v8, v38;
	v3 =	vadd.f32 v3, v49;
	v49 =	vld [tilespmem:$0x1FA10]  }
0x295: {  	v8 =	vld [tilespmem:$0x1FAB0];
	s16 =	sadd.f32 $-2.604166560e+02, s25  }
0x296: {  	v48 =	vmul.f32 s28, v22;
	s25 =	sld [smem:$0x7E2];
	v38 =	vadd.f32 v26, v43;
	v43 =	vld [tilespmem:s15+$0x110]  }
0x297: {  	s5 =	smul.f32 $8.138020620e+02, s1;
	s11 =	sadd.f32 $1.627604130e+00, s11;
	v0 =	vadd.f32 v0, v47;
	v47 =	vld [tilespmem:s15+$0x210]  }
0x298: {  	s7 =	sadd.f32 $1.015625000e+02, s4;
	s4 =	smul.f32 $3.255208400e+04, s1;
	[tilespmem:$0x1FF10] =	vst v48;
	v13 =	vmul.f32 s19, v60;
	v48 =	vmul.f32 s29, v63;
	v18 =	vadd.f32 v38, v52;
	v52 =	vld [tilespmem:$0x1FA30]  }
0x299: {  	s20 =	smul.f32 s6, s1;
	s6 =	ssub.f32 $1.302083280e+02, s5;
	v15 =	vmul.f32 s19, v63;
	v35 =	vmul.f32 s25, v63;
	v63 =	vld [tilespmem:s15+$0x180]  }
0x29a: {  	s11 =	smul.f32 s11, s1;
	s28 =	sadd.f32 $-1.171875000e+04, s4;
	v12 =	vmul.f32 s29, v60;
	v10 =	vmul.f32 s25, v60;
	v60 =	vadd.f32 v45, v56;
	v45 =	vld [tilespmem:$0x1FA00]  }
0x29b: {  	v2 =	vadd.f32 v2, v31;
	s17 =	smul.f32 s7, s1;
	s7 =	sadd.f32 $1.106770800e+01, s20;
	v56 =	vld [tilespmem:$0x1FA60]  }
0x29c: {  	[tilespmem:$0x1FEC0] =	vst v61;
	v61 =	vmul.f32 s21, v22;
	s20 =	sld [smem:$0x7E5];
	v3 =	vadd.f32 v3, v49;
	v49 =	vld [tilespmem:$0x1FB20]  }
0x29d: {  	v24 =	vmul.f32 s21, v27;
	s29 =	sadd.f32 $-1.106770800e+01, s11;
	v2 =	vadd.f32 v2, v32;
	s21 =	smul.f32 s28, s1;
	v4 =	vadd.f32 v4, v8;
	v8 =	vld [tilespmem:$0x1FBE0]  }
0x29e: {  	[tilespmem:$0x1FF20] =	vst v61;
	s7 =	smul.f32 s7, s1;
	s28 =	sld [smem:$0x7E6];
	v61 =	vadd.f32 v18, v54;
	v18 =	vld [tilespmem:s15+$0x190]  }
0x29f: {  	s25 =	smul.f32 s6, s1;
	s6 =	sld [smem:$0x7E7];
	v2 =	vadd.f32 v2, v40;
	v40 =	vld [tilespmem:$0x1F9E0]  }
0x2a0: {  	s21 =	sadd.f32 $-1.015625000e+04, s21;
	v54 =	vld [tilespmem:$0x1FA40]  }
0x2a1: {  	s7 =	sadd.f32 $-2.213541750e+00, s7;
	v37 =	vadd.f32 v60, v36;
	v60 =	vld [tilespmem:s15+$0x280]  }
0x2a2: {  	v0 =	vadd.f32 v0, v53;
	s25 =	sadd.f32 $6.640625000e+02, s25;
	s21 =	smul.f32 s21, s1;
	v2 =	vadd.f32 v2, v42;
	v42 =	vld [tilespmem:$0x1F9F0]  }
0x2a3: {  	v9 =	vmul.f32 s20, v41;
	v55 =	vmul.f32 s20, v43;
	s20 =	sld [smem:$0x7E8];
	s7 =	smul.f32 s7, s1;
	v38 =	vadd.f32 v61, v62;
	v61 =	vld [tilespmem:s15+$0x290]  }
0x2a4: {  	s11 =	smul.f32 $6.510416800e+04, s1;
	v3 =	vadd.f32 v3, v59;
	v62 =	vld [tilespmem:$0x1FA80];
	s19 =	sadd.f32 $2.031250000e+03, s21  }
0x2a5: {  	v0 =	vadd.f32 v0, v39;
	[tilespmem:$0x1FF80] =	vst v55;
	s25 =	smul.f32 s25, s1;
	v55 =	vld [tilespmem:$0x1FA50];
	s7 =	sadd.f32 $-2.929687500e+00, s7  }
0x2a6: {  	v19 =	vmul.f32 s28, v41;
	v14 =	vmul.f32 s28, v43;
	s28 =	smul.f32 s29, s1;
	v3 =	vadd.f32 v3, v7;
	v7 =	vld [tilespmem:$0x1FBD0];
	s21 =	ssub.f32 $7.812500000e+03, s11  }
0x2a7: {  	v2 =	vadd.f32 v2, v57;
	v0 =	vadd.f32 v0, v45;
	v45 =	vld [tilespmem:$0x1FAF0];
	s25 =	sadd.f32 $-8.854166410e+01, s25  }
0x2a8: {  	v23 =	vmul.f32 s20, v63;
	v21 =	vmul.f32 s20, v18;
	s20 =	sadd.f32 $-2.213541750e+00, s28;
	v3 =	vadd.f32 v3, v46;
	v46 =	vld [tilespmem:$0x1FC20]  }
0x2a9: {  	v22 =	vmul.f32 s6, v41;
	v41 =	vadd.f32 v37, v40;
	s28 =	sld [smem:$0x7E9];
	s7 =	smul.f32 s7, s1;
	v2 =	vadd.f32 v2, v58;
	v58 =	vld [tilespmem:$0x1FA70]  }
0x2aa: {  	s5 =	sadd.f32 $1.302083280e+02, s5;
	v11 =	vmul.f32 s6, v43;
	s21 =	smul.f32 s21, s1;
	v0 =	vadd.f32 v0, v54;
	v54 =	vld [tilespmem:$0x1FB50];
	v43 =	vadd.f32 v38, v42  }
0x2ab: {  	s6 =	smul.f32 s25, s1;
	v51 =	vadd.f32 v41, v50;
	s25 =	sadd.f32 $5.859375000e-01, s7;
	v2 =	vadd.f32 v2, v55;
	v55 =	vld [tilespmem:$0x1FB60]  }
0x2ac: {  	[tilespmem:$0x1FF60] =	vst v24;
	v26 =	vmul.f32 s28, v63;
	v24 =	vmul.f32 s28, v18;
	s28 =	sadd.f32 $2.656250000e+04, s21;
	v0 =	vadd.f32 v0, v62;
	v62 =	vld [tilespmem:$0x1FBB0]  }
0x2ad: {  	s29 =	smul.f32 s20, s1;
	s7 =	sadd.f32 $-5.859375000e+01, s6;
	v53 =	vadd.f32 v43, v52;
	v57 =	vadd.f32 v51, v56;
	v51 =	vld [tilespmem:$0x1FB30]  }
0x2ae: {  	s6 =	sld [smem:$0x7EA];
	v56 =	vld [tilespmem:$0x1FB70]  }
0x2af: {  	s0 =	sadd.f32 $2.929687500e+00, s29;
	v59 =	vadd.f32 v53, v58;
	v53 =	vld [tilespmem:$0x1FB40]  }
0x2b0: {  	s5 =	smul.f32 s5, s1;
	s29 =	sld [smem:$0x7EB];
	v17 =	vadd.f32 v57, v16;
	v57 =	vld [tilespmem:$0x1FB80]  }
0x2b1: {  	s21 =	sld [smem:$0x7EC];
	v16 =	vld [tilespmem:s12+$0xB0]  }
0x2b2: {  	s20 =	sadd.f32 $-6.640625000e+02, s5;
	s0 =	smul.f32 s0, s1;
	v28 =	vmul.f32 s6, v63;
	v27 =	vmul.f32 s6, v18;
	v63 =	vld [tilespmem:$0x1FA90]  }
0x2b3: {  	[tilespmem:$0x1FF30] =	vst v29;
	v29 =	vmul.f32 s29, v44;
	v25 =	vmul.f32 s29, v47;
	s29 =	smul.f32 s3, s1;
	v18 =	vld [tilespmem:$0x1FAD0];
	s3 =	sld [smem:$0x7ED]  }
0x2b4: {  	[tilespmem:$0x1FF70] =	vst v30;
	v33 =	vmul.f32 s21, v44;
	v30 =	vmul.f32 s21, v47;
	s21 =	sld [smem:$0x7EE];
	v50 =	vadd.f32 v17, v49;
	v17 =	vld [tilespmem:$0x1FBF0]  }
0x2b5: {  	s15 =	sadd.f32 $5.859375000e-01, s0;
	v49 =	vld [tilespmem:$0x1FC30]  }
0x2b6: {  	[tilespmem:$0x1FF50] =	vst v35;
	s0 =	sadd.f32 $4.231770990e+00, s29;
	v35 =	vmul.f32 s3, v44;
	v44 =	vld [tilespmem:$0x1FAE0]  }
0x2b7: {  	s29 =	sadd.f32 $7.812500000e+03, s11;
	v32 =	vmul.f32 s3, v47;
	v47 =	vld [tilespmem:$0x1FB10]  }
0x2b8: {  	s11 =	sld [smem:$0x7EF];
	v58 =	vadd.f32 v50, v57;
	v50 =	vld [tilespmem:$0x1FC40]  }
0x2b9: {  	s3 =	smul.f32 s20, s1;
	s20 =	sld [smem:$0x7F0];
	v57 =	vld [tilespmem:$0x1FC70]  }
0x2ba: {  	s6 =	smul.f32 s28, s1;
	v20 =	vadd.f32 v59, v18;
	v59 =	vld [tilespmem:$0x1FB90]  }
0x2bb: {  	s9 =	sadd.f32 $8.138020630e-01, s9;
	v31 =	vmul.f32 s21, v61;
	v2 =	vadd.f32 v2, v63;
	v63 =	vld [tilespmem:$0x1FBC0]  }
0x2bc: {  	s28 =	sadd.f32 $-1.770833370e+03, s6;
	v36 =	vmul.f32 s11, v61;
	v39 =	vmul.f32 s20, v61;
	v61 =	vld [tilespmem:$0x1FBA0]  }
0x2bd: {  	v34 =	vmul.f32 s21, v60;
	s21 =	sld [smem:$0x7F1];
	s0 =	smul.f32 s0, s1;
	v43 =	vadd.f32 v58, v8;
	v58 =	vld [tilespmem:$0x1FC80]  }
0x2be: {  	s3 =	sadd.f32 $-8.854166410e+01, s3;
	v8 =	vld [tilespmem:$0x1FCF0]  }
0x2bf: {  	s5 =	smul.f32 s29, s1;
	s0 =	sadd.f32 $2.539062500e+00, s0;
	v52 =	vadd.f32 v20, v51;
	v51 =	vld [tilespmem:s12+$0xA0]  }
0x2c0: {  	v37 =	vmul.f32 s11, v60;
	s11 =	sld [smem:$0x7F2];
	v2 =	vadd.f32 v2, v45;
	v20 =	vld [tilespmem:$0x1FC00]  }
0x2c1: {  	s5 =	sadd.f32 $-2.656250000e+04, s5;
	v45 =	vld [tilespmem:$0x1FC10];
	v0 =	vadd.f32 v0, v44;
	v4 =	vadd.f32 v4, v47;
	s0 =	smul.f32 s0, s1  }
0x2c2: {  	v3 =	vadd.f32 v3, v55;
	v40 =	vmul.f32 s20, v60;
	s20 =	sld [smem:$0x7F3];
	s3 =	smul.f32 s3, s1;
	v2 =	vadd.f32 v2, v54;
	v54 =	vld [tilespmem:$0x1FC50]  }
0x2c3: {  	v41 =	vmul.f32 s21, v5;
	v0 =	vadd.f32 v0, v53;
	v4 =	vadd.f32 v4, v56;
	s0 =	sadd.f32 $-1.627604220e-01, s0;
	v56 =	vld [tilespmem:$0x1FC60]  }
0x2c4: {  	v38 =	vmul.f32 s21, v6;
	s29 =	sadd.f32 $5.859375000e+01, s3;
	v60 =	vadd.f32 v52, v59;
	v3 =	vadd.f32 v3, v63;
	v59 =	vld [tilespmem:$0x1FC90]  }
0x2c5: {  	v44 =	vmul.f32 s11, v5;
	s3 =	sld [smem:$0x7F4];
	v53 =	vadd.f32 v43, v50;
	v63 =	vld [tilespmem:$0x1FCD0];
	v2 =	vadd.f32 v2, v62;
	s0 =	smul.f32 s0, s1  }
0x2c6: {  	s21 =	smul.f32 s9, s1;
	v42 =	vmul.f32 s11, v6;
	s11 =	sld [smem:$0x7F5];
	v0 =	vadd.f32 v0, v61;
	v18 =	vadd.f32 v60, v17;
	v60 =	vld [tilespmem:$0x1FCA0]  }
0x2c7: {  	s6 =	smul.f32 s5, s1;
	v62 =	vld [tilespmem:$0x1FCC0];
	v4 =	vadd.f32 v4, v7;
	v3 =	vadd.f32 v3, v46;
	s5 =	sadd.f32 $-9.765625000e-02, s0  }
0x2c8: {  	v46 =	vmul.f32 s20, v5;
	v47 =	vmul.f32 s3, v51;
	v61 =	vld [tilespmem:$0x1FCB0];
	v0 =	vadd.f32 v0, v20;
	s0 =	sadd.f32 $-3.255208430e-01, s21  }
0x2c9: {  	v43 =	vmul.f32 s3, v16;
	v4 =	vadd.f32 v4, v49;
	v55 =	vadd.f32 v18, v54;
	s21 =	sld [smem:$0x7F6];
	v18 =	vld [tilespmem:$0x1FD20]  }
0x2ca: {  	v50 =	vmul.f32 s11, v51;
	v7 =	vld [tilespmem:$0x1FCE0];
	v2 =	vadd.f32 v2, v45;
	v0 =	vadd.f32 v0, v56  }
0x2cb: {  	v17 =	vld [tilespmem:$0x1FD10];
	v49 =	vmul.f32 s11, v16;
	v4 =	vadd.f32 v4, v59;
	v5 =	vadd.f32 v53, v60  }
0x2cc: {  	v53 =	vmul.f32 s21, v51;
	v51 =	vmul.f32 s21, v16;
	v16 =	vld [tilespmem:$0x1FD00];
	v0 =	vadd.f32 v62, v0  }
0x2cd: {  	v2 =	vadd.f32 v2, v57;
	v4 =	vadd.f32 v8, v4;
	v8 =	vld [tilespmem:$0x1FD50]  }
0x2ce: {  	v45 =	vmul.f32 s20, v6;
	v6 =	vadd.f32 v55, v61;
	v20 =	vadd.f32 v18, v0;
	v18 =	vld [tilespmem:$0x1FD80]  }
0x2cf: {  	v2 =	vadd.f32 v2, v63;
	v63 =	vld [tilespmem:$0x1FD30]  }
0x2d0: {  	v6 =	vadd.f32 v6, v17;
	v17 =	vld [tilespmem:$0x1FD70]  }
0x2d1: {  	v5 =	vadd.f32 v5, v16;
	v16 =	vld [tilespmem:$0x1FD60]  }
0x2d2: {  	s2 =	ssub.f32 $-1.953125000e+02, s2;
	v3 =	vadd.f32 v3, v58;
	v4 =	vadd.f32 v8, v4;
	v8 =	vld [tilespmem:$0x1FDB0]  }
0x2d3: {  	v20 =	vadd.f32 v18, v20;
	v18 =	vld [tilespmem:$0x1FDE0]  }
0x2d4: {  	s2 =	smul.f32 s2, s1;
	v3 =	vadd.f32 v3, v7;
	v7 =	vld [tilespmem:$0x1FD40]  }
0x2d5: {  	v62 =	vld [tilespmem:$0x1FD90]  }
0x2d6: {  	s2 =	sadd.f32 $2.539062500e+02, s2;
	v6 =	vadd.f32 v17, v6;
	v17 =	vld [tilespmem:$0x1FDD0]  }
0x2d7: {  	v5 =	vadd.f32 v5, v16;
	v16 =	vld [tilespmem:$0x1FDC0]  }
0x2d8: {  	s2 =	smul.f32 s2, s1;
	v4 =	vadd.f32 v8, v4;
	v8 =	vadd.f32 v18, v20;
	v20 =	vld [tilespmem:$0x1FDF0]  }
0x2d9: {  	s13 =	sadd.f32 $6.510416410e+01, s13;
	v2 =	vadd.f32 v2, v63;
	v18 =	vld [tilespmem:$0x1FE30]  }
0x2da: {  	s2 =	sadd.f32 $1.015625000e+02, s2;
	v61 =	vld [tilespmem:$0x1FE00]  }
0x2db: {  	s13 =	smul.f32 s13, s1;
	s9 =	ssub.f32 $-1.171875000e+04, s4;
	v3 =	vadd.f32 v3, v7;
	v7 =	vld [tilespmem:$0x1FDA0];
	v2 =	vadd.f32 v2, v62  }
0x2dc: {  	s2 =	smul.f32 s2, s1;
	v62 =	vld [tilespmem:$0x1FE10];
	v6 =	vadd.f32 v17, v6  }
0x2dd: {  	s13 =	sadd.f32 $-1.953125000e+01, s13;
	s4 =	smul.f32 s9, s1;
	v5 =	vadd.f32 v5, v16;
	v16 =	vadd.f32 v2, v20;
	v20 =	vld [tilespmem:$0x1FE40]  }
0x2de: {  	s3 =	spop (v2sf);
	s20 =	sadd.f32 $-3.255208250e+00, s2;
	v6 =	vadd.f32 v18, v6;
	v18 =	vld [tilespmem:$0x1FE50]  }
0x2df: {  	s2 =	spop (v2sf);
	v57 =	vld [tilespmem:s12+$0x120];
	s0 =	smul.f32 s0, s1  }
0x2e0: {  	s4 =	sadd.f32 $1.015625000e+04, s4;
	v58 =	vld [tilespmem:s12+$0x130];
	s11 =	spop (v2sf);
	v3 =	vadd.f32 v7, v3  }
0x2e1: {  	s21 =	smul.f32 $8.138020630e-01, s11;
	s9 =	sadd.f32 $-3.255208430e-01, s0;
	v17 =	vadd.f32 v62, v4;
	v4 =	vld [tilespmem:$0x1FE20]  }
0x2e2: {  	s0 =	sld [smem:$0x7F7];
	v7 =	vadd.f32 v61, v3  }
0x2e3: {  	s4 =	smul.f32 s4, s1;
	[smem:$0x7FD] =	sst s21;
	v3 =	vadd.f32 v20, v8;
	v8 =	vadd.f32 v18, v16;
	v16 =	vld [tilespmem:$0x1FE80]  }
0x2e4: {  	s13 =	smul.f32 s13, s1;
	s21 =	ssub.f32 $8.138020630e-01, s21;
	v54 =	vmul.f32 s31, v57;
	v59 =	vmul.f32 s26, v57  }
0x2e5: {  	v56 =	vmul.f32 s0, v57;
	v57 =	vmul.f32 s26, v58;
	s26 =	sadd.f32 $2.031250000e+03, s4  }
0x2e6: {  	v52 =	vmul.f32 s31, v58;
	v0 =	vld [tilespmem:s12+$0x1B0];
	s31 =	smul.f32 s21, s11;
	s4 =	sadd.f32 $-1.302083300e+01, s13;
	v5 =	vadd.f32 v4, v5  }
0x2e7: {  	s13 =	sadd.f32 $3.906250000e+03, s23;
	v20 =	vld [tilespmem:$0x1FE60]  }
0x2e8: {  	s21 =	sadd.f32 $3.255208430e-01, s31;
	v5 =	vadd.f32 v16, v5;
	v16 =	vld [tilespmem:$0x1FEB0]  }
0x2e9: {  	s31 =	sld [smem:$0x7F8]  }
0x2ea: {  	s23 =	sld [smem:$0x7F9]  }
0x2eb: {  	[tilespmem:$0x1FE70] =	vst v1  }
0x2ec: {  	v55 =	vmul.f32 s0, v58;
	v58 =	vmul.f32 s31, v0;
	v4 =	vadd.f32 v20, v7;
	v7 =	vld [tilespmem:$0x1FE70]  }
0x2ed: {  	v61 =	vmul.f32 s24, v0;
	v18 =	vmul.f32 s23, v0;
	v0 =	vadd.f32 v16, v8;
	v8 =	vld [tilespmem:$0x1FEC0]  }
0x2ee: {  	v16 =	vld [tilespmem:$0x1FED0];
	_ =	sdelay $0x2  }
0x2ef: {  	v7 =	vadd.f32 v7, v17;
	_ =	sdelay $0x1  }
0x2f0: {  	[tilespmem:$0x1FF90] =	vst v0;
	v0 =	vadd.f32 v8, v4;
	v4 =	vadd.f32 v16, v7;
	v16 =	vld [tilespmem:$0x1FEE0];
	_ =	sdelay $0x2  }
0x2f1: {  	v17 =	vld [tilespmem:$0x1FE90];
	_ =	sdelay $0x1  }
0x2f2: {  	[tilespmem:$0x1FFB0] =	vst v4;
	v4 =	vadd.f32 v16, v5;
	v5 =	vld [tilespmem:$0x1FEF0];
	_ =	sdelay $0x1  }
0x2f3: {  	s9 =	smul.f32 s9, s1  }
0x2f4: {  	v63 =	vld [tilespmem:s12+$0x1A0];
	v6 =	vadd.f32 v17, v6  }
0x2f5: {  	s9 =	sadd.f32 $1.171875000e-02, s9  }
0x2f6: {  	v20 =	vld [tilespmem:$0x1FEA0];
	v5 =	vadd.f32 v5, v6  }
0x2f7: {  	s9 =	smul.f32 s9, s1  }
0x2f8: {  	s0 =	smul.f32 s21, s11;
	[tilespmem:$0x1FFD0] =	vst v5;
	v5 =	vld [tilespmem:$0x1FF00]  }
0x2f9: {  	v1 =	vld [tilespmem:s12+$0x230];
	v60 =	vmul.f32 s31, v63;
	s31 =	sadd.f32 $1.171875000e-02, s9  }
0x2fa: {  	s9 =	sadd.f32 $-3.255208430e-01, s0;
	v7 =	vld [tilespmem:$0x1FF10]  }
0x2fb: {  	s17 =	sadd.f32 $3.255208250e+00, s17;
	s21 =	smul.f32 $8.138021090e+01, s11;
	v3 =	vadd.f32 v20, v3;
	v6 =	vld [tilespmem:$0x1FF30]  }
0x2fc: {  	s6 =	sadd.f32 $-1.770833370e+03, s6;
	s9 =	smul.f32 s9, s11;
	v2 =	vld [tilespmem:s12+$0x220]  }
0x2fd: {  	v62 =	vmul.f32 s24, v63;
	s24 =	smul.f32 s13, s1;
	s13 =	sld [smem:$0x7FA];
	v3 =	vadd.f32 v5, v3  }
0x2fe: {  	s4 =	smul.f32 s4, s1;
	s0 =	ssub.f32 $6.510416410e+01, s21;
	v5 =	vld [tilespmem:$0x1FF60]  }
0x2ff: {  	v63 =	vmul.f32 s23, v63;
	s9 =	sadd.f32 $-1.171875000e-02, s9;
	v20 =	vmul.f32 s22, v1;
	[tilespmem:$0x1FFE0] =	vst v3;
	v3 =	vadd.f32 v10, v7;
	v10 =	vld [tilespmem:$0x1FF20]  }
0x300: {  	s23 =	sadd.f32 $2.343750000e-01, s4;
	s4 =	smul.f32 $4.069010260e+00, s11;
	v16 =	vmul.f32 s13, v1;
	v7 =	vmul.f32 s10, v1;
	v1 =	vadd.f32 v13, v6;
	v6 =	vld [tilespmem:$0x1FF70]  }
0x301: {  	s9 =	smul.f32 s9, s11;
	v17 =	vmul.f32 s22, v2;
	s22 =	sadd.f32 $-7.812500000e+02, s24;
	[tilespmem:$0x1FFA0] =	vst v0;
	v0 =	vld [tilespmem:s12+$0x2B0]  }
0x302: {  	v8 =	vld [tilespmem:s12+$0x2A0];
	s24 =	sadd.f32 $-2.441406250e+00, s4;
	s12 =	smul.f32 s0, s11;
	v3 =	vadd.f32 v3, v9  }
0x303: {  	s9 =	sadd.f32 $1.171875000e-02, s9;
	s1 =	smul.f32 s22, s1;
	v22 =	vadd.f32 v1, v22;
	v48 =	vadd.f32 v48, v5  }
0x304: {  	s0 =	smul.f32 s24, s11;
	s12 =	sadd.f32 $1.953125000e+01, s12;
	[tilespmem:$0x1FFC0] =	vst v4;
	v4 =	vmul.f32 s13, v2;
	v13 =	vld [tilespmem:$0x1FF50];
	v3 =	vadd.f32 v3, v23;
	v10 =	vadd.f32 v12, v10  }
0x305: {  	v12 =	vmul.f32 s10, v2;
	v2 =	vld [tilespmem:$0x1FF40];
	s10 =	sadd.f32 $-2.604166560e+02, s1;
	v15 =	vadd.f32 v15, v6;
	v48 =	vadd.f32 v48, v14  }
0x306: {  	s13 =	smul.f32 $6.510416500e+03, s11;
	v5 =	vmul.f32 s30, v0;
	s1 =	sadd.f32 $-4.231770990e+00, s0;
	v3 =	vadd.f32 v3, v29;
	v10 =	vadd.f32 v10, v19  }
0x307: {  	s22 =	smul.f32 $4.069010310e+02, s11;
	v9 =	vld [tilespmem:$0x1FF80];
	v6 =	vmul.f32 s30, v8;
	s30 =	sld [smem:$0x7FB];
	v11 =	vadd.f32 v15, v11;
	v48 =	vadd.f32 v48, v24  }
0x308: {  	s12 =	smul.f32 s12, s11;
	s0 =	ssub.f32 $3.906250000e+03, s13;
	v3 =	vadd.f32 v3, v34;
	v10 =	vadd.f32 v10, v26  }
0x309: {  	v14 =	vmul.f32 s18, v8;
	s24 =	smul.f32 s1, s11;
	s1 =	sadd.f32 $-1.953125000e+02, s22;
	v26 =	vadd.f32 v22, v28;
	v28 =	vadd.f32 v11, v27  }
0x30a: {  	s12 =	sadd.f32 $-1.302083300e+01, s12;
	v23 =	vld [tilespmem:s2+$0xC0];
	v13 =	vadd.f32 v13, v2;
	v2 =	vmul.f32 s30, v0;
	v0 =	vmul.f32 s18, v0;
	s18 =	smul.f32 s0, s11  }
0x30b: {  	v19 =	vld [tilespmem:s2+$0x40];
	s24 =	sadd.f32 $2.539062500e+00, s24;
	s0 =	smul.f32 s1, s11;
	v3 =	vadd.f32 v3, v41;
	v10 =	vadd.f32 v10, v33  }
0x30c: {  	v22 =	vadd.f32 v28, v32;
	v1 =	vadd.f32 v13, v9;
	v9 =	vmul.f32 s30, v8;
	v13 =	vld [tilespmem:s2+$0x50];
	s30 =	sld [smem:$0x7FC]  }
0x30d: {  	s12 =	smul.f32 s12, s11;
	v8 =	vadd.f32 v26, v35;
	s0 =	sadd.f32 $-2.539062500e+02, s0;
	v3 =	vadd.f32 v3, v47  }
0x30e: {  	s24 =	smul.f32 s24, s11;
	s18 =	sadd.f32 $7.812500000e+02, s18;
	v10 =	vadd.f32 v10, v37;
	v22 =	vadd.f32 v22, v39  }
0x30f: {  	s12 =	sadd.f32 $-2.343750000e-01, s12;
	v27 =	vmul.f32 s8, v23;
	v1 =	vadd.f32 v1, v21;
	v21 =	vadd.f32 v48, v30;
	s0 =	smul.f32 s0, s11  }
0x310: {  	v24 =	vmul.f32 s14, v19;
	s24 =	sadd.f32 $1.627604220e-01, s24;
	s18 =	smul.f32 s18, s11;
	v8 =	vadd.f32 v8, v40;
	v3 =	vadd.f32 v3, v54  }
0x311: {  	v15 =	vmul.f32 s30, v19;
	v1 =	vadd.f32 v1, v25;
	v25 =	vld [tilespmem:s2+$0xD0];
	s0 =	sadd.f32 $1.015625000e+02, s0;
	v11 =	vmul.f32 s30, v13;
	s30 =	smul.f32 $8.138020510e+00, s11  }
0x312: {  	v10 =	vadd.f32 v10, v44;
	v22 =	vadd.f32 v22, v45;
	v26 =	vmul.f32 s14, v13;
	s14 =	sadd.f32 $-2.604166560e+02, s18;
	s18 =	smul.f32 s24, s11  }
0x313: {  	v54 =	vld [tilespmem:s2+$0x1D0];
	v19 =	vmul.f32 s16, v19;
	v21 =	vadd.f32 v21, v36;
	v8 =	vadd.f32 v8, v46;
	s1 =	ssub.f32 $1.627604130e+00, s30  }
0x314: {  	v3 =	vadd.f32 v3, v60;
	v13 =	vmul.f32 s16, v13;
	v22 =	vadd.f32 v22, v51;
	v51 =	vld [tilespmem:s2+$0x1C0];
	s0 =	smul.f32 s0, s11;
	s16 =	sadd.f32 $-9.765625000e-02, s18  }
0x315: {  	v30 =	vmul.f32 s17, v23;
	v48 =	vld [tilespmem:s2+$0x150];
	v10 =	vadd.f32 v10, v50;
	v21 =	vadd.f32 v21, v42;
	s30 =	sadd.f32 $1.627604130e+00, s30;
	s1 =	smul.f32 s1, s11  }
0x316: {  	v8 =	vadd.f32 v8, v53;
	v28 =	vmul.f32 s8, v25;
	s8 =	smul.f32 $3.255208400e+04, s11;
	v32 =	vmul.f32 s17, v25;
	s17 =	sadd.f32 $3.255208250e+00, s0  }
0x317: {  	v1 =	vadd.f32 v1, v31;
	v21 =	vadd.f32 v21, v49;
	s24 =	sadd.f32 $1.106770800e+01, s1  }
0x318: {  	v23 =	vmul.f32 s19, v23;
	v3 =	vadd.f32 v3, v17;
	s18 =	smul.f32 $8.138020620e+02, s11;
	v8 =	vadd.f32 v8, v59;
	s1 =	sadd.f32 $-1.171875000e+04, s8  }
0x319: {  	v44 =	vld [tilespmem:s2+$0x140];
	v42 =	vmul.f32 s6, v54;
	v21 =	vadd.f32 v21, v55;
	v41 =	vmul.f32 s6, v51;
	s6 =	ssub.f32 $-2.441406250e+00, s4;
	s0 =	smul.f32 s24, s11  }
0x31a: {  	v34 =	vmul.f32 s25, v48;
	v10 =	vadd.f32 v10, v56;
	v8 =	vadd.f32 v8, v63;
	v63 =	vld [tilespmem:s2+$0x250];
	s1 =	smul.f32 s1, s11;
	s24 =	ssub.f32 $1.302083280e+02, s18  }
0x31b: {  	v56 =	vmul.f32 s7, v48;
	v31 =	vmul.f32 s28, v48;
	v21 =	vadd.f32 v21, v61;
	v61 =	vld [tilespmem:s2+$0x240];
	s0 =	sadd.f32 $-2.213541750e+00, s0  }
0x31c: {  	v60 =	vmul.f32 s15, v54;
	v1 =	vadd.f32 v1, v38;
	v25 =	vmul.f32 s19, v25;
	s1 =	sadd.f32 $-1.015625000e+04, s1;
	s19 =	smul.f32 s24, s11  }
0x31d: {  	v40 =	vmul.f32 s29, v54;
	v3 =	vadd.f32 v3, v6;
	v10 =	vadd.f32 v10, v62;
	s24 =	smul.f32 s30, s11;
	s30 =	sadd.f32 $1.302083280e+02, s18  }
0x31e: {  	v33 =	vmul.f32 s25, v44;
	v53 =	vmul.f32 s7, v44;
	v1 =	vadd.f32 v1, v43;
	s19 =	sadd.f32 $6.640625000e+02, s19  }
0x31f: {  	v54 =	vld [tilespmem:s3+$0x70];
	v29 =	vmul.f32 s28, v44;
	v3 =	vadd.f32 v3, v15;
	v4 =	vadd.f32 v10, v4;
	s24 =	sadd.f32 $-1.106770800e+01, s24  }
0x320: {  	v1 =	vadd.f32 v1, v52;
	v52 =	vld [tilespmem:s3+$0x60];
	v48 =	vmul.f32 s20, v63;
	s0 =	smul.f32 s0, s11;
	v47 =	vmul.f32 s20, v61;
	s20 =	ssub.f32 $-1.953125000e+02, s22  }
0x321: {  	v3 =	vadd.f32 v3, v27;
	v49 =	vmul.f32 s26, v63;
	s1 =	smul.f32 s1, s11;
	v10 =	vmul.f32 s26, v61;
	s26 =	sld [smem:$0x7FD]  }
0x322: {  	v22 =	vadd.f32 v22, v57;
	v44 =	vmul.f32 s5, v63;
	v43 =	vmul.f32 s5, v61;
	s5 =	smul.f32 s30, s11;
	s0 =	sadd.f32 $-2.929687500e+00, s0  }
0x323: {  	v45 =	vld [tilespmem:s2+$0x2C0];
	v59 =	vmul.f32 s15, v51;
	v3 =	vadd.f32 v3, v33;
	s7 =	sadd.f32 $2.031250000e+03, s1  }
0x324: {  	v46 =	vld [tilespmem:s2+$0x2D0];
	v18 =	vadd.f32 v22, v18;
	v1 =	vadd.f32 v1, v58;
	s2 =	sadd.f32 $-6.640625000e+02, s5  }
0x325: {  	v3 =	vadd.f32 v3, v59;
	v59 =	vmul.f32 s9, v54;
	v58 =	vmul.f32 s9, v52;
	s19 =	smul.f32 s19, s11;
	s9 =	sadd.f32 $8.138020630e-01, s26  }
0x326: {  	s26 =	rddreg [dreg:$0x9];
	s0 =	smul.f32 s0, s11  }
0x327: {  	v7 =	vadd.f32 v18, v7;
	s1 =	sadd.f32 $-8.854166410e+01, s19;
	s19 =	smul.f32 $6.510416800e+04, s11  }
0x328: {  	v8 =	vadd.f32 v8, v12;
	s25 =	smul.f32 s24, s11;
	s15 =	sadd.f32 $5.859375000e-01, s0  }
0x329: {  	v4 =	vadd.f32 v4, v9;
	v0 =	vadd.f32 v7, v0;
	s2 =	smul.f32 s2, s11;
	s28 =	ssub.f32 $7.812500000e+03, s19  }
0x32a: {  	v16 =	vadd.f32 v21, v16;
	v8 =	vadd.f32 v8, v14;
	s0 =	sadd.f32 $-2.213541750e+00, s25  }
0x32b: {  	v50 =	vmul.f32 s31, v45;
	v4 =	vadd.f32 v4, v24;
	v0 =	vadd.f32 v0, v13;
	s9 =	smul.f32 s9, s11;
	s2 =	sadd.f32 $-8.854166410e+01, s2  }
0x32c: {  	v62 =	vmul.f32 s29, v51;
	v1 =	vadd.f32 v1, v20;
	v2 =	vadd.f32 v16, v2;
	s1 =	smul.f32 s1, s11;
	s19 =	sadd.f32 $7.812500000e+03, s19  }
0x32d: {  	v51 =	vmul.f32 s31, v46;
	v8 =	vadd.f32 v8, v19;
	v4 =	vadd.f32 v4, v30;
	s31 =	sadd.f32 $-3.255208430e-01, s9;
	s29 =	smul.f32 s28, s11  }
0x32e: {  	v0 =	vadd.f32 v0, v25;
	v1 =	vadd.f32 v1, v5;
	s24 =	sadd.f32 $-5.859375000e+01, s1  }
0x32f: {  	v2 =	vadd.f32 v2, v26;
	v8 =	vadd.f32 v8, v23;
	s0 =	smul.f32 s0, s11;
	s1 =	sadd.f32 $2.656250000e+04, s29  }
0x330: {  	v4 =	vadd.f32 v4, v53;
	v0 =	vadd.f32 v0, v31;
	s9 =	sadd.f32 $6.510416410e+01, s21;
	s22 =	smul.f32 s19, s11  }
0x331: {  	v57 =	vmul.f32 s10, v46;
	v3 =	vadd.f32 v3, v43;
	v1 =	vadd.f32 v1, v11;
	s19 =	sadd.f32 $3.906250000e+03, s13;
	s1 =	smul.f32 s1, s11  }
0x332: {  	v55 =	vmul.f32 s23, v46;
	s18 =	smul.f32 s6, s11;
	v2 =	vadd.f32 v2, v32;
	v8 =	vadd.f32 v8, v29;
	s0 =	sadd.f32 $2.929687500e+00, s0  }
0x333: {  	v63 =	vmul.f32 s12, v54;
	v25 =	vld [tilespmem:s3+$0x170];
	v4 =	vadd.f32 v4, v62;
	v0 =	vadd.f32 v0, v42;
	s2 =	smul.f32 s2, s11;
	s4 =	sadd.f32 $-1.770833370e+03, s1  }
0x334: {  	v20 =	vmul.f32 s14, v54;
	v23 =	vld [tilespmem:s3+$0x160];
	v3 =	vadd.f32 v3, v50;
	v1 =	vadd.f32 v1, v28;
	s1 =	sadd.f32 $4.231770990e+00, s18  }
0x335: {  	v53 =	vmul.f32 s23, v45;
	s23 =	smul.f32 s20, s11;
	v2 =	vadd.f32 v2, v56;
	v6 =	vadd.f32 v8, v41;
	s5 =	sadd.f32 $5.859375000e+01, s2  }
0x336: {  	v61 =	vmul.f32 s12, v52;
	v4 =	vadd.f32 v4, v47;
	v0 =	vadd.f32 v0, v49;
	s25 =	sadd.f32 $-2.656250000e+04, s22;
	s1 =	smul.f32 s1, s11  }
0x337: {  	v19 =	vmul.f32 s14, v52;
	v62 =	vld [tilespmem:s3+$0xF0];
	v3 =	vadd.f32 v3, v58;
	v1 =	vadd.f32 v1, v34;
	s2 =	sadd.f32 $2.539062500e+02, s23;
	s21 =	smul.f32 s19, s11  }
0x338: {  	v56 =	vmul.f32 s10, v45;
	v2 =	vadd.f32 v2, v40;
	v6 =	vadd.f32 v6, v10;
	s0 =	smul.f32 s0, s11;
	s1 =	sadd.f32 $2.539062500e+00, s1  }
0x339: {  	v4 =	vadd.f32 v4, v53;
	v30 =	vmul.f32 s24, v23;
	v34 =	vmul.f32 s24, v25;
	s24 =	rddreg [dreg:$0x7];
	s6 =	smul.f32 s25, s11  }
0x33a: {  	v0 =	vadd.f32 v57, v0;
	v29 =	vmul.f32 s15, v23;
	v1 =	vadd.f32 v1, v60;
	v60 =	vld [tilespmem:s3+$0xE0];
	s25 =	sadd.f32 $-7.812500000e+02, s21;
	s1 =	smul.f32 s1, s11  }
0x33b: {  	v33 =	vmul.f32 s15, v25;
	v2 =	vadd.f32 v2, v48;
	v6 =	vadd.f32 v6, v56;
	s0 =	sadd.f32 $5.859375000e-01, s0  }
0x33c: {  	v31 =	vld [tilespmem:s3+$0x1F0];
	v22 =	vmul.f32 s16, v62;
	v4 =	vadd.f32 v4, v61;
	v1 =	vadd.f32 v1, v44;
	s2 =	smul.f32 s2, s11;
	s1 =	sadd.f32 $-1.627604220e-01, s1  }
0x33d: {  	v26 =	vmul.f32 s17, v62;
	v0 =	vadd.f32 v20, v0;
	v2 =	vadd.f32 v2, v55;
	s28 =	sadd.f32 $-1.770833370e+03, s6  }
0x33e: {  	v28 =	vld [tilespmem:s3+$0x1E0];
	v27 =	vmul.f32 s7, v62;
	v6 =	vadd.f32 v19, v6;
	v1 =	vadd.f32 v1, v51;
	s2 =	sadd.f32 $1.015625000e+02, s2;
	s1 =	smul.f32 s1, s11  }
0x33f: {  	v2 =	vadd.f32 v2, v63;
	v21 =	vmul.f32 s16, v60;
	v24 =	vmul.f32 s17, v60;
	s16 =	smul.f32 s31, s11;
	s17 =	ssub.f32 $-1.171875000e+04, s8  }
0x340: {  	v39 =	vld [tilespmem:s3+$0x270];
	v0 =	vadd.f32 v27, v0;
	v5 =	vmul.f32 s7, v60;
	s18 =	smul.f32 s9, s11;
	v1 =	vadd.f32 v1, v59;
	s29 =	sadd.f32 $-9.765625000e-02, s1  }
0x341: {  	v36 =	vld [tilespmem:s3+$0x260];
	v43 =	vmul.f32 s5, v31;
	v2 =	vadd.f32 v26, v2;
	s30 =	smul.f32 s2, s11;
	v3 =	vadd.f32 v3, v21;
	s1 =	sadd.f32 $-3.255208430e-01, s16  }
0x342: {  	v54 =	vld [tilespmem:$0x1FFC0];
	v4 =	vadd.f32 v4, v24;
	v5 =	vadd.f32 v5, v6;
	v32 =	vmul.f32 s4, v23;
	s2 =	smul.f32 s17, s11;
	s7 =	sadd.f32 $-1.953125000e+01, s18  }
0x343: {  	v52 =	vld [tilespmem:$0x1FFB0];
	v40 =	vmul.f32 s28, v28;
	v44 =	vmul.f32 s28, v31;
	s28 =	rddreg [dreg:$0x8];
	v1 =	vadd.f32 v1, v22;
	s1 =	smul.f32 s1, s11  }
0x344: {  	v45 =	vld [tilespmem:$0x1FF90];
	v35 =	vmul.f32 s4, v25;
	v2 =	vadd.f32 v34, v2;
	v3 =	vadd.f32 v3, v29;
	s2 =	sadd.f32 $1.015625000e+04, s2;
	s20 =	smul.f32 s7, s11  }
0x345: {  	v49 =	vld [tilespmem:$0x1FFA0];
	v37 =	vmul.f32 s0, v28;
	v4 =	vadd.f32 v30, v4;
	v5 =	vadd.f32 v32, v5;
	s1 =	sadd.f32 $1.171875000e-02, s1  }
0x346: {  	v42 =	vld [tilespmem:s3+$0x2E0];
	v38 =	vmul.f32 s5, v28;
	v0 =	vadd.f32 v35, v0;
	v1 =	vadd.f32 v1, v33;
	s22 =	smul.f32 s2, s11;
	s23 =	sadd.f32 $-1.302083300e+01, s20  }
0x347: {  	v48 =	vld [tilespmem:s3+$0x2F0];
	s14 =	sadd.f32 $-3.255208250e+00, s30;
	v2 =	vadd.f32 v43, v2;
	v3 =	vadd.f32 v3, v37;
	s1 =	smul.f32 s1, s11  }
0x348: {  	v56 =	vld [tilespmem:$0x1FFD0];
	v41 =	vmul.f32 s0, v31;
	v4 =	vadd.f32 v38, v4;
	v5 =	vadd.f32 v40, v5;
	s0 =	sadd.f32 $2.031250000e+03, s22;
	s2 =	smul.f32 s23, s11  }
0x349: {  	[tilespmem:s26+$0xFFFFFF80] =	vst v45;
	v59 =	vld [tilespmem:$0x1FFE0];
	s4 =	smul.f32 s25, s11;
	v47 =	vmul.f32 s14, v36;
	v0 =	vadd.f32 v44, v0;
	v46 =	vmul.f32 s29, v36;
	s1 =	sadd.f32 $1.171875000e-02, s1  }
0x34a: {  	[tilespmem:s24+$0xFFFFFF80] =	vst v49;
	v57 =	vmul.f32 s14, v39;
	v1 =	vadd.f32 v41, v1;
	v50 =	vmul.f32 s0, v36;
	s2 =	sadd.f32 $2.343750000e-01, s2  }
0x34b: {  	[tilespmem:s28+$0xFFFFFF70] =	vst v52;
	v51 =	vmul.f32 s29, v39;
	s29 =	sadd.f32 $-2.604166560e+02, s4;
	v3 =	vadd.f32 v46, v3;
	v53 =	vmul.f32 s1, v42  }
0x34c: {  	[tilespmem:s26+$0xFFFFFF90] =	vst v54;
	v4 =	vadd.f32 v47, v4;
	v60 =	vmul.f32 s0, v39;
	v55 =	vmul.f32 s2, v42  }
0x34d: {  	s30 =	rddreg [dreg:$0x5];
	[tilespmem:s24+$0xFFFFFF90] =	vst v56;
	v5 =	vadd.f32 v50, v5;
	v58 =	vmul.f32 s29, v42;
	v3 =	vadd.f32 v53, v3  }
0x34e: {  	[tilespmem:s28+$0xFFFFFF80] =	vst v59;
	s0 =	sadd.s32 $0x2, s30;
	v4 =	vadd.f32 v55, v4;
	v1 =	vadd.f32 v51, v1;
	v61 =	vmul.f32 s1, v48  }
0x34f: {  	v2 =	vadd.f32 v57, v2;
	p0 =	slt.u32 s0, $0x7E;
	v62 =	vmul.f32 s2, v48;
	v5 =	vadd.f32 v58, v5;
	[tilespmem:s26+$0x0] =	vst v3  }
.Ltmp0:
0x350: {  	v0 =	vadd.f32 v60, v0;
	v63 =	vmul.f32 s29, v48;
	v1 =	vadd.f32 v61, v1;
	[tilespmem:s24+$0x0] =	vst v4;
	(pc) =	sbr.rel @p0 .LBB2_1-.Ltmp0, $4  }
0x351: {  	v2 =	vadd.f32 v62, v2;
	[tilespmem:s28+$0xFFFFFFF0] =	vst v5  }
0x352: {  	v0 =	vadd.f32 v63, v0;
	[tilespmem:s26+$0x10] =	vst v1  }
0x353: {  	s5 =	sadd.s32 $0x100, s24;
	s31 =	rddreg [dreg:$0x6];
	[tilespmem:s24+$0x10] =	vst v2  }
0x354: {  	s6 =	sadd.s32 $0x100, s28;
	s7 =	sadd.s32 $0x100, s26;
	s1 =	sadd.s32 $0x8, s31;
	[tilespmem:s28+$0x0] =	vst v0  }
0x355: {  	s0 =	simm.s32 $0x1  }
0x356: {  	v0 =	vmov s0  }
0x357: {  	v1 =	vlaneseq.u32;
	v0 =	vand.u32 $0x7F, v0  }
0x358: {  	s28 =	simm.s32 $0x0;
	v9 =	vmul.u32 $0x80, v1;
	v14 =	vbroadcast v0, $0x0  }
0x359: {  	v0 =	vmov s28  }
0x35a: {  	v0 =	vand.u32 $0x7E, v0;
	v1 =	vor.u32 v9, v14  }
0x35b: {  	v15 =	vbroadcast v0, $0x0;
	_ =	sdelay $0x1  }
0x35c: {  	v0 =	vor.u32 v9, v15  }
0x35d: {  	s7 =	simm.s32 $0x1C00  }
0x35e: {  	v2 =	vld.idx.msk [tilespmem:v1+s7+$0x0], $0xffff;
	_ =	sdelay $0x2  }
0x35f: {  	v3 =	vld.idx.msk [tilespmem:v0+s7+$0x0], $0xffff  }
0x360: {  	s13 =	simm.s32 $0xDC80  }
0x361: {  	s6 =	simm.s32 $0x5C00;
	[tilespmem:s13+$0x0] =	vst v2  }
0x362: {  	v2 =	vld.idx.msk [tilespmem:v1+s6+$0x0], $0xffff;
	_ =	sdelay $0x1  }
0x363: {  	[tilespmem:s13+$0xFFFFFF80] =	vst v3  }
0x364: {  	v3 =	vld.idx.msk [tilespmem:v0+s6+$0x0], $0xffff  }
0x365: {  	s10 =	simm.s32 $0xEC80  }
0x366: {  	s5 =	simm.s32 $0x9C00;
	[tilespmem:s10+$0x0] =	vst v2  }
0x367: {  	v13 =	vor.u32 $0x800, v9;
	v1 =	vld.idx.msk [tilespmem:v1+s5+$0x0], $0xffff  }
0x368: {  	v2 =	vor.u32 v13, v14  }
0x369: {  	[tilespmem:s10+$0xFFFFFF80] =	vst v3  }
0x36a: {  	v0 =	vld.idx.msk [tilespmem:v0+s5+$0x0], $0xffff  }
0x36b: {  	s4 =	simm.s32 $0xFC80;
	v3 =	vor.u32 v13, v15  }
0x36c: {  	[tilespmem:s4+$0x0] =	vst v1  }
0x36d: {  	v1 =	vld.idx.msk [tilespmem:v2+s7+$0x0], $0xffff;
	_ =	sdelay $0x1  }
0x36e: {  	[tilespmem:s4+$0xFFFFFF80] =	vst v0  }
0x36f: {  	v0 =	vld.idx.msk [tilespmem:v3+s7+$0x0], $0xffff;
	_ =	sdelay $0x1  }
0x370: {  	[tilespmem:s13+$0x10] =	vst v1  }
0x371: {  	v1 =	vld.idx.msk [tilespmem:v2+s6+$0x0], $0xffff;
	_ =	sdelay $0x1  }
0x372: {  	[tilespmem:s13+$0xFFFFFF90] =	vst v0  }
0x373: {  	v0 =	vld.idx.msk [tilespmem:v3+s6+$0x0], $0xffff;
	_ =	sdelay $0x1  }
0x374: {  	[tilespmem:s10+$0x10] =	vst v1  }
0x375: {  	v12 =	vor.u32 $0x1000, v9;
	v1 =	vld.idx.msk [tilespmem:v2+s5+$0x0], $0xffff  }
0x376: {  	s29 =	simm.s32 $0x3;
	v2 =	vor.u32 v12, v14  }
0x377: {  	[tilespmem:s10+$0xFFFFFF90] =	vst v0;
	v0 =	vmov s29  }
0x378: {  	s30 =	simm.s32 $0x2;
	v3 =	vld.idx.msk [tilespmem:v3+s5+$0x0], $0xffff;
	v0 =	vand.u32 $0x7F, v0  }
0x379: {  	v5 =	vor.u32 v12, v15;
	v4 =	vbroadcast v0, $0x0;
	v0 =	vmov s30  }
0x37a: {  	v0 =	vand.u32 $0x7E, v0;
	[tilespmem:s4+$0x10] =	vst v1  }
0x37b: {  	v6 =	vor.u32 v9, v4;
	v0 =	vbroadcast v0, $0x0;
	v1 =	vld.idx.msk [tilespmem:v2+s7+$0x0], $0xffff;
	_ =	sdelay $0x1  }
0x37c: {  	[tilespmem:s4+$0xFFFFFF90] =	vst v3;
	v3 =	vor.u32 v9, v0  }
0x37d: {  	v7 =	vld.idx.msk [tilespmem:v5+s7+$0x0], $0xffff;
	_ =	sdelay $0x1  }
0x37e: {  	v8 =	vld.idx.msk [tilespmem:v6+s7+$0x0], $0xffff;
	[tilespmem:s13+$0x20] =	vst v1  }
0x37f: {  	v1 =	vld.idx.msk [tilespmem:v2+s6+$0x0], $0xffff  }
0x380: {  	v10 =	vld.idx.msk [tilespmem:v3+s7+$0x0], $0xffff  }
0x381: {  	[tilespmem:s13+$0xFFFFFFA0] =	vst v7  }
0x382: {  	s0 =	simm.s32 $0xDD80;
	v7 =	vld.idx.msk [tilespmem:v5+s6+$0x0], $0xffff  }
0x383: {  	[tilespmem:s0+$0x0] =	vst v8  }
0x384: {  	v11 =	vld.idx.msk [tilespmem:v6+s6+$0x0], $0xffff;
	[tilespmem:s10+$0x20] =	vst v1  }
0x385: {  	v8 =	vor.u32 $0x1800, v9;
	[tilespmem:s0+$0xFFFFFF80] =	vst v10;
	v1 =	vld.idx.msk [tilespmem:v2+s5+$0x0], $0xffff  }
0x386: {  	v2 =	vor.u32 v8, v14;
	v10 =	vld.idx.msk [tilespmem:v3+s6+$0x0], $0xffff  }
0x387: {  	[tilespmem:s10+$0xFFFFFFA0] =	vst v7  }
0x388: {  	s9 =	simm.s32 $0xED80;
	v5 =	vld.idx.msk [tilespmem:v5+s5+$0x0], $0xffff  }
0x389: {  	v7 =	vor.u32 v8, v15;
	[tilespmem:s9+$0x0] =	vst v11  }
0x38a: {  	v6 =	vld.idx.msk [tilespmem:v6+s5+$0x0], $0xffff;
	[tilespmem:s4+$0x20] =	vst v1  }
0x38b: {  	v11 =	vor.u32 v13, v4;
	[tilespmem:s9+$0xFFFFFF80] =	vst v10;
	v1 =	vld.idx.msk [tilespmem:v2+s7+$0x0], $0xffff  }
0x38c: {  	v3 =	vld.idx.msk [tilespmem:v3+s5+$0x0], $0xffff  }
0x38d: {  	[tilespmem:s4+$0xFFFFFFA0] =	vst v5;
	v5 =	vor.u32 v13, v0  }
0x38e: {  	s8 =	simm.s32 $0xFD80;
	v10 =	vld.idx.msk [tilespmem:v7+s7+$0x0], $0xffff  }
0x38f: {  	[tilespmem:s8+$0x0] =	vst v6  }
0x390: {  	v6 =	vld.idx.msk [tilespmem:v11+s7+$0x0], $0xffff;
	[tilespmem:s13+$0x30] =	vst v1  }
0x391: {  	[tilespmem:s8+$0xFFFFFF80] =	vst v3;
	v1 =	vld.idx.msk [tilespmem:v2+s6+$0x0], $0xffff  }
0x392: {  	v3 =	vld.idx.msk [tilespmem:v5+s7+$0x0], $0xffff  }
0x393: {  	[tilespmem:s13+$0xFFFFFFB0] =	vst v10  }
0x394: {  	v10 =	vld.idx.msk [tilespmem:v7+s6+$0x0], $0xffff  }
0x395: {  	[tilespmem:s0+$0x10] =	vst v6  }
0x396: {  	v16 =	vld.idx.msk [tilespmem:v11+s6+$0x0], $0xffff;
	[tilespmem:s10+$0x30] =	vst v1  }
0x397: {  	v6 =	vor.u32 $0x2000, v9;
	[tilespmem:s0+$0xFFFFFF90] =	vst v3;
	v1 =	vld.idx.msk [tilespmem:v2+s5+$0x0], $0xffff  }
0x398: {  	v3 =	vor.u32 v6, v14;
	v2 =	vld.idx.msk [tilespmem:v5+s6+$0x0], $0xffff  }
0x399: {  	[tilespmem:s10+$0xFFFFFFB0] =	vst v10  }
0x39a: {  	v7 =	vld.idx.msk [tilespmem:v7+s5+$0x0], $0xffff  }
0x39b: {  	v10 =	vor.u32 v6, v15;
	[tilespmem:s9+$0x10] =	vst v16  }
0x39c: {  	v11 =	vld.idx.msk [tilespmem:v11+s5+$0x0], $0xffff;
	[tilespmem:s4+$0x30] =	vst v1  }
0x39d: {  	s1 =	simm.s32 $0x5;
	v17 =	vor.u32 v12, v4;
	[tilespmem:s9+$0xFFFFFF90] =	vst v2;
	v16 =	vld.idx.msk [tilespmem:v3+s7+$0x0], $0xffff  }
0x39e: {  	v1 =	vmov s1;
	v5 =	vld.idx.msk [tilespmem:v5+s5+$0x0], $0xffff  }
0x39f: {  	v1 =	vand.u32 $0x7F, v1;
	[tilespmem:s4+$0xFFFFFFB0] =	vst v7;
	v7 =	vor.u32 v12, v0  }
0x3a0: {  	v1 =	vbroadcast v1, $0x0;
	v18 =	vld.idx.msk [tilespmem:v10+s7+$0x0], $0xffff  }
0x3a1: {  	s31 =	simm.s32 $0x4;
	[tilespmem:s8+$0x10] =	vst v11  }
0x3a2: {  	v2 =	vmov s31;
	v11 =	vld.idx.msk [tilespmem:v17+s7+$0x0], $0xffff;
	[tilespmem:s13+$0x40] =	vst v16;
	v16 =	vor.u32 v9, v1  }
0x3a3: {  	v2 =	vand.u32 $0x7E, v2;
	[tilespmem:s8+$0xFFFFFF90] =	vst v5;
	v19 =	vld.idx.msk [tilespmem:v3+s6+$0x0], $0xffff  }
0x3a4: {  	v2 =	vbroadcast v2, $0x0;
	v21 =	vld.idx.msk [tilespmem:v7+s7+$0x0], $0xffff  }
0x3a5: {  	[tilespmem:s13+$0xFFFFFFC0] =	vst v18  }
0x3a6: {  	v20 =	vor.u32 v9, v2;
	v18 =	vld.idx.msk [tilespmem:v10+s6+$0x0], $0xffff  }
0x3a7: {  	[tilespmem:s0+$0x20] =	vst v11;
	v22 =	vld.idx.msk [tilespmem:v16+s7+$0x0], $0xffff  }
0x3a8: {  	v11 =	vld.idx.msk [tilespmem:v17+s6+$0x0], $0xffff;
	[tilespmem:s10+$0x40] =	vst v19  }
0x3a9: {  	v5 =	vor.u32 $0x2800, v9;
	[tilespmem:s0+$0xFFFFFFA0] =	vst v21;
	v3 =	vld.idx.msk [tilespmem:v3+s5+$0x0], $0xffff  }
0x3aa: {  	v21 =	vor.u32 v5, v14;
	v23 =	vld.idx.msk [tilespmem:v7+s6+$0x0], $0xffff  }
0x3ab: {  	s1 =	simm.s32 $0xDE80;
	v19 =	vld.idx.msk [tilespmem:v20+s7+$0x0], $0xffff;
	[tilespmem:s10+$0xFFFFFFC0] =	vst v18  }
0x3ac: {  	v10 =	vld.idx.msk [tilespmem:v10+s5+$0x0], $0xffff;
	[tilespmem:s1+$0x0] =	vst v22  }
0x3ad: {  	v18 =	vor.u32 v5, v15;
	[tilespmem:s9+$0x20] =	vst v11;
	v22 =	vld.idx.msk [tilespmem:v16+s6+$0x0], $0xffff  }
0x3ae: {  	v11 =	vld.idx.msk [tilespmem:v17+s5+$0x0], $0xffff;
	[tilespmem:s4+$0x40] =	vst v3  }
0x3af: {  	v17 =	vor.u32 v8, v4;
	[tilespmem:s9+$0xFFFFFFA0] =	vst v23;
	v3 =	vld.idx.msk [tilespmem:v21+s7+$0x0], $0xffff  }
0x3b0: {  	[tilespmem:s1+$0xFFFFFF80] =	vst v19;
	v7 =	vld.idx.msk [tilespmem:v7+s5+$0x0], $0xffff  }
0x3b1: {  	s2 =	simm.s32 $0xEE80;
	v19 =	vld.idx.msk [tilespmem:v20+s6+$0x0], $0xffff;
	[tilespmem:s4+$0xFFFFFFC0] =	vst v10;
	v10 =	vor.u32 v8, v0  }
0x3b2: {  	s3 =	simm.s32 $0x6;
	[tilespmem:s2+$0x0] =	vst v22;
	v22 =	vld.idx.msk [tilespmem:v18+s7+$0x0], $0xffff  }
0x3b3: {  	[tilespmem:s8+$0x20] =	vst v11;
	v11 =	vmov s3;
	v16 =	vld.idx.msk [tilespmem:v16+s5+$0x0], $0xffff  }
0x3b4: {  	v23 =	vld.idx.msk [tilespmem:v17+s7+$0x0], $0xffff;
	[tilespmem:s13+$0x50] =	vst v3;
	v3 =	vand.u32 $0x7E, v11;
	v11 =	vor.u32 v13, v1  }
0x3b5: {  	[tilespmem:s8+$0xFFFFFFA0] =	vst v7;
	v24 =	vld.idx.msk [tilespmem:v21+s6+$0x0], $0xffff  }
0x3b6: {  	[tilespmem:s2+$0xFFFFFF80] =	vst v19;
	v25 =	vld.idx.msk [tilespmem:v10+s7+$0x0], $0xffff  }
0x3b7: {  	s3 =	simm.s32 $0xFE80;
	v19 =	vld.idx.msk [tilespmem:v20+s5+$0x0], $0xffff;
	v3 =	vbroadcast v3, $0x0;
	[tilespmem:s13+$0xFFFFFFD0] =	vst v22  }
0x3b8: {  	v22 =	vor.u32 v13, v2;
	[tilespmem:s3+$0x0] =	vst v16;
	v16 =	vld.idx.msk [tilespmem:v18+s6+$0x0], $0xffff  }
0x3b9: {  	v20 =	vor.u32 v9, v3;
	[tilespmem:s0+$0x30] =	vst v23;
	v26 =	vld.idx.msk [tilespmem:v11+s7+$0x0], $0xffff  }
0x3ba: {  	v23 =	vld.idx.msk [tilespmem:v17+s6+$0x0], $0xffff;
	[tilespmem:s10+$0x50] =	vst v24  }
0x3bb: {  	[tilespmem:s0+$0xFFFFFFB0] =	vst v25;
	v21 =	vld.idx.msk [tilespmem:v21+s5+$0x0], $0xffff  }
0x3bc: {  	v7 =	vor.u32 $0x3000, v9;
	[tilespmem:s3+$0xFFFFFF80] =	vst v19;
	v27 =	vld.idx.msk [tilespmem:v10+s6+$0x0], $0xffff  }
0x3bd: {  	v25 =	vor.u32 v7, v14;
	v19 =	vld.idx.msk [tilespmem:v22+s7+$0x0], $0xffff  }
0x3be: {  	v24 =	vld.idx.msk [tilespmem:v20+s7+$0x0], $0xffff;
	[tilespmem:s10+$0xFFFFFFD0] =	vst v16  }
0x3bf: {  	[tilespmem:s1+$0x10] =	vst v26;
	v16 =	vld.idx.msk [tilespmem:v18+s5+$0x0], $0xffff  }
0x3c0: {  	v18 =	vor.u32 v7, v15;
	[tilespmem:s9+$0x30] =	vst v23;
	v26 =	vld.idx.msk [tilespmem:v11+s6+$0x0], $0xffff  }
0x3c1: {  	v17 =	vld.idx.msk [tilespmem:v17+s5+$0x0], $0xffff;
	[tilespmem:s4+$0x50] =	vst v21  }
0x3c2: {  	v21 =	vld.idx.msk [tilespmem:v25+s7+$0x0], $0xffff;
	[tilespmem:s1+$0xFFFFFF90] =	vst v19;
	v19 =	vor.u32 v6, v4  }
0x3c3: {  	[tilespmem:s9+$0xFFFFFFB0] =	vst v27;
	v23 =	vld.idx.msk [tilespmem:v22+s6+$0x0], $0xffff  }
0x3c4: {  	v10 =	vld.idx.msk [tilespmem:v10+s5+$0x0], $0xffff;
	[tilespmem:s4+$0xFFFFFFD0] =	vst v16  }
0x3c5: {  	v16 =	vor.u32 v6, v0;
	[tilespmem:s2+$0x10] =	vst v26;
	v26 =	vld.idx.msk [tilespmem:v18+s7+$0x0], $0xffff  }
0x3c6: {  	[tilespmem:s8+$0x30] =	vst v17;
	v27 =	vld.idx.msk [tilespmem:v11+s5+$0x0], $0xffff  }
0x3c7: {  	s11 =	simm.s32 $0x7;
	v17 =	vld.idx.msk [tilespmem:v19+s7+$0x0], $0xffff;
	[tilespmem:s13+$0x60] =	vst v21;
	v21 =	vor.u32 v12, v1  }
0x3c8: {  	v11 =	vmov s11;
	v28 =	vld.idx.msk [tilespmem:v25+s6+$0x0], $0xffff;
	[tilespmem:s2+$0xFFFFFF90] =	vst v23  }
0x3c9: {  	[tilespmem:s8+$0xFFFFFFB0] =	vst v10;
	v10 =	vand.u32 $0x7F, v11;
	v22 =	vld.idx.msk [tilespmem:v22+s5+$0x0], $0xffff  }
0x3ca: {  	v23 =	vor.u32 v12, v2;
	v11 =	vbroadcast v10, $0x0;
	v29 =	vld.idx.msk [tilespmem:v16+s7+$0x0], $0xffff;
	[tilespmem:s13+$0xFFFFFFE0] =	vst v26  }
0x3cb: {  	[tilespmem:s3+$0x10] =	vst v27;
	v26 =	vld.idx.msk [tilespmem:v18+s6+$0x0], $0xffff  }
0x3cc: {  	v27 =	vld.idx.msk [tilespmem:v21+s7+$0x0], $0xffff;
	[tilespmem:s0+$0x40] =	vst v17;
	v17 =	vor.u32 v9, v11  }
0x3cd: {  	v30 =	vld.idx.msk [tilespmem:v19+s6+$0x0], $0xffff;
	[tilespmem:s10+$0x60] =	vst v28  }
0x3ce: {  	v25 =	vld.idx.msk [tilespmem:v25+s5+$0x0], $0xffff;
	[tilespmem:s3+$0xFFFFFF90] =	vst v22  }
0x3cf: {  	s14 =	simm.s32 $0xDF80;
	v10 =	vor.u32 $0x3800, v9;
	[tilespmem:s0+$0xFFFFFFC0] =	vst v29;
	v22 =	vld.idx.msk [tilespmem:v23+s7+$0x0], $0xffff  }
0x3d0: {  	[tilespmem:s14+$0xFFFFFF80] =	vst v24;
	v28 =	vor.u32 v10, v14;
	v14 =	vld.idx.msk [tilespmem:v16+s6+$0x0], $0xffff  }
0x3d1: {  	[tilespmem:s10+$0xFFFFFFE0] =	vst v26;
	v29 =	vld.idx.msk [tilespmem:v17+s7+$0x0], $0xffff  }
0x3d2: {  	[tilespmem:s1+$0x20] =	vst v27;
	v18 =	vld.idx.msk [tilespmem:v18+s5+$0x0], $0xffff  }
0x3d3: {  	v27 =	vld.idx.msk [tilespmem:v21+s6+$0x0], $0xffff;
	[tilespmem:s9+$0x40] =	vst v30  }
0x3d4: {  	v19 =	vld.idx.msk [tilespmem:v19+s5+$0x0], $0xffff;
	[tilespmem:s4+$0x60] =	vst v25  }
0x3d5: {  	v25 =	vld.idx.msk [tilespmem:v28+s7+$0x0], $0xffff;
	[tilespmem:s1+$0xFFFFFFA0] =	vst v22  }
0x3d6: {  	v22 =	vor.u32 v5, v4;
	[tilespmem:s9+$0xFFFFFFC0] =	vst v14;
	v26 =	vld.idx.msk [tilespmem:v23+s6+$0x0], $0xffff  }
0x3d7: {  	v14 =	vld.idx.msk [tilespmem:v16+s5+$0x0], $0xffff;
	[tilespmem:s14+$0x0] =	vst v29  }
0x3d8: {  	v29 =	vld.idx.msk [tilespmem:v20+s6+$0x0], $0xffff;
	[tilespmem:s2+$0x20] =	vst v27  }
0x3d9: {  	v16 =	vld.idx.msk [tilespmem:v17+s6+$0x0], $0xffff;
	v27 =	vor.u32 v5, v0;
	[tilespmem:s8+$0x40] =	vst v19  }
0x3da: {  	v21 =	vld.idx.msk [tilespmem:v21+s5+$0x0], $0xffff;
	[tilespmem:s13+$0x70] =	vst v25  }
0x3db: {  	v19 =	vld.idx.msk [tilespmem:v22+s7+$0x0], $0xffff;
	[tilespmem:s2+$0xFFFFFFA0] =	vst v26  }
0x3dc: {  	s11 =	simm.s32 $0xEF80;
	v25 =	vor.u32 v8, v1;
	v24 =	vld.idx.msk [tilespmem:v28+s6+$0x0], $0xffff;
	[tilespmem:s8+$0xFFFFFFC0] =	vst v14  }
0x3dd: {  	s12 =	simm.s32 $0x8;
	v23 =	vld.idx.msk [tilespmem:v23+s5+$0x0], $0xffff;
	[tilespmem:s11+$0xFFFFFF80] =	vst v29  }
0x3de: {  	v14 =	vmov s12;
	[tilespmem:s11+$0x0] =	vst v16;
	v16 =	vld.idx.msk [tilespmem:v27+s7+$0x0], $0xffff  }
0x3df: {  	v26 =	vor.u32 v8, v2;
	v14 =	vand.u32 $0x7E, v14;
	v20 =	vld.idx.msk [tilespmem:v20+s5+$0x0], $0xffff  }
0x3e0: {  	v14 =	vbroadcast v14, $0x0;
	v30 =	vld.idx.msk [tilespmem:v17+s5+$0x0], $0xffff;
	[tilespmem:s3+$0x20] =	vst v21  }
0x3e1: {  	v21 =	vld.idx.msk [tilespmem:v25+s7+$0x0], $0xffff;
	[tilespmem:s0+$0x50] =	vst v19;
	v19 =	vor.u32 v13, v11  }
0x3e2: {  	v17 =	vor.u32 v9, v14;
	v31 =	vld.idx.msk [tilespmem:v22+s6+$0x0], $0xffff;
	[tilespmem:s10+$0x70] =	vst v24  }
0x3e3: {  	v28 =	vld.idx.msk [tilespmem:v28+s5+$0x0], $0xffff;
	[tilespmem:s3+$0xFFFFFFA0] =	vst v23  }
0x3e4: {  	s12 =	simm.s32 $0xFF80;
	v24 =	vor.u32 v13, v3;
	v23 =	vld.idx.msk [tilespmem:v26+s7+$0x0], $0xffff;
	[tilespmem:s0+$0xFFFFFFD0] =	vst v16  }
0x3e5: {  	[tilespmem:s12+$0x0] =	vst v30;
	v29 =	vld.idx.msk [tilespmem:v27+s6+$0x0], $0xffff  }
0x3e6: {  	[tilespmem:s4+$0xFFFFFFE0] =	vst v18;
	v16 =	vor.u32 v10, v15;
	v30 =	vld.idx.msk [tilespmem:v19+s7+$0x0], $0xffff  }
0x3e7: {  	[tilespmem:s1+$0x30] =	vst v21;
	v21 =	vld.idx.msk [tilespmem:v17+s7+$0x0], $0xffff  }
0x3e8: {  	[tilespmem:s12+$0xFFFFFF80] =	vst v20;
	v32 =	vld.idx.msk [tilespmem:v25+s6+$0x0], $0xffff  }
0x3e9: {  	[tilespmem:s9+$0x50] =	vst v31;
	v20 =	vld.idx.msk [tilespmem:v24+s7+$0x0], $0xffff  }
0x3ea: {  	v31 =	vld.idx.msk [tilespmem:v22+s5+$0x0], $0xffff;
	[tilespmem:s4+$0x70] =	vst v28  }
0x3eb: {  	[tilespmem:s1+$0xFFFFFFB0] =	vst v23;
	v18 =	vld.idx.msk [tilespmem:v16+s7+$0x0], $0xffff  }
0x3ec: {  	v22 =	vor.u32 v7, v4;
	v23 =	vld.idx.msk [tilespmem:v26+s6+$0x0], $0xffff;
	[tilespmem:s9+$0xFFFFFFD0] =	vst v29  }
0x3ed: {  	[tilespmem:s14+$0x10] =	vst v30;
	v28 =	vld.idx.msk [tilespmem:v27+s5+$0x0], $0xffff  }
0x3ee: {  	v15 =	vor.u32 v7, v0;
	v29 =	vld.idx.msk [tilespmem:v19+s6+$0x0], $0xffff;
	[tilespmem:s2+$0x30] =	vst v32  }
0x3ef: {  	[tilespmem:s14+$0xFFFFFF90] =	vst v20;
	v25 =	vld.idx.msk [tilespmem:v25+s5+$0x0], $0xffff  }
0x3f0: {  	v20 =	vor.u32 v6, v1;
	[tilespmem:s8+$0x50] =	vst v31;
	v63 =	vld.idx.msk [tilespmem:v24+s6+$0x0], $0xffff  }
0x3f1: {  	v31 =	vld.idx.msk [tilespmem:v22+s7+$0x0], $0xffff;
	[tilespmem:s2+$0xFFFFFFB0] =	vst v23  }
0x3f2: {  	v27 =	vld.idx.msk [tilespmem:v26+s5+$0x0], $0xffff;
	[tilespmem:s8+$0xFFFFFFD0] =	vst v28  }
0x3f3: {  	[tilespmem:s11+$0x10] =	vst v29;
	v28 =	vld.idx.msk [tilespmem:v15+s7+$0x0], $0xffff  }
0x3f4: {  	v30 =	vld.idx.msk [tilespmem:v19+s5+$0x0], $0xffff;
	[tilespmem:s3+$0x30] =	vst v25;
	v19 =	vor.u32 v6, v2  }
0x3f5: {  	[tilespmem:s13+$0xFFFFFFF0] =	vst v18;
	v29 =	vld.idx.msk [tilespmem:v20+s7+$0x0], $0xffff  }
0x3f6: {  	v25 =	vor.u32 v12, v11;
	[tilespmem:s0+$0x60] =	vst v31;
	v31 =	vld.idx.msk [tilespmem:v16+s6+$0x0], $0xffff  }
0x3f7: {  	s16 =	simm.s32 $0x9;
	s15 =	simm.s32 $0xA;
	s13 =	simm.s32 $0xDF80;
	v23 =	vor.u32 v12, v3;
	[tilespmem:s11+$0xFFFFFF90] =	vst v63;
	v26 =	vld.idx.msk [tilespmem:v22+s6+$0x0], $0xffff  }
.LBB2_3:
0x3f8: {  	p0 =	slt.u32 s15, $0x1E;
	v18 =	vmov s16;
	v24 =	vld.idx.msk [tilespmem:v24+s5+$0x0], $0xffff;
	[tilespmem:s3+$0xFFFFFFB0] =	vst v27  }
0x3f9: {  	v18 =	vand.u32 $0x7F, v18;
	v27 =	vld.idx.msk [tilespmem:v19+s7+$0x0], $0xffff;
	[tilespmem:s0+$0xFFFFFFE0] =	vst v28  }
0x3fa: {  	v18 =	vbroadcast v18, $0x0;
	[tilespmem:s12+$0x10] =	vst v30;
	v28 =	vld.idx.msk [tilespmem:v15+s6+$0x0], $0xffff  }
0x3fb: {  	v30 =	vld.idx.msk [tilespmem:v25+s7+$0x0], $0xffff;
	[tilespmem:s1+$0x40] =	vst v29  }
0x3fc: {  	v29 =	vor.u32 v9, v18;
	v32 =	vld.idx.msk [tilespmem:v20+s6+$0x0], $0xffff;
	[tilespmem:s9+$0x60] =	vst v26  }
0x3fd: {  	v22 =	vld.idx.msk [tilespmem:v22+s5+$0x0], $0xffff;
	[tilespmem:s10+$0xFFFFFFF0] =	vst v31;
	s10 =	smov.u32 s9;
	s9 =	smov.u32 s2;
	s2 =	smov.u32 s11  }
0x3fe: {  	[tilespmem:s12+$0xFFFFFF90] =	vst v24;
	v24 =	vld.idx.msk [tilespmem:v16+s5+$0x0], $0xffff  }
0x3ff: {  	v16 =	vor.u32 v10, v0;
	v26 =	vld.idx.msk [tilespmem:v23+s7+$0x0], $0xffff;
	[tilespmem:s1+$0xFFFFFFC0] =	vst v27;
	v27 =	vor.u32 v10, v4;
	v4 =	vmov v1  }
0x400: {  	v0 =	vmovc v2;
	v2 =	vmovc v3;
	v3 =	vmov v14;
	v1 =	vmov v11;
	v11 =	vmov v18;
	v31 =	vld.idx.msk [tilespmem:v19+s6+$0x0], $0xffff;
	[tilespmem:s10+$0xFFFFFFE0] =	vst v28  }
0x401: {  	v14 =	vld.idx.msk [tilespmem:v29+s7+$0x0], $0xffff;
	[tilespmem:s14+$0x20] =	vst v30  }
0x402: {  	v18 =	vld.idx.msk [tilespmem:v25+s6+$0x0], $0xffff;
	[tilespmem:s9+$0x40] =	vst v32  }
0x403: {  	v20 =	vld.idx.msk [tilespmem:v20+s5+$0x0], $0xffff;
	[tilespmem:s8+$0x60] =	vst v22  }
0x404: {  	v22 =	vld.idx.msk [tilespmem:v27+s7+$0x0], $0xffff;
	[tilespmem:s4+$0xFFFFFFF0] =	vst v24;
	s4 =	smov.u32 s8;
	s8 =	smov.u32 s3;
	s3 =	smov.u32 s12  }
0x405: {  	v28 =	vor.u32 v5, v4;
	[tilespmem:s14+$0xFFFFFFA0] =	vst v26;
	v26 =	vor.u32 v5, v0;
	v30 =	vld.idx.msk [tilespmem:v15+s5+$0x0], $0xffff  }
0x406: {  	s14 =	sadd.s32 $0x100, s14;
	v15 =	vld.idx.msk [tilespmem:v23+s6+$0x0], $0xffff;
	[tilespmem:s9+$0xFFFFFFC0] =	vst v31  }
0x407: {  	[tilespmem:s14+$0x0] =	vst v14;
	v14 =	vld.idx.msk [tilespmem:v19+s5+$0x0], $0xffff  }
0x408: {  	v19 =	vld.idx.msk [tilespmem:v29+s6+$0x0], $0xffff;
	[tilespmem:s11+$0x20] =	vst v18  }
0x409: {  	v18 =	vld.idx.msk [tilespmem:v25+s5+$0x0], $0xffff;
	[tilespmem:s8+$0x40] =	vst v20  }
0x40a: {  	v20 =	vld.idx.msk [tilespmem:v28+s7+$0x0], $0xffff;
	[tilespmem:s0+$0x70] =	vst v22  }
0x40b: {  	v31 =	vor.u32 v8, v1;
	v25 =	vor.u32 v8, v2;
	[tilespmem:s14+$0xFFFFFF80] =	vst v21;
	v21 =	vld.idx.msk [tilespmem:v27+s6+$0x0], $0xffff  }
0x40c: {  	v22 =	vld.idx.msk [tilespmem:v17+s6+$0x0], $0xffff;
	[tilespmem:s11+$0xFFFFFFA0] =	vst v15  }
0x40d: {  	s11 =	sadd.s32 $0x100, s11;
	v15 =	vld.idx.msk [tilespmem:v23+s5+$0x0], $0xffff;
	[tilespmem:s8+$0xFFFFFFC0] =	vst v14  }
0x40e: {  	[tilespmem:s11+$0x0] =	vst v19;
	v19 =	vld.idx.msk [tilespmem:v26+s7+$0x0], $0xffff  }
0x40f: {  	v23 =	vld.idx.msk [tilespmem:v29+s5+$0x0], $0xffff;
	[tilespmem:s12+$0x20] =	vst v18  }
0x410: {  	v14 =	vmov s15;
	v18 =	vld.idx.msk [tilespmem:v31+s7+$0x0], $0xffff;
	[tilespmem:s1+$0x50] =	vst v20  }
0x411: {  	v24 =	vor.u32 v13, v3;
	v14 =	vand.u32 $0x7E, v14;
	v29 =	vor.u32 v13, v11;
	v20 =	vld.idx.msk [tilespmem:v28+s6+$0x0], $0xffff;
	[tilespmem:s10+$0x70] =	vst v21  }
0x412: {  	v14 =	vbroadcast v14, $0x0;
	[tilespmem:s11+$0xFFFFFF80] =	vst v22;
	v21 =	vld.idx.msk [tilespmem:v27+s5+$0x0], $0xffff  }
0x413: {  	v22 =	vld.idx.msk [tilespmem:v17+s5+$0x0], $0xffff;
	[tilespmem:s12+$0xFFFFFFA0] =	vst v15  }
0x414: {  	v17 =	vor.u32 v9, v14;
	s12 =	sadd.s32 $0x100, s12;
	v15 =	vld.idx.msk [tilespmem:v25+s7+$0x0], $0xffff;
	[tilespmem:s1+$0xFFFFFFD0] =	vst v19  }
0x415: {  	[tilespmem:s12+$0x0] =	vst v23;
	v19 =	vld.idx.msk [tilespmem:v26+s6+$0x0], $0xffff  }
0x416: {  	v23 =	vld.idx.msk [tilespmem:v29+s7+$0x0], $0xffff;
	[tilespmem:s13+$0x30] =	vst v18  }
0x417: {  	v18 =	vld.idx.msk [tilespmem:v31+s6+$0x0], $0xffff;
	[tilespmem:s9+$0x50] =	vst v20  }
0x418: {  	v20 =	vld.idx.msk [tilespmem:v28+s5+$0x0], $0xffff;
	[tilespmem:s4+$0x70] =	vst v21  }
0x419: {  	v21 =	vld.idx.msk [tilespmem:v17+s7+$0x0], $0xffff;
	[tilespmem:s12+$0xFFFFFF80] =	vst v22  }
0x41a: {  	v22 =	vor.u32 v7, v4;
	v27 =	vld.idx.msk [tilespmem:v24+s7+$0x0], $0xffff;
	[tilespmem:s13+$0xFFFFFFB0] =	vst v15;
	v15 =	vor.u32 v7, v0  }
0x41b: {  	v28 =	vld.idx.msk [tilespmem:v25+s6+$0x0], $0xffff;
	[tilespmem:s9+$0xFFFFFFD0] =	vst v19  }
0x41c: {  	[tilespmem:s14+$0x10] =	vst v23;
	v23 =	vld.idx.msk [tilespmem:v26+s5+$0x0], $0xffff  }
0x41d: {  	v26 =	vld.idx.msk [tilespmem:v29+s6+$0x0], $0xffff;
	[tilespmem:s2+$0x30] =	vst v18  }
0x41e: {  	v18 =	vld.idx.msk [tilespmem:v31+s5+$0x0], $0xffff;
	[tilespmem:s8+$0x50] =	vst v20  }
0x41f: {  	v31 =	vld.idx.msk [tilespmem:v22+s7+$0x0], $0xffff;
	[tilespmem:s4+$0xFFFFFFE0] =	vst v30  }
0x420: {  	v19 =	vor.u32 v6, v2;
	v20 =	vor.u32 v6, v1;
	[tilespmem:s14+$0xFFFFFF90] =	vst v27;
	v32 =	vld.idx.msk [tilespmem:v16+s7+$0x0], $0xffff  }
0x421: {  	v33 =	vld.idx.msk [tilespmem:v24+s6+$0x0], $0xffff;
	[tilespmem:s2+$0xFFFFFFB0] =	vst v28  }
0x422: {  	v27 =	vld.idx.msk [tilespmem:v25+s5+$0x0], $0xffff;
	[tilespmem:s8+$0xFFFFFFD0] =	vst v23  }
.Ltmp1:
0x423: {  	[tilespmem:s11+$0x10] =	vst v26;
	v28 =	vld.idx.msk [tilespmem:v15+s7+$0x0], $0xffff;
	(pc) =	sbr.rel @p0 .LBB2_3-.Ltmp1, $4  }
0x424: {  	v30 =	vld.idx.msk [tilespmem:v29+s5+$0x0], $0xffff;
	[tilespmem:s3+$0x30] =	vst v18  }
0x425: {  	v29 =	vld.idx.msk [tilespmem:v20+s7+$0x0], $0xffff;
	[tilespmem:s1+$0x60] =	vst v31  }
0x426: {  	v23 =	vor.u32 v12, v3;
	v25 =	vor.u32 v12, v11;
	v26 =	vld.idx.msk [tilespmem:v22+s6+$0x0], $0xffff;
	[tilespmem:s0+$0xFFFFFFF0] =	vst v32;
	s0 =	smov.u32 s1;
	s1 =	smov.u32 s13;
	s13 =	smov.u32 s14  }
0x427: {  	s16 =	sadd.s32 $0x1, s15;
	s15 =	sadd.s32 $0x2, s15;
	[tilespmem:s11+$0xFFFFFF90] =	vst v33;
	v31 =	vld.idx.msk [tilespmem:v16+s6+$0x0], $0xffff  }
0x428: {  	v18 =	vmov s16  }
0x429: {  	v18 =	vand.u32 $0x7F, v18  }
0x42a: {  	v18 =	vbroadcast v18, $0x0;
	_ =	sdelay $0x1  }
0x42b: {  	v9 =	vor.u32 v9, v18;
	_ =	sdelay $0x4  }
0x42c: {  	v32 =	vld.idx.msk [tilespmem:v9+s7+$0x0], $0xffff;
	_ =	sdelay $0x2  }
0x42d: {  	s17 =	sadd.s32 $0x100, s14  }
0x42e: {  	[tilespmem:s17+$0xFFFFFF80] =	vst v21  }
0x42f: {  	v21 =	vld.idx.msk [tilespmem:v17+s6+$0x0], $0xffff;
	[tilespmem:s17+$0x0] =	vst v32  }
0x430: {  	v32 =	vld.idx.msk [tilespmem:v9+s6+$0x0], $0xffff;
	_ =	sdelay $0x2  }
0x431: {  	s19 =	sadd.s32 $0x100, s11  }
0x432: {  	[tilespmem:s19+$0xFFFFFF80] =	vst v21  }
0x433: {  	v42 =	vld.idx.msk [tilespmem:v17+s5+$0x0], $0xffff;
	[tilespmem:s19+$0x0] =	vst v32  }
0x434: {  	v43 =	vor.u32 v13, v14;
	v9 =	vld.idx.msk [tilespmem:v9+s5+$0x0], $0xffff  }
0x435: {  	v41 =	vor.u32 v13, v18;
	_ =	sdelay $0x1  }
0x436: {  	s15 =	sadd.s32 $0x100, s12  }
0x437: {  	[tilespmem:s15+$0xFFFFFF80] =	vst v42  }
0x438: {  	v17 =	vld.idx.msk [tilespmem:v43+s7+$0x0], $0xffff;
	[tilespmem:s15+$0x0] =	vst v9  }
0x439: {  	v9 =	vld.idx.msk [tilespmem:v41+s7+$0x0], $0xffff;
	_ =	sdelay $0x3  }
0x43a: {  	[tilespmem:s17+$0xFFFFFF90] =	vst v17  }
0x43b: {  	v17 =	vld.idx.msk [tilespmem:v43+s6+$0x0], $0xffff;
	[tilespmem:s17+$0x10] =	vst v9  }
0x43c: {  	v9 =	vld.idx.msk [tilespmem:v41+s6+$0x0], $0xffff;
	_ =	sdelay $0x3  }
0x43d: {  	v24 =	vld.idx.msk [tilespmem:v24+s5+$0x0], $0xffff;
	[tilespmem:s19+$0xFFFFFF90] =	vst v17  }
0x43e: {  	v13 =	vld.idx.msk [tilespmem:v43+s5+$0x0], $0xffff;
	[tilespmem:s19+$0x10] =	vst v9  }
0x43f: {  	v46 =	vor.u32 v12, v14;
	[tilespmem:s3+$0xFFFFFFB0] =	vst v27;
	v9 =	vld.idx.msk [tilespmem:v41+s5+$0x0], $0xffff  }
0x440: {  	[tilespmem:s0+$0xFFFFFFE0] =	vst v28;
	v44 =	vor.u32 v12, v18  }
0x441: {  	[tilespmem:s12+$0x10] =	vst v30  }
0x442: {  	v30 =	vld.idx.msk [tilespmem:v25+s7+$0x0], $0xffff;
	[tilespmem:s12+$0xFFFFFF90] =	vst v24  }
0x443: {  	v45 =	vld.idx.msk [tilespmem:v23+s7+$0x0], $0xffff;
	[tilespmem:s15+$0xFFFFFF90] =	vst v13  }
0x444: {  	v13 =	vld.idx.msk [tilespmem:v46+s7+$0x0], $0xffff;
	[tilespmem:s15+$0x10] =	vst v9  }
0x445: {  	[tilespmem:s1+$0x40] =	vst v29;
	v9 =	vld.idx.msk [tilespmem:v44+s7+$0x0], $0xffff  }
0x446: {  	[tilespmem:s9+$0x60] =	vst v26  }
0x447: {  	v47 =	vld.idx.msk [tilespmem:v19+s7+$0x0], $0xffff;
	[tilespmem:s14+$0x20] =	vst v30  }
0x448: {  	v48 =	vld.idx.msk [tilespmem:v25+s6+$0x0], $0xffff;
	[tilespmem:s14+$0xFFFFFFA0] =	vst v45  }
0x449: {  	v49 =	vld.idx.msk [tilespmem:v23+s6+$0x0], $0xffff;
	[tilespmem:s17+$0xFFFFFFA0] =	vst v13  }
0x44a: {  	v13 =	vld.idx.msk [tilespmem:v46+s6+$0x0], $0xffff;
	[tilespmem:s17+$0x20] =	vst v9  }
0x44b: {  	[tilespmem:s10+$0xFFFFFFF0] =	vst v31;
	v9 =	vld.idx.msk [tilespmem:v44+s6+$0x0], $0xffff  }
0x44c: {  	v50 =	vld.idx.msk [tilespmem:v15+s6+$0x0], $0xffff;
	[tilespmem:s1+$0xFFFFFFC0] =	vst v47  }
0x44d: {  	v51 =	vld.idx.msk [tilespmem:v20+s6+$0x0], $0xffff;
	[tilespmem:s11+$0x20] =	vst v48  }
0x44e: {  	v24 =	vld.idx.msk [tilespmem:v25+s5+$0x0], $0xffff;
	[tilespmem:s11+$0xFFFFFFA0] =	vst v49  }
0x44f: {  	v52 =	vor.u32 v8, v11;
	v53 =	vld.idx.msk [tilespmem:v23+s5+$0x0], $0xffff;
	[tilespmem:s19+$0xFFFFFFA0] =	vst v13  }
0x450: {  	v54 =	vor.u32 v8, v3;
	v12 =	vld.idx.msk [tilespmem:v46+s5+$0x0], $0xffff;
	[tilespmem:s19+$0x20] =	vst v9  }
0x451: {  	v56 =	vor.u32 v8, v14;
	[tilespmem:s9+$0xFFFFFFE0] =	vst v50;
	v17 =	vld.idx.msk [tilespmem:v44+s5+$0x0], $0xffff  }
0x452: {  	v55 =	vor.u32 v8, v18;
	v22 =	vld.idx.msk [tilespmem:v22+s5+$0x0], $0xffff;
	[tilespmem:s2+$0x40] =	vst v51  }
0x453: {  	v16 =	vld.idx.msk [tilespmem:v16+s5+$0x0], $0xffff;
	[tilespmem:s12+$0x20] =	vst v24  }
0x454: {  	v57 =	vld.idx.msk [tilespmem:v52+s7+$0x0], $0xffff;
	[tilespmem:s12+$0xFFFFFFA0] =	vst v53  }
0x455: {  	v23 =	vld.idx.msk [tilespmem:v54+s7+$0x0], $0xffff;
	[tilespmem:s15+$0xFFFFFFA0] =	vst v12  }
0x456: {  	v12 =	vld.idx.msk [tilespmem:v56+s7+$0x0], $0xffff;
	[tilespmem:s15+$0x20] =	vst v17  }
0x457: {  	[tilespmem:s8+$0x60] =	vst v22;
	v17 =	vld.idx.msk [tilespmem:v55+s7+$0x0], $0xffff  }
0x458: {  	v58 =	vld.idx.msk [tilespmem:v19+s6+$0x0], $0xffff;
	[tilespmem:s4+$0xFFFFFFF0] =	vst v16  }
0x459: {  	v39 =	vld.idx.msk [tilespmem:v15+s5+$0x0], $0xffff;
	[tilespmem:s13+$0x30] =	vst v57  }
0x45a: {  	v4 =	vor.u32 v10, v4;
	v60 =	vld.idx.msk [tilespmem:v52+s6+$0x0], $0xffff;
	[tilespmem:s13+$0xFFFFFFB0] =	vst v23  }
0x45b: {  	v61 =	vld.idx.msk [tilespmem:v54+s6+$0x0], $0xffff;
	[tilespmem:s17+$0xFFFFFFB0] =	vst v12  }
0x45c: {  	v12 =	vld.idx.msk [tilespmem:v56+s6+$0x0], $0xffff;
	[tilespmem:s17+$0x30] =	vst v17  }
0x45d: {  	[tilespmem:s2+$0xFFFFFFC0] =	vst v58;
	v17 =	vld.idx.msk [tilespmem:v55+s6+$0x0], $0xffff  }
0x45e: {  	v59 =	vld.idx.msk [tilespmem:v20+s5+$0x0], $0xffff;
	[tilespmem:s8+$0xFFFFFFE0] =	vst v39  }
0x45f: {  	v63 =	vor.u32 v5, v1;
	v62 =	vld.idx.msk [tilespmem:v4+s7+$0x0], $0xffff;
	[tilespmem:s11+$0x30] =	vst v60  }
0x460: {  	v20 =	vld.idx.msk [tilespmem:v52+s5+$0x0], $0xffff;
	[tilespmem:s11+$0xFFFFFFB0] =	vst v61  }
0x461: {  	v25 =	vor.u32 v6, v11;
	v9 =	vld.idx.msk [tilespmem:v54+s5+$0x0], $0xffff;
	[tilespmem:s19+$0xFFFFFFB0] =	vst v12  }
0x462: {  	v26 =	vor.u32 v6, v3;
	v8 =	vld.idx.msk [tilespmem:v56+s5+$0x0], $0xffff;
	[tilespmem:s19+$0x30] =	vst v17  }
0x463: {  	v29 =	vor.u32 v6, v14;
	[tilespmem:s3+$0x40] =	vst v59;
	v13 =	vld.idx.msk [tilespmem:v55+s5+$0x0], $0xffff  }
0x464: {  	v27 =	vor.u32 v6, v18;
	[tilespmem:s0+$0x70] =	vst v62;
	v28 =	vld.idx.msk [tilespmem:v63+s7+$0x0], $0xffff  }
0x465: {  	v31 =	vld.idx.msk [tilespmem:v4+s6+$0x0], $0xffff;
	[tilespmem:s12+$0x30] =	vst v20  }
0x466: {  	v20 =	vld.idx.msk [tilespmem:v25+s7+$0x0], $0xffff;
	[tilespmem:s12+$0xFFFFFFB0] =	vst v9  }
0x467: {  	v9 =	vld.idx.msk [tilespmem:v26+s7+$0x0], $0xffff;
	[tilespmem:s15+$0xFFFFFFB0] =	vst v8  }
0x468: {  	v8 =	vld.idx.msk [tilespmem:v29+s7+$0x0], $0xffff;
	[tilespmem:s15+$0x30] =	vst v13  }
0x469: {  	[tilespmem:s1+$0x50] =	vst v28;
	v13 =	vld.idx.msk [tilespmem:v27+s7+$0x0], $0xffff  }
0x46a: {  	v24 =	vld.idx.msk [tilespmem:v19+s5+$0x0], $0xffff;
	[tilespmem:s9+$0x70] =	vst v31  }
0x46b: {  	v33 =	vld.idx.msk [tilespmem:v63+s6+$0x0], $0xffff;
	[tilespmem:s13+$0x40] =	vst v20  }
0x46c: {  	v30 =	vor.u32 v5, v2;
	v20 =	vld.idx.msk [tilespmem:v25+s6+$0x0], $0xffff;
	[tilespmem:s13+$0xFFFFFFC0] =	vst v9  }
0x46d: {  	v9 =	vld.idx.msk [tilespmem:v26+s6+$0x0], $0xffff;
	[tilespmem:s17+$0xFFFFFFC0] =	vst v8  }
0x46e: {  	v8 =	vld.idx.msk [tilespmem:v29+s6+$0x0], $0xffff;
	[tilespmem:s17+$0x40] =	vst v13  }
0x46f: {  	[tilespmem:s3+$0xFFFFFFC0] =	vst v24;
	v13 =	vld.idx.msk [tilespmem:v27+s6+$0x0], $0xffff  }
0x470: {  	v4 =	vld.idx.msk [tilespmem:v4+s5+$0x0], $0xffff;
	[tilespmem:s2+$0x50] =	vst v33  }
0x471: {  	v32 =	vld.idx.msk [tilespmem:v30+s7+$0x0], $0xffff;
	[tilespmem:s11+$0x40] =	vst v20  }
0x472: {  	v20 =	vld.idx.msk [tilespmem:v25+s5+$0x0], $0xffff;
	[tilespmem:s11+$0xFFFFFFC0] =	vst v9  }
0x473: {  	v34 =	vor.u32 v5, v11;
	v17 =	vld.idx.msk [tilespmem:v26+s5+$0x0], $0xffff;
	[tilespmem:s19+$0xFFFFFFC0] =	vst v8  }
0x474: {  	v35 =	vor.u32 v5, v3;
	v6 =	vld.idx.msk [tilespmem:v29+s5+$0x0], $0xffff;
	[tilespmem:s19+$0x40] =	vst v13  }
0x475: {  	v38 =	vor.u32 v5, v14;
	[tilespmem:s8+$0x70] =	vst v4;
	v12 =	vld.idx.msk [tilespmem:v27+s5+$0x0], $0xffff  }
0x476: {  	v36 =	vor.u32 v5, v18;
	v37 =	vld.idx.msk [tilespmem:v63+s5+$0x0], $0xffff;
	[tilespmem:s1+$0xFFFFFFD0] =	vst v32  }
0x477: {  	v40 =	vor.u32 v7, v1;
	v22 =	vld.idx.msk [tilespmem:v30+s6+$0x0], $0xffff;
	[tilespmem:s12+$0x40] =	vst v20  }
0x478: {  	v20 =	vld.idx.msk [tilespmem:v34+s7+$0x0], $0xffff;
	[tilespmem:s12+$0xFFFFFFC0] =	vst v17  }
0x479: {  	v17 =	vld.idx.msk [tilespmem:v35+s7+$0x0], $0xffff;
	[tilespmem:s15+$0xFFFFFFC0] =	vst v6  }
0x47a: {  	v6 =	vld.idx.msk [tilespmem:v38+s7+$0x0], $0xffff;
	[tilespmem:s15+$0x40] =	vst v12  }
0x47b: {  	[tilespmem:s3+$0x50] =	vst v37;
	v12 =	vld.idx.msk [tilespmem:v36+s7+$0x0], $0xffff  }
0x47c: {  	v42 =	vld.idx.msk [tilespmem:v40+s7+$0x0], $0xffff;
	[tilespmem:s2+$0xFFFFFFD0] =	vst v22  }
0x47d: {  	v41 =	vld.idx.msk [tilespmem:v30+s5+$0x0], $0xffff;
	[tilespmem:s13+$0x50] =	vst v20  }
0x47e: {  	v43 =	vor.u32 v7, v2;
	v20 =	vld.idx.msk [tilespmem:v34+s6+$0x0], $0xffff;
	[tilespmem:s13+$0xFFFFFFD0] =	vst v17  }
0x47f: {  	v17 =	vld.idx.msk [tilespmem:v35+s6+$0x0], $0xffff;
	[tilespmem:s17+$0xFFFFFFD0] =	vst v6  }
0x480: {  	v6 =	vld.idx.msk [tilespmem:v38+s6+$0x0], $0xffff;
	[tilespmem:s17+$0x50] =	vst v12  }
0x481: {  	[tilespmem:s1+$0x60] =	vst v42;
	v12 =	vld.idx.msk [tilespmem:v36+s6+$0x0], $0xffff  }
0x482: {  	v49 =	vld.idx.msk [tilespmem:v40+s6+$0x0], $0xffff;
	[tilespmem:s3+$0xFFFFFFD0] =	vst v41  }
0x483: {  	v45 =	vld.idx.msk [tilespmem:v43+s7+$0x0], $0xffff;
	[tilespmem:s11+$0x50] =	vst v20  }
0x484: {  	v9 =	vld.idx.msk [tilespmem:v34+s5+$0x0], $0xffff;
	[tilespmem:s11+$0xFFFFFFD0] =	vst v17  }
0x485: {  	v46 =	vor.u32 v7, v11;
	v13 =	vld.idx.msk [tilespmem:v35+s5+$0x0], $0xffff;
	[tilespmem:s19+$0xFFFFFFD0] =	vst v6  }
0x486: {  	v47 =	vor.u32 v7, v3;
	v5 =	vld.idx.msk [tilespmem:v38+s5+$0x0], $0xffff;
	[tilespmem:s19+$0x50] =	vst v12  }
0x487: {  	v50 =	vor.u32 v7, v14;
	[tilespmem:s2+$0x60] =	vst v49;
	v4 =	vld.idx.msk [tilespmem:v36+s5+$0x0], $0xffff  }
0x488: {  	v48 =	vor.u32 v7, v18;
	v53 =	vld.idx.msk [tilespmem:v40+s5+$0x0], $0xffff;
	[tilespmem:s1+$0xFFFFFFE0] =	vst v45  }
0x489: {  	v0 =	vor.u32 v10, v0;
	v52 =	vld.idx.msk [tilespmem:v43+s6+$0x0], $0xffff;
	[tilespmem:s12+$0x50] =	vst v9  }
0x48a: {  	v54 =	vor.u32 v10, v1;
	v9 =	vld.idx.msk [tilespmem:v46+s7+$0x0], $0xffff;
	[tilespmem:s12+$0xFFFFFFD0] =	vst v13  }
0x48b: {  	v13 =	vld.idx.msk [tilespmem:v47+s7+$0x0], $0xffff;
	[tilespmem:s15+$0xFFFFFFD0] =	vst v5  }
0x48c: {  	v5 =	vld.idx.msk [tilespmem:v50+s7+$0x0], $0xffff;
	[tilespmem:s15+$0x50] =	vst v4  }
0x48d: {  	[tilespmem:s3+$0x60] =	vst v53;
	v4 =	vld.idx.msk [tilespmem:v48+s7+$0x0], $0xffff  }
0x48e: {  	[tilespmem:s2+$0xFFFFFFE0] =	vst v52;
	v44 =	vld.idx.msk [tilespmem:v0+s7+$0x0], $0xffff  }
0x48f: {  	v59 =	vld.idx.msk [tilespmem:v54+s7+$0x0], $0xffff;
	[tilespmem:s13+$0x60] =	vst v9  }
0x490: {  	v9 =	vld.idx.msk [tilespmem:v46+s6+$0x0], $0xffff;
	[tilespmem:s13+$0xFFFFFFE0] =	vst v13  }
0x491: {  	v13 =	vld.idx.msk [tilespmem:v47+s6+$0x0], $0xffff;
	[tilespmem:s17+$0xFFFFFFE0] =	vst v5  }
0x492: {  	v5 =	vld.idx.msk [tilespmem:v50+s6+$0x0], $0xffff;
	[tilespmem:s17+$0x60] =	vst v4  }
0x493: {  	[tilespmem:s0+$0xFFFFFFF0] =	vst v44;
	v4 =	vld.idx.msk [tilespmem:v48+s6+$0x0], $0xffff  }
0x494: {  	[tilespmem:s1+$0x70] =	vst v59;
	v8 =	vld.idx.msk [tilespmem:v43+s5+$0x0], $0xffff  }
0x495: {  	v51 =	vld.idx.msk [tilespmem:v0+s6+$0x0], $0xffff;
	v55 =	vor.u32 v10, v2;
	[tilespmem:s11+$0x60] =	vst v9  }
0x496: {  	v9 =	vld.idx.msk [tilespmem:v46+s5+$0x0], $0xffff;
	[tilespmem:s11+$0xFFFFFFE0] =	vst v13  }
0x497: {  	v56 =	vor.u32 v10, v11;
	v12 =	vld.idx.msk [tilespmem:v47+s5+$0x0], $0xffff;
	[tilespmem:s19+$0xFFFFFFE0] =	vst v5  }
0x498: {  	v57 =	vor.u32 v10, v3;
	v5 =	vld.idx.msk [tilespmem:v50+s5+$0x0], $0xffff;
	[tilespmem:s19+$0x60] =	vst v4  }
0x499: {  	v60 =	vor.u32 v10, v14;
	[tilespmem:s3+$0xFFFFFFE0] =	vst v8;
	v4 =	vld.idx.msk [tilespmem:v48+s5+$0x0], $0xffff  }
0x49a: {  	v58 =	vor.u32 v10, v18;
	[tilespmem:s9+$0xFFFFFFF0] =	vst v51;
	v8 =	vld.idx.msk [tilespmem:v55+s7+$0x0], $0xffff  }
0x49b: {  	v0 =	vld.idx.msk [tilespmem:v0+s5+$0x0], $0xffff;
	[tilespmem:s12+$0x60] =	vst v9  }
0x49c: {  	v9 =	vld.idx.msk [tilespmem:v56+s7+$0x0], $0xffff;
	[tilespmem:s12+$0xFFFFFFE0] =	vst v12  }
0x49d: {  	v61 =	vld.idx.msk [tilespmem:v57+s7+$0x0], $0xffff;
	[tilespmem:s15+$0xFFFFFFE0] =	vst v5  }
0x49e: {  	v5 =	vld.idx.msk [tilespmem:v60+s7+$0x0], $0xffff;
	[tilespmem:s15+$0x60] =	vst v4  }
0x49f: {  	[tilespmem:s1+$0xFFFFFFF0] =	vst v8;
	v4 =	vld.idx.msk [tilespmem:v58+s7+$0x0], $0xffff  }
0x4a0: {  	[tilespmem:s8+$0xFFFFFFF0] =	vst v0;
	v8 =	vld.idx.msk [tilespmem:v55+s6+$0x0], $0xffff  }
0x4a1: {  	v6 =	vld.idx.msk [tilespmem:v54+s6+$0x0], $0xffff;
	[tilespmem:s13+$0x70] =	vst v9  }
0x4a2: {  	v9 =	vld.idx.msk [tilespmem:v56+s6+$0x0], $0xffff;
	[tilespmem:s13+$0xFFFFFFF0] =	vst v61  }
0x4a3: {  	v10 =	vld.idx.msk [tilespmem:v57+s6+$0x0], $0xffff;
	[tilespmem:s17+$0xFFFFFFF0] =	vst v5  }
0x4a4: {  	v5 =	vld.idx.msk [tilespmem:v60+s6+$0x0], $0xffff;
	[tilespmem:s17+$0x70] =	vst v4  }
0x4a5: {  	[tilespmem:s2+$0xFFFFFFF0] =	vst v8;
	v4 =	vld.idx.msk [tilespmem:v58+s6+$0x0], $0xffff  }
0x4a6: {  	v2 =	vld.idx.msk [tilespmem:v55+s5+$0x0], $0xffff;
	[tilespmem:s2+$0x70] =	vst v6  }
0x4a7: {  	v1 =	vld.idx.msk [tilespmem:v54+s5+$0x0], $0xffff;
	[tilespmem:s11+$0x70] =	vst v9  }
0x4a8: {  	v62 =	vld.idx.msk [tilespmem:v56+s5+$0x0], $0xffff;
	[tilespmem:s11+$0xFFFFFFF0] =	vst v10  }
0x4a9: {  	v3 =	vld.idx.msk [tilespmem:v57+s5+$0x0], $0xffff;
	[tilespmem:s19+$0xFFFFFFF0] =	vst v5  }
0x4aa: {  	v63 =	vld.idx.msk [tilespmem:v60+s5+$0x0], $0xffff;
	[tilespmem:s19+$0x70] =	vst v4  }
0x4ab: {  	[tilespmem:s3+$0xFFFFFFF0] =	vst v2;
	v0 =	vld.idx.msk [tilespmem:v58+s5+$0x0], $0xffff  }
0x4ac: {  	[tilespmem:s3+$0x70] =	vst v1  }
0x4ad: {  	[tilespmem:s12+$0x70] =	vst v62  }
0x4ae: {  	s20 =	stileid.u32;
	s22 =	rddreg [dreg:$0x1];
	[tilespmem:s12+$0xFFFFFFF0] =	vst v3  }
0x4af: {  	s23 =	simm.s32 $0x400;
	s24 =	simm.s32 $0x4000;
	s21 =	sshll.u32 s20, $0x7;
	[tilespmem:s15+$0xFFFFFFF0] =	vst v63  }
0x4b0: {  	s25 =	simm.s32 $0xDC00;
	s26 =	simm.s32 $0x1;
	s1 =	sadd.s32 s22, s21;
	[tilespmem:s15+$0x70] =	vst v0  }
0x4b1: {  	[hbm4b:s1+s23] =	stream.strided.scatter [tilespmem:s25], [sflag:$0x1], $0x1000, s24, s23, $0x38;
	[tilespmem:$0x10C00] =	vst v63  }
0x4b2: {  	_ =	swait.ge [sflag:s26], $0x1000  }
0x4b3: {  	[sflag:s26] =	ssyncset.done $0x0  }
0x4b4: {  	s28 =	rddreg [dreg:$0x2]  }
0x4b5: {  	s29 =	simm.s32 $0xEC00;
	[sflag:s26] =	ssyncadd.s32 $0xFFFFF000;
	s4 =	sadd.s32 s28, s21  }
0x4b6: {  	[hbm4b:s4+s23] =	stream.strided.scatter [tilespmem:s29], [sflag:$0x1], $0x1000, s24, s23, $0x38;
	[tilespmem:$0x10C00] =	vst v63  }
0x4b7: {  	_ =	swait.ge [sflag:s26], $0x1000  }
0x4b8: {  	[sflag:s26] =	ssyncset.done $0x0  }
0x4b9: {  	s30 =	rddreg [dreg:$0x3]  }
0x4ba: {  	s31 =	simm.s32 $0xFC00;
	[sflag:s26] =	ssyncadd.s32 $0xFFFFF000;
	s0 =	sadd.s32 s30, s21  }
0x4bb: {  	[hbm4b:s0+s23] =	stream.strided.scatter [tilespmem:s31], [sflag:$0x1], $0x1000, s24, s23, $0x38;
	[tilespmem:$0x10C00] =	vst v63  }
0x4bc: {  	_ =	swait.ge [sflag:s26], $0x1000  }
0x4bd: {  	[sflag:s26] =	ssyncset.done $0x0  }
0x4be: {  	[sflag:s26] =	ssyncadd.s32 $0xFFFFF000  }
0x4bf: {  	_ =	sfence.sel $0x180000  }
0x4c0: {  	[bflag:$0x0] =	sbarrier.arrive $0xFFFF  }
0x4c1: {  	_ =	strace $0x90000047  }
0x4c2: {  	[bflag:$0x2] =	sbarrier.arrive $0xFFFF  }
0x4c3: {  	p0 =	sne.s32 s20, $0x0;
	s0 =	rddreg [dreg:$0x4]  }
0x4c4: {  	s0 =	sadd.s32 @!p0 $0x100000, s0  }
0x4c5: {  	[sflag:s0] =	ssyncadd.tile.s32 @!p0 $0x1;
	_ =	shalt  }
.Lfunc_end2:
_tile_overlayer_lowered:
.L_overlay_start_2:
0x4c6: {  	(tag) =	ssettag $0x2  }
0x4c7: {  	s0 =	rddreg [dreg:$0x0];
	s2 =	stileid.u32  }
0x4c8: {  	s1 =	rddreg [dreg:$0x1];
	p0 =	sne.s32 s2, $0x0  }
0x4c9: {  	s3 =	rddreg [dreg:$0x2];
	[bflag:$0x3] =	sbarrier.arrive $0xFFFF;
	s2 =	simm.s32 @!p0 $0x1C01  }
0x4ca: {  	[timem:s3], [sflag:s2] =	dma.local @!p0 [hbm:s0], s1  }
0x4cb: {  	s0 =	simm.s32 @!p0 $0x1  }
0x4cc: {  	_ =	swait.ge @!p0 [sflag:s0], s1  }
0x4cd: {  	s1 =	ssub.s32 @!p0 $0x0, s1;
	[sflag:s0] =	ssyncset.done @!p0 $0x0  }
0x4ce: {  	[sflag:s0] =	ssyncadd.s32 @!p0 s1  }
0x4cf: {  	[bflag:$0x3] =	sbarrier.arrive $0xFFFF  }
0x4d0: {  	_ =	shalt  }

</sc_bundles>
